<compile_context>
chip_gen: v7x
topology: tpu7x:2x2x1
jax: 0.10.2.dev20260603
libtpu: 0.0.44.dev20260713+nightly
codegen_flags: <defaults>
</compile_context>

<pallas_src>
import functools

import jax
import jax.numpy as jnp
from jax import lax
from jax.experimental import pallas as pl
from jax.experimental.pallas import tpu as pltpu
from jax.experimental.pallas import tpu_sc as plsc

_N = 10000
_E = 160000
_D_IN = 128
_D_EDGE = 16
_HID = 64
_OUT = 64
_BN_EPS = 1e-5

_CHUNK = 128
_NCHUNKS = _E // _CHUNK
_NW = 32
_CHUNKS_PER_W = -(-_NCHUNKS // _NW)
_NPAD = 10240
_ROWS_PER_SUB = _NPAD // 16

_BE = 3200
_NBLK = _E // _BE


def _sc_mesh():
    return plsc.VectorSubcoreMesh(core_axis_name="c", subcore_axis_name="s")


def _worker_id():
    return lax.axis_index("s") * 2 + lax.axis_index("c")


_IO_ROWS = 640
_IO_SUB = _IO_ROWS // _CHUNK
_N_IO = _E // _IO_ROWS
_K_PER_W = -(-_N_IO // _NW)


def _make_gather_body(njobs, width, dtype, io_rows, pack8):
    io_sub = io_rows // _CHUNK
    n_io = _E // io_rows
    k_per_w = -(-n_io // _NW)
    assert k_per_w % 2 == 0
    wb_rows = io_rows // 8 if pack8 else io_rows

    def body(*refs):
        idxs = refs[:njobs]
        table = refs[njobs]
        outs = refs[njobs + 1:2 * njobs + 1]
        sc = refs[2 * njobs + 1:]
        wid = _worker_id()

        def guard(k):
            return (k >= 0) & ((wid + k * _NW) < n_io)

        def addr(k):
            c = wid + k * _NW
            return (pl.multiple_of(c * io_sub, 8),
                    pl.multiple_of(c * wb_rows, 8))

        def wb_src(rows_v):
            return rows_v.reshape(wb_rows, 128) if pack8 else rows_v

        def fire(k, b):
            @pl.when(guard(k))
            def _():
                i0, _r0 = addr(k)
                for j in range(njobs):
                    idx_v = sc[8 * j + b]
                    rows_v = sc[8 * j + 2 + b]
                    gsem = sc[8 * j + 4 + b]
                    pltpu.sync_copy(idxs[j].at[pl.ds(i0, io_sub)], idx_v)
                    for s in range(io_sub):
                        pltpu.async_copy(
                            table.at[idx_v.at[s]],
                            rows_v.at[pl.ds(s * _CHUNK, _CHUNK)], gsem)

        def drain_gather_fire_wb(k, b):
            @pl.when(guard(k))
            def _():
                _i0, r0 = addr(k)
                for j in range(njobs):
                    idx_v = sc[8 * j + b]
                    rows_v = sc[8 * j + 2 + b]
                    gsem = sc[8 * j + 4 + b]
                    wsem = sc[8 * j + 6 + b]
                    for s in range(io_sub):
                        pltpu.make_async_copy(
                            table.at[idx_v.at[s]],
                            rows_v.at[pl.ds(s * _CHUNK, _CHUNK)], gsem).wait()
                    pltpu.async_copy(wb_src(rows_v),
                                     outs[j].at[pl.ds(r0, wb_rows)], wsem)

        def drain_wb(k, b):
            @pl.when(guard(k))
            def _():
                _i0, r0 = addr(k)
                for j in range(njobs):
                    rows_v = sc[8 * j + 2 + b]
                    wsem = sc[8 * j + 6 + b]
                    pltpu.make_async_copy(
                        wb_src(rows_v), outs[j].at[pl.ds(r0, wb_rows)],
                        wsem).wait()

        def step(i, carry):
            kk = 2 * i
            drain_wb(kk - 2, 0)
            fire(kk, 0)
            drain_wb(kk - 1, 1)
            fire(kk + 1, 1)
            drain_gather_fire_wb(kk, 0)
            drain_gather_fire_wb(kk + 1, 1)
            return carry

        lax.fori_loop(0, k_per_w // 2, step, 0)
        drain_wb(k_per_w - 2, 0)
        drain_wb(k_per_w - 1, 1)

    return body


def _sc_gather(table, idxs, width, dtype, io_rows, pack8=False):
    njobs = len(idxs)
    io_sub = io_rows // _CHUNK
    out_shape = ((_E // 8, 128) if pack8 else (_E, width))
    scratch = []
    for _ in range(njobs):
        scratch += [pltpu.VMEM((io_sub, _CHUNK), jnp.int32)] * 2
        scratch += [pltpu.VMEM((io_rows, width), dtype)] * 2
        scratch += [pltpu.SemaphoreType.DMA] * 4
    out = pl.kernel(
        _make_gather_body(njobs, width, dtype, io_rows, pack8),
        out_type=[jax.ShapeDtypeStruct(out_shape, dtype)] * njobs,
        mesh=_sc_mesh(),
        scratch_types=scratch,
        compiler_params=pltpu.CompilerParams(use_tc_tiling_on_sc=False),
    )(*idxs, table)
    return out


def _make_scatter_body(n_edges, io_rows, edge_off):
    io_sub = io_rows // _CHUNK
    n_io = n_edges // io_rows
    k_per_w = -(-n_io // _NW)
    assert k_per_w % 2 == 0
    off_sub = edge_off // _CHUNK

    def body(dst_hbm, msg_hbm, zeros_hbm, out_hbm,
             idx0, idx1, msg0, msg1, msem0, msem1, asem0, asem1, agg_sh):
        cid = lax.axis_index("c")
        sid = lax.axis_index("s")
        wid = _worker_id()
        idx_b = (idx0, idx1)
        msg_b = (msg0, msg1)
        msem_b = (msem0, msem1)
        asem_b = (asem0, asem1)

        row0 = pl.multiple_of(sid * _ROWS_PER_SUB, 8)
        pltpu.sync_copy(zeros_hbm, agg_sh.at[pl.ds(row0, _ROWS_PER_SUB)])
        plsc.subcore_barrier()

        def guard(k):
            return (k >= 0) & ((wid + k * _NW) < n_io)

        def addr(k):
            c = wid + k * _NW
            return (off_sub + c * io_sub,
                    pl.multiple_of(c * io_rows, 8))

        def fire(k, b):
            @pl.when(guard(k))
            def _():
                i0, r0 = addr(k)
                pltpu.sync_copy(dst_hbm.at[pl.ds(i0, io_sub)], idx_b[b])
                pltpu.async_copy(msg_hbm.at[pl.ds(r0, io_rows)], msg_b[b],
                                 msem_b[b])

        def drain_msg_fire_add(k, b):
            @pl.when(guard(k))
            def _():
                _i0, r0 = addr(k)
                pltpu.make_async_copy(msg_hbm.at[pl.ds(r0, io_rows)],
                                      msg_b[b], msem_b[b]).wait()
                for s in range(io_sub):
                    pltpu.async_copy(msg_b[b].at[pl.ds(s * _CHUNK, _CHUNK)],
                                     agg_sh.at[idx_b[b].at[s]], asem_b[b],
                                     add=True)

        def drain_add(k, b):
            @pl.when(guard(k))
            def _():
                for s in range(io_sub):
                    pltpu.make_async_copy(
                        msg_b[b].at[pl.ds(s * _CHUNK, _CHUNK)],
                        agg_sh.at[idx_b[b].at[s]], asem_b[b]).wait()

        def step(i, carry):
            kk = 2 * i
            drain_add(kk - 2, 0)
            fire(kk, 0)
            drain_add(kk - 1, 1)
            fire(kk + 1, 1)
            drain_msg_fire_add(kk, 0)
            drain_msg_fire_add(kk + 1, 1)
            return carry

        lax.fori_loop(0, k_per_w // 2, step, 0)
        drain_add(k_per_w - 2, 0)
        drain_add(k_per_w - 1, 1)
        plsc.subcore_barrier()
        out0 = pl.multiple_of(cid * _NPAD + row0, 8)
        pltpu.sync_copy(agg_sh.at[pl.ds(row0, _ROWS_PER_SUB)],
                        out_hbm.at[pl.ds(out0, _ROWS_PER_SUB)])

    return body


def _sc_scatter_add(msg, dst2d, edge_off, io_rows=128):
    n_edges = msg.shape[0]
    io_sub = io_rows // _CHUNK
    zeros = jnp.zeros((_ROWS_PER_SUB, 128), jnp.float32)
    return pl.kernel(
        _make_scatter_body(n_edges, io_rows, edge_off),
        out_type=jax.ShapeDtypeStruct((2 * _NPAD, 128), jnp.float32),
        mesh=_sc_mesh(),
        scratch_types=[
            pltpu.VMEM((io_sub, _CHUNK), jnp.int32),
            pltpu.VMEM((io_sub, _CHUNK), jnp.int32),
            pltpu.VMEM((io_rows, 128), jnp.float32),
            pltpu.VMEM((io_rows, 128), jnp.float32),
            pltpu.SemaphoreType.DMA,
            pltpu.SemaphoreType.DMA,
            pltpu.SemaphoreType.DMA,
            pltpu.SemaphoreType.DMA,
            pltpu.VMEM_SHARED((_NPAD, 128), jnp.float32),
        ],
        compiler_params=pltpu.CompilerParams(use_tc_tiling_on_sc=False),
    )(dst2d, msg, zeros)


_BEP = _BE // 8


def _msg_body(hs_ref, ef_ref, a_ref, b_ref, eps_ref, out_ref):
    hs = hs_ref[...].astype(jnp.bfloat16)
    ef = ef_ref[...]
    acc = jnp.dot(hs, b_ref[...], preferred_element_type=jnp.float32)
    for f in range(_D_EDGE):
        acc += ef[:, f:f + 1] * jnp.dot(hs, a_ref[f],
                                        preferred_element_type=jnp.float32)
    acc = (1.0 + eps_ref[0, 0]) * acc
    out_ref[...] = jnp.concatenate([acc, jnp.zeros_like(acc)], axis=1)


def _tc_msg(h_src, efeat, a4, bmat, eps, blk_off, nblk):
    return pl.pallas_call(
        _msg_body,
        grid=(nblk,),
        in_specs=[
            pl.BlockSpec((_BE, _D_IN), lambda i: (i + blk_off, 0)),
            pl.BlockSpec((_BE, _D_EDGE), lambda i: (i + blk_off, 0)),
            pl.BlockSpec((_D_EDGE, _D_IN, _HID), lambda i: (0, 0, 0)),
            pl.BlockSpec((_D_IN, _HID), lambda i: (0, 0)),
            pl.BlockSpec((1, 1), lambda i: (0, 0)),
        ],
        out_specs=pl.BlockSpec((_BE, 2 * _HID), lambda i: (i, 0)),
        out_shape=jax.ShapeDtypeStruct((nblk * _BE, 2 * _HID), jnp.float32),
    )(h_src, efeat, a4, bmat, eps)


def _bn_cols(x, g, b):
    mu = jnp.mean(x, axis=0, keepdims=True)
    xc = x - mu
    var = jnp.mean(xc * xc, axis=0, keepdims=True)
    return xc * lax.rsqrt(var + _BN_EPS) * g + b


def _leaky(x):
    return jnp.where(x >= 0, x, 0.01 * x)


def _node_body(agga_ref, aggb_ref, w1_ref, b1_ref, g1_ref, be1_ref,
               w2_ref, b2_ref, g_ref, be_ref, wo1_ref, bo1_ref, pw_ref,
               pb_ref, v_ref, hp_ref):
    agg = (agga_ref[0:_N, 0:_HID] + agga_ref[_NPAD:_NPAD + _N, 0:_HID]
           + aggb_ref[0:_N, 0:_HID] + aggb_ref[_NPAD:_NPAD + _N, 0:_HID])
    x = jnp.dot(agg, w1_ref[...], preferred_element_type=jnp.float32) + b1_ref[...]
    hr = jnp.maximum(_bn_cols(x, g1_ref[...], be1_ref[...]), 0.0)
    x2 = jnp.dot(hr, w2_ref[...], preferred_element_type=jnp.float32) + b2_ref[...]
    h1 = _leaky(_bn_cols(x2, g_ref[...], be_ref[...]))
    v_ref[...] = jnp.dot(h1, wo1_ref[...], preferred_element_type=jnp.float32) + bo1_ref[...]
    hp_ref[...] = jnp.dot(h1, pw_ref[...], preferred_element_type=jnp.float32) + pb_ref[...]


def _tc_node(agga, aggb, p):
    full = lambda s: pl.BlockSpec(s, lambda: tuple(0 for _ in s))
    return pl.pallas_call(
        _node_body,
        in_specs=[
            full((2 * _NPAD, 128)), full((2 * _NPAD, 128)),
            full((_HID, _HID)), full((1, _HID)), full((1, _HID)), full((1, _HID)),
            full((_HID, _HID)), full((1, _HID)), full((1, _HID)), full((1, _HID)),
            full((_HID, _OUT)), full((1, _OUT)),
            full((_HID, _D_EDGE)), full((1, _D_EDGE)),
        ],
        out_specs=[full((_N, _OUT)), full((_N, _D_EDGE))],
        out_shape=[
            jax.ShapeDtypeStruct((_N, _OUT), jnp.float32),
            jax.ShapeDtypeStruct((_N, _D_EDGE), jnp.float32),
        ],
    )(agga, aggb,
      p['nc_w1'], p['nc_b1'].reshape(1, -1), p['nc_g1'].reshape(1, -1),
      p['nc_be1'].reshape(1, -1),
      p['nc_w2'], p['nc_b2'].reshape(1, -1), p['nc_g'].reshape(1, -1),
      p['nc_be'].reshape(1, -1),
      p['wo1'], p['bo1'].reshape(1, -1),
      p['ec_pw'], p['ec_pb'].reshape(1, -1))


def _hein_body(efp_ref, sp_ref, dp_ref, eps_ref, out_ref, s1_ref, m1_ref):
    i = pl.program_id(0)
    he = (1.0 + eps_ref[0, 0]) * efp_ref[...] + sp_ref[...] + dp_ref[...]
    out_ref[...] = he
    s = jnp.sum(he, axis=0, keepdims=True)
    m = lax.dot_general(he, he, (((0,), (0,)), ((), ())),
                        preferred_element_type=jnp.float32)

    @pl.when(i == 0)
    def _():
        s1_ref[...] = s
        m1_ref[...] = m

    @pl.when(i > 0)
    def _():
        s1_ref[...] += s
        m1_ref[...] += m


def _tc_hein(efp, hp_srcp, hp_dstp, eps):
    blk = pl.BlockSpec((_BEP, 128), lambda i: (i, 0))
    return pl.pallas_call(
        _hein_body,
        grid=(_NBLK,),
        in_specs=[blk, blk, blk, pl.BlockSpec((1, 1), lambda i: (0, 0))],
        out_specs=[
            pl.BlockSpec((_BEP, 128), lambda i: (i, 0)),
            pl.BlockSpec((1, 128), lambda i: (0, 0)),
            pl.BlockSpec((128, 128), lambda i: (0, 0)),
        ],
        out_shape=[
            jax.ShapeDtypeStruct((_E // 8, 128), jnp.float32),
            jax.ShapeDtypeStruct((1, 128), jnp.float32),
            jax.ShapeDtypeStruct((128, 128), jnp.float32),
        ],
    )(efp, hp_srcp, hp_dstp, eps)


def _unpack_stats1(s1p, m1p):
    s1 = s1p[:, 0:_D_EDGE]
    m1 = m1p[0:_D_EDGE, 0:_D_EDGE]
    for b in range(1, 8):
        s1 = s1 + s1p[:, b * _D_EDGE:(b + 1) * _D_EDGE]
        m1 = m1 + m1p[b * _D_EDGE:(b + 1) * _D_EDGE,
                      b * _D_EDGE:(b + 1) * _D_EDGE]
    return s1, m1


def _bn_stats(s, m, w, b):
    mean_y = s / _E
    mw = jnp.dot(mean_y, w, preferred_element_type=jnp.float32)
    mu = mw + b
    diag = jnp.sum(w * jnp.dot(m, w, preferred_element_type=jnp.float32),
                   axis=0, keepdims=True)
    ex2 = diag / _E + 2.0 * b * mw + b * b
    return mu, ex2 - mu * mu


def _tile8(v):
    return jnp.concatenate([v] * 8, axis=1)


def _fold8(v, w):
    acc = v[:, 0:w]
    for b in range(1, 8):
        acc = acc + v[:, b * w:(b + 1) * w]
    return acc


def _stats2_body(he_ref, s1_ref, m1_ref, w1big_ref, w1_ref, b1_ref,
                 g1_ref, be1_ref, s2_ref, m2_ref):
    i = pl.program_id(0)
    s1, m1 = _unpack_stats1(s1_ref[...], m1_ref[...])
    mu1, var1 = _bn_stats(s1, m1, w1_ref[...], b1_ref[...])
    scale = lax.rsqrt(var1 + _BN_EPS) * g1_ref[...]
    shift = _tile8(be1_ref[...] + (b1_ref[...] - mu1) * scale)
    hep = he_ref[...].astype(jnp.bfloat16)
    xp = jnp.dot(hep, w1big_ref[...], preferred_element_type=jnp.float32)
    hr = jnp.maximum(xp * _tile8(scale) + shift, 0.0)
    s = jnp.sum(hr, axis=0, keepdims=True)
    hrb = hr.astype(jnp.bfloat16)
    gp = lax.dot_general(hrb, hrb, (((0,), (0,)), ((), ())),
                         preferred_element_type=jnp.float32)
    m = gp[0:_HID, 0:_HID]
    for b in range(1, 8):
        m = m + gp[b * _HID:(b + 1) * _HID, b * _HID:(b + 1) * _HID]

    @pl.when(i == 0)
    def _():
        s2_ref[...] = _fold8(s, _HID)
        m2_ref[...] = m

    @pl.when(i > 0)
    def _():
        s2_ref[...] += _fold8(s, _HID)
        m2_ref[...] += m


def _tc_stats2(he_in, s1p, m1p, w1big, p):
    full = lambda s: pl.BlockSpec(s, lambda i: tuple(0 for _ in s))
    return pl.pallas_call(
        _stats2_body,
        grid=(_NBLK,),
        in_specs=[
            pl.BlockSpec((_BEP, 128), lambda i: (i, 0)),
            full((1, 128)), full((128, 128)),
            full((128, 8 * _HID)),
            full((_D_EDGE, _HID)), full((1, _HID)), full((1, _HID)),
            full((1, _HID)),
        ],
        out_specs=[full((1, _HID)), full((_HID, _HID))],
        out_shape=[
            jax.ShapeDtypeStruct((1, _HID), jnp.float32),
            jax.ShapeDtypeStruct((_HID, _HID), jnp.float32),
        ],
    )(he_in, s1p, m1p, w1big, p['ec_w1'], p['ec_b1'].reshape(1, -1),
      p['ec_g1'].reshape(1, -1), p['ec_be1'].reshape(1, -1))


def _edge_out_body(he_ref, s1_ref, m1_ref, s2_ref, m2_ref, w1big_ref,
                   w2big_ref, wo2big_ref, w1_ref, b1_ref, g1_ref, be1_ref,
                   w2_ref, b2_ref, g_ref, be_ref, bo2_ref, out_ref):
    s1, m1 = _unpack_stats1(s1_ref[...], m1_ref[...])
    mu1, var1 = _bn_stats(s1, m1, w1_ref[...], b1_ref[...])
    mu2, var2 = _bn_stats(s2_ref[...], m2_ref[...], w2_ref[...], b2_ref[...])
    scale1 = lax.rsqrt(var1 + _BN_EPS) * g1_ref[...]
    shift1 = _tile8(be1_ref[...] + (b1_ref[...] - mu1) * scale1)
    scale2 = lax.rsqrt(var2 + _BN_EPS) * g_ref[...]
    shift2 = _tile8(be_ref[...] + (b2_ref[...] - mu2) * scale2)
    hep = he_ref[...].astype(jnp.bfloat16)
    xp = jnp.dot(hep, w1big_ref[...], preferred_element_type=jnp.float32)
    hr = jnp.maximum(xp * _tile8(scale1) + shift1, 0.0)
    x2 = jnp.dot(hr.astype(jnp.bfloat16), w2big_ref[...],
                 preferred_element_type=jnp.float32)
    he = _leaky(x2 * _tile8(scale2) + shift2)
    out_ref[...] = (jnp.dot(he.astype(jnp.bfloat16), wo2big_ref[...],
                            preferred_element_type=jnp.float32)
                    + _tile8(bo2_ref[...]))


def _tc_edge_out(he_in, s1p, m1p, s2, m2, w1big, w2big, wo2big, p):
    full = lambda s: pl.BlockSpec(s, lambda i: tuple(0 for _ in s))
    return pl.pallas_call(
        _edge_out_body,
        grid=(_NBLK,),
        in_specs=[
            pl.BlockSpec((_BEP, 128), lambda i: (i, 0)),
            full((1, 128)), full((128, 128)),
            full((1, _HID)), full((_HID, _HID)),
            full((128, 8 * _HID)), full((8 * _HID, 8 * _HID)),
            full((8 * _HID, 8 * _OUT)),
            full((_D_EDGE, _HID)), full((1, _HID)), full((1, _HID)),
            full((1, _HID)),
            full((_HID, _HID)), full((1, _HID)), full((1, _HID)),
            full((1, _HID)),
            full((1, _OUT)),
        ],
        out_specs=pl.BlockSpec((_BEP, 8 * _OUT), lambda i: (i, 0)),
        out_shape=jax.ShapeDtypeStruct((_E // 8, 8 * _OUT), jnp.float32),
    )(he_in, s1p, m1p, s2, m2, w1big, w2big, wo2big,
      p['ec_w1'], p['ec_b1'].reshape(1, -1), p['ec_g1'].reshape(1, -1),
      p['ec_be1'].reshape(1, -1),
      p['ec_w2'], p['ec_b2'].reshape(1, -1), p['ec_g'].reshape(1, -1),
      p['ec_be'].reshape(1, -1),
      p['bo2'].reshape(1, -1))


def kernel(h, edge_index, efeat, params):
    p = params
    src2d = edge_index[0].reshape(_E // _CHUNK, _CHUNK)
    dst2d = edge_index[1].reshape(_E // _CHUNK, _CHUNK)
    nc_eps = p['nc_eps'].reshape(1, 1)
    ec_eps = p['ec_eps'].reshape(1, 1)
    efp = efeat.reshape(_E // 8, 128)
    a4 = p['A'].astype(jnp.bfloat16)
    eye8 = jnp.eye(8, dtype=jnp.float32)
    w1big = jnp.kron(eye8, p['ec_w1']).astype(jnp.bfloat16)
    w2big = jnp.kron(eye8, p['ec_w2']).astype(jnp.bfloat16)
    wo2big = jnp.kron(eye8, p['wo2']).astype(jnp.bfloat16)

    (h_src,) = _sc_gather(h, [src2d], _D_IN, jnp.float32, 256)
    bmat_bf = p['Bmat'].astype(jnp.bfloat16)
    nblk_a = 35
    msg_a = _tc_msg(h_src, efeat, a4, bmat_bf, nc_eps, 0, nblk_a)
    agg_a = _sc_scatter_add(msg_a, dst2d, 0)
    msg_b = _tc_msg(h_src, efeat, a4, bmat_bf, nc_eps, nblk_a,
                    _NBLK - nblk_a)
    agg_b = _sc_scatter_add(msg_b, dst2d, nblk_a * _BE)
    v_emb, hp = _tc_node(agg_a, agg_b, p)
    hp_src, hp_dst = _sc_gather(hp, [src2d, dst2d], _D_EDGE, jnp.float32,
                                _IO_ROWS)
    he_in, s1p, m1p = _tc_hein(efp,
                               hp_src.reshape(_E // 8, 128),
                               hp_dst.reshape(_E // 8, 128), ec_eps)
    s2, m2 = _tc_stats2(he_in, s1p, m1p, w1big, p)
    e_emb_p = _tc_edge_out(he_in, s1p, m1p, s2, m2, w1big, w2big, wo2big, p)
    return (v_emb, e_emb_p.reshape(_E, _OUT))

# --- scband reference (transcript-rebuilt; emitter-appended) ---
"""Pipeline reference for scband-uvnet-graph-6760278524475 (READ-ONLY COPY).

The authoritative reference and input builder live on the scoring server;
editing this copy changes nothing except your own understanding.
"""

import jax, jax.numpy as jnp
import numpy as np

N = 10000
E = 160000
D_IN = 128
D_EDGE = 16
HID = 64
OUT = 64


def _bn(x, g, b):
    mu = jnp.mean(x, axis=0)
    var = jnp.var(x, axis=0)
    return (x - mu) / jnp.sqrt(var + 1e-5) * g + b


def _mlp2(x, p, pfx):
    h = jax.nn.relu(_bn(x @ p[pfx + '_w1'] + p[pfx + '_b1'], p[pfx + '_g1'], p[pfx + '_be1']))
    return h @ p[pfx + '_w2'] + p[pfx + '_b2']


def setup_inputs(seed: int = 0) -> dict:
    key = jax.random.key(seed)
    ks = jax.random.split(key, 24)
    h = jax.random.normal(ks[0], (N, D_IN), dtype=jnp.float32)
    edge_index = jax.random.randint(ks[1], (2, E), 0, N, dtype=jnp.int32)
    efeat = jax.random.normal(ks[2], (E, D_EDGE), dtype=jnp.float32)
    s = 0.05
    params = {
        # NodeConv: NNConv edge_func = Linear(D_EDGE, D_IN*HID); weight reshaped [D_EDGE, D_IN, HID], bias reshaped [D_IN, HID]
        'A': jax.random.normal(ks[3], (D_EDGE, D_IN, HID), dtype=jnp.float32) * s,
        'Bmat': jax.random.normal(ks[4], (D_IN, HID), dtype=jnp.float32) * s,
        # NodeConv mlp (_MLP 2 layers, HID->HID->HID)
        'nc_w1': jax.random.normal(ks[5], (HID, HID), dtype=jnp.float32) * s,
        'nc_b1': jnp.zeros((HID,), jnp.float32),
        'nc_g1': jnp.ones((HID,), jnp.float32),
        'nc_be1': jnp.zeros((HID,), jnp.float32),
        'nc_w2': jax.random.normal(ks[6], (HID, HID), dtype=jnp.float32) * s,
        'nc_b2': jnp.zeros((HID,), jnp.float32),
        'nc_g': jnp.ones((HID,), jnp.float32),
        'nc_be': jnp.zeros((HID,), jnp.float32),
        'nc_eps': jnp.zeros((1,), jnp.float32),
        # EdgeConv: proj = Linear(HID, D_EDGE)
        'ec_pw': jax.random.normal(ks[7], (HID, D_EDGE), dtype=jnp.float32) * s,
        'ec_pb': jnp.zeros((D_EDGE,), jnp.float32),
        # EdgeConv mlp (_MLP 2 layers, D_EDGE->HID->HID)
        'ec_w1': jax.random.normal(ks[8], (D_EDGE, HID), dtype=jnp.float32) * s,
        'ec_b1': jnp.zeros((HID,), jnp.float32),
        'ec_g1': jnp.ones((HID,), jnp.float32),
        'ec_be1': jnp.zeros((HID,), jnp.float32),
        'ec_w2': jax.random.normal(ks[9], (HID, HID), dtype=jnp.float32) * s,
        'ec_b2': jnp.zeros((HID,), jnp.float32),
        'ec_g': jnp.ones((HID,), jnp.float32),
        'ec_be': jnp.zeros((HID,), jnp.float32),
        'ec_eps': jnp.zeros((1,), jnp.float32),
        # output heads
        'wo1': jax.random.normal(ks[10], (HID, OUT), dtype=jnp.float32) * s,
        'bo1': jnp.zeros((OUT,), jnp.float32),
        'wo2': jax.random.normal(ks[11], (HID, OUT), dtype=jnp.float32) * s,
        'bo2': jnp.zeros((OUT,), jnp.float32),
    }
    return {'h': h, 'edge_index': edge_index, 'efeat': efeat, 'params': params}


def reference(h, edge_index, efeat, params):
    p = params
    src = edge_index[0]
    dst = edge_index[1]
    # ---- _NodeConv (layer 0): NNConv with edge-conditioned weights, 'sum' aggregation, bias=False
    h0 = (1.0 + p['nc_eps'][0]) * h
    h_src = jnp.take(h0, src, axis=0)  # [E, D_IN] gather
    # msg[e,o] = sum_i h_src[e,i] * (efeat[e] @ A_w + b)[i,o]; contracted without materializing [E,D_IN,HID]
    tmp = jnp.einsum('ei,fio->efo', h_src, p['A'])  # [E, D_EDGE, HID]
    msg = jnp.einsum('ef,efo->eo', efeat, tmp) + h_src @ p['Bmat']  # [E, HID]
    agg = jax.ops.segment_sum(msg, dst, num_segments=N)  # scatter-add to dst nodes
    h1 = _mlp2(agg, p, 'nc')
    h1 = jax.nn.leaky_relu(_bn(h1, p['nc_g'], p['nc_be']), negative_slope=0.01)
    # ---- _EdgeConv (layer 0)
    proj1 = jnp.take(h1, src, axis=0) @ p['ec_pw'] + p['ec_pb']
    proj2 = jnp.take(h1, dst, axis=0) @ p['ec_pw'] + p['ec_pb']
    he_in = (1.0 + p['ec_eps'][0]) * efeat + proj1 + proj2
    he = _mlp2(he_in, p, 'ec')
    he = jax.nn.leaky_relu(_bn(he, p['ec_g'], p['ec_be']), negative_slope=0.01)
    # ---- output heads
    V_emb = h1 @ p['wo1'] + p['bo1']
    E_emb = he @ p['wo2'] + p['bo2']
    return (V_emb, E_emb)

if __name__ == "__main__":
    import jax
    _d = setup_inputs()
    print(jax.jit(kernel)(*tuple(_d.values())))

</pallas_src>

<mosaic_0001>
#map = affine_map<(d0, d1) -> (0, 0)>
module attributes {stable_mosaic.version = 14 : i64} {
  func.func @body(%arg0: i32, %arg1: i32, %arg2: memref<1250x128xi32, #tpu.memory_space<hbm>>, %arg3: memref<10000x128xf32, #tpu.memory_space<hbm>>, %arg4: memref<160000x128xf32, #tpu.memory_space<hbm>>, %arg5: memref<2x128xi32, #tpu.memory_space<vmem>>, %arg6: memref<2x128xi32, #tpu.memory_space<vmem>>, %arg7: memref<256x128xf32, #tpu.memory_space<vmem>>, %arg8: memref<256x128xf32, #tpu.memory_space<vmem>>, %arg9: memref<!tpu.dma_semaphore, #tpu.memory_space<semaphore_mem>>, %arg10: memref<!tpu.dma_semaphore, #tpu.memory_space<semaphore_mem>>, %arg11: memref<!tpu.dma_semaphore, #tpu.memory_space<semaphore_mem>>, %arg12: memref<!tpu.dma_semaphore, #tpu.memory_space<semaphore_mem>>) attributes {dimension_semantics = [#tpu.dimension_semantics<core_parallel>, #tpu.dimension_semantics<subcore_parallel>], iteration_bounds = array<i64: 2, 16>, scalar_prefetch = 0 : i64, scratch_operands = 8 : i64, tpu.core_type = #tpu.core_type<sc_vector_subcore>, window_params = [{transform_indices = #map}, {transform_indices = #map}, {transform_indices = #map}]} {
    %mul3A = arith.constant 2 : i32
    %mul3A_0 = arith.muli %arg1, %mul3A : i32
    %add3A = arith.addi %mul3A_0, %arg0 : i32
    %scan3A = arith.constant 0 : i32
    %scan3A_1 = arith.constant 0 : i32
    %scan3A_2 = arith.constant 10 : i32
    %scan3A_3 = arith.addi %scan3A_1, %scan3A_2 : i32
    %scan3A_4 = arith.constant 1 : i32
    scf.for %scan3A_20 = %scan3A_1 to %scan3A_3 step %scan3A_4  : i32 {
      %mul3A_21 = arith.constant 2 : i32
      %mul3A_22 = arith.muli %mul3A_21, %scan3A_20 : i32
      %sub3A = arith.constant 2 : i32
      %sub3A_23 = arith.subi %mul3A_22, %sub3A : i32
      %ge3A = arith.constant 0 : i32
      %ge3A_24 = arith.cmpi sge, %sub3A_23, %ge3A : i32
      %mul3A_25 = arith.constant 32 : i32
      %mul3A_26 = arith.muli %sub3A_23, %mul3A_25 : i32
      %add3A_27 = arith.addi %add3A, %mul3A_26 : i32
      %lt3A_28 = arith.constant 625 : i32
      %lt3A_29 = arith.cmpi slt, %add3A_27, %lt3A_28 : i32
      %and3A_30 = arith.andi %ge3A_24, %lt3A_29 : i1
      %convert_element_type3A_31 = arith.extui %and3A_30 : i1 to i32
      %cond3A_32 = arith.constant 0 : i32
      %cond3A_33 = arith.cmpi ne, %convert_element_type3A_31, %cond3A_32 : i32
      scf.if %cond3A_33 {
        %mul3A_95 = arith.constant 32 : i32
        %mul3A_96 = arith.muli %sub3A_23, %mul3A_95 : i32
        %add3A_97 = arith.addi %add3A, %mul3A_96 : i32
        %mul3A_98 = arith.constant 2 : i32
        %mul3A_99 = arith.muli %add3A_97, %mul3A_98 : i32
        %multiple_of3A = tpu.assume_multiple %mul3A_99, 8 : i32
        %mul3A_100 = arith.constant 256 : i32
        %mul3A_101 = arith.muli %add3A_97, %mul3A_100 : i32
        %multiple_of3A_102 = tpu.assume_multiple %mul3A_101, 8 : i32
        %dma_wait3A = arith.constant 0 : i32
        %dma_wait3A_103 = tpu.memref_slice %arg4[%multiple_of3A_102, %dma_wait3A] : memref<160000x128xf32, #tpu.memory_space<hbm>> -> memref<256x128xf32, #tpu.memory_space<hbm>>
        %dma_wait3A_104 = arith.constant 0 : i32
        %dma_wait3A_105 = tpu.memref_slice %arg4[%multiple_of3A_102, %dma_wait3A_104] : memref<160000x128xf32, #tpu.memory_space<hbm>> -> memref<256x128xf32, #tpu.memory_space<hbm>>
        tpu.wait_dma2 semaphore(%arg11 : memref<!tpu.dma_semaphore, #tpu.memory_space<semaphore_mem>>) src(%arg7 : memref<256x128xf32, #tpu.memory_space<vmem>>) dst(%dma_wait3A_105 : memref<256x128xf32, #tpu.memory_space<hbm>>)
      } else {
      }
      %ge3A_34 = arith.constant 0 : i32
      %ge3A_35 = arith.cmpi sge, %mul3A_22, %ge3A_34 : i32
      %mul3A_36 = arith.constant 32 : i32
      %mul3A_37 = arith.muli %mul3A_22, %mul3A_36 : i32
      %add3A_38 = arith.addi %add3A, %mul3A_37 : i32
      %lt3A_39 = arith.constant 625 : i32
      %lt3A_40 = arith.cmpi slt, %add3A_38, %lt3A_39 : i32
      %and3A_41 = arith.andi %ge3A_35, %lt3A_40 : i1
      %convert_element_type3A_42 = arith.extui %and3A_41 : i1 to i32
      %cond3A_43 = arith.constant 0 : i32
      %cond3A_44 = arith.cmpi ne, %convert_element_type3A_42, %cond3A_43 : i32
      scf.if %cond3A_44 {
        %mul3A_95 = arith.constant 32 : i32
        %mul3A_96 = arith.muli %mul3A_22, %mul3A_95 : i32
        %add3A_97 = arith.addi %add3A, %mul3A_96 : i32
        %mul3A_98 = arith.constant 2 : i32
        %mul3A_99 = arith.muli %add3A_97, %mul3A_98 : i32
        %multiple_of3A = tpu.assume_multiple %mul3A_99, 8 : i32
        %mul3A_100 = arith.constant 256 : i32
        %mul3A_101 = arith.muli %add3A_97, %mul3A_100 : i32
        %multiple_of3A_102 = tpu.assume_multiple %mul3A_101, 8 : i32
        "tpu.region"() ({
          %run_scoped3A = tpu.sem_alloc : memref<!tpu.dma_semaphore, #tpu.memory_space<semaphore_mem>>
          %dma_start3A_122 = arith.constant 0 : i32
          %dma_start3A_123 = tpu.memref_slice %arg2[%multiple_of3A, %dma_start3A_122] : memref<1250x128xi32, #tpu.memory_space<hbm>> -> memref<2x128xi32, #tpu.memory_space<hbm>>
          %dma_start3A_124 = arith.constant 0 : i32
          %dma_start3A_125 = tpu.memref_slice %arg2[%multiple_of3A, %dma_start3A_124] : memref<1250x128xi32, #tpu.memory_space<hbm>> -> memref<2x128xi32, #tpu.memory_space<hbm>>
          tpu.enqueue_dma source(%dma_start3A_125 : memref<2x128xi32, #tpu.memory_space<hbm>>) target(%arg5 : memref<2x128xi32, #tpu.memory_space<vmem>>) target_semaphore(%run_scoped3A : memref<!tpu.dma_semaphore, #tpu.memory_space<semaphore_mem>>)
          %dma_wait3A = arith.constant 0 : i32
          %dma_wait3A_126 = tpu.memref_slice %arg2[%multiple_of3A, %dma_wait3A] : memref<1250x128xi32, #tpu.memory_space<hbm>> -> memref<2x128xi32, #tpu.memory_space<hbm>>
          %dma_wait3A_127 = arith.constant 0 : i32
          %dma_wait3A_128 = tpu.memref_slice %arg2[%multiple_of3A, %dma_wait3A_127] : memref<1250x128xi32, #tpu.memory_space<hbm>> -> memref<2x128xi32, #tpu.memory_space<hbm>>
          tpu.wait_dma2 semaphore(%run_scoped3A : memref<!tpu.dma_semaphore, #tpu.memory_space<semaphore_mem>>) src(%dma_wait3A_128 : memref<2x128xi32, #tpu.memory_space<hbm>>) dst(%arg5 : memref<2x128xi32, #tpu.memory_space<vmem>>)
          tpu.yield
        }) : () -> ()
        %dma_start3A = arith.constant 0 : i32
        %dma_start3A_103 = arith.constant 0 : i32
        %dma_start3A_104 = arith.constant 0 : i32
        %dma_start3A_105 = tpu.memref_slice %arg7[%dma_start3A_103, %dma_start3A_104] : memref<256x128xf32, #tpu.memory_space<vmem>> -> memref<128x128xf32, #tpu.memory_space<vmem>>
        %dma_start3A_106 = arith.constant 0 : i32
        %dma_start3A_107 = tpu.memref_slice %arg5[%dma_start3A, %dma_start3A_106] : memref<2x128xi32, #tpu.memory_space<vmem>> -> memref<1x128xi32, #tpu.memory_space<vmem>>
        %dma_start3A_108 = tpu.memref_squeeze %dma_start3A_107 : memref<1x128xi32, #tpu.memory_space<vmem>> -> memref<128xi32, #tpu.memory_space<vmem>>
        %dma_start3A_109 = arith.constant 0 : i32
        %dma_start3A_110 = arith.constant 0 : i32
        %dma_start3A_111 = tpu.memref_slice %arg3[%dma_start3A_109, %dma_start3A_110] : memref<10000x128xf32, #tpu.memory_space<hbm>> -> memref<10000x128xf32, #tpu.memory_space<hbm>>
        tpu.enqueue_indirect_dma source(%dma_start3A_111 : memref<10000x128xf32, #tpu.memory_space<hbm>>) target(%dma_start3A_105 : memref<128x128xf32, #tpu.memory_space<vmem>>) offsets(%dma_start3A_108 : memref<128xi32, #tpu.memory_space<vmem>>) semaphore(%arg9 : memref<!tpu.dma_semaphore, #tpu.memory_space<semaphore_mem>>)
        %dma_start3A_112 = arith.constant 1 : i32
        %dma_start3A_113 = arith.constant 128 : i32
        %dma_start3A_114 = arith.constant 0 : i32
        %dma_start3A_115 = tpu.memref_slice %arg7[%dma_start3A_113, %dma_start3A_114] : memref<256x128xf32, #tpu.memory_space<vmem>> -> memref<128x128xf32, #tpu.memory_space<vmem>>
        %dma_start3A_116 = arith.constant 0 : i32
        %dma_start3A_117 = tpu.memref_slice %arg5[%dma_start3A_112, %dma_start3A_116] : memref<2x128xi32, #tpu.memory_space<vmem>> -> memref<1x128xi32, #tpu.memory_space<vmem>>
        %dma_start3A_118 = tpu.memref_squeeze %dma_start3A_117 : memref<1x128xi32, #tpu.memory_space<vmem>> -> memref<128xi32, #tpu.memory_space<vmem>>
        %dma_start3A_119 = arith.constant 0 : i32
        %dma_start3A_120 = arith.constant 0 : i32
        %dma_start3A_121 = tpu.memref_slice %arg3[%dma_start3A_119, %dma_start3A_120] : memref<10000x128xf32, #tpu.memory_space<hbm>> -> memref<10000x128xf32, #tpu.memory_space<hbm>>
        tpu.enqueue_indirect_dma source(%dma_start3A_121 : memref<10000x128xf32, #tpu.memory_space<hbm>>) target(%dma_start3A_115 : memref<128x128xf32, #tpu.memory_space<vmem>>) offsets(%dma_start3A_118 : memref<128xi32, #tpu.memory_space<vmem>>) semaphore(%arg9 : memref<!tpu.dma_semaphore, #tpu.memory_space<semaphore_mem>>)
      } else {
      }
      %sub3A_45 = arith.constant 1 : i32
      %sub3A_46 = arith.subi %mul3A_22, %sub3A_45 : i32
      %ge3A_47 = arith.constant 0 : i32
      %ge3A_48 = arith.cmpi sge, %sub3A_46, %ge3A_47 : i32
      %mul3A_49 = arith.constant 32 : i32
      %mul3A_50 = arith.muli %sub3A_46, %mul3A_49 : i32
      %add3A_51 = arith.addi %add3A, %mul3A_50 : i32
      %lt3A_52 = arith.constant 625 : i32
      %lt3A_53 = arith.cmpi slt, %add3A_51, %lt3A_52 : i32
      %and3A_54 = arith.andi %ge3A_48, %lt3A_53 : i1
      %convert_element_type3A_55 = arith.extui %and3A_54 : i1 to i32
      %cond3A_56 = arith.constant 0 : i32
      %cond3A_57 = arith.cmpi ne, %convert_element_type3A_55, %cond3A_56 : i32
      scf.if %cond3A_57 {
        %mul3A_95 = arith.constant 32 : i32
        %mul3A_96 = arith.muli %sub3A_46, %mul3A_95 : i32
        %add3A_97 = arith.addi %add3A, %mul3A_96 : i32
        %mul3A_98 = arith.constant 2 : i32
        %mul3A_99 = arith.muli %add3A_97, %mul3A_98 : i32
        %multiple_of3A = tpu.assume_multiple %mul3A_99, 8 : i32
        %mul3A_100 = arith.constant 256 : i32
        %mul3A_101 = arith.muli %add3A_97, %mul3A_100 : i32
        %multiple_of3A_102 = tpu.assume_multiple %mul3A_101, 8 : i32
        %dma_wait3A = arith.constant 0 : i32
        %dma_wait3A_103 = tpu.memref_slice %arg4[%multiple_of3A_102, %dma_wait3A] : memref<160000x128xf32, #tpu.memory_space<hbm>> -> memref<256x128xf32, #tpu.memory_space<hbm>>
        %dma_wait3A_104 = arith.constant 0 : i32
        %dma_wait3A_105 = tpu.memref_slice %arg4[%multiple_of3A_102, %dma_wait3A_104] : memref<160000x128xf32, #tpu.memory_space<hbm>> -> memref<256x128xf32, #tpu.memory_space<hbm>>
        tpu.wait_dma2 semaphore(%arg12 : memref<!tpu.dma_semaphore, #tpu.memory_space<semaphore_mem>>) src(%arg8 : memref<256x128xf32, #tpu.memory_space<vmem>>) dst(%dma_wait3A_105 : memref<256x128xf32, #tpu.memory_space<hbm>>)
      } else {
      }
      %add3A_58 = arith.constant 1 : i32
      %add3A_59 = arith.addi %mul3A_22, %add3A_58 : i32
      %ge3A_60 = arith.constant 0 : i32
      %ge3A_61 = arith.cmpi sge, %add3A_59, %ge3A_60 : i32
      %mul3A_62 = arith.constant 32 : i32
      %mul3A_63 = arith.muli %add3A_59, %mul3A_62 : i32
      %add3A_64 = arith.addi %add3A, %mul3A_63 : i32
      %lt3A_65 = arith.constant 625 : i32
      %lt3A_66 = arith.cmpi slt, %add3A_64, %lt3A_65 : i32
      %and3A_67 = arith.andi %ge3A_61, %lt3A_66 : i1
      %convert_element_type3A_68 = arith.extui %and3A_67 : i1 to i32
      %cond3A_69 = arith.constant 0 : i32
      %cond3A_70 = arith.cmpi ne, %convert_element_type3A_68, %cond3A_69 : i32
      scf.if %cond3A_70 {
        %mul3A_95 = arith.constant 32 : i32
        %mul3A_96 = arith.muli %add3A_59, %mul3A_95 : i32
        %add3A_97 = arith.addi %add3A, %mul3A_96 : i32
        %mul3A_98 = arith.constant 2 : i32
        %mul3A_99 = arith.muli %add3A_97, %mul3A_98 : i32
        %multiple_of3A = tpu.assume_multiple %mul3A_99, 8 : i32
        %mul3A_100 = arith.constant 256 : i32
        %mul3A_101 = arith.muli %add3A_97, %mul3A_100 : i32
        %multiple_of3A_102 = tpu.assume_multiple %mul3A_101, 8 : i32
        "tpu.region"() ({
          %run_scoped3A = tpu.sem_alloc : memref<!tpu.dma_semaphore, #tpu.memory_space<semaphore_mem>>
          %dma_start3A_122 = arith.constant 0 : i32
          %dma_start3A_123 = tpu.memref_slice %arg2[%multiple_of3A, %dma_start3A_122] : memref<1250x128xi32, #tpu.memory_space<hbm>> -> memref<2x128xi32, #tpu.memory_space<hbm>>
          %dma_start3A_124 = arith.constant 0 : i32
          %dma_start3A_125 = tpu.memref_slice %arg2[%multiple_of3A, %dma_start3A_124] : memref<1250x128xi32, #tpu.memory_space<hbm>> -> memref<2x128xi32, #tpu.memory_space<hbm>>
          tpu.enqueue_dma source(%dma_start3A_125 : memref<2x128xi32, #tpu.memory_space<hbm>>) target(%arg6 : memref<2x128xi32, #tpu.memory_space<vmem>>) target_semaphore(%run_scoped3A : memref<!tpu.dma_semaphore, #tpu.memory_space<semaphore_mem>>)
          %dma_wait3A = arith.constant 0 : i32
          %dma_wait3A_126 = tpu.memref_slice %arg2[%multiple_of3A, %dma_wait3A] : memref<1250x128xi32, #tpu.memory_space<hbm>> -> memref<2x128xi32, #tpu.memory_space<hbm>>
          %dma_wait3A_127 = arith.constant 0 : i32
          %dma_wait3A_128 = tpu.memref_slice %arg2[%multiple_of3A, %dma_wait3A_127] : memref<1250x128xi32, #tpu.memory_space<hbm>> -> memref<2x128xi32, #tpu.memory_space<hbm>>
          tpu.wait_dma2 semaphore(%run_scoped3A : memref<!tpu.dma_semaphore, #tpu.memory_space<semaphore_mem>>) src(%dma_wait3A_128 : memref<2x128xi32, #tpu.memory_space<hbm>>) dst(%arg6 : memref<2x128xi32, #tpu.memory_space<vmem>>)
          tpu.yield
        }) : () -> ()
        %dma_start3A = arith.constant 0 : i32
        %dma_start3A_103 = arith.constant 0 : i32
        %dma_start3A_104 = arith.constant 0 : i32
        %dma_start3A_105 = tpu.memref_slice %arg8[%dma_start3A_103, %dma_start3A_104] : memref<256x128xf32, #tpu.memory_space<vmem>> -> memref<128x128xf32, #tpu.memory_space<vmem>>
        %dma_start3A_106 = arith.constant 0 : i32
        %dma_start3A_107 = tpu.memref_slice %arg6[%dma_start3A, %dma_start3A_106] : memref<2x128xi32, #tpu.memory_space<vmem>> -> memref<1x128xi32, #tpu.memory_space<vmem>>
        %dma_start3A_108 = tpu.memref_squeeze %dma_start3A_107 : memref<1x128xi32, #tpu.memory_space<vmem>> -> memref<128xi32, #tpu.memory_space<vmem>>
        %dma_start3A_109 = arith.constant 0 : i32
        %dma_start3A_110 = arith.constant 0 : i32
        %dma_start3A_111 = tpu.memref_slice %arg3[%dma_start3A_109, %dma_start3A_110] : memref<10000x128xf32, #tpu.memory_space<hbm>> -> memref<10000x128xf32, #tpu.memory_space<hbm>>
        tpu.enqueue_indirect_dma source(%dma_start3A_111 : memref<10000x128xf32, #tpu.memory_space<hbm>>) target(%dma_start3A_105 : memref<128x128xf32, #tpu.memory_space<vmem>>) offsets(%dma_start3A_108 : memref<128xi32, #tpu.memory_space<vmem>>) semaphore(%arg10 : memref<!tpu.dma_semaphore, #tpu.memory_space<semaphore_mem>>)
        %dma_start3A_112 = arith.constant 1 : i32
        %dma_start3A_113 = arith.constant 128 : i32
        %dma_start3A_114 = arith.constant 0 : i32
        %dma_start3A_115 = tpu.memref_slice %arg8[%dma_start3A_113, %dma_start3A_114] : memref<256x128xf32, #tpu.memory_space<vmem>> -> memref<128x128xf32, #tpu.memory_space<vmem>>
        %dma_start3A_116 = arith.constant 0 : i32
        %dma_start3A_117 = tpu.memref_slice %arg6[%dma_start3A_112, %dma_start3A_116] : memref<2x128xi32, #tpu.memory_space<vmem>> -> memref<1x128xi32, #tpu.memory_space<vmem>>
        %dma_start3A_118 = tpu.memref_squeeze %dma_start3A_117 : memref<1x128xi32, #tpu.memory_space<vmem>> -> memref<128xi32, #tpu.memory_space<vmem>>
        %dma_start3A_119 = arith.constant 0 : i32
        %dma_start3A_120 = arith.constant 0 : i32
        %dma_start3A_121 = tpu.memref_slice %arg3[%dma_start3A_119, %dma_start3A_120] : memref<10000x128xf32, #tpu.memory_space<hbm>> -> memref<10000x128xf32, #tpu.memory_space<hbm>>
        tpu.enqueue_indirect_dma source(%dma_start3A_121 : memref<10000x128xf32, #tpu.memory_space<hbm>>) target(%dma_start3A_115 : memref<128x128xf32, #tpu.memory_space<vmem>>) offsets(%dma_start3A_118 : memref<128xi32, #tpu.memory_space<vmem>>) semaphore(%arg10 : memref<!tpu.dma_semaphore, #tpu.memory_space<semaphore_mem>>)
      } else {
      }
      %ge3A_71 = arith.constant 0 : i32
      %ge3A_72 = arith.cmpi sge, %mul3A_22, %ge3A_71 : i32
      %mul3A_73 = arith.constant 32 : i32
      %mul3A_74 = arith.muli %mul3A_22, %mul3A_73 : i32
      %add3A_75 = arith.addi %add3A, %mul3A_74 : i32
      %lt3A_76 = arith.constant 625 : i32
      %lt3A_77 = arith.cmpi slt, %add3A_75, %lt3A_76 : i32
      %and3A_78 = arith.andi %ge3A_72, %lt3A_77 : i1
      %convert_element_type3A_79 = arith.extui %and3A_78 : i1 to i32
      %cond3A_80 = arith.constant 0 : i32
      %cond3A_81 = arith.cmpi ne, %convert_element_type3A_79, %cond3A_80 : i32
      scf.if %cond3A_81 {
        %mul3A_95 = arith.constant 32 : i32
        %mul3A_96 = arith.muli %mul3A_22, %mul3A_95 : i32
        %add3A_97 = arith.addi %add3A, %mul3A_96 : i32
        %mul3A_98 = arith.constant 2 : i32
        %mul3A_99 = arith.muli %add3A_97, %mul3A_98 : i32
        %multiple_of3A = tpu.assume_multiple %mul3A_99, 8 : i32
        %mul3A_100 = arith.constant 256 : i32
        %mul3A_101 = arith.muli %add3A_97, %mul3A_100 : i32
        %multiple_of3A_102 = tpu.assume_multiple %mul3A_101, 8 : i32
        %dma_wait3A = arith.constant 0 : i32
        %dma_wait3A_103 = arith.constant 0 : i32
        %dma_wait3A_104 = arith.constant 0 : i32
        %dma_wait3A_105 = tpu.memref_slice %arg7[%dma_wait3A_103, %dma_wait3A_104] : memref<256x128xf32, #tpu.memory_space<vmem>> -> memref<128x128xf32, #tpu.memory_space<vmem>>
        %dma_wait3A_106 = arith.constant 0 : i32
        %dma_wait3A_107 = tpu.memref_slice %arg5[%dma_wait3A, %dma_wait3A_106] : memref<2x128xi32, #tpu.memory_space<vmem>> -> memref<1x128xi32, #tpu.memory_space<vmem>>
        %dma_wait3A_108 = tpu.memref_squeeze %dma_wait3A_107 : memref<1x128xi32, #tpu.memory_space<vmem>> -> memref<128xi32, #tpu.memory_space<vmem>>
        %dma_wait3A_109 = arith.constant 0 : i32
        %dma_wait3A_110 = arith.constant 0 : i32
        %dma_wait3A_111 = tpu.memref_slice %arg3[%dma_wait3A_109, %dma_wait3A_110] : memref<10000x128xf32, #tpu.memory_space<hbm>> -> memref<10000x128xf32, #tpu.memory_space<hbm>>
        tpu.wait_indirect_dma semaphore(%arg9 : memref<!tpu.dma_semaphore, #tpu.memory_space<semaphore_mem>>) src(%dma_wait3A_111 : memref<10000x128xf32, #tpu.memory_space<hbm>>) dst(%dma_wait3A_105 : memref<128x128xf32, #tpu.memory_space<vmem>>)
        %dma_wait3A_112 = arith.constant 1 : i32
        %dma_wait3A_113 = arith.constant 128 : i32
        %dma_wait3A_114 = arith.constant 0 : i32
        %dma_wait3A_115 = tpu.memref_slice %arg7[%dma_wait3A_113, %dma_wait3A_114] : memref<256x128xf32, #tpu.memory_space<vmem>> -> memref<128x128xf32, #tpu.memory_space<vmem>>
        %dma_wait3A_116 = arith.constant 0 : i32
        %dma_wait3A_117 = tpu.memref_slice %arg5[%dma_wait3A_112, %dma_wait3A_116] : memref<2x128xi32, #tpu.memory_space<vmem>> -> memref<1x128xi32, #tpu.memory_space<vmem>>
        %dma_wait3A_118 = tpu.memref_squeeze %dma_wait3A_117 : memref<1x128xi32, #tpu.memory_space<vmem>> -> memref<128xi32, #tpu.memory_space<vmem>>
        %dma_wait3A_119 = arith.constant 0 : i32
        %dma_wait3A_120 = arith.constant 0 : i32
        %dma_wait3A_121 = tpu.memref_slice %arg3[%dma_wait3A_119, %dma_wait3A_120] : memref<10000x128xf32, #tpu.memory_space<hbm>> -> memref<10000x128xf32, #tpu.memory_space<hbm>>
        tpu.wait_indirect_dma semaphore(%arg9 : memref<!tpu.dma_semaphore, #tpu.memory_space<semaphore_mem>>) src(%dma_wait3A_121 : memref<10000x128xf32, #tpu.memory_space<hbm>>) dst(%dma_wait3A_115 : memref<128x128xf32, #tpu.memory_space<vmem>>)
        %dma_start3A = arith.constant 0 : i32
        %dma_start3A_122 = tpu.memref_slice %arg4[%multiple_of3A_102, %dma_start3A] : memref<160000x128xf32, #tpu.memory_space<hbm>> -> memref<256x128xf32, #tpu.memory_space<hbm>>
        %dma_start3A_123 = arith.constant 0 : i32
        %dma_start3A_124 = tpu.memref_slice %arg4[%multiple_of3A_102, %dma_start3A_123] : memref<160000x128xf32, #tpu.memory_space<hbm>> -> memref<256x128xf32, #tpu.memory_space<hbm>>
        tpu.enqueue_dma source(%arg7 : memref<256x128xf32, #tpu.memory_space<vmem>>) target(%dma_start3A_124 : memref<256x128xf32, #tpu.memory_space<hbm>>) target_semaphore(%arg11 : memref<!tpu.dma_semaphore, #tpu.memory_space<semaphore_mem>>)
      } else {
      }
      %add3A_82 = arith.constant 1 : i32
      %add3A_83 = arith.addi %mul3A_22, %add3A_82 : i32
      %ge3A_84 = arith.constant 0 : i32
      %ge3A_85 = arith.cmpi sge, %add3A_83, %ge3A_84 : i32
      %mul3A_86 = arith.constant 32 : i32
      %mul3A_87 = arith.muli %add3A_83, %mul3A_86 : i32
      %add3A_88 = arith.addi %add3A, %mul3A_87 : i32
      %lt3A_89 = arith.constant 625 : i32
      %lt3A_90 = arith.cmpi slt, %add3A_88, %lt3A_89 : i32
      %and3A_91 = arith.andi %ge3A_85, %lt3A_90 : i1
      %convert_element_type3A_92 = arith.extui %and3A_91 : i1 to i32
      %cond3A_93 = arith.constant 0 : i32
      %cond3A_94 = arith.cmpi ne, %convert_element_type3A_92, %cond3A_93 : i32
      scf.if %cond3A_94 {
        %mul3A_95 = arith.constant 32 : i32
        %mul3A_96 = arith.muli %add3A_83, %mul3A_95 : i32
        %add3A_97 = arith.addi %add3A, %mul3A_96 : i32
        %mul3A_98 = arith.constant 2 : i32
        %mul3A_99 = arith.muli %add3A_97, %mul3A_98 : i32
        %multiple_of3A = tpu.assume_multiple %mul3A_99, 8 : i32
        %mul3A_100 = arith.constant 256 : i32
        %mul3A_101 = arith.muli %add3A_97, %mul3A_100 : i32
        %multiple_of3A_102 = tpu.assume_multiple %mul3A_101, 8 : i32
        %dma_wait3A = arith.constant 0 : i32
        %dma_wait3A_103 = arith.constant 0 : i32
        %dma_wait3A_104 = arith.constant 0 : i32
        %dma_wait3A_105 = tpu.memref_slice %arg8[%dma_wait3A_103, %dma_wait3A_104] : memref<256x128xf32, #tpu.memory_space<vmem>> -> memref<128x128xf32, #tpu.memory_space<vmem>>
        %dma_wait3A_106 = arith.constant 0 : i32
        %dma_wait3A_107 = tpu.memref_slice %arg6[%dma_wait3A, %dma_wait3A_106] : memref<2x128xi32, #tpu.memory_space<vmem>> -> memref<1x128xi32, #tpu.memory_space<vmem>>
        %dma_wait3A_108 = tpu.memref_squeeze %dma_wait3A_107 : memref<1x128xi32, #tpu.memory_space<vmem>> -> memref<128xi32, #tpu.memory_space<vmem>>
        %dma_wait3A_109 = arith.constant 0 : i32
        %dma_wait3A_110 = arith.constant 0 : i32
        %dma_wait3A_111 = tpu.memref_slice %arg3[%dma_wait3A_109, %dma_wait3A_110] : memref<10000x128xf32, #tpu.memory_space<hbm>> -> memref<10000x128xf32, #tpu.memory_space<hbm>>
        tpu.wait_indirect_dma semaphore(%arg10 : memref<!tpu.dma_semaphore, #tpu.memory_space<semaphore_mem>>) src(%dma_wait3A_111 : memref<10000x128xf32, #tpu.memory_space<hbm>>) dst(%dma_wait3A_105 : memref<128x128xf32, #tpu.memory_space<vmem>>)
        %dma_wait3A_112 = arith.constant 1 : i32
        %dma_wait3A_113 = arith.constant 128 : i32
        %dma_wait3A_114 = arith.constant 0 : i32
        %dma_wait3A_115 = tpu.memref_slice %arg8[%dma_wait3A_113, %dma_wait3A_114] : memref<256x128xf32, #tpu.memory_space<vmem>> -> memref<128x128xf32, #tpu.memory_space<vmem>>
        %dma_wait3A_116 = arith.constant 0 : i32
        %dma_wait3A_117 = tpu.memref_slice %arg6[%dma_wait3A_112, %dma_wait3A_116] : memref<2x128xi32, #tpu.memory_space<vmem>> -> memref<1x128xi32, #tpu.memory_space<vmem>>
        %dma_wait3A_118 = tpu.memref_squeeze %dma_wait3A_117 : memref<1x128xi32, #tpu.memory_space<vmem>> -> memref<128xi32, #tpu.memory_space<vmem>>
        %dma_wait3A_119 = arith.constant 0 : i32
        %dma_wait3A_120 = arith.constant 0 : i32
        %dma_wait3A_121 = tpu.memref_slice %arg3[%dma_wait3A_119, %dma_wait3A_120] : memref<10000x128xf32, #tpu.memory_space<hbm>> -> memref<10000x128xf32, #tpu.memory_space<hbm>>
        tpu.wait_indirect_dma semaphore(%arg10 : memref<!tpu.dma_semaphore, #tpu.memory_space<semaphore_mem>>) src(%dma_wait3A_121 : memref<10000x128xf32, #tpu.memory_space<hbm>>) dst(%dma_wait3A_115 : memref<128x128xf32, #tpu.memory_space<vmem>>)
        %dma_start3A = arith.constant 0 : i32
        %dma_start3A_122 = tpu.memref_slice %arg4[%multiple_of3A_102, %dma_start3A] : memref<160000x128xf32, #tpu.memory_space<hbm>> -> memref<256x128xf32, #tpu.memory_space<hbm>>
        %dma_start3A_123 = arith.constant 0 : i32
        %dma_start3A_124 = tpu.memref_slice %arg4[%multiple_of3A_102, %dma_start3A_123] : memref<160000x128xf32, #tpu.memory_space<hbm>> -> memref<256x128xf32, #tpu.memory_space<hbm>>
        tpu.enqueue_dma source(%arg8 : memref<256x128xf32, #tpu.memory_space<vmem>>) target(%dma_start3A_124 : memref<256x128xf32, #tpu.memory_space<hbm>>) target_semaphore(%arg12 : memref<!tpu.dma_semaphore, #tpu.memory_space<semaphore_mem>>)
      } else {
      }
    }
    %scan3A_5 = arith.constant 10 : i32
    %add3A_6 = arith.constant 576 : i32
    %add3A_7 = arith.addi %add3A, %add3A_6 : i32
    %lt3A = arith.constant 625 : i32
    %lt3A_8 = arith.cmpi slt, %add3A_7, %lt3A : i32
    %and3A = arith.constant true
    %and3A_9 = arith.andi %and3A, %lt3A_8 : i1
    %convert_element_type3A = arith.extui %and3A_9 : i1 to i32
    %cond3A = arith.constant 0 : i32
    %cond3A_10 = arith.cmpi ne, %convert_element_type3A, %cond3A : i32
    scf.if %cond3A_10 {
      %add3A_20 = arith.constant 576 : i32
      %add3A_21 = arith.addi %add3A, %add3A_20 : i32
      %mul3A_22 = arith.constant 2 : i32
      %mul3A_23 = arith.muli %add3A_21, %mul3A_22 : i32
      %multiple_of3A = tpu.assume_multiple %mul3A_23, 8 : i32
      %mul3A_24 = arith.constant 256 : i32
      %mul3A_25 = arith.muli %add3A_21, %mul3A_24 : i32
      %multiple_of3A_26 = tpu.assume_multiple %mul3A_25, 8 : i32
      %dma_wait3A = arith.constant 0 : i32
      %dma_wait3A_27 = tpu.memref_slice %arg4[%multiple_of3A_26, %dma_wait3A] : memref<160000x128xf32, #tpu.memory_space<hbm>> -> memref<256x128xf32, #tpu.memory_space<hbm>>
      %dma_wait3A_28 = arith.constant 0 : i32
      %dma_wait3A_29 = tpu.memref_slice %arg4[%multiple_of3A_26, %dma_wait3A_28] : memref<160000x128xf32, #tpu.memory_space<hbm>> -> memref<256x128xf32, #tpu.memory_space<hbm>>
      tpu.wait_dma2 semaphore(%arg11 : memref<!tpu.dma_semaphore, #tpu.memory_space<semaphore_mem>>) src(%arg7 : memref<256x128xf32, #tpu.memory_space<vmem>>) dst(%dma_wait3A_29 : memref<256x128xf32, #tpu.memory_space<hbm>>)
    } else {
    }
    %add3A_11 = arith.constant 608 : i32
    %add3A_12 = arith.addi %add3A, %add3A_11 : i32
    %lt3A_13 = arith.constant 625 : i32
    %lt3A_14 = arith.cmpi slt, %add3A_12, %lt3A_13 : i32
    %and3A_15 = arith.constant true
    %and3A_16 = arith.andi %and3A_15, %lt3A_14 : i1
    %convert_element_type3A_17 = arith.extui %and3A_16 : i1 to i32
    %cond3A_18 = arith.constant 0 : i32
    %cond3A_19 = arith.cmpi ne, %convert_element_type3A_17, %cond3A_18 : i32
    scf.if %cond3A_19 {
      %add3A_20 = arith.constant 608 : i32
      %add3A_21 = arith.addi %add3A, %add3A_20 : i32
      %mul3A_22 = arith.constant 2 : i32
      %mul3A_23 = arith.muli %add3A_21, %mul3A_22 : i32
      %multiple_of3A = tpu.assume_multiple %mul3A_23, 8 : i32
      %mul3A_24 = arith.constant 256 : i32
      %mul3A_25 = arith.muli %add3A_21, %mul3A_24 : i32
      %multiple_of3A_26 = tpu.assume_multiple %mul3A_25, 8 : i32
      %dma_wait3A = arith.constant 0 : i32
      %dma_wait3A_27 = tpu.memref_slice %arg4[%multiple_of3A_26, %dma_wait3A] : memref<160000x128xf32, #tpu.memory_space<hbm>> -> memref<256x128xf32, #tpu.memory_space<hbm>>
      %dma_wait3A_28 = arith.constant 0 : i32
      %dma_wait3A_29 = tpu.memref_slice %arg4[%multiple_of3A_26, %dma_wait3A_28] : memref<160000x128xf32, #tpu.memory_space<hbm>> -> memref<256x128xf32, #tpu.memory_space<hbm>>
      tpu.wait_dma2 semaphore(%arg12 : memref<!tpu.dma_semaphore, #tpu.memory_space<semaphore_mem>>) src(%arg8 : memref<256x128xf32, #tpu.memory_space<vmem>>) dst(%dma_wait3A_29 : memref<256x128xf32, #tpu.memory_space<hbm>>)
    } else {
    }
    return
  }
}

#map = affine_map<(d0, d1) -> (0, 0)>
module attributes {stable_mosaic.version = 14 : i64} {
  func.func @body(%arg0: i32, %arg1: i32, %arg2: memref<1250x128xi32, #tpu.memory_space<hbm>>, %arg3: memref<48000x128xf32, #tpu.memory_space<hbm>>, %arg4: memref<640x128xf32, #tpu.memory_space<hbm>>, %arg5: memref<20480x128xf32, #tpu.memory_space<hbm>>, %arg6: memref<1x128xi32, #tpu.memory_space<vmem>>, %arg7: memref<1x128xi32, #tpu.memory_space<vmem>>, %arg8: memref<128x128xf32, #tpu.memory_space<vmem>>, %arg9: memref<128x128xf32, #tpu.memory_space<vmem>>, %arg10: memref<!tpu.dma_semaphore, #tpu.memory_space<semaphore_mem>>, %arg11: memref<!tpu.dma_semaphore, #tpu.memory_space<semaphore_mem>>, %arg12: memref<!tpu.dma_semaphore, #tpu.memory_space<semaphore_mem>>, %arg13: memref<!tpu.dma_semaphore, #tpu.memory_space<semaphore_mem>>, %arg14: memref<10240x128xf32, #tpu.memory_space<vmem_shared>>) attributes {dimension_semantics = [#tpu.dimension_semantics<core_parallel>, #tpu.dimension_semantics<subcore_parallel>], iteration_bounds = array<i64: 2, 16>, scalar_prefetch = 0 : i64, scratch_operands = 9 : i64, tpu.core_type = #tpu.core_type<sc_vector_subcore>, window_params = [{transform_indices = #map}, {transform_indices = #map}, {transform_indices = #map}, {transform_indices = #map}]} {
    %mul3A = arith.constant 2 : i32
    %mul3A_0 = arith.muli %arg1, %mul3A : i32
    %add3A = arith.addi %mul3A_0, %arg0 : i32
    %mul3A_1 = arith.constant 640 : i32
    %mul3A_2 = arith.muli %arg1, %mul3A_1 : i32
    %multiple_of3A = tpu.assume_multiple %mul3A_2, 8 : i32
    "tpu.region"() ({
      %run_scoped3A = tpu.sem_alloc : memref<!tpu.dma_semaphore, #tpu.memory_space<semaphore_mem>>
      %dma_start3A = arith.constant 0 : i32
      %dma_start3A_27 = tpu.memref_slice %arg14[%multiple_of3A, %dma_start3A] : memref<10240x128xf32, #tpu.memory_space<vmem_shared>> -> memref<640x128xf32, #tpu.memory_space<vmem_shared>>
      tpu.enqueue_dma source(%arg4 : memref<640x128xf32, #tpu.memory_space<hbm>>) target(%dma_start3A_27 : memref<640x128xf32, #tpu.memory_space<vmem_shared>>) target_semaphore(%run_scoped3A : memref<!tpu.dma_semaphore, #tpu.memory_space<semaphore_mem>>)
      %dma_wait3A = arith.constant 0 : i32
      %dma_wait3A_28 = tpu.memref_slice %arg14[%multiple_of3A, %dma_wait3A] : memref<10240x128xf32, #tpu.memory_space<vmem_shared>> -> memref<640x128xf32, #tpu.memory_space<vmem_shared>>
      tpu.wait_dma2 semaphore(%run_scoped3A : memref<!tpu.dma_semaphore, #tpu.memory_space<semaphore_mem>>) src(%arg4 : memref<640x128xf32, #tpu.memory_space<hbm>>) dst(%dma_wait3A_28 : memref<640x128xf32, #tpu.memory_space<vmem_shared>>)
      tpu.yield
    }) : () -> ()
    %barrier3A = arith.constant 0 : index
    tpu.barrier barrier_id(%barrier3A)
    %scan3A = arith.constant 0 : i32
    %scan3A_3 = arith.constant 0 : i32
    %scan3A_4 = arith.constant 6 : i32
    %scan3A_5 = arith.addi %scan3A_3, %scan3A_4 : i32
    %scan3A_6 = arith.constant 1 : i32
    scf.for %scan3A_27 = %scan3A_3 to %scan3A_5 step %scan3A_6  : i32 {
      %mul3A_28 = arith.constant 2 : i32
      %mul3A_29 = arith.muli %mul3A_28, %scan3A_27 : i32
      %sub3A = arith.constant 2 : i32
      %sub3A_30 = arith.subi %mul3A_29, %sub3A : i32
      %ge3A = arith.constant 0 : i32
      %ge3A_31 = arith.cmpi sge, %sub3A_30, %ge3A : i32
      %mul3A_32 = arith.constant 32 : i32
      %mul3A_33 = arith.muli %sub3A_30, %mul3A_32 : i32
      %add3A_34 = arith.addi %add3A, %mul3A_33 : i32
      %lt3A_35 = arith.constant 375 : i32
      %lt3A_36 = arith.cmpi slt, %add3A_34, %lt3A_35 : i32
      %and3A_37 = arith.andi %ge3A_31, %lt3A_36 : i1
      %convert_element_type3A_38 = arith.extui %and3A_37 : i1 to i32
      %cond3A_39 = arith.constant 0 : i32
      %cond3A_40 = arith.cmpi ne, %convert_element_type3A_38, %cond3A_39 : i32
      scf.if %cond3A_40 {
        %dma_wait3A = arith.constant 0 : i32
        %dma_wait3A_102 = arith.constant 0 : i32
        %dma_wait3A_103 = arith.constant 0 : i32
        %dma_wait3A_104 = tpu.memref_slice %arg8[%dma_wait3A_102, %dma_wait3A_103] : memref<128x128xf32, #tpu.memory_space<vmem>> -> memref<128x128xf32, #tpu.memory_space<vmem>>
        %dma_wait3A_105 = arith.constant 0 : i32
        %dma_wait3A_106 = tpu.memref_slice %arg6[%dma_wait3A, %dma_wait3A_105] : memref<1x128xi32, #tpu.memory_space<vmem>> -> memref<1x128xi32, #tpu.memory_space<vmem>>
        %dma_wait3A_107 = tpu.memref_squeeze %dma_wait3A_106 : memref<1x128xi32, #tpu.memory_space<vmem>> -> memref<128xi32, #tpu.memory_space<vmem>>
        %dma_wait3A_108 = arith.constant 0 : i32
        %dma_wait3A_109 = arith.constant 0 : i32
        %dma_wait3A_110 = tpu.memref_slice %arg14[%dma_wait3A_108, %dma_wait3A_109] : memref<10240x128xf32, #tpu.memory_space<vmem_shared>> -> memref<10240x128xf32, #tpu.memory_space<vmem_shared>>
        tpu.wait_indirect_dma semaphore(%arg12 : memref<!tpu.dma_semaphore, #tpu.memory_space<semaphore_mem>>) src(%dma_wait3A_104 : memref<128x128xf32, #tpu.memory_space<vmem>>) dst(%dma_wait3A_110 : memref<10240x128xf32, #tpu.memory_space<vmem_shared>>)
      } else {
      }
      %ge3A_41 = arith.constant 0 : i32
      %ge3A_42 = arith.cmpi sge, %mul3A_29, %ge3A_41 : i32
      %mul3A_43 = arith.constant 32 : i32
      %mul3A_44 = arith.muli %mul3A_29, %mul3A_43 : i32
      %add3A_45 = arith.addi %add3A, %mul3A_44 : i32
      %lt3A_46 = arith.constant 375 : i32
      %lt3A_47 = arith.cmpi slt, %add3A_45, %lt3A_46 : i32
      %and3A_48 = arith.andi %ge3A_42, %lt3A_47 : i1
      %convert_element_type3A_49 = arith.extui %and3A_48 : i1 to i32
      %cond3A_50 = arith.constant 0 : i32
      %cond3A_51 = arith.cmpi ne, %convert_element_type3A_49, %cond3A_50 : i32
      scf.if %cond3A_51 {
        %mul3A_102 = arith.constant 32 : i32
        %mul3A_103 = arith.muli %mul3A_29, %mul3A_102 : i32
        %add3A_104 = arith.addi %add3A, %mul3A_103 : i32
        %mul3A_105 = arith.constant 1 : i32
        %mul3A_106 = arith.muli %add3A_104, %mul3A_105 : i32
        %add3A_107 = arith.constant 875 : i32
        %add3A_108 = arith.addi %add3A_107, %mul3A_106 : i32
        %mul3A_109 = arith.constant 128 : i32
        %mul3A_110 = arith.muli %add3A_104, %mul3A_109 : i32
        %multiple_of3A_111 = tpu.assume_multiple %mul3A_110, 8 : i32
        "tpu.region"() ({
          %run_scoped3A = tpu.sem_alloc : memref<!tpu.dma_semaphore, #tpu.memory_space<semaphore_mem>>
          %dma_start3A_115 = arith.constant 0 : i32
          %dma_start3A_116 = tpu.memref_slice %arg2[%add3A_108, %dma_start3A_115] : memref<1250x128xi32, #tpu.memory_space<hbm>> -> memref<1x128xi32, #tpu.memory_space<hbm>>
          %dma_start3A_117 = arith.constant 0 : i32
          %dma_start3A_118 = tpu.memref_slice %arg2[%add3A_108, %dma_start3A_117] : memref<1250x128xi32, #tpu.memory_space<hbm>> -> memref<1x128xi32, #tpu.memory_space<hbm>>
          tpu.enqueue_dma source(%dma_start3A_118 : memref<1x128xi32, #tpu.memory_space<hbm>>) target(%arg6 : memref<1x128xi32, #tpu.memory_space<vmem>>) target_semaphore(%run_scoped3A : memref<!tpu.dma_semaphore, #tpu.memory_space<semaphore_mem>>)
          %dma_wait3A = arith.constant 0 : i32
          %dma_wait3A_119 = tpu.memref_slice %arg2[%add3A_108, %dma_wait3A] : memref<1250x128xi32, #tpu.memory_space<hbm>> -> memref<1x128xi32, #tpu.memory_space<hbm>>
          %dma_wait3A_120 = arith.constant 0 : i32
          %dma_wait3A_121 = tpu.memref_slice %arg2[%add3A_108, %dma_wait3A_120] : memref<1250x128xi32, #tpu.memory_space<hbm>> -> memref<1x128xi32, #tpu.memory_space<hbm>>
          tpu.wait_dma2 semaphore(%run_scoped3A : memref<!tpu.dma_semaphore, #tpu.memory_space<semaphore_mem>>) src(%dma_wait3A_121 : memref<1x128xi32, #tpu.memory_space<hbm>>) dst(%arg6 : memref<1x128xi32, #tpu.memory_space<vmem>>)
          tpu.yield
        }) : () -> ()
        %dma_start3A = arith.constant 0 : i32
        %dma_start3A_112 = tpu.memref_slice %arg3[%multiple_of3A_111, %dma_start3A] : memref<48000x128xf32, #tpu.memory_space<hbm>> -> memref<128x128xf32, #tpu.memory_space<hbm>>
        %dma_start3A_113 = arith.constant 0 : i32
        %dma_start3A_114 = tpu.memref_slice %arg3[%multiple_of3A_111, %dma_start3A_113] : memref<48000x128xf32, #tpu.memory_space<hbm>> -> memref<128x128xf32, #tpu.memory_space<hbm>>
        tpu.enqueue_dma source(%dma_start3A_114 : memref<128x128xf32, #tpu.memory_space<hbm>>) target(%arg8 : memref<128x128xf32, #tpu.memory_space<vmem>>) target_semaphore(%arg10 : memref<!tpu.dma_semaphore, #tpu.memory_space<semaphore_mem>>)
      } else {
      }
      %sub3A_52 = arith.constant 1 : i32
      %sub3A_53 = arith.subi %mul3A_29, %sub3A_52 : i32
      %ge3A_54 = arith.constant 0 : i32
      %ge3A_55 = arith.cmpi sge, %sub3A_53, %ge3A_54 : i32
      %mul3A_56 = arith.constant 32 : i32
      %mul3A_57 = arith.muli %sub3A_53, %mul3A_56 : i32
      %add3A_58 = arith.addi %add3A, %mul3A_57 : i32
      %lt3A_59 = arith.constant 375 : i32
      %lt3A_60 = arith.cmpi slt, %add3A_58, %lt3A_59 : i32
      %and3A_61 = arith.andi %ge3A_55, %lt3A_60 : i1
      %convert_element_type3A_62 = arith.extui %and3A_61 : i1 to i32
      %cond3A_63 = arith.constant 0 : i32
      %cond3A_64 = arith.cmpi ne, %convert_element_type3A_62, %cond3A_63 : i32
      scf.if %cond3A_64 {
        %dma_wait3A = arith.constant 0 : i32
        %dma_wait3A_102 = arith.constant 0 : i32
        %dma_wait3A_103 = arith.constant 0 : i32
        %dma_wait3A_104 = tpu.memref_slice %arg9[%dma_wait3A_102, %dma_wait3A_103] : memref<128x128xf32, #tpu.memory_space<vmem>> -> memref<128x128xf32, #tpu.memory_space<vmem>>
        %dma_wait3A_105 = arith.constant 0 : i32
        %dma_wait3A_106 = tpu.memref_slice %arg7[%dma_wait3A, %dma_wait3A_105] : memref<1x128xi32, #tpu.memory_space<vmem>> -> memref<1x128xi32, #tpu.memory_space<vmem>>
        %dma_wait3A_107 = tpu.memref_squeeze %dma_wait3A_106 : memref<1x128xi32, #tpu.memory_space<vmem>> -> memref<128xi32, #tpu.memory_space<vmem>>
        %dma_wait3A_108 = arith.constant 0 : i32
        %dma_wait3A_109 = arith.constant 0 : i32
        %dma_wait3A_110 = tpu.memref_slice %arg14[%dma_wait3A_108, %dma_wait3A_109] : memref<10240x128xf32, #tpu.memory_space<vmem_shared>> -> memref<10240x128xf32, #tpu.memory_space<vmem_shared>>
        tpu.wait_indirect_dma semaphore(%arg13 : memref<!tpu.dma_semaphore, #tpu.memory_space<semaphore_mem>>) src(%dma_wait3A_104 : memref<128x128xf32, #tpu.memory_space<vmem>>) dst(%dma_wait3A_110 : memref<10240x128xf32, #tpu.memory_space<vmem_shared>>)
      } else {
      }
      %add3A_65 = arith.constant 1 : i32
      %add3A_66 = arith.addi %mul3A_29, %add3A_65 : i32
      %ge3A_67 = arith.constant 0 : i32
      %ge3A_68 = arith.cmpi sge, %add3A_66, %ge3A_67 : i32
      %mul3A_69 = arith.constant 32 : i32
      %mul3A_70 = arith.muli %add3A_66, %mul3A_69 : i32
      %add3A_71 = arith.addi %add3A, %mul3A_70 : i32
      %lt3A_72 = arith.constant 375 : i32
      %lt3A_73 = arith.cmpi slt, %add3A_71, %lt3A_72 : i32
      %and3A_74 = arith.andi %ge3A_68, %lt3A_73 : i1
      %convert_element_type3A_75 = arith.extui %and3A_74 : i1 to i32
      %cond3A_76 = arith.constant 0 : i32
      %cond3A_77 = arith.cmpi ne, %convert_element_type3A_75, %cond3A_76 : i32
      scf.if %cond3A_77 {
        %mul3A_102 = arith.constant 32 : i32
        %mul3A_103 = arith.muli %add3A_66, %mul3A_102 : i32
        %add3A_104 = arith.addi %add3A, %mul3A_103 : i32
        %mul3A_105 = arith.constant 1 : i32
        %mul3A_106 = arith.muli %add3A_104, %mul3A_105 : i32
        %add3A_107 = arith.constant 875 : i32
        %add3A_108 = arith.addi %add3A_107, %mul3A_106 : i32
        %mul3A_109 = arith.constant 128 : i32
        %mul3A_110 = arith.muli %add3A_104, %mul3A_109 : i32
        %multiple_of3A_111 = tpu.assume_multiple %mul3A_110, 8 : i32
        "tpu.region"() ({
          %run_scoped3A = tpu.sem_alloc : memref<!tpu.dma_semaphore, #tpu.memory_space<semaphore_mem>>
          %dma_start3A_115 = arith.constant 0 : i32
          %dma_start3A_116 = tpu.memref_slice %arg2[%add3A_108, %dma_start3A_115] : memref<1250x128xi32, #tpu.memory_space<hbm>> -> memref<1x128xi32, #tpu.memory_space<hbm>>
          %dma_start3A_117 = arith.constant 0 : i32
          %dma_start3A_118 = tpu.memref_slice %arg2[%add3A_108, %dma_start3A_117] : memref<1250x128xi32, #tpu.memory_space<hbm>> -> memref<1x128xi32, #tpu.memory_space<hbm>>
          tpu.enqueue_dma source(%dma_start3A_118 : memref<1x128xi32, #tpu.memory_space<hbm>>) target(%arg7 : memref<1x128xi32, #tpu.memory_space<vmem>>) target_semaphore(%run_scoped3A : memref<!tpu.dma_semaphore, #tpu.memory_space<semaphore_mem>>)
          %dma_wait3A = arith.constant 0 : i32
          %dma_wait3A_119 = tpu.memref_slice %arg2[%add3A_108, %dma_wait3A] : memref<1250x128xi32, #tpu.memory_space<hbm>> -> memref<1x128xi32, #tpu.memory_space<hbm>>
          %dma_wait3A_120 = arith.constant 0 : i32
          %dma_wait3A_121 = tpu.memref_slice %arg2[%add3A_108, %dma_wait3A_120] : memref<1250x128xi32, #tpu.memory_space<hbm>> -> memref<1x128xi32, #tpu.memory_space<hbm>>
          tpu.wait_dma2 semaphore(%run_scoped3A : memref<!tpu.dma_semaphore, #tpu.memory_space<semaphore_mem>>) src(%dma_wait3A_121 : memref<1x128xi32, #tpu.memory_space<hbm>>) dst(%arg7 : memref<1x128xi32, #tpu.memory_space<vmem>>)
          tpu.yield
        }) : () -> ()
        %dma_start3A = arith.constant 0 : i32
        %dma_start3A_112 = tpu.memref_slice %arg3[%multiple_of3A_111, %dma_start3A] : memref<48000x128xf32, #tpu.memory_space<hbm>> -> memref<128x128xf32, #tpu.memory_space<hbm>>
        %dma_start3A_113 = arith.constant 0 : i32
        %dma_start3A_114 = tpu.memref_slice %arg3[%multiple_of3A_111, %dma_start3A_113] : memref<48000x128xf32, #tpu.memory_space<hbm>> -> memref<128x128xf32, #tpu.memory_space<hbm>>
        tpu.enqueue_dma source(%dma_start3A_114 : memref<128x128xf32, #tpu.memory_space<hbm>>) target(%arg9 : memref<128x128xf32, #tpu.memory_space<vmem>>) target_semaphore(%arg11 : memref<!tpu.dma_semaphore, #tpu.memory_space<semaphore_mem>>)
      } else {
      }
      %ge3A_78 = arith.constant 0 : i32
      %ge3A_79 = arith.cmpi sge, %mul3A_29, %ge3A_78 : i32
      %mul3A_80 = arith.constant 32 : i32
      %mul3A_81 = arith.muli %mul3A_29, %mul3A_80 : i32
      %add3A_82 = arith.addi %add3A, %mul3A_81 : i32
      %lt3A_83 = arith.constant 375 : i32
      %lt3A_84 = arith.cmpi slt, %add3A_82, %lt3A_83 : i32
      %and3A_85 = arith.andi %ge3A_79, %lt3A_84 : i1
      %convert_element_type3A_86 = arith.extui %and3A_85 : i1 to i32
      %cond3A_87 = arith.constant 0 : i32
      %cond3A_88 = arith.cmpi ne, %convert_element_type3A_86, %cond3A_87 : i32
      scf.if %cond3A_88 {
        %mul3A_102 = arith.constant 32 : i32
        %mul3A_103 = arith.muli %mul3A_29, %mul3A_102 : i32
        %add3A_104 = arith.addi %add3A, %mul3A_103 : i32
        %mul3A_105 = arith.constant 1 : i32
        %mul3A_106 = arith.muli %add3A_104, %mul3A_105 : i32
        %add3A_107 = arith.constant 875 : i32
        %add3A_108 = arith.addi %add3A_107, %mul3A_106 : i32
        %mul3A_109 = arith.constant 128 : i32
        %mul3A_110 = arith.muli %add3A_104, %mul3A_109 : i32
        %multiple_of3A_111 = tpu.assume_multiple %mul3A_110, 8 : i32
        %dma_wait3A = arith.constant 0 : i32
        %dma_wait3A_112 = tpu.memref_slice %arg3[%multiple_of3A_111, %dma_wait3A] : memref<48000x128xf32, #tpu.memory_space<hbm>> -> memref<128x128xf32, #tpu.memory_space<hbm>>
        %dma_wait3A_113 = arith.constant 0 : i32
        %dma_wait3A_114 = tpu.memref_slice %arg3[%multiple_of3A_111, %dma_wait3A_113] : memref<48000x128xf32, #tpu.memory_space<hbm>> -> memref<128x128xf32, #tpu.memory_space<hbm>>
        tpu.wait_dma2 semaphore(%arg10 : memref<!tpu.dma_semaphore, #tpu.memory_space<semaphore_mem>>) src(%dma_wait3A_114 : memref<128x128xf32, #tpu.memory_space<hbm>>) dst(%arg8 : memref<128x128xf32, #tpu.memory_space<vmem>>)
        %dma_start3A = arith.constant 0 : i32
        %dma_start3A_115 = arith.constant 0 : i32
        %dma_start3A_116 = arith.constant 0 : i32
        %dma_start3A_117 = tpu.memref_slice %arg8[%dma_start3A_115, %dma_start3A_116] : memref<128x128xf32, #tpu.memory_space<vmem>> -> memref<128x128xf32, #tpu.memory_space<vmem>>
        %dma_start3A_118 = arith.constant 0 : i32
        %dma_start3A_119 = tpu.memref_slice %arg6[%dma_start3A, %dma_start3A_118] : memref<1x128xi32, #tpu.memory_space<vmem>> -> memref<1x128xi32, #tpu.memory_space<vmem>>
        %dma_start3A_120 = tpu.memref_squeeze %dma_start3A_119 : memref<1x128xi32, #tpu.memory_space<vmem>> -> memref<128xi32, #tpu.memory_space<vmem>>
        %dma_start3A_121 = arith.constant 0 : i32
        %dma_start3A_122 = arith.constant 0 : i32
        %dma_start3A_123 = tpu.memref_slice %arg14[%dma_start3A_121, %dma_start3A_122] : memref<10240x128xf32, #tpu.memory_space<vmem_shared>> -> memref<10240x128xf32, #tpu.memory_space<vmem_shared>>
        tpu.enqueue_indirect_dma source(%dma_start3A_117 : memref<128x128xf32, #tpu.memory_space<vmem>>) target(%dma_start3A_123 : memref<10240x128xf32, #tpu.memory_space<vmem_shared>>) offsets(%dma_start3A_120 : memref<128xi32, #tpu.memory_space<vmem>>) semaphore(%arg12 : memref<!tpu.dma_semaphore, #tpu.memory_space<semaphore_mem>>) {add = true}
      } else {
      }
      %add3A_89 = arith.constant 1 : i32
      %add3A_90 = arith.addi %mul3A_29, %add3A_89 : i32
      %ge3A_91 = arith.constant 0 : i32
      %ge3A_92 = arith.cmpi sge, %add3A_90, %ge3A_91 : i32
      %mul3A_93 = arith.constant 32 : i32
      %mul3A_94 = arith.muli %add3A_90, %mul3A_93 : i32
      %add3A_95 = arith.addi %add3A, %mul3A_94 : i32
      %lt3A_96 = arith.constant 375 : i32
      %lt3A_97 = arith.cmpi slt, %add3A_95, %lt3A_96 : i32
      %and3A_98 = arith.andi %ge3A_92, %lt3A_97 : i1
      %convert_element_type3A_99 = arith.extui %and3A_98 : i1 to i32
      %cond3A_100 = arith.constant 0 : i32
      %cond3A_101 = arith.cmpi ne, %convert_element_type3A_99, %cond3A_100 : i32
      scf.if %cond3A_101 {
        %mul3A_102 = arith.constant 32 : i32
        %mul3A_103 = arith.muli %add3A_90, %mul3A_102 : i32
        %add3A_104 = arith.addi %add3A, %mul3A_103 : i32
        %mul3A_105 = arith.constant 1 : i32
        %mul3A_106 = arith.muli %add3A_104, %mul3A_105 : i32
        %add3A_107 = arith.constant 875 : i32
        %add3A_108 = arith.addi %add3A_107, %mul3A_106 : i32
        %mul3A_109 = arith.constant 128 : i32
        %mul3A_110 = arith.muli %add3A_104, %mul3A_109 : i32
        %multiple_of3A_111 = tpu.assume_multiple %mul3A_110, 8 : i32
        %dma_wait3A = arith.constant 0 : i32
        %dma_wait3A_112 = tpu.memref_slice %arg3[%multiple_of3A_111, %dma_wait3A] : memref<48000x128xf32, #tpu.memory_space<hbm>> -> memref<128x128xf32, #tpu.memory_space<hbm>>
        %dma_wait3A_113 = arith.constant 0 : i32
        %dma_wait3A_114 = tpu.memref_slice %arg3[%multiple_of3A_111, %dma_wait3A_113] : memref<48000x128xf32, #tpu.memory_space<hbm>> -> memref<128x128xf32, #tpu.memory_space<hbm>>
        tpu.wait_dma2 semaphore(%arg11 : memref<!tpu.dma_semaphore, #tpu.memory_space<semaphore_mem>>) src(%dma_wait3A_114 : memref<128x128xf32, #tpu.memory_space<hbm>>) dst(%arg9 : memref<128x128xf32, #tpu.memory_space<vmem>>)
        %dma_start3A = arith.constant 0 : i32
        %dma_start3A_115 = arith.constant 0 : i32
        %dma_start3A_116 = arith.constant 0 : i32
        %dma_start3A_117 = tpu.memref_slice %arg9[%dma_start3A_115, %dma_start3A_116] : memref<128x128xf32, #tpu.memory_space<vmem>> -> memref<128x128xf32, #tpu.memory_space<vmem>>
        %dma_start3A_118 = arith.constant 0 : i32
        %dma_start3A_119 = tpu.memref_slice %arg7[%dma_start3A, %dma_start3A_118] : memref<1x128xi32, #tpu.memory_space<vmem>> -> memref<1x128xi32, #tpu.memory_space<vmem>>
        %dma_start3A_120 = tpu.memref_squeeze %dma_start3A_119 : memref<1x128xi32, #tpu.memory_space<vmem>> -> memref<128xi32, #tpu.memory_space<vmem>>
        %dma_start3A_121 = arith.constant 0 : i32
        %dma_start3A_122 = arith.constant 0 : i32
        %dma_start3A_123 = tpu.memref_slice %arg14[%dma_start3A_121, %dma_start3A_122] : memref<10240x128xf32, #tpu.memory_space<vmem_shared>> -> memref<10240x128xf32, #tpu.memory_space<vmem_shared>>
        tpu.enqueue_indirect_dma source(%dma_start3A_117 : memref<128x128xf32, #tpu.memory_space<vmem>>) target(%dma_start3A_123 : memref<10240x128xf32, #tpu.memory_space<vmem_shared>>) offsets(%dma_start3A_120 : memref<128xi32, #tpu.memory_space<vmem>>) semaphore(%arg13 : memref<!tpu.dma_semaphore, #tpu.memory_space<semaphore_mem>>) {add = true}
      } else {
      }
    }
    %scan3A_7 = arith.constant 6 : i32
    %add3A_8 = arith.constant 320 : i32
    %add3A_9 = arith.addi %add3A, %add3A_8 : i32
    %lt3A = arith.constant 375 : i32
    %lt3A_10 = arith.cmpi slt, %add3A_9, %lt3A : i32
    %and3A = arith.constant true
    %and3A_11 = arith.andi %and3A, %lt3A_10 : i1
    %convert_element_type3A = arith.extui %and3A_11 : i1 to i32
    %cond3A = arith.constant 0 : i32
    %cond3A_12 = arith.cmpi ne, %convert_element_type3A, %cond3A : i32
    scf.if %cond3A_12 {
      %dma_wait3A = arith.constant 0 : i32
      %dma_wait3A_27 = arith.constant 0 : i32
      %dma_wait3A_28 = arith.constant 0 : i32
      %dma_wait3A_29 = tpu.memref_slice %arg8[%dma_wait3A_27, %dma_wait3A_28] : memref<128x128xf32, #tpu.memory_space<vmem>> -> memref<128x128xf32, #tpu.memory_space<vmem>>
      %dma_wait3A_30 = arith.constant 0 : i32
      %dma_wait3A_31 = tpu.memref_slice %arg6[%dma_wait3A, %dma_wait3A_30] : memref<1x128xi32, #tpu.memory_space<vmem>> -> memref<1x128xi32, #tpu.memory_space<vmem>>
      %dma_wait3A_32 = tpu.memref_squeeze %dma_wait3A_31 : memref<1x128xi32, #tpu.memory_space<vmem>> -> memref<128xi32, #tpu.memory_space<vmem>>
      %dma_wait3A_33 = arith.constant 0 : i32
      %dma_wait3A_34 = arith.constant 0 : i32
      %dma_wait3A_35 = tpu.memref_slice %arg14[%dma_wait3A_33, %dma_wait3A_34] : memref<10240x128xf32, #tpu.memory_space<vmem_shared>> -> memref<10240x128xf32, #tpu.memory_space<vmem_shared>>
      tpu.wait_indirect_dma semaphore(%arg12 : memref<!tpu.dma_semaphore, #tpu.memory_space<semaphore_mem>>) src(%dma_wait3A_29 : memref<128x128xf32, #tpu.memory_space<vmem>>) dst(%dma_wait3A_35 : memref<10240x128xf32, #tpu.memory_space<vmem_shared>>)
    } else {
    }
    %add3A_13 = arith.constant 352 : i32
    %add3A_14 = arith.addi %add3A, %add3A_13 : i32
    %lt3A_15 = arith.constant 375 : i32
    %lt3A_16 = arith.cmpi slt, %add3A_14, %lt3A_15 : i32
    %and3A_17 = arith.constant true
    %and3A_18 = arith.andi %and3A_17, %lt3A_16 : i1
    %convert_element_type3A_19 = arith.extui %and3A_18 : i1 to i32
    %cond3A_20 = arith.constant 0 : i32
    %cond3A_21 = arith.cmpi ne, %convert_element_type3A_19, %cond3A_20 : i32
    scf.if %cond3A_21 {
      %dma_wait3A = arith.constant 0 : i32
      %dma_wait3A_27 = arith.constant 0 : i32
      %dma_wait3A_28 = arith.constant 0 : i32
      %dma_wait3A_29 = tpu.memref_slice %arg9[%dma_wait3A_27, %dma_wait3A_28] : memref<128x128xf32, #tpu.memory_space<vmem>> -> memref<128x128xf32, #tpu.memory_space<vmem>>
      %dma_wait3A_30 = arith.constant 0 : i32
      %dma_wait3A_31 = tpu.memref_slice %arg7[%dma_wait3A, %dma_wait3A_30] : memref<1x128xi32, #tpu.memory_space<vmem>> -> memref<1x128xi32, #tpu.memory_space<vmem>>
      %dma_wait3A_32 = tpu.memref_squeeze %dma_wait3A_31 : memref<1x128xi32, #tpu.memory_space<vmem>> -> memref<128xi32, #tpu.memory_space<vmem>>
      %dma_wait3A_33 = arith.constant 0 : i32
      %dma_wait3A_34 = arith.constant 0 : i32
      %dma_wait3A_35 = tpu.memref_slice %arg14[%dma_wait3A_33, %dma_wait3A_34] : memref<10240x128xf32, #tpu.memory_space<vmem_shared>> -> memref<10240x128xf32, #tpu.memory_space<vmem_shared>>
      tpu.wait_indirect_dma semaphore(%arg13 : memref<!tpu.dma_semaphore, #tpu.memory_space<semaphore_mem>>) src(%dma_wait3A_29 : memref<128x128xf32, #tpu.memory_space<vmem>>) dst(%dma_wait3A_35 : memref<10240x128xf32, #tpu.memory_space<vmem_shared>>)
    } else {
    }
    %barrier3A_22 = arith.constant 0 : index
    tpu.barrier barrier_id(%barrier3A_22)
    %mul3A_23 = arith.constant 10240 : i32
    %mul3A_24 = arith.muli %arg0, %mul3A_23 : i32
    %add3A_25 = arith.addi %mul3A_24, %multiple_of3A : i32
    %multiple_of3A_26 = tpu.assume_multiple %add3A_25, 8 : i32
    "tpu.region"() ({
      %run_scoped3A = tpu.sem_alloc : memref<!tpu.dma_semaphore, #tpu.memory_space<semaphore_mem>>
      %dma_start3A = arith.constant 0 : i32
      %dma_start3A_27 = tpu.memref_slice %arg5[%multiple_of3A_26, %dma_start3A] : memref<20480x128xf32, #tpu.memory_space<hbm>> -> memref<640x128xf32, #tpu.memory_space<hbm>>
      %dma_start3A_28 = arith.constant 0 : i32
      %dma_start3A_29 = tpu.memref_slice %arg14[%multiple_of3A, %dma_start3A_28] : memref<10240x128xf32, #tpu.memory_space<vmem_shared>> -> memref<640x128xf32, #tpu.memory_space<vmem_shared>>
      tpu.enqueue_dma source(%dma_start3A_29 : memref<640x128xf32, #tpu.memory_space<vmem_shared>>) target(%dma_start3A_27 : memref<640x128xf32, #tpu.memory_space<hbm>>) target_semaphore(%run_scoped3A : memref<!tpu.dma_semaphore, #tpu.memory_space<semaphore_mem>>)
      %dma_wait3A = arith.constant 0 : i32
      %dma_wait3A_30 = tpu.memref_slice %arg5[%multiple_of3A_26, %dma_wait3A] : memref<20480x128xf32, #tpu.memory_space<hbm>> -> memref<640x128xf32, #tpu.memory_space<hbm>>
      %dma_wait3A_31 = arith.constant 0 : i32
      %dma_wait3A_32 = tpu.memref_slice %arg14[%multiple_of3A, %dma_wait3A_31] : memref<10240x128xf32, #tpu.memory_space<vmem_shared>> -> memref<640x128xf32, #tpu.memory_space<vmem_shared>>
      tpu.wait_dma2 semaphore(%run_scoped3A : memref<!tpu.dma_semaphore, #tpu.memory_space<semaphore_mem>>) src(%dma_wait3A_32 : memref<640x128xf32, #tpu.memory_space<vmem_shared>>) dst(%dma_wait3A_30 : memref<640x128xf32, #tpu.memory_space<hbm>>)
      tpu.yield
    }) : () -> ()
    return
  }
}

#map = affine_map<(d0, d1) -> (0, 0)>
module attributes {stable_mosaic.version = 14 : i64} {
  func.func @body(%arg0: i32, %arg1: i32, %arg2: memref<1250x128xi32, #tpu.memory_space<hbm>>, %arg3: memref<1250x128xi32, #tpu.memory_space<hbm>>, %arg4: memref<10000x16xf32, #tpu.memory_space<hbm>>, %arg5: memref<160000x16xf32, #tpu.memory_space<hbm>>, %arg6: memref<160000x16xf32, #tpu.memory_space<hbm>>, %arg7: memref<5x128xi32, #tpu.memory_space<vmem>>, %arg8: memref<5x128xi32, #tpu.memory_space<vmem>>, %arg9: memref<640x16xf32, #tpu.memory_space<vmem>>, %arg10: memref<640x16xf32, #tpu.memory_space<vmem>>, %arg11: memref<!tpu.dma_semaphore, #tpu.memory_space<semaphore_mem>>, %arg12: memref<!tpu.dma_semaphore, #tpu.memory_space<semaphore_mem>>, %arg13: memref<!tpu.dma_semaphore, #tpu.memory_space<semaphore_mem>>, %arg14: memref<!tpu.dma_semaphore, #tpu.memory_space<semaphore_mem>>, %arg15: memref<5x128xi32, #tpu.memory_space<vmem>>, %arg16: memref<5x128xi32, #tpu.memory_space<vmem>>, %arg17: memref<640x16xf32, #tpu.memory_space<vmem>>, %arg18: memref<640x16xf32, #tpu.memory_space<vmem>>, %arg19: memref<!tpu.dma_semaphore, #tpu.memory_space<semaphore_mem>>, %arg20: memref<!tpu.dma_semaphore, #tpu.memory_space<semaphore_mem>>, %arg21: memref<!tpu.dma_semaphore, #tpu.memory_space<semaphore_mem>>, %arg22: memref<!tpu.dma_semaphore, #tpu.memory_space<semaphore_mem>>) attributes {dimension_semantics = [#tpu.dimension_semantics<core_parallel>, #tpu.dimension_semantics<subcore_parallel>], iteration_bounds = array<i64: 2, 16>, scalar_prefetch = 0 : i64, scratch_operands = 16 : i64, tpu.core_type = #tpu.core_type<sc_vector_subcore>, window_params = [{transform_indices = #map}, {transform_indices = #map}, {transform_indices = #map}, {transform_indices = #map}, {transform_indices = #map}]} {
    %mul3A = arith.constant 2 : i32
    %mul3A_0 = arith.muli %arg1, %mul3A : i32
    %add3A = arith.addi %mul3A_0, %arg0 : i32
    %scan3A = arith.constant 0 : i32
    %scan3A_1 = arith.constant 0 : i32
    %scan3A_2 = arith.constant 4 : i32
    %scan3A_3 = arith.addi %scan3A_1, %scan3A_2 : i32
    %scan3A_4 = arith.constant 1 : i32
    scf.for %scan3A_20 = %scan3A_1 to %scan3A_3 step %scan3A_4  : i32 {
      %mul3A_21 = arith.constant 2 : i32
      %mul3A_22 = arith.muli %mul3A_21, %scan3A_20 : i32
      %sub3A = arith.constant 2 : i32
      %sub3A_23 = arith.subi %mul3A_22, %sub3A : i32
      %ge3A = arith.constant 0 : i32
      %ge3A_24 = arith.cmpi sge, %sub3A_23, %ge3A : i32
      %mul3A_25 = arith.constant 32 : i32
      %mul3A_26 = arith.muli %sub3A_23, %mul3A_25 : i32
      %add3A_27 = arith.addi %add3A, %mul3A_26 : i32
      %lt3A_28 = arith.constant 250 : i32
      %lt3A_29 = arith.cmpi slt, %add3A_27, %lt3A_28 : i32
      %and3A_30 = arith.andi %ge3A_24, %lt3A_29 : i1
      %convert_element_type3A_31 = arith.extui %and3A_30 : i1 to i32
      %cond3A_32 = arith.constant 0 : i32
      %cond3A_33 = arith.cmpi ne, %convert_element_type3A_31, %cond3A_32 : i32
      scf.if %cond3A_33 {
        %mul3A_95 = arith.constant 32 : i32
        %mul3A_96 = arith.muli %sub3A_23, %mul3A_95 : i32
        %add3A_97 = arith.addi %add3A, %mul3A_96 : i32
        %mul3A_98 = arith.constant 5 : i32
        %mul3A_99 = arith.muli %add3A_97, %mul3A_98 : i32
        %multiple_of3A = tpu.assume_multiple %mul3A_99, 8 : i32
        %mul3A_100 = arith.constant 640 : i32
        %mul3A_101 = arith.muli %add3A_97, %mul3A_100 : i32
        %multiple_of3A_102 = tpu.assume_multiple %mul3A_101, 8 : i32
        %dma_wait3A = arith.constant 0 : i32
        %dma_wait3A_103 = tpu.memref_slice %arg5[%multiple_of3A_102, %dma_wait3A] : memref<160000x16xf32, #tpu.memory_space<hbm>> -> memref<640x16xf32, #tpu.memory_space<hbm>>
        %dma_wait3A_104 = arith.constant 0 : i32
        %dma_wait3A_105 = tpu.memref_slice %arg5[%multiple_of3A_102, %dma_wait3A_104] : memref<160000x16xf32, #tpu.memory_space<hbm>> -> memref<640x16xf32, #tpu.memory_space<hbm>>
        tpu.wait_dma2 semaphore(%arg13 : memref<!tpu.dma_semaphore, #tpu.memory_space<semaphore_mem>>) src(%arg9 : memref<640x16xf32, #tpu.memory_space<vmem>>) dst(%dma_wait3A_105 : memref<640x16xf32, #tpu.memory_space<hbm>>)
        %dma_wait3A_106 = arith.constant 0 : i32
        %dma_wait3A_107 = tpu.memref_slice %arg6[%multiple_of3A_102, %dma_wait3A_106] : memref<160000x16xf32, #tpu.memory_space<hbm>> -> memref<640x16xf32, #tpu.memory_space<hbm>>
        %dma_wait3A_108 = arith.constant 0 : i32
        %dma_wait3A_109 = tpu.memref_slice %arg6[%multiple_of3A_102, %dma_wait3A_108] : memref<160000x16xf32, #tpu.memory_space<hbm>> -> memref<640x16xf32, #tpu.memory_space<hbm>>
        tpu.wait_dma2 semaphore(%arg21 : memref<!tpu.dma_semaphore, #tpu.memory_space<semaphore_mem>>) src(%arg17 : memref<640x16xf32, #tpu.memory_space<vmem>>) dst(%dma_wait3A_109 : memref<640x16xf32, #tpu.memory_space<hbm>>)
      } else {
      }
      %ge3A_34 = arith.constant 0 : i32
      %ge3A_35 = arith.cmpi sge, %mul3A_22, %ge3A_34 : i32
      %mul3A_36 = arith.constant 32 : i32
      %mul3A_37 = arith.muli %mul3A_22, %mul3A_36 : i32
      %add3A_38 = arith.addi %add3A, %mul3A_37 : i32
      %lt3A_39 = arith.constant 250 : i32
      %lt3A_40 = arith.cmpi slt, %add3A_38, %lt3A_39 : i32
      %and3A_41 = arith.andi %ge3A_35, %lt3A_40 : i1
      %convert_element_type3A_42 = arith.extui %and3A_41 : i1 to i32
      %cond3A_43 = arith.constant 0 : i32
      %cond3A_44 = arith.cmpi ne, %convert_element_type3A_42, %cond3A_43 : i32
      scf.if %cond3A_44 {
        %mul3A_95 = arith.constant 32 : i32
        %mul3A_96 = arith.muli %mul3A_22, %mul3A_95 : i32
        %add3A_97 = arith.addi %add3A, %mul3A_96 : i32
        %mul3A_98 = arith.constant 5 : i32
        %mul3A_99 = arith.muli %add3A_97, %mul3A_98 : i32
        %multiple_of3A = tpu.assume_multiple %mul3A_99, 8 : i32
        %mul3A_100 = arith.constant 640 : i32
        %mul3A_101 = arith.muli %add3A_97, %mul3A_100 : i32
        %multiple_of3A_102 = tpu.assume_multiple %mul3A_101, 8 : i32
        "tpu.region"() ({
          %run_scoped3A = tpu.sem_alloc : memref<!tpu.dma_semaphore, #tpu.memory_space<semaphore_mem>>
          %dma_start3A_202 = arith.constant 0 : i32
          %dma_start3A_203 = tpu.memref_slice %arg2[%multiple_of3A, %dma_start3A_202] : memref<1250x128xi32, #tpu.memory_space<hbm>> -> memref<5x128xi32, #tpu.memory_space<hbm>>
          %dma_start3A_204 = arith.constant 0 : i32
          %dma_start3A_205 = tpu.memref_slice %arg2[%multiple_of3A, %dma_start3A_204] : memref<1250x128xi32, #tpu.memory_space<hbm>> -> memref<5x128xi32, #tpu.memory_space<hbm>>
          tpu.enqueue_dma source(%dma_start3A_205 : memref<5x128xi32, #tpu.memory_space<hbm>>) target(%arg7 : memref<5x128xi32, #tpu.memory_space<vmem>>) target_semaphore(%run_scoped3A : memref<!tpu.dma_semaphore, #tpu.memory_space<semaphore_mem>>)
          %dma_wait3A = arith.constant 0 : i32
          %dma_wait3A_206 = tpu.memref_slice %arg2[%multiple_of3A, %dma_wait3A] : memref<1250x128xi32, #tpu.memory_space<hbm>> -> memref<5x128xi32, #tpu.memory_space<hbm>>
          %dma_wait3A_207 = arith.constant 0 : i32
          %dma_wait3A_208 = tpu.memref_slice %arg2[%multiple_of3A, %dma_wait3A_207] : memref<1250x128xi32, #tpu.memory_space<hbm>> -> memref<5x128xi32, #tpu.memory_space<hbm>>
          tpu.wait_dma2 semaphore(%run_scoped3A : memref<!tpu.dma_semaphore, #tpu.memory_space<semaphore_mem>>) src(%dma_wait3A_208 : memref<5x128xi32, #tpu.memory_space<hbm>>) dst(%arg7 : memref<5x128xi32, #tpu.memory_space<vmem>>)
          tpu.yield
        }) : () -> ()
        %dma_start3A = arith.constant 0 : i32
        %dma_start3A_103 = arith.constant 0 : i32
        %dma_start3A_104 = arith.constant 0 : i32
        %dma_start3A_105 = tpu.memref_slice %arg9[%dma_start3A_103, %dma_start3A_104] : memref<640x16xf32, #tpu.memory_space<vmem>> -> memref<128x16xf32, #tpu.memory_space<vmem>>
        %dma_start3A_106 = arith.constant 0 : i32
        %dma_start3A_107 = tpu.memref_slice %arg7[%dma_start3A, %dma_start3A_106] : memref<5x128xi32, #tpu.memory_space<vmem>> -> memref<1x128xi32, #tpu.memory_space<vmem>>
        %dma_start3A_108 = tpu.memref_squeeze %dma_start3A_107 : memref<1x128xi32, #tpu.memory_space<vmem>> -> memref<128xi32, #tpu.memory_space<vmem>>
        %dma_start3A_109 = arith.constant 0 : i32
        %dma_start3A_110 = arith.constant 0 : i32
        %dma_start3A_111 = tpu.memref_slice %arg4[%dma_start3A_109, %dma_start3A_110] : memref<10000x16xf32, #tpu.memory_space<hbm>> -> memref<10000x16xf32, #tpu.memory_space<hbm>>
        tpu.enqueue_indirect_dma source(%dma_start3A_111 : memref<10000x16xf32, #tpu.memory_space<hbm>>) target(%dma_start3A_105 : memref<128x16xf32, #tpu.memory_space<vmem>>) offsets(%dma_start3A_108 : memref<128xi32, #tpu.memory_space<vmem>>) semaphore(%arg11 : memref<!tpu.dma_semaphore, #tpu.memory_space<semaphore_mem>>)
        %dma_start3A_112 = arith.constant 1 : i32
        %dma_start3A_113 = arith.constant 128 : i32
        %dma_start3A_114 = arith.constant 0 : i32
        %dma_start3A_115 = tpu.memref_slice %arg9[%dma_start3A_113, %dma_start3A_114] : memref<640x16xf32, #tpu.memory_space<vmem>> -> memref<128x16xf32, #tpu.memory_space<vmem>>
        %dma_start3A_116 = arith.constant 0 : i32
        %dma_start3A_117 = tpu.memref_slice %arg7[%dma_start3A_112, %dma_start3A_116] : memref<5x128xi32, #tpu.memory_space<vmem>> -> memref<1x128xi32, #tpu.memory_space<vmem>>
        %dma_start3A_118 = tpu.memref_squeeze %dma_start3A_117 : memref<1x128xi32, #tpu.memory_space<vmem>> -> memref<128xi32, #tpu.memory_space<vmem>>
        %dma_start3A_119 = arith.constant 0 : i32
        %dma_start3A_120 = arith.constant 0 : i32
        %dma_start3A_121 = tpu.memref_slice %arg4[%dma_start3A_119, %dma_start3A_120] : memref<10000x16xf32, #tpu.memory_space<hbm>> -> memref<10000x16xf32, #tpu.memory_space<hbm>>
        tpu.enqueue_indirect_dma source(%dma_start3A_121 : memref<10000x16xf32, #tpu.memory_space<hbm>>) target(%dma_start3A_115 : memref<128x16xf32, #tpu.memory_space<vmem>>) offsets(%dma_start3A_118 : memref<128xi32, #tpu.memory_space<vmem>>) semaphore(%arg11 : memref<!tpu.dma_semaphore, #tpu.memory_space<semaphore_mem>>)
        %dma_start3A_122 = arith.constant 2 : i32
        %dma_start3A_123 = arith.constant 256 : i32
        %dma_start3A_124 = arith.constant 0 : i32
        %dma_start3A_125 = tpu.memref_slice %arg9[%dma_start3A_123, %dma_start3A_124] : memref<640x16xf32, #tpu.memory_space<vmem>> -> memref<128x16xf32, #tpu.memory_space<vmem>>
        %dma_start3A_126 = arith.constant 0 : i32
        %dma_start3A_127 = tpu.memref_slice %arg7[%dma_start3A_122, %dma_start3A_126] : memref<5x128xi32, #tpu.memory_space<vmem>> -> memref<1x128xi32, #tpu.memory_space<vmem>>
        %dma_start3A_128 = tpu.memref_squeeze %dma_start3A_127 : memref<1x128xi32, #tpu.memory_space<vmem>> -> memref<128xi32, #tpu.memory_space<vmem>>
        %dma_start3A_129 = arith.constant 0 : i32
        %dma_start3A_130 = arith.constant 0 : i32
        %dma_start3A_131 = tpu.memref_slice %arg4[%dma_start3A_129, %dma_start3A_130] : memref<10000x16xf32, #tpu.memory_space<hbm>> -> memref<10000x16xf32, #tpu.memory_space<hbm>>
        tpu.enqueue_indirect_dma source(%dma_start3A_131 : memref<10000x16xf32, #tpu.memory_space<hbm>>) target(%dma_start3A_125 : memref<128x16xf32, #tpu.memory_space<vmem>>) offsets(%dma_start3A_128 : memref<128xi32, #tpu.memory_space<vmem>>) semaphore(%arg11 : memref<!tpu.dma_semaphore, #tpu.memory_space<semaphore_mem>>)
        %dma_start3A_132 = arith.constant 3 : i32
        %dma_start3A_133 = arith.constant 384 : i32
        %dma_start3A_134 = arith.constant 0 : i32
        %dma_start3A_135 = tpu.memref_slice %arg9[%dma_start3A_133, %dma_start3A_134] : memref<640x16xf32, #tpu.memory_space<vmem>> -> memref<128x16xf32, #tpu.memory_space<vmem>>
        %dma_start3A_136 = arith.constant 0 : i32
        %dma_start3A_137 = tpu.memref_slice %arg7[%dma_start3A_132, %dma_start3A_136] : memref<5x128xi32, #tpu.memory_space<vmem>> -> memref<1x128xi32, #tpu.memory_space<vmem>>
        %dma_start3A_138 = tpu.memref_squeeze %dma_start3A_137 : memref<1x128xi32, #tpu.memory_space<vmem>> -> memref<128xi32, #tpu.memory_space<vmem>>
        %dma_start3A_139 = arith.constant 0 : i32
        %dma_start3A_140 = arith.constant 0 : i32
        %dma_start3A_141 = tpu.memref_slice %arg4[%dma_start3A_139, %dma_start3A_140] : memref<10000x16xf32, #tpu.memory_space<hbm>> -> memref<10000x16xf32, #tpu.memory_space<hbm>>
        tpu.enqueue_indirect_dma source(%dma_start3A_141 : memref<10000x16xf32, #tpu.memory_space<hbm>>) target(%dma_start3A_135 : memref<128x16xf32, #tpu.memory_space<vmem>>) offsets(%dma_start3A_138 : memref<128xi32, #tpu.memory_space<vmem>>) semaphore(%arg11 : memref<!tpu.dma_semaphore, #tpu.memory_space<semaphore_mem>>)
        %dma_start3A_142 = arith.constant 4 : i32
        %dma_start3A_143 = arith.constant 512 : i32
        %dma_start3A_144 = arith.constant 0 : i32
        %dma_start3A_145 = tpu.memref_slice %arg9[%dma_start3A_143, %dma_start3A_144] : memref<640x16xf32, #tpu.memory_space<vmem>> -> memref<128x16xf32, #tpu.memory_space<vmem>>
        %dma_start3A_146 = arith.constant 0 : i32
        %dma_start3A_147 = tpu.memref_slice %arg7[%dma_start3A_142, %dma_start3A_146] : memref<5x128xi32, #tpu.memory_space<vmem>> -> memref<1x128xi32, #tpu.memory_space<vmem>>
        %dma_start3A_148 = tpu.memref_squeeze %dma_start3A_147 : memref<1x128xi32, #tpu.memory_space<vmem>> -> memref<128xi32, #tpu.memory_space<vmem>>
        %dma_start3A_149 = arith.constant 0 : i32
        %dma_start3A_150 = arith.constant 0 : i32
        %dma_start3A_151 = tpu.memref_slice %arg4[%dma_start3A_149, %dma_start3A_150] : memref<10000x16xf32, #tpu.memory_space<hbm>> -> memref<10000x16xf32, #tpu.memory_space<hbm>>
        tpu.enqueue_indirect_dma source(%dma_start3A_151 : memref<10000x16xf32, #tpu.memory_space<hbm>>) target(%dma_start3A_145 : memref<128x16xf32, #tpu.memory_space<vmem>>) offsets(%dma_start3A_148 : memref<128xi32, #tpu.memory_space<vmem>>) semaphore(%arg11 : memref<!tpu.dma_semaphore, #tpu.memory_space<semaphore_mem>>)
        "tpu.region"() ({
          %run_scoped3A = tpu.sem_alloc : memref<!tpu.dma_semaphore, #tpu.memory_space<semaphore_mem>>
          %dma_start3A_202 = arith.constant 0 : i32
          %dma_start3A_203 = tpu.memref_slice %arg3[%multiple_of3A, %dma_start3A_202] : memref<1250x128xi32, #tpu.memory_space<hbm>> -> memref<5x128xi32, #tpu.memory_space<hbm>>
          %dma_start3A_204 = arith.constant 0 : i32
          %dma_start3A_205 = tpu.memref_slice %arg3[%multiple_of3A, %dma_start3A_204] : memref<1250x128xi32, #tpu.memory_space<hbm>> -> memref<5x128xi32, #tpu.memory_space<hbm>>
          tpu.enqueue_dma source(%dma_start3A_205 : memref<5x128xi32, #tpu.memory_space<hbm>>) target(%arg15 : memref<5x128xi32, #tpu.memory_space<vmem>>) target_semaphore(%run_scoped3A : memref<!tpu.dma_semaphore, #tpu.memory_space<semaphore_mem>>)
          %dma_wait3A = arith.constant 0 : i32
          %dma_wait3A_206 = tpu.memref_slice %arg3[%multiple_of3A, %dma_wait3A] : memref<1250x128xi32, #tpu.memory_space<hbm>> -> memref<5x128xi32, #tpu.memory_space<hbm>>
          %dma_wait3A_207 = arith.constant 0 : i32
          %dma_wait3A_208 = tpu.memref_slice %arg3[%multiple_of3A, %dma_wait3A_207] : memref<1250x128xi32, #tpu.memory_space<hbm>> -> memref<5x128xi32, #tpu.memory_space<hbm>>
          tpu.wait_dma2 semaphore(%run_scoped3A : memref<!tpu.dma_semaphore, #tpu.memory_space<semaphore_mem>>) src(%dma_wait3A_208 : memref<5x128xi32, #tpu.memory_space<hbm>>) dst(%arg15 : memref<5x128xi32, #tpu.memory_space<vmem>>)
          tpu.yield
        }) : () -> ()
        %dma_start3A_152 = arith.constant 0 : i32
        %dma_start3A_153 = arith.constant 0 : i32
        %dma_start3A_154 = arith.constant 0 : i32
        %dma_start3A_155 = tpu.memref_slice %arg17[%dma_start3A_153, %dma_start3A_154] : memref<640x16xf32, #tpu.memory_space<vmem>> -> memref<128x16xf32, #tpu.memory_space<vmem>>
        %dma_start3A_156 = arith.constant 0 : i32
        %dma_start3A_157 = tpu.memref_slice %arg15[%dma_start3A_152, %dma_start3A_156] : memref<5x128xi32, #tpu.memory_space<vmem>> -> memref<1x128xi32, #tpu.memory_space<vmem>>
        %dma_start3A_158 = tpu.memref_squeeze %dma_start3A_157 : memref<1x128xi32, #tpu.memory_space<vmem>> -> memref<128xi32, #tpu.memory_space<vmem>>
        %dma_start3A_159 = arith.constant 0 : i32
        %dma_start3A_160 = arith.constant 0 : i32
        %dma_start3A_161 = tpu.memref_slice %arg4[%dma_start3A_159, %dma_start3A_160] : memref<10000x16xf32, #tpu.memory_space<hbm>> -> memref<10000x16xf32, #tpu.memory_space<hbm>>
        tpu.enqueue_indirect_dma source(%dma_start3A_161 : memref<10000x16xf32, #tpu.memory_space<hbm>>) target(%dma_start3A_155 : memref<128x16xf32, #tpu.memory_space<vmem>>) offsets(%dma_start3A_158 : memref<128xi32, #tpu.memory_space<vmem>>) semaphore(%arg19 : memref<!tpu.dma_semaphore, #tpu.memory_space<semaphore_mem>>)
        %dma_start3A_162 = arith.constant 1 : i32
        %dma_start3A_163 = arith.constant 128 : i32
        %dma_start3A_164 = arith.constant 0 : i32
        %dma_start3A_165 = tpu.memref_slice %arg17[%dma_start3A_163, %dma_start3A_164] : memref<640x16xf32, #tpu.memory_space<vmem>> -> memref<128x16xf32, #tpu.memory_space<vmem>>
        %dma_start3A_166 = arith.constant 0 : i32
        %dma_start3A_167 = tpu.memref_slice %arg15[%dma_start3A_162, %dma_start3A_166] : memref<5x128xi32, #tpu.memory_space<vmem>> -> memref<1x128xi32, #tpu.memory_space<vmem>>
        %dma_start3A_168 = tpu.memref_squeeze %dma_start3A_167 : memref<1x128xi32, #tpu.memory_space<vmem>> -> memref<128xi32, #tpu.memory_space<vmem>>
        %dma_start3A_169 = arith.constant 0 : i32
        %dma_start3A_170 = arith.constant 0 : i32
        %dma_start3A_171 = tpu.memref_slice %arg4[%dma_start3A_169, %dma_start3A_170] : memref<10000x16xf32, #tpu.memory_space<hbm>> -> memref<10000x16xf32, #tpu.memory_space<hbm>>
        tpu.enqueue_indirect_dma source(%dma_start3A_171 : memref<10000x16xf32, #tpu.memory_space<hbm>>) target(%dma_start3A_165 : memref<128x16xf32, #tpu.memory_space<vmem>>) offsets(%dma_start3A_168 : memref<128xi32, #tpu.memory_space<vmem>>) semaphore(%arg19 : memref<!tpu.dma_semaphore, #tpu.memory_space<semaphore_mem>>)
        %dma_start3A_172 = arith.constant 2 : i32
        %dma_start3A_173 = arith.constant 256 : i32
        %dma_start3A_174 = arith.constant 0 : i32
        %dma_start3A_175 = tpu.memref_slice %arg17[%dma_start3A_173, %dma_start3A_174] : memref<640x16xf32, #tpu.memory_space<vmem>> -> memref<128x16xf32, #tpu.memory_space<vmem>>
        %dma_start3A_176 = arith.constant 0 : i32
        %dma_start3A_177 = tpu.memref_slice %arg15[%dma_start3A_172, %dma_start3A_176] : memref<5x128xi32, #tpu.memory_space<vmem>> -> memref<1x128xi32, #tpu.memory_space<vmem>>
        %dma_start3A_178 = tpu.memref_squeeze %dma_start3A_177 : memref<1x128xi32, #tpu.memory_space<vmem>> -> memref<128xi32, #tpu.memory_space<vmem>>
        %dma_start3A_179 = arith.constant 0 : i32
        %dma_start3A_180 = arith.constant 0 : i32
        %dma_start3A_181 = tpu.memref_slice %arg4[%dma_start3A_179, %dma_start3A_180] : memref<10000x16xf32, #tpu.memory_space<hbm>> -> memref<10000x16xf32, #tpu.memory_space<hbm>>
        tpu.enqueue_indirect_dma source(%dma_start3A_181 : memref<10000x16xf32, #tpu.memory_space<hbm>>) target(%dma_start3A_175 : memref<128x16xf32, #tpu.memory_space<vmem>>) offsets(%dma_start3A_178 : memref<128xi32, #tpu.memory_space<vmem>>) semaphore(%arg19 : memref<!tpu.dma_semaphore, #tpu.memory_space<semaphore_mem>>)
        %dma_start3A_182 = arith.constant 3 : i32
        %dma_start3A_183 = arith.constant 384 : i32
        %dma_start3A_184 = arith.constant 0 : i32
        %dma_start3A_185 = tpu.memref_slice %arg17[%dma_start3A_183, %dma_start3A_184] : memref<640x16xf32, #tpu.memory_space<vmem>> -> memref<128x16xf32, #tpu.memory_space<vmem>>
        %dma_start3A_186 = arith.constant 0 : i32
        %dma_start3A_187 = tpu.memref_slice %arg15[%dma_start3A_182, %dma_start3A_186] : memref<5x128xi32, #tpu.memory_space<vmem>> -> memref<1x128xi32, #tpu.memory_space<vmem>>
        %dma_start3A_188 = tpu.memref_squeeze %dma_start3A_187 : memref<1x128xi32, #tpu.memory_space<vmem>> -> memref<128xi32, #tpu.memory_space<vmem>>
        %dma_start3A_189 = arith.constant 0 : i32
        %dma_start3A_190 = arith.constant 0 : i32
        %dma_start3A_191 = tpu.memref_slice %arg4[%dma_start3A_189, %dma_start3A_190] : memref<10000x16xf32, #tpu.memory_space<hbm>> -> memref<10000x16xf32, #tpu.memory_space<hbm>>
        tpu.enqueue_indirect_dma source(%dma_start3A_191 : memref<10000x16xf32, #tpu.memory_space<hbm>>) target(%dma_start3A_185 : memref<128x16xf32, #tpu.memory_space<vmem>>) offsets(%dma_start3A_188 : memref<128xi32, #tpu.memory_space<vmem>>) semaphore(%arg19 : memref<!tpu.dma_semaphore, #tpu.memory_space<semaphore_mem>>)
        %dma_start3A_192 = arith.constant 4 : i32
        %dma_start3A_193 = arith.constant 512 : i32
        %dma_start3A_194 = arith.constant 0 : i32
        %dma_start3A_195 = tpu.memref_slice %arg17[%dma_start3A_193, %dma_start3A_194] : memref<640x16xf32, #tpu.memory_space<vmem>> -> memref<128x16xf32, #tpu.memory_space<vmem>>
        %dma_start3A_196 = arith.constant 0 : i32
        %dma_start3A_197 = tpu.memref_slice %arg15[%dma_start3A_192, %dma_start3A_196] : memref<5x128xi32, #tpu.memory_space<vmem>> -> memref<1x128xi32, #tpu.memory_space<vmem>>
        %dma_start3A_198 = tpu.memref_squeeze %dma_start3A_197 : memref<1x128xi32, #tpu.memory_space<vmem>> -> memref<128xi32, #tpu.memory_space<vmem>>
        %dma_start3A_199 = arith.constant 0 : i32
        %dma_start3A_200 = arith.constant 0 : i32
        %dma_start3A_201 = tpu.memref_slice %arg4[%dma_start3A_199, %dma_start3A_200] : memref<10000x16xf32, #tpu.memory_space<hbm>> -> memref<10000x16xf32, #tpu.memory_space<hbm>>
        tpu.enqueue_indirect_dma source(%dma_start3A_201 : memref<10000x16xf32, #tpu.memory_space<hbm>>) target(%dma_start3A_195 : memref<128x16xf32, #tpu.memory_space<vmem>>) offsets(%dma_start3A_198 : memref<128xi32, #tpu.memory_space<vmem>>) semaphore(%arg19 : memref<!tpu.dma_semaphore, #tpu.memory_space<semaphore_mem>>)
      } else {
      }
      %sub3A_45 = arith.constant 1 : i32
      %sub3A_46 = arith.subi %mul3A_22, %sub3A_45 : i32
      %ge3A_47 = arith.constant 0 : i32
      %ge3A_48 = arith.cmpi sge, %sub3A_46, %ge3A_47 : i32
      %mul3A_49 = arith.constant 32 : i32
      %mul3A_50 = arith.muli %sub3A_46, %mul3A_49 : i32
      %add3A_51 = arith.addi %add3A, %mul3A_50 : i32
      %lt3A_52 = arith.constant 250 : i32
      %lt3A_53 = arith.cmpi slt, %add3A_51, %lt3A_52 : i32
      %and3A_54 = arith.andi %ge3A_48, %lt3A_53 : i1
      %convert_element_type3A_55 = arith.extui %and3A_54 : i1 to i32
      %cond3A_56 = arith.constant 0 : i32
      %cond3A_57 = arith.cmpi ne, %convert_element_type3A_55, %cond3A_56 : i32
      scf.if %cond3A_57 {
        %mul3A_95 = arith.constant 32 : i32
        %mul3A_96 = arith.muli %sub3A_46, %mul3A_95 : i32
        %add3A_97 = arith.addi %add3A, %mul3A_96 : i32
        %mul3A_98 = arith.constant 5 : i32
        %mul3A_99 = arith.muli %add3A_97, %mul3A_98 : i32
        %multiple_of3A = tpu.assume_multiple %mul3A_99, 8 : i32
        %mul3A_100 = arith.constant 640 : i32
        %mul3A_101 = arith.muli %add3A_97, %mul3A_100 : i32
        %multiple_of3A_102 = tpu.assume_multiple %mul3A_101, 8 : i32
        %dma_wait3A = arith.constant 0 : i32
        %dma_wait3A_103 = tpu.memref_slice %arg5[%multiple_of3A_102, %dma_wait3A] : memref<160000x16xf32, #tpu.memory_space<hbm>> -> memref<640x16xf32, #tpu.memory_space<hbm>>
        %dma_wait3A_104 = arith.constant 0 : i32
        %dma_wait3A_105 = tpu.memref_slice %arg5[%multiple_of3A_102, %dma_wait3A_104] : memref<160000x16xf32, #tpu.memory_space<hbm>> -> memref<640x16xf32, #tpu.memory_space<hbm>>
        tpu.wait_dma2 semaphore(%arg14 : memref<!tpu.dma_semaphore, #tpu.memory_space<semaphore_mem>>) src(%arg10 : memref<640x16xf32, #tpu.memory_space<vmem>>) dst(%dma_wait3A_105 : memref<640x16xf32, #tpu.memory_space<hbm>>)
        %dma_wait3A_106 = arith.constant 0 : i32
        %dma_wait3A_107 = tpu.memref_slice %arg6[%multiple_of3A_102, %dma_wait3A_106] : memref<160000x16xf32, #tpu.memory_space<hbm>> -> memref<640x16xf32, #tpu.memory_space<hbm>>
        %dma_wait3A_108 = arith.constant 0 : i32
        %dma_wait3A_109 = tpu.memref_slice %arg6[%multiple_of3A_102, %dma_wait3A_108] : memref<160000x16xf32, #tpu.memory_space<hbm>> -> memref<640x16xf32, #tpu.memory_space<hbm>>
        tpu.wait_dma2 semaphore(%arg22 : memref<!tpu.dma_semaphore, #tpu.memory_space<semaphore_mem>>) src(%arg18 : memref<640x16xf32, #tpu.memory_space<vmem>>) dst(%dma_wait3A_109 : memref<640x16xf32, #tpu.memory_space<hbm>>)
      } else {
      }
      %add3A_58 = arith.constant 1 : i32
      %add3A_59 = arith.addi %mul3A_22, %add3A_58 : i32
      %ge3A_60 = arith.constant 0 : i32
      %ge3A_61 = arith.cmpi sge, %add3A_59, %ge3A_60 : i32
      %mul3A_62 = arith.constant 32 : i32
      %mul3A_63 = arith.muli %add3A_59, %mul3A_62 : i32
      %add3A_64 = arith.addi %add3A, %mul3A_63 : i32
      %lt3A_65 = arith.constant 250 : i32
      %lt3A_66 = arith.cmpi slt, %add3A_64, %lt3A_65 : i32
      %and3A_67 = arith.andi %ge3A_61, %lt3A_66 : i1
      %convert_element_type3A_68 = arith.extui %and3A_67 : i1 to i32
      %cond3A_69 = arith.constant 0 : i32
      %cond3A_70 = arith.cmpi ne, %convert_element_type3A_68, %cond3A_69 : i32
      scf.if %cond3A_70 {
        %mul3A_95 = arith.constant 32 : i32
        %mul3A_96 = arith.muli %add3A_59, %mul3A_95 : i32
        %add3A_97 = arith.addi %add3A, %mul3A_96 : i32
        %mul3A_98 = arith.constant 5 : i32
        %mul3A_99 = arith.muli %add3A_97, %mul3A_98 : i32
        %multiple_of3A = tpu.assume_multiple %mul3A_99, 8 : i32
        %mul3A_100 = arith.constant 640 : i32
        %mul3A_101 = arith.muli %add3A_97, %mul3A_100 : i32
        %multiple_of3A_102 = tpu.assume_multiple %mul3A_101, 8 : i32
        "tpu.region"() ({
          %run_scoped3A = tpu.sem_alloc : memref<!tpu.dma_semaphore, #tpu.memory_space<semaphore_mem>>
          %dma_start3A_202 = arith.constant 0 : i32
          %dma_start3A_203 = tpu.memref_slice %arg2[%multiple_of3A, %dma_start3A_202] : memref<1250x128xi32, #tpu.memory_space<hbm>> -> memref<5x128xi32, #tpu.memory_space<hbm>>
          %dma_start3A_204 = arith.constant 0 : i32
          %dma_start3A_205 = tpu.memref_slice %arg2[%multiple_of3A, %dma_start3A_204] : memref<1250x128xi32, #tpu.memory_space<hbm>> -> memref<5x128xi32, #tpu.memory_space<hbm>>
          tpu.enqueue_dma source(%dma_start3A_205 : memref<5x128xi32, #tpu.memory_space<hbm>>) target(%arg8 : memref<5x128xi32, #tpu.memory_space<vmem>>) target_semaphore(%run_scoped3A : memref<!tpu.dma_semaphore, #tpu.memory_space<semaphore_mem>>)
          %dma_wait3A = arith.constant 0 : i32
          %dma_wait3A_206 = tpu.memref_slice %arg2[%multiple_of3A, %dma_wait3A] : memref<1250x128xi32, #tpu.memory_space<hbm>> -> memref<5x128xi32, #tpu.memory_space<hbm>>
          %dma_wait3A_207 = arith.constant 0 : i32
          %dma_wait3A_208 = tpu.memref_slice %arg2[%multiple_of3A, %dma_wait3A_207] : memref<1250x128xi32, #tpu.memory_space<hbm>> -> memref<5x128xi32, #tpu.memory_space<hbm>>
          tpu.wait_dma2 semaphore(%run_scoped3A : memref<!tpu.dma_semaphore, #tpu.memory_space<semaphore_mem>>) src(%dma_wait3A_208 : memref<5x128xi32, #tpu.memory_space<hbm>>) dst(%arg8 : memref<5x128xi32, #tpu.memory_space<vmem>>)
          tpu.yield
        }) : () -> ()
        %dma_start3A = arith.constant 0 : i32
        %dma_start3A_103 = arith.constant 0 : i32
        %dma_start3A_104 = arith.constant 0 : i32
        %dma_start3A_105 = tpu.memref_slice %arg10[%dma_start3A_103, %dma_start3A_104] : memref<640x16xf32, #tpu.memory_space<vmem>> -> memref<128x16xf32, #tpu.memory_space<vmem>>
        %dma_start3A_106 = arith.constant 0 : i32
        %dma_start3A_107 = tpu.memref_slice %arg8[%dma_start3A, %dma_start3A_106] : memref<5x128xi32, #tpu.memory_space<vmem>> -> memref<1x128xi32, #tpu.memory_space<vmem>>
        %dma_start3A_108 = tpu.memref_squeeze %dma_start3A_107 : memref<1x128xi32, #tpu.memory_space<vmem>> -> memref<128xi32, #tpu.memory_space<vmem>>
        %dma_start3A_109 = arith.constant 0 : i32
        %dma_start3A_110 = arith.constant 0 : i32
        %dma_start3A_111 = tpu.memref_slice %arg4[%dma_start3A_109, %dma_start3A_110] : memref<10000x16xf32, #tpu.memory_space<hbm>> -> memref<10000x16xf32, #tpu.memory_space<hbm>>
        tpu.enqueue_indirect_dma source(%dma_start3A_111 : memref<10000x16xf32, #tpu.memory_space<hbm>>) target(%dma_start3A_105 : memref<128x16xf32, #tpu.memory_space<vmem>>) offsets(%dma_start3A_108 : memref<128xi32, #tpu.memory_space<vmem>>) semaphore(%arg12 : memref<!tpu.dma_semaphore, #tpu.memory_space<semaphore_mem>>)
        %dma_start3A_112 = arith.constant 1 : i32
        %dma_start3A_113 = arith.constant 128 : i32
        %dma_start3A_114 = arith.constant 0 : i32
        %dma_start3A_115 = tpu.memref_slice %arg10[%dma_start3A_113, %dma_start3A_114] : memref<640x16xf32, #tpu.memory_space<vmem>> -> memref<128x16xf32, #tpu.memory_space<vmem>>
        %dma_start3A_116 = arith.constant 0 : i32
        %dma_start3A_117 = tpu.memref_slice %arg8[%dma_start3A_112, %dma_start3A_116] : memref<5x128xi32, #tpu.memory_space<vmem>> -> memref<1x128xi32, #tpu.memory_space<vmem>>
        %dma_start3A_118 = tpu.memref_squeeze %dma_start3A_117 : memref<1x128xi32, #tpu.memory_space<vmem>> -> memref<128xi32, #tpu.memory_space<vmem>>
        %dma_start3A_119 = arith.constant 0 : i32
        %dma_start3A_120 = arith.constant 0 : i32
        %dma_start3A_121 = tpu.memref_slice %arg4[%dma_start3A_119, %dma_start3A_120] : memref<10000x16xf32, #tpu.memory_space<hbm>> -> memref<10000x16xf32, #tpu.memory_space<hbm>>
        tpu.enqueue_indirect_dma source(%dma_start3A_121 : memref<10000x16xf32, #tpu.memory_space<hbm>>) target(%dma_start3A_115 : memref<128x16xf32, #tpu.memory_space<vmem>>) offsets(%dma_start3A_118 : memref<128xi32, #tpu.memory_space<vmem>>) semaphore(%arg12 : memref<!tpu.dma_semaphore, #tpu.memory_space<semaphore_mem>>)
        %dma_start3A_122 = arith.constant 2 : i32
        %dma_start3A_123 = arith.constant 256 : i32
        %dma_start3A_124 = arith.constant 0 : i32
        %dma_start3A_125 = tpu.memref_slice %arg10[%dma_start3A_123, %dma_start3A_124] : memref<640x16xf32, #tpu.memory_space<vmem>> -> memref<128x16xf32, #tpu.memory_space<vmem>>
        %dma_start3A_126 = arith.constant 0 : i32
        %dma_start3A_127 = tpu.memref_slice %arg8[%dma_start3A_122, %dma_start3A_126] : memref<5x128xi32, #tpu.memory_space<vmem>> -> memref<1x128xi32, #tpu.memory_space<vmem>>
        %dma_start3A_128 = tpu.memref_squeeze %dma_start3A_127 : memref<1x128xi32, #tpu.memory_space<vmem>> -> memref<128xi32, #tpu.memory_space<vmem>>
        %dma_start3A_129 = arith.constant 0 : i32
        %dma_start3A_130 = arith.constant 0 : i32
        %dma_start3A_131 = tpu.memref_slice %arg4[%dma_start3A_129, %dma_start3A_130] : memref<10000x16xf32, #tpu.memory_space<hbm>> -> memref<10000x16xf32, #tpu.memory_space<hbm>>
        tpu.enqueue_indirect_dma source(%dma_start3A_131 : memref<10000x16xf32, #tpu.memory_space<hbm>>) target(%dma_start3A_125 : memref<128x16xf32, #tpu.memory_space<vmem>>) offsets(%dma_start3A_128 : memref<128xi32, #tpu.memory_space<vmem>>) semaphore(%arg12 : memref<!tpu.dma_semaphore, #tpu.memory_space<semaphore_mem>>)
        %dma_start3A_132 = arith.constant 3 : i32
        %dma_start3A_133 = arith.constant 384 : i32
        %dma_start3A_134 = arith.constant 0 : i32
        %dma_start3A_135 = tpu.memref_slice %arg10[%dma_start3A_133, %dma_start3A_134] : memref<640x16xf32, #tpu.memory_space<vmem>> -> memref<128x16xf32, #tpu.memory_space<vmem>>
        %dma_start3A_136 = arith.constant 0 : i32
        %dma_start3A_137 = tpu.memref_slice %arg8[%dma_start3A_132, %dma_start3A_136] : memref<5x128xi32, #tpu.memory_space<vmem>> -> memref<1x128xi32, #tpu.memory_space<vmem>>
        %dma_start3A_138 = tpu.memref_squeeze %dma_start3A_137 : memref<1x128xi32, #tpu.memory_space<vmem>> -> memref<128xi32, #tpu.memory_space<vmem>>
        %dma_start3A_139 = arith.constant 0 : i32
        %dma_start3A_140 = arith.constant 0 : i32
        %dma_start3A_141 = tpu.memref_slice %arg4[%dma_start3A_139, %dma_start3A_140] : memref<10000x16xf32, #tpu.memory_space<hbm>> -> memref<10000x16xf32, #tpu.memory_space<hbm>>
        tpu.enqueue_indirect_dma source(%dma_start3A_141 : memref<10000x16xf32, #tpu.memory_space<hbm>>) target(%dma_start3A_135 : memref<128x16xf32, #tpu.memory_space<vmem>>) offsets(%dma_start3A_138 : memref<128xi32, #tpu.memory_space<vmem>>) semaphore(%arg12 : memref<!tpu.dma_semaphore, #tpu.memory_space<semaphore_mem>>)
        %dma_start3A_142 = arith.constant 4 : i32
        %dma_start3A_143 = arith.constant 512 : i32
        %dma_start3A_144 = arith.constant 0 : i32
        %dma_start3A_145 = tpu.memref_slice %arg10[%dma_start3A_143, %dma_start3A_144] : memref<640x16xf32, #tpu.memory_space<vmem>> -> memref<128x16xf32, #tpu.memory_space<vmem>>
        %dma_start3A_146 = arith.constant 0 : i32
        %dma_start3A_147 = tpu.memref_slice %arg8[%dma_start3A_142, %dma_start3A_146] : memref<5x128xi32, #tpu.memory_space<vmem>> -> memref<1x128xi32, #tpu.memory_space<vmem>>
        %dma_start3A_148 = tpu.memref_squeeze %dma_start3A_147 : memref<1x128xi32, #tpu.memory_space<vmem>> -> memref<128xi32, #tpu.memory_space<vmem>>
        %dma_start3A_149 = arith.constant 0 : i32
        %dma_start3A_150 = arith.constant 0 : i32
        %dma_start3A_151 = tpu.memref_slice %arg4[%dma_start3A_149, %dma_start3A_150] : memref<10000x16xf32, #tpu.memory_space<hbm>> -> memref<10000x16xf32, #tpu.memory_space<hbm>>
        tpu.enqueue_indirect_dma source(%dma_start3A_151 : memref<10000x16xf32, #tpu.memory_space<hbm>>) target(%dma_start3A_145 : memref<128x16xf32, #tpu.memory_space<vmem>>) offsets(%dma_start3A_148 : memref<128xi32, #tpu.memory_space<vmem>>) semaphore(%arg12 : memref<!tpu.dma_semaphore, #tpu.memory_space<semaphore_mem>>)
        "tpu.region"() ({
          %run_scoped3A = tpu.sem_alloc : memref<!tpu.dma_semaphore, #tpu.memory_space<semaphore_mem>>
          %dma_start3A_202 = arith.constant 0 : i32
          %dma_start3A_203 = tpu.memref_slice %arg3[%multiple_of3A, %dma_start3A_202] : memref<1250x128xi32, #tpu.memory_space<hbm>> -> memref<5x128xi32, #tpu.memory_space<hbm>>
          %dma_start3A_204 = arith.constant 0 : i32
          %dma_start3A_205 = tpu.memref_slice %arg3[%multiple_of3A, %dma_start3A_204] : memref<1250x128xi32, #tpu.memory_space<hbm>> -> memref<5x128xi32, #tpu.memory_space<hbm>>
          tpu.enqueue_dma source(%dma_start3A_205 : memref<5x128xi32, #tpu.memory_space<hbm>>) target(%arg16 : memref<5x128xi32, #tpu.memory_space<vmem>>) target_semaphore(%run_scoped3A : memref<!tpu.dma_semaphore, #tpu.memory_space<semaphore_mem>>)
          %dma_wait3A = arith.constant 0 : i32
          %dma_wait3A_206 = tpu.memref_slice %arg3[%multiple_of3A, %dma_wait3A] : memref<1250x128xi32, #tpu.memory_space<hbm>> -> memref<5x128xi32, #tpu.memory_space<hbm>>
          %dma_wait3A_207 = arith.constant 0 : i32
          %dma_wait3A_208 = tpu.memref_slice %arg3[%multiple_of3A, %dma_wait3A_207] : memref<1250x128xi32, #tpu.memory_space<hbm>> -> memref<5x128xi32, #tpu.memory_space<hbm>>
          tpu.wait_dma2 semaphore(%run_scoped3A : memref<!tpu.dma_semaphore, #tpu.memory_space<semaphore_mem>>) src(%dma_wait3A_208 : memref<5x128xi32, #tpu.memory_space<hbm>>) dst(%arg16 : memref<5x128xi32, #tpu.memory_space<vmem>>)
          tpu.yield
        }) : () -> ()
        %dma_start3A_152 = arith.constant 0 : i32
        %dma_start3A_153 = arith.constant 0 : i32
        %dma_start3A_154 = arith.constant 0 : i32
        %dma_start3A_155 = tpu.memref_slice %arg18[%dma_start3A_153, %dma_start3A_154] : memref<640x16xf32, #tpu.memory_space<vmem>> -> memref<128x16xf32, #tpu.memory_space<vmem>>
        %dma_start3A_156 = arith.constant 0 : i32
        %dma_start3A_157 = tpu.memref_slice %arg16[%dma_start3A_152, %dma_start3A_156] : memref<5x128xi32, #tpu.memory_space<vmem>> -> memref<1x128xi32, #tpu.memory_space<vmem>>
        %dma_start3A_158 = tpu.memref_squeeze %dma_start3A_157 : memref<1x128xi32, #tpu.memory_space<vmem>> -> memref<128xi32, #tpu.memory_space<vmem>>
        %dma_start3A_159 = arith.constant 0 : i32
        %dma_start3A_160 = arith.constant 0 : i32
        %dma_start3A_161 = tpu.memref_slice %arg4[%dma_start3A_159, %dma_start3A_160] : memref<10000x16xf32, #tpu.memory_space<hbm>> -> memref<10000x16xf32, #tpu.memory_space<hbm>>
        tpu.enqueue_indirect_dma source(%dma_start3A_161 : memref<10000x16xf32, #tpu.memory_space<hbm>>) target(%dma_start3A_155 : memref<128x16xf32, #tpu.memory_space<vmem>>) offsets(%dma_start3A_158 : memref<128xi32, #tpu.memory_space<vmem>>) semaphore(%arg20 : memref<!tpu.dma_semaphore, #tpu.memory_space<semaphore_mem>>)
        %dma_start3A_162 = arith.constant 1 : i32
        %dma_start3A_163 = arith.constant 128 : i32
        %dma_start3A_164 = arith.constant 0 : i32
        %dma_start3A_165 = tpu.memref_slice %arg18[%dma_start3A_163, %dma_start3A_164] : memref<640x16xf32, #tpu.memory_space<vmem>> -> memref<128x16xf32, #tpu.memory_space<vmem>>
        %dma_start3A_166 = arith.constant 0 : i32
        %dma_start3A_167 = tpu.memref_slice %arg16[%dma_start3A_162, %dma_start3A_166] : memref<5x128xi32, #tpu.memory_space<vmem>> -> memref<1x128xi32, #tpu.memory_space<vmem>>
        %dma_start3A_168 = tpu.memref_squeeze %dma_start3A_167 : memref<1x128xi32, #tpu.memory_space<vmem>> -> memref<128xi32, #tpu.memory_space<vmem>>
        %dma_start3A_169 = arith.constant 0 : i32
        %dma_start3A_170 = arith.constant 0 : i32
        %dma_start3A_171 = tpu.memref_slice %arg4[%dma_start3A_169, %dma_start3A_170] : memref<10000x16xf32, #tpu.memory_space<hbm>> -> memref<10000x16xf32, #tpu.memory_space<hbm>>
        tpu.enqueue_indirect_dma source(%dma_start3A_171 : memref<10000x16xf32, #tpu.memory_space<hbm>>) target(%dma_start3A_165 : memref<128x16xf32, #tpu.memory_space<vmem>>) offsets(%dma_start3A_168 : memref<128xi32, #tpu.memory_space<vmem>>) semaphore(%arg20 : memref<!tpu.dma_semaphore, #tpu.memory_space<semaphore_mem>>)
        %dma_start3A_172 = arith.constant 2 : i32
        %dma_start3A_173 = arith.constant 256 : i32
        %dma_start3A_174 = arith.constant 0 : i32
        %dma_start3A_175 = tpu.memref_slice %arg18[%dma_start3A_173, %dma_start3A_174] : memref<640x16xf32, #tpu.memory_space<vmem>> -> memref<128x16xf32, #tpu.memory_space<vmem>>
        %dma_start3A_176 = arith.constant 0 : i32
        %dma_start3A_177 = tpu.memref_slice %arg16[%dma_start3A_172, %dma_start3A_176] : memref<5x128xi32, #tpu.memory_space<vmem>> -> memref<1x128xi32, #tpu.memory_space<vmem>>
        %dma_start3A_178 = tpu.memref_squeeze %dma_start3A_177 : memref<1x128xi32, #tpu.memory_space<vmem>> -> memref<128xi32, #tpu.memory_space<vmem>>
        %dma_start3A_179 = arith.constant 0 : i32
        %dma_start3A_180 = arith.constant 0 : i32
        %dma_start3A_181 = tpu.memref_slice %arg4[%dma_start3A_179, %dma_start3A_180] : memref<10000x16xf32, #tpu.memory_space<hbm>> -> memref<10000x16xf32, #tpu.memory_space<hbm>>
        tpu.enqueue_indirect_dma source(%dma_start3A_181 : memref<10000x16xf32, #tpu.memory_space<hbm>>) target(%dma_start3A_175 : memref<128x16xf32, #tpu.memory_space<vmem>>) offsets(%dma_start3A_178 : memref<128xi32, #tpu.memory_space<vmem>>) semaphore(%arg20 : memref<!tpu.dma_semaphore, #tpu.memory_space<semaphore_mem>>)
        %dma_start3A_182 = arith.constant 3 : i32
        %dma_start3A_183 = arith.constant 384 : i32
        %dma_start3A_184 = arith.constant 0 : i32
        %dma_start3A_185 = tpu.memref_slice %arg18[%dma_start3A_183, %dma_start3A_184] : memref<640x16xf32, #tpu.memory_space<vmem>> -> memref<128x16xf32, #tpu.memory_space<vmem>>
        %dma_start3A_186 = arith.constant 0 : i32
        %dma_start3A_187 = tpu.memref_slice %arg16[%dma_start3A_182, %dma_start3A_186] : memref<5x128xi32, #tpu.memory_space<vmem>> -> memref<1x128xi32, #tpu.memory_space<vmem>>
        %dma_start3A_188 = tpu.memref_squeeze %dma_start3A_187 : memref<1x128xi32, #tpu.memory_space<vmem>> -> memref<128xi32, #tpu.memory_space<vmem>>
        %dma_start3A_189 = arith.constant 0 : i32
        %dma_start3A_190 = arith.constant 0 : i32
        %dma_start3A_191 = tpu.memref_slice %arg4[%dma_start3A_189, %dma_start3A_190] : memref<10000x16xf32, #tpu.memory_space<hbm>> -> memref<10000x16xf32, #tpu.memory_space<hbm>>
        tpu.enqueue_indirect_dma source(%dma_start3A_191 : memref<10000x16xf32, #tpu.memory_space<hbm>>) target(%dma_start3A_185 : memref<128x16xf32, #tpu.memory_space<vmem>>) offsets(%dma_start3A_188 : memref<128xi32, #tpu.memory_space<vmem>>) semaphore(%arg20 : memref<!tpu.dma_semaphore, #tpu.memory_space<semaphore_mem>>)
        %dma_start3A_192 = arith.constant 4 : i32
        %dma_start3A_193 = arith.constant 512 : i32
        %dma_start3A_194 = arith.constant 0 : i32
        %dma_start3A_195 = tpu.memref_slice %arg18[%dma_start3A_193, %dma_start3A_194] : memref<640x16xf32, #tpu.memory_space<vmem>> -> memref<128x16xf32, #tpu.memory_space<vmem>>
        %dma_start3A_196 = arith.constant 0 : i32
        %dma_start3A_197 = tpu.memref_slice %arg16[%dma_start3A_192, %dma_start3A_196] : memref<5x128xi32, #tpu.memory_space<vmem>> -> memref<1x128xi32, #tpu.memory_space<vmem>>
        %dma_start3A_198 = tpu.memref_squeeze %dma_start3A_197 : memref<1x128xi32, #tpu.memory_space<vmem>> -> memref<128xi32, #tpu.memory_space<vmem>>
        %dma_start3A_199 = arith.constant 0 : i32
        %dma_start3A_200 = arith.constant 0 : i32
        %dma_start3A_201 = tpu.memref_slice %arg4[%dma_start3A_199, %dma_start3A_200] : memref<10000x16xf32, #tpu.memory_space<hbm>> -> memref<10000x16xf32, #tpu.memory_space<hbm>>
        tpu.enqueue_indirect_dma source(%dma_start3A_201 : memref<10000x16xf32, #tpu.memory_space<hbm>>) target(%dma_start3A_195 : memref<128x16xf32, #tpu.memory_space<vmem>>) offsets(%dma_start3A_198 : memref<128xi32, #tpu.memory_space<vmem>>) semaphore(%arg20 : memref<!tpu.dma_semaphore, #tpu.memory_space<semaphore_mem>>)
      } else {
      }
      %ge3A_71 = arith.constant 0 : i32
      %ge3A_72 = arith.cmpi sge, %mul3A_22, %ge3A_71 : i32
      %mul3A_73 = arith.constant 32 : i32
      %mul3A_74 = arith.muli %mul3A_22, %mul3A_73 : i32
      %add3A_75 = arith.addi %add3A, %mul3A_74 : i32
      %lt3A_76 = arith.constant 250 : i32
      %lt3A_77 = arith.cmpi slt, %add3A_75, %lt3A_76 : i32
      %and3A_78 = arith.andi %ge3A_72, %lt3A_77 : i1
      %convert_element_type3A_79 = arith.extui %and3A_78 : i1 to i32
      %cond3A_80 = arith.constant 0 : i32
      %cond3A_81 = arith.cmpi ne, %convert_element_type3A_79, %cond3A_80 : i32
      scf.if %cond3A_81 {
        %mul3A_95 = arith.constant 32 : i32
        %mul3A_96 = arith.muli %mul3A_22, %mul3A_95 : i32
        %add3A_97 = arith.addi %add3A, %mul3A_96 : i32
        %mul3A_98 = arith.constant 5 : i32
        %mul3A_99 = arith.muli %add3A_97, %mul3A_98 : i32
        %multiple_of3A = tpu.assume_multiple %mul3A_99, 8 : i32
        %mul3A_100 = arith.constant 640 : i32
        %mul3A_101 = arith.muli %add3A_97, %mul3A_100 : i32
        %multiple_of3A_102 = tpu.assume_multiple %mul3A_101, 8 : i32
        %dma_wait3A = arith.constant 0 : i32
        %dma_wait3A_103 = arith.constant 0 : i32
        %dma_wait3A_104 = arith.constant 0 : i32
        %dma_wait3A_105 = tpu.memref_slice %arg9[%dma_wait3A_103, %dma_wait3A_104] : memref<640x16xf32, #tpu.memory_space<vmem>> -> memref<128x16xf32, #tpu.memory_space<vmem>>
        %dma_wait3A_106 = arith.constant 0 : i32
        %dma_wait3A_107 = tpu.memref_slice %arg7[%dma_wait3A, %dma_wait3A_106] : memref<5x128xi32, #tpu.memory_space<vmem>> -> memref<1x128xi32, #tpu.memory_space<vmem>>
        %dma_wait3A_108 = tpu.memref_squeeze %dma_wait3A_107 : memref<1x128xi32, #tpu.memory_space<vmem>> -> memref<128xi32, #tpu.memory_space<vmem>>
        %dma_wait3A_109 = arith.constant 0 : i32
        %dma_wait3A_110 = arith.constant 0 : i32
        %dma_wait3A_111 = tpu.memref_slice %arg4[%dma_wait3A_109, %dma_wait3A_110] : memref<10000x16xf32, #tpu.memory_space<hbm>> -> memref<10000x16xf32, #tpu.memory_space<hbm>>
        tpu.wait_indirect_dma semaphore(%arg11 : memref<!tpu.dma_semaphore, #tpu.memory_space<semaphore_mem>>) src(%dma_wait3A_111 : memref<10000x16xf32, #tpu.memory_space<hbm>>) dst(%dma_wait3A_105 : memref<128x16xf32, #tpu.memory_space<vmem>>)
        %dma_wait3A_112 = arith.constant 1 : i32
        %dma_wait3A_113 = arith.constant 128 : i32
        %dma_wait3A_114 = arith.constant 0 : i32
        %dma_wait3A_115 = tpu.memref_slice %arg9[%dma_wait3A_113, %dma_wait3A_114] : memref<640x16xf32, #tpu.memory_space<vmem>> -> memref<128x16xf32, #tpu.memory_space<vmem>>
        %dma_wait3A_116 = arith.constant 0 : i32
        %dma_wait3A_117 = tpu.memref_slice %arg7[%dma_wait3A_112, %dma_wait3A_116] : memref<5x128xi32, #tpu.memory_space<vmem>> -> memref<1x128xi32, #tpu.memory_space<vmem>>
        %dma_wait3A_118 = tpu.memref_squeeze %dma_wait3A_117 : memref<1x128xi32, #tpu.memory_space<vmem>> -> memref<128xi32, #tpu.memory_space<vmem>>
        %dma_wait3A_119 = arith.constant 0 : i32
        %dma_wait3A_120 = arith.constant 0 : i32
        %dma_wait3A_121 = tpu.memref_slice %arg4[%dma_wait3A_119, %dma_wait3A_120] : memref<10000x16xf32, #tpu.memory_space<hbm>> -> memref<10000x16xf32, #tpu.memory_space<hbm>>
        tpu.wait_indirect_dma semaphore(%arg11 : memref<!tpu.dma_semaphore, #tpu.memory_space<semaphore_mem>>) src(%dma_wait3A_121 : memref<10000x16xf32, #tpu.memory_space<hbm>>) dst(%dma_wait3A_115 : memref<128x16xf32, #tpu.memory_space<vmem>>)
        %dma_wait3A_122 = arith.constant 2 : i32
        %dma_wait3A_123 = arith.constant 256 : i32
        %dma_wait3A_124 = arith.constant 0 : i32
        %dma_wait3A_125 = tpu.memref_slice %arg9[%dma_wait3A_123, %dma_wait3A_124] : memref<640x16xf32, #tpu.memory_space<vmem>> -> memref<128x16xf32, #tpu.memory_space<vmem>>
        %dma_wait3A_126 = arith.constant 0 : i32
        %dma_wait3A_127 = tpu.memref_slice %arg7[%dma_wait3A_122, %dma_wait3A_126] : memref<5x128xi32, #tpu.memory_space<vmem>> -> memref<1x128xi32, #tpu.memory_space<vmem>>
        %dma_wait3A_128 = tpu.memref_squeeze %dma_wait3A_127 : memref<1x128xi32, #tpu.memory_space<vmem>> -> memref<128xi32, #tpu.memory_space<vmem>>
        %dma_wait3A_129 = arith.constant 0 : i32
        %dma_wait3A_130 = arith.constant 0 : i32
        %dma_wait3A_131 = tpu.memref_slice %arg4[%dma_wait3A_129, %dma_wait3A_130] : memref<10000x16xf32, #tpu.memory_space<hbm>> -> memref<10000x16xf32, #tpu.memory_space<hbm>>
        tpu.wait_indirect_dma semaphore(%arg11 : memref<!tpu.dma_semaphore, #tpu.memory_space<semaphore_mem>>) src(%dma_wait3A_131 : memref<10000x16xf32, #tpu.memory_space<hbm>>) dst(%dma_wait3A_125 : memref<128x16xf32, #tpu.memory_space<vmem>>)
        %dma_wait3A_132 = arith.constant 3 : i32
        %dma_wait3A_133 = arith.constant 384 : i32
        %dma_wait3A_134 = arith.constant 0 : i32
        %dma_wait3A_135 = tpu.memref_slice %arg9[%dma_wait3A_133, %dma_wait3A_134] : memref<640x16xf32, #tpu.memory_space<vmem>> -> memref<128x16xf32, #tpu.memory_space<vmem>>
        %dma_wait3A_136 = arith.constant 0 : i32
        %dma_wait3A_137 = tpu.memref_slice %arg7[%dma_wait3A_132, %dma_wait3A_136] : memref<5x128xi32, #tpu.memory_space<vmem>> -> memref<1x128xi32, #tpu.memory_space<vmem>>
        %dma_wait3A_138 = tpu.memref_squeeze %dma_wait3A_137 : memref<1x128xi32, #tpu.memory_space<vmem>> -> memref<128xi32, #tpu.memory_space<vmem>>
        %dma_wait3A_139 = arith.constant 0 : i32
        %dma_wait3A_140 = arith.constant 0 : i32
        %dma_wait3A_141 = tpu.memref_slice %arg4[%dma_wait3A_139, %dma_wait3A_140] : memref<10000x16xf32, #tpu.memory_space<hbm>> -> memref<10000x16xf32, #tpu.memory_space<hbm>>
        tpu.wait_indirect_dma semaphore(%arg11 : memref<!tpu.dma_semaphore, #tpu.memory_space<semaphore_mem>>) src(%dma_wait3A_141 : memref<10000x16xf32, #tpu.memory_space<hbm>>) dst(%dma_wait3A_135 : memref<128x16xf32, #tpu.memory_space<vmem>>)
        %dma_wait3A_142 = arith.constant 4 : i32
        %dma_wait3A_143 = arith.constant 512 : i32
        %dma_wait3A_144 = arith.constant 0 : i32
        %dma_wait3A_145 = tpu.memref_slice %arg9[%dma_wait3A_143, %dma_wait3A_144] : memref<640x16xf32, #tpu.memory_space<vmem>> -> memref<128x16xf32, #tpu.memory_space<vmem>>
        %dma_wait3A_146 = arith.constant 0 : i32
        %dma_wait3A_147 = tpu.memref_slice %arg7[%dma_wait3A_142, %dma_wait3A_146] : memref<5x128xi32, #tpu.memory_space<vmem>> -> memref<1x128xi32, #tpu.memory_space<vmem>>
        %dma_wait3A_148 = tpu.memref_squeeze %dma_wait3A_147 : memref<1x128xi32, #tpu.memory_space<vmem>> -> memref<128xi32, #tpu.memory_space<vmem>>
        %dma_wait3A_149 = arith.constant 0 : i32
        %dma_wait3A_150 = arith.constant 0 : i32
        %dma_wait3A_151 = tpu.memref_slice %arg4[%dma_wait3A_149, %dma_wait3A_150] : memref<10000x16xf32, #tpu.memory_space<hbm>> -> memref<10000x16xf32, #tpu.memory_space<hbm>>
        tpu.wait_indirect_dma semaphore(%arg11 : memref<!tpu.dma_semaphore, #tpu.memory_space<semaphore_mem>>) src(%dma_wait3A_151 : memref<10000x16xf32, #tpu.memory_space<hbm>>) dst(%dma_wait3A_145 : memref<128x16xf32, #tpu.memory_space<vmem>>)
        %dma_start3A = arith.constant 0 : i32
        %dma_start3A_152 = tpu.memref_slice %arg5[%multiple_of3A_102, %dma_start3A] : memref<160000x16xf32, #tpu.memory_space<hbm>> -> memref<640x16xf32, #tpu.memory_space<hbm>>
        %dma_start3A_153 = arith.constant 0 : i32
        %dma_start3A_154 = tpu.memref_slice %arg5[%multiple_of3A_102, %dma_start3A_153] : memref<160000x16xf32, #tpu.memory_space<hbm>> -> memref<640x16xf32, #tpu.memory_space<hbm>>
        tpu.enqueue_dma source(%arg9 : memref<640x16xf32, #tpu.memory_space<vmem>>) target(%dma_start3A_154 : memref<640x16xf32, #tpu.memory_space<hbm>>) target_semaphore(%arg13 : memref<!tpu.dma_semaphore, #tpu.memory_space<semaphore_mem>>)
        %dma_wait3A_155 = arith.constant 0 : i32
        %dma_wait3A_156 = arith.constant 0 : i32
        %dma_wait3A_157 = arith.constant 0 : i32
        %dma_wait3A_158 = tpu.memref_slice %arg17[%dma_wait3A_156, %dma_wait3A_157] : memref<640x16xf32, #tpu.memory_space<vmem>> -> memref<128x16xf32, #tpu.memory_space<vmem>>
        %dma_wait3A_159 = arith.constant 0 : i32
        %dma_wait3A_160 = tpu.memref_slice %arg15[%dma_wait3A_155, %dma_wait3A_159] : memref<5x128xi32, #tpu.memory_space<vmem>> -> memref<1x128xi32, #tpu.memory_space<vmem>>
        %dma_wait3A_161 = tpu.memref_squeeze %dma_wait3A_160 : memref<1x128xi32, #tpu.memory_space<vmem>> -> memref<128xi32, #tpu.memory_space<vmem>>
        %dma_wait3A_162 = arith.constant 0 : i32
        %dma_wait3A_163 = arith.constant 0 : i32
        %dma_wait3A_164 = tpu.memref_slice %arg4[%dma_wait3A_162, %dma_wait3A_163] : memref<10000x16xf32, #tpu.memory_space<hbm>> -> memref<10000x16xf32, #tpu.memory_space<hbm>>
        tpu.wait_indirect_dma semaphore(%arg19 : memref<!tpu.dma_semaphore, #tpu.memory_space<semaphore_mem>>) src(%dma_wait3A_164 : memref<10000x16xf32, #tpu.memory_space<hbm>>) dst(%dma_wait3A_158 : memref<128x16xf32, #tpu.memory_space<vmem>>)
        %dma_wait3A_165 = arith.constant 1 : i32
        %dma_wait3A_166 = arith.constant 128 : i32
        %dma_wait3A_167 = arith.constant 0 : i32
        %dma_wait3A_168 = tpu.memref_slice %arg17[%dma_wait3A_166, %dma_wait3A_167] : memref<640x16xf32, #tpu.memory_space<vmem>> -> memref<128x16xf32, #tpu.memory_space<vmem>>
        %dma_wait3A_169 = arith.constant 0 : i32
        %dma_wait3A_170 = tpu.memref_slice %arg15[%dma_wait3A_165, %dma_wait3A_169] : memref<5x128xi32, #tpu.memory_space<vmem>> -> memref<1x128xi32, #tpu.memory_space<vmem>>
        %dma_wait3A_171 = tpu.memref_squeeze %dma_wait3A_170 : memref<1x128xi32, #tpu.memory_space<vmem>> -> memref<128xi32, #tpu.memory_space<vmem>>
        %dma_wait3A_172 = arith.constant 0 : i32
        %dma_wait3A_173 = arith.constant 0 : i32
        %dma_wait3A_174 = tpu.memref_slice %arg4[%dma_wait3A_172, %dma_wait3A_173] : memref<10000x16xf32, #tpu.memory_space<hbm>> -> memref<10000x16xf32, #tpu.memory_space<hbm>>
        tpu.wait_indirect_dma semaphore(%arg19 : memref<!tpu.dma_semaphore, #tpu.memory_space<semaphore_mem>>) src(%dma_wait3A_174 : memref<10000x16xf32, #tpu.memory_space<hbm>>) dst(%dma_wait3A_168 : memref<128x16xf32, #tpu.memory_space<vmem>>)
        %dma_wait3A_175 = arith.constant 2 : i32
        %dma_wait3A_176 = arith.constant 256 : i32
        %dma_wait3A_177 = arith.constant 0 : i32
        %dma_wait3A_178 = tpu.memref_slice %arg17[%dma_wait3A_176, %dma_wait3A_177] : memref<640x16xf32, #tpu.memory_space<vmem>> -> memref<128x16xf32, #tpu.memory_space<vmem>>
        %dma_wait3A_179 = arith.constant 0 : i32
        %dma_wait3A_180 = tpu.memref_slice %arg15[%dma_wait3A_175, %dma_wait3A_179] : memref<5x128xi32, #tpu.memory_space<vmem>> -> memref<1x128xi32, #tpu.memory_space<vmem>>
        %dma_wait3A_181 = tpu.memref_squeeze %dma_wait3A_180 : memref<1x128xi32, #tpu.memory_space<vmem>> -> memref<128xi32, #tpu.memory_space<vmem>>
        %dma_wait3A_182 = arith.constant 0 : i32
        %dma_wait3A_183 = arith.constant 0 : i32
        %dma_wait3A_184 = tpu.memref_slice %arg4[%dma_wait3A_182, %dma_wait3A_183] : memref<10000x16xf32, #tpu.memory_space<hbm>> -> memref<10000x16xf32, #tpu.memory_space<hbm>>
        tpu.wait_indirect_dma semaphore(%arg19 : memref<!tpu.dma_semaphore, #tpu.memory_space<semaphore_mem>>) src(%dma_wait3A_184 : memref<10000x16xf32, #tpu.memory_space<hbm>>) dst(%dma_wait3A_178 : memref<128x16xf32, #tpu.memory_space<vmem>>)
        %dma_wait3A_185 = arith.constant 3 : i32
        %dma_wait3A_186 = arith.constant 384 : i32
        %dma_wait3A_187 = arith.constant 0 : i32
        %dma_wait3A_188 = tpu.memref_slice %arg17[%dma_wait3A_186, %dma_wait3A_187] : memref<640x16xf32, #tpu.memory_space<vmem>> -> memref<128x16xf32, #tpu.memory_space<vmem>>
        %dma_wait3A_189 = arith.constant 0 : i32
        %dma_wait3A_190 = tpu.memref_slice %arg15[%dma_wait3A_185, %dma_wait3A_189] : memref<5x128xi32, #tpu.memory_space<vmem>> -> memref<1x128xi32, #tpu.memory_space<vmem>>
        %dma_wait3A_191 = tpu.memref_squeeze %dma_wait3A_190 : memref<1x128xi32, #tpu.memory_space<vmem>> -> memref<128xi32, #tpu.memory_space<vmem>>
        %dma_wait3A_192 = arith.constant 0 : i32
        %dma_wait3A_193 = arith.constant 0 : i32
        %dma_wait3A_194 = tpu.memref_slice %arg4[%dma_wait3A_192, %dma_wait3A_193] : memref<10000x16xf32, #tpu.memory_space<hbm>> -> memref<10000x16xf32, #tpu.memory_space<hbm>>
        tpu.wait_indirect_dma semaphore(%arg19 : memref<!tpu.dma_semaphore, #tpu.memory_space<semaphore_mem>>) src(%dma_wait3A_194 : memref<10000x16xf32, #tpu.memory_space<hbm>>) dst(%dma_wait3A_188 : memref<128x16xf32, #tpu.memory_space<vmem>>)
        %dma_wait3A_195 = arith.constant 4 : i32
        %dma_wait3A_196 = arith.constant 512 : i32
        %dma_wait3A_197 = arith.constant 0 : i32
        %dma_wait3A_198 = tpu.memref_slice %arg17[%dma_wait3A_196, %dma_wait3A_197] : memref<640x16xf32, #tpu.memory_space<vmem>> -> memref<128x16xf32, #tpu.memory_space<vmem>>
        %dma_wait3A_199 = arith.constant 0 : i32
        %dma_wait3A_200 = tpu.memref_slice %arg15[%dma_wait3A_195, %dma_wait3A_199] : memref<5x128xi32, #tpu.memory_space<vmem>> -> memref<1x128xi32, #tpu.memory_space<vmem>>
        %dma_wait3A_201 = tpu.memref_squeeze %dma_wait3A_200 : memref<1x128xi32, #tpu.memory_space<vmem>> -> memref<128xi32, #tpu.memory_space<vmem>>
        %dma_wait3A_202 = arith.constant 0 : i32
        %dma_wait3A_203 = arith.constant 0 : i32
        %dma_wait3A_204 = tpu.memref_slice %arg4[%dma_wait3A_202, %dma_wait3A_203] : memref<10000x16xf32, #tpu.memory_space<hbm>> -> memref<10000x16xf32, #tpu.memory_space<hbm>>
        tpu.wait_indirect_dma semaphore(%arg19 : memref<!tpu.dma_semaphore, #tpu.memory_space<semaphore_mem>>) src(%dma_wait3A_204 : memref<10000x16xf32, #tpu.memory_space<hbm>>) dst(%dma_wait3A_198 : memref<128x16xf32, #tpu.memory_space<vmem>>)
        %dma_start3A_205 = arith.constant 0 : i32
        %dma_start3A_206 = tpu.memref_slice %arg6[%multiple_of3A_102, %dma_start3A_205] : memref<160000x16xf32, #tpu.memory_space<hbm>> -> memref<640x16xf32, #tpu.memory_space<hbm>>
        %dma_start3A_207 = arith.constant 0 : i32
        %dma_start3A_208 = tpu.memref_slice %arg6[%multiple_of3A_102, %dma_start3A_207] : memref<160000x16xf32, #tpu.memory_space<hbm>> -> memref<640x16xf32, #tpu.memory_space<hbm>>
        tpu.enqueue_dma source(%arg17 : memref<640x16xf32, #tpu.memory_space<vmem>>) target(%dma_start3A_208 : memref<640x16xf32, #tpu.memory_space<hbm>>) target_semaphore(%arg21 : memref<!tpu.dma_semaphore, #tpu.memory_space<semaphore_mem>>)
      } else {
      }
      %add3A_82 = arith.constant 1 : i32
      %add3A_83 = arith.addi %mul3A_22, %add3A_82 : i32
      %ge3A_84 = arith.constant 0 : i32
      %ge3A_85 = arith.cmpi sge, %add3A_83, %ge3A_84 : i32
      %mul3A_86 = arith.constant 32 : i32
      %mul3A_87 = arith.muli %add3A_83, %mul3A_86 : i32
      %add3A_88 = arith.addi %add3A, %mul3A_87 : i32
      %lt3A_89 = arith.constant 250 : i32
      %lt3A_90 = arith.cmpi slt, %add3A_88, %lt3A_89 : i32
      %and3A_91 = arith.andi %ge3A_85, %lt3A_90 : i1
      %convert_element_type3A_92 = arith.extui %and3A_91 : i1 to i32
      %cond3A_93 = arith.constant 0 : i32
      %cond3A_94 = arith.cmpi ne, %convert_element_type3A_92, %cond3A_93 : i32
      scf.if %cond3A_94 {
        %mul3A_95 = arith.constant 32 : i32
        %mul3A_96 = arith.muli %add3A_83, %mul3A_95 : i32
        %add3A_97 = arith.addi %add3A, %mul3A_96 : i32
        %mul3A_98 = arith.constant 5 : i32
        %mul3A_99 = arith.muli %add3A_97, %mul3A_98 : i32
        %multiple_of3A = tpu.assume_multiple %mul3A_99, 8 : i32
        %mul3A_100 = arith.constant 640 : i32
        %mul3A_101 = arith.muli %add3A_97, %mul3A_100 : i32
        %multiple_of3A_102 = tpu.assume_multiple %mul3A_101, 8 : i32
        %dma_wait3A = arith.constant 0 : i32
        %dma_wait3A_103 = arith.constant 0 : i32
        %dma_wait3A_104 = arith.constant 0 : i32
        %dma_wait3A_105 = tpu.memref_slice %arg10[%dma_wait3A_103, %dma_wait3A_104] : memref<640x16xf32, #tpu.memory_space<vmem>> -> memref<128x16xf32, #tpu.memory_space<vmem>>
        %dma_wait3A_106 = arith.constant 0 : i32
        %dma_wait3A_107 = tpu.memref_slice %arg8[%dma_wait3A, %dma_wait3A_106] : memref<5x128xi32, #tpu.memory_space<vmem>> -> memref<1x128xi32, #tpu.memory_space<vmem>>
        %dma_wait3A_108 = tpu.memref_squeeze %dma_wait3A_107 : memref<1x128xi32, #tpu.memory_space<vmem>> -> memref<128xi32, #tpu.memory_space<vmem>>
        %dma_wait3A_109 = arith.constant 0 : i32
        %dma_wait3A_110 = arith.constant 0 : i32
        %dma_wait3A_111 = tpu.memref_slice %arg4[%dma_wait3A_109, %dma_wait3A_110] : memref<10000x16xf32, #tpu.memory_space<hbm>> -> memref<10000x16xf32, #tpu.memory_space<hbm>>
        tpu.wait_indirect_dma semaphore(%arg12 : memref<!tpu.dma_semaphore, #tpu.memory_space<semaphore_mem>>) src(%dma_wait3A_111 : memref<10000x16xf32, #tpu.memory_space<hbm>>) dst(%dma_wait3A_105 : memref<128x16xf32, #tpu.memory_space<vmem>>)
        %dma_wait3A_112 = arith.constant 1 : i32
        %dma_wait3A_113 = arith.constant 128 : i32
        %dma_wait3A_114 = arith.constant 0 : i32
        %dma_wait3A_115 = tpu.memref_slice %arg10[%dma_wait3A_113, %dma_wait3A_114] : memref<640x16xf32, #tpu.memory_space<vmem>> -> memref<128x16xf32, #tpu.memory_space<vmem>>
        %dma_wait3A_116 = arith.constant 0 : i32
        %dma_wait3A_117 = tpu.memref_slice %arg8[%dma_wait3A_112, %dma_wait3A_116] : memref<5x128xi32, #tpu.memory_space<vmem>> -> memref<1x128xi32, #tpu.memory_space<vmem>>
        %dma_wait3A_118 = tpu.memref_squeeze %dma_wait3A_117 : memref<1x128xi32, #tpu.memory_space<vmem>> -> memref<128xi32, #tpu.memory_space<vmem>>
        %dma_wait3A_119 = arith.constant 0 : i32
        %dma_wait3A_120 = arith.constant 0 : i32
        %dma_wait3A_121 = tpu.memref_slice %arg4[%dma_wait3A_119, %dma_wait3A_120] : memref<10000x16xf32, #tpu.memory_space<hbm>> -> memref<10000x16xf32, #tpu.memory_space<hbm>>
        tpu.wait_indirect_dma semaphore(%arg12 : memref<!tpu.dma_semaphore, #tpu.memory_space<semaphore_mem>>) src(%dma_wait3A_121 : memref<10000x16xf32, #tpu.memory_space<hbm>>) dst(%dma_wait3A_115 : memref<128x16xf32, #tpu.memory_space<vmem>>)
        %dma_wait3A_122 = arith.constant 2 : i32
        %dma_wait3A_123 = arith.constant 256 : i32
        %dma_wait3A_124 = arith.constant 0 : i32
        %dma_wait3A_125 = tpu.memref_slice %arg10[%dma_wait3A_123, %dma_wait3A_124] : memref<640x16xf32, #tpu.memory_space<vmem>> -> memref<128x16xf32, #tpu.memory_space<vmem>>
        %dma_wait3A_126 = arith.constant 0 : i32
        %dma_wait3A_127 = tpu.memref_slice %arg8[%dma_wait3A_122, %dma_wait3A_126] : memref<5x128xi32, #tpu.memory_space<vmem>> -> memref<1x128xi32, #tpu.memory_space<vmem>>
        %dma_wait3A_128 = tpu.memref_squeeze %dma_wait3A_127 : memref<1x128xi32, #tpu.memory_space<vmem>> -> memref<128xi32, #tpu.memory_space<vmem>>
        %dma_wait3A_129 = arith.constant 0 : i32
        %dma_wait3A_130 = arith.constant 0 : i32
        %dma_wait3A_131 = tpu.memref_slice %arg4[%dma_wait3A_129, %dma_wait3A_130] : memref<10000x16xf32, #tpu.memory_space<hbm>> -> memref<10000x16xf32, #tpu.memory_space<hbm>>
        tpu.wait_indirect_dma semaphore(%arg12 : memref<!tpu.dma_semaphore, #tpu.memory_space<semaphore_mem>>) src(%dma_wait3A_131 : memref<10000x16xf32, #tpu.memory_space<hbm>>) dst(%dma_wait3A_125 : memref<128x16xf32, #tpu.memory_space<vmem>>)
        %dma_wait3A_132 = arith.constant 3 : i32
        %dma_wait3A_133 = arith.constant 384 : i32
        %dma_wait3A_134 = arith.constant 0 : i32
        %dma_wait3A_135 = tpu.memref_slice %arg10[%dma_wait3A_133, %dma_wait3A_134] : memref<640x16xf32, #tpu.memory_space<vmem>> -> memref<128x16xf32, #tpu.memory_space<vmem>>
        %dma_wait3A_136 = arith.constant 0 : i32
        %dma_wait3A_137 = tpu.memref_slice %arg8[%dma_wait3A_132, %dma_wait3A_136] : memref<5x128xi32, #tpu.memory_space<vmem>> -> memref<1x128xi32, #tpu.memory_space<vmem>>
        %dma_wait3A_138 = tpu.memref_squeeze %dma_wait3A_137 : memref<1x128xi32, #tpu.memory_space<vmem>> -> memref<128xi32, #tpu.memory_space<vmem>>
        %dma_wait3A_139 = arith.constant 0 : i32
        %dma_wait3A_140 = arith.constant 0 : i32
        %dma_wait3A_141 = tpu.memref_slice %arg4[%dma_wait3A_139, %dma_wait3A_140] : memref<10000x16xf32, #tpu.memory_space<hbm>> -> memref<10000x16xf32, #tpu.memory_space<hbm>>
        tpu.wait_indirect_dma semaphore(%arg12 : memref<!tpu.dma_semaphore, #tpu.memory_space<semaphore_mem>>) src(%dma_wait3A_141 : memref<10000x16xf32, #tpu.memory_space<hbm>>) dst(%dma_wait3A_135 : memref<128x16xf32, #tpu.memory_space<vmem>>)
        %dma_wait3A_142 = arith.constant 4 : i32
        %dma_wait3A_143 = arith.constant 512 : i32
        %dma_wait3A_144 = arith.constant 0 : i32
        %dma_wait3A_145 = tpu.memref_slice %arg10[%dma_wait3A_143, %dma_wait3A_144] : memref<640x16xf32, #tpu.memory_space<vmem>> -> memref<128x16xf32, #tpu.memory_space<vmem>>
        %dma_wait3A_146 = arith.constant 0 : i32
        %dma_wait3A_147 = tpu.memref_slice %arg8[%dma_wait3A_142, %dma_wait3A_146] : memref<5x128xi32, #tpu.memory_space<vmem>> -> memref<1x128xi32, #tpu.memory_space<vmem>>
        %dma_wait3A_148 = tpu.memref_squeeze %dma_wait3A_147 : memref<1x128xi32, #tpu.memory_space<vmem>> -> memref<128xi32, #tpu.memory_space<vmem>>
        %dma_wait3A_149 = arith.constant 0 : i32
        %dma_wait3A_150 = arith.constant 0 : i32
        %dma_wait3A_151 = tpu.memref_slice %arg4[%dma_wait3A_149, %dma_wait3A_150] : memref<10000x16xf32, #tpu.memory_space<hbm>> -> memref<10000x16xf32, #tpu.memory_space<hbm>>
        tpu.wait_indirect_dma semaphore(%arg12 : memref<!tpu.dma_semaphore, #tpu.memory_space<semaphore_mem>>) src(%dma_wait3A_151 : memref<10000x16xf32, #tpu.memory_space<hbm>>) dst(%dma_wait3A_145 : memref<128x16xf32, #tpu.memory_space<vmem>>)
        %dma_start3A = arith.constant 0 : i32
        %dma_start3A_152 = tpu.memref_slice %arg5[%multiple_of3A_102, %dma_start3A] : memref<160000x16xf32, #tpu.memory_space<hbm>> -> memref<640x16xf32, #tpu.memory_space<hbm>>
        %dma_start3A_153 = arith.constant 0 : i32
        %dma_start3A_154 = tpu.memref_slice %arg5[%multiple_of3A_102, %dma_start3A_153] : memref<160000x16xf32, #tpu.memory_space<hbm>> -> memref<640x16xf32, #tpu.memory_space<hbm>>
        tpu.enqueue_dma source(%arg10 : memref<640x16xf32, #tpu.memory_space<vmem>>) target(%dma_start3A_154 : memref<640x16xf32, #tpu.memory_space<hbm>>) target_semaphore(%arg14 : memref<!tpu.dma_semaphore, #tpu.memory_space<semaphore_mem>>)
        %dma_wait3A_155 = arith.constant 0 : i32
        %dma_wait3A_156 = arith.constant 0 : i32
        %dma_wait3A_157 = arith.constant 0 : i32
        %dma_wait3A_158 = tpu.memref_slice %arg18[%dma_wait3A_156, %dma_wait3A_157] : memref<640x16xf32, #tpu.memory_space<vmem>> -> memref<128x16xf32, #tpu.memory_space<vmem>>
        %dma_wait3A_159 = arith.constant 0 : i32
        %dma_wait3A_160 = tpu.memref_slice %arg16[%dma_wait3A_155, %dma_wait3A_159] : memref<5x128xi32, #tpu.memory_space<vmem>> -> memref<1x128xi32, #tpu.memory_space<vmem>>
        %dma_wait3A_161 = tpu.memref_squeeze %dma_wait3A_160 : memref<1x128xi32, #tpu.memory_space<vmem>> -> memref<128xi32, #tpu.memory_space<vmem>>
        %dma_wait3A_162 = arith.constant 0 : i32
        %dma_wait3A_163 = arith.constant 0 : i32
        %dma_wait3A_164 = tpu.memref_slice %arg4[%dma_wait3A_162, %dma_wait3A_163] : memref<10000x16xf32, #tpu.memory_space<hbm>> -> memref<10000x16xf32, #tpu.memory_space<hbm>>
        tpu.wait_indirect_dma semaphore(%arg20 : memref<!tpu.dma_semaphore, #tpu.memory_space<semaphore_mem>>) src(%dma_wait3A_164 : memref<10000x16xf32, #tpu.memory_space<hbm>>) dst(%dma_wait3A_158 : memref<128x16xf32, #tpu.memory_space<vmem>>)
        %dma_wait3A_165 = arith.constant 1 : i32
        %dma_wait3A_166 = arith.constant 128 : i32
        %dma_wait3A_167 = arith.constant 0 : i32
        %dma_wait3A_168 = tpu.memref_slice %arg18[%dma_wait3A_166, %dma_wait3A_167] : memref<640x16xf32, #tpu.memory_space<vmem>> -> memref<128x16xf32, #tpu.memory_space<vmem>>
        %dma_wait3A_169 = arith.constant 0 : i32
        %dma_wait3A_170 = tpu.memref_slice %arg16[%dma_wait3A_165, %dma_wait3A_169] : memref<5x128xi32, #tpu.memory_space<vmem>> -> memref<1x128xi32, #tpu.memory_space<vmem>>
        %dma_wait3A_171 = tpu.memref_squeeze %dma_wait3A_170 : memref<1x128xi32, #tpu.memory_space<vmem>> -> memref<128xi32, #tpu.memory_space<vmem>>
        %dma_wait3A_172 = arith.constant 0 : i32
        %dma_wait3A_173 = arith.constant 0 : i32
        %dma_wait3A_174 = tpu.memref_slice %arg4[%dma_wait3A_172, %dma_wait3A_173] : memref<10000x16xf32, #tpu.memory_space<hbm>> -> memref<10000x16xf32, #tpu.memory_space<hbm>>
        tpu.wait_indirect_dma semaphore(%arg20 : memref<!tpu.dma_semaphore, #tpu.memory_space<semaphore_mem>>) src(%dma_wait3A_174 : memref<10000x16xf32, #tpu.memory_space<hbm>>) dst(%dma_wait3A_168 : memref<128x16xf32, #tpu.memory_space<vmem>>)
        %dma_wait3A_175 = arith.constant 2 : i32
        %dma_wait3A_176 = arith.constant 256 : i32
        %dma_wait3A_177 = arith.constant 0 : i32
        %dma_wait3A_178 = tpu.memref_slice %arg18[%dma_wait3A_176, %dma_wait3A_177] : memref<640x16xf32, #tpu.memory_space<vmem>> -> memref<128x16xf32, #tpu.memory_space<vmem>>
        %dma_wait3A_179 = arith.constant 0 : i32
        %dma_wait3A_180 = tpu.memref_slice %arg16[%dma_wait3A_175, %dma_wait3A_179] : memref<5x128xi32, #tpu.memory_space<vmem>> -> memref<1x128xi32, #tpu.memory_space<vmem>>
        %dma_wait3A_181 = tpu.memref_squeeze %dma_wait3A_180 : memref<1x128xi32, #tpu.memory_space<vmem>> -> memref<128xi32, #tpu.memory_space<vmem>>
        %dma_wait3A_182 = arith.constant 0 : i32
        %dma_wait3A_183 = arith.constant 0 : i32
        %dma_wait3A_184 = tpu.memref_slice %arg4[%dma_wait3A_182, %dma_wait3A_183] : memref<10000x16xf32, #tpu.memory_space<hbm>> -> memref<10000x16xf32, #tpu.memory_space<hbm>>
        tpu.wait_indirect_dma semaphore(%arg20 : memref<!tpu.dma_semaphore, #tpu.memory_space<semaphore_mem>>) src(%dma_wait3A_184 : memref<10000x16xf32, #tpu.memory_space<hbm>>) dst(%dma_wait3A_178 : memref<128x16xf32, #tpu.memory_space<vmem>>)
        %dma_wait3A_185 = arith.constant 3 : i32
        %dma_wait3A_186 = arith.constant 384 : i32
        %dma_wait3A_187 = arith.constant 0 : i32
        %dma_wait3A_188 = tpu.memref_slice %arg18[%dma_wait3A_186, %dma_wait3A_187] : memref<640x16xf32, #tpu.memory_space<vmem>> -> memref<128x16xf32, #tpu.memory_space<vmem>>
        %dma_wait3A_189 = arith.constant 0 : i32
        %dma_wait3A_190 = tpu.memref_slice %arg16[%dma_wait3A_185, %dma_wait3A_189] : memref<5x128xi32, #tpu.memory_space<vmem>> -> memref<1x128xi32, #tpu.memory_space<vmem>>
        %dma_wait3A_191 = tpu.memref_squeeze %dma_wait3A_190 : memref<1x128xi32, #tpu.memory_space<vmem>> -> memref<128xi32, #tpu.memory_space<vmem>>
        %dma_wait3A_192 = arith.constant 0 : i32
        %dma_wait3A_193 = arith.constant 0 : i32
        %dma_wait3A_194 = tpu.memref_slice %arg4[%dma_wait3A_192, %dma_wait3A_193] : memref<10000x16xf32, #tpu.memory_space<hbm>> -> memref<10000x16xf32, #tpu.memory_space<hbm>>
        tpu.wait_indirect_dma semaphore(%arg20 : memref<!tpu.dma_semaphore, #tpu.memory_space<semaphore_mem>>) src(%dma_wait3A_194 : memref<10000x16xf32, #tpu.memory_space<hbm>>) dst(%dma_wait3A_188 : memref<128x16xf32, #tpu.memory_space<vmem>>)
        %dma_wait3A_195 = arith.constant 4 : i32
        %dma_wait3A_196 = arith.constant 512 : i32
        %dma_wait3A_197 = arith.constant 0 : i32
        %dma_wait3A_198 = tpu.memref_slice %arg18[%dma_wait3A_196, %dma_wait3A_197] : memref<640x16xf32, #tpu.memory_space<vmem>> -> memref<128x16xf32, #tpu.memory_space<vmem>>
        %dma_wait3A_199 = arith.constant 0 : i32
        %dma_wait3A_200 = tpu.memref_slice %arg16[%dma_wait3A_195, %dma_wait3A_199] : memref<5x128xi32, #tpu.memory_space<vmem>> -> memref<1x128xi32, #tpu.memory_space<vmem>>
        %dma_wait3A_201 = tpu.memref_squeeze %dma_wait3A_200 : memref<1x128xi32, #tpu.memory_space<vmem>> -> memref<128xi32, #tpu.memory_space<vmem>>
        %dma_wait3A_202 = arith.constant 0 : i32
        %dma_wait3A_203 = arith.constant 0 : i32
        %dma_wait3A_204 = tpu.memref_slice %arg4[%dma_wait3A_202, %dma_wait3A_203] : memref<10000x16xf32, #tpu.memory_space<hbm>> -> memref<10000x16xf32, #tpu.memory_space<hbm>>
        tpu.wait_indirect_dma semaphore(%arg20 : memref<!tpu.dma_semaphore, #tpu.memory_space<semaphore_mem>>) src(%dma_wait3A_204 : memref<10000x16xf32, #tpu.memory_space<hbm>>) dst(%dma_wait3A_198 : memref<128x16xf32, #tpu.memory_space<vmem>>)
        %dma_start3A_205 = arith.constant 0 : i32
        %dma_start3A_206 = tpu.memref_slice %arg6[%multiple_of3A_102, %dma_start3A_205] : memref<160000x16xf32, #tpu.memory_space<hbm>> -> memref<640x16xf32, #tpu.memory_space<hbm>>
        %dma_start3A_207 = arith.constant 0 : i32
        %dma_start3A_208 = tpu.memref_slice %arg6[%multiple_of3A_102, %dma_start3A_207] : memref<160000x16xf32, #tpu.memory_space<hbm>> -> memref<640x16xf32, #tpu.memory_space<hbm>>
        tpu.enqueue_dma source(%arg18 : memref<640x16xf32, #tpu.memory_space<vmem>>) target(%dma_start3A_208 : memref<640x16xf32, #tpu.memory_space<hbm>>) target_semaphore(%arg22 : memref<!tpu.dma_semaphore, #tpu.memory_space<semaphore_mem>>)
      } else {
      }
    }
    %scan3A_5 = arith.constant 4 : i32
    %add3A_6 = arith.constant 192 : i32
    %add3A_7 = arith.addi %add3A, %add3A_6 : i32
    %lt3A = arith.constant 250 : i32
    %lt3A_8 = arith.cmpi slt, %add3A_7, %lt3A : i32
    %and3A = arith.constant true
    %and3A_9 = arith.andi %and3A, %lt3A_8 : i1
    %convert_element_type3A = arith.extui %and3A_9 : i1 to i32
    %cond3A = arith.constant 0 : i32
    %cond3A_10 = arith.cmpi ne, %convert_element_type3A, %cond3A : i32
    scf.if %cond3A_10 {
      %add3A_20 = arith.constant 192 : i32
      %add3A_21 = arith.addi %add3A, %add3A_20 : i32
      %mul3A_22 = arith.constant 5 : i32
      %mul3A_23 = arith.muli %add3A_21, %mul3A_22 : i32
      %multiple_of3A = tpu.assume_multiple %mul3A_23, 8 : i32
      %mul3A_24 = arith.constant 640 : i32
      %mul3A_25 = arith.muli %add3A_21, %mul3A_24 : i32
      %multiple_of3A_26 = tpu.assume_multiple %mul3A_25, 8 : i32
      %dma_wait3A = arith.constant 0 : i32
      %dma_wait3A_27 = tpu.memref_slice %arg5[%multiple_of3A_26, %dma_wait3A] : memref<160000x16xf32, #tpu.memory_space<hbm>> -> memref<640x16xf32, #tpu.memory_space<hbm>>
      %dma_wait3A_28 = arith.constant 0 : i32
      %dma_wait3A_29 = tpu.memref_slice %arg5[%multiple_of3A_26, %dma_wait3A_28] : memref<160000x16xf32, #tpu.memory_space<hbm>> -> memref<640x16xf32, #tpu.memory_space<hbm>>
      tpu.wait_dma2 semaphore(%arg13 : memref<!tpu.dma_semaphore, #tpu.memory_space<semaphore_mem>>) src(%arg9 : memref<640x16xf32, #tpu.memory_space<vmem>>) dst(%dma_wait3A_29 : memref<640x16xf32, #tpu.memory_space<hbm>>)
      %dma_wait3A_30 = arith.constant 0 : i32
      %dma_wait3A_31 = tpu.memref_slice %arg6[%multiple_of3A_26, %dma_wait3A_30] : memref<160000x16xf32, #tpu.memory_space<hbm>> -> memref<640x16xf32, #tpu.memory_space<hbm>>
      %dma_wait3A_32 = arith.constant 0 : i32
      %dma_wait3A_33 = tpu.memref_slice %arg6[%multiple_of3A_26, %dma_wait3A_32] : memref<160000x16xf32, #tpu.memory_space<hbm>> -> memref<640x16xf32, #tpu.memory_space<hbm>>
      tpu.wait_dma2 semaphore(%arg21 : memref<!tpu.dma_semaphore, #tpu.memory_space<semaphore_mem>>) src(%arg17 : memref<640x16xf32, #tpu.memory_space<vmem>>) dst(%dma_wait3A_33 : memref<640x16xf32, #tpu.memory_space<hbm>>)
    } else {
    }
    %add3A_11 = arith.constant 224 : i32
    %add3A_12 = arith.addi %add3A, %add3A_11 : i32
    %lt3A_13 = arith.constant 250 : i32
    %lt3A_14 = arith.cmpi slt, %add3A_12, %lt3A_13 : i32
    %and3A_15 = arith.constant true
    %and3A_16 = arith.andi %and3A_15, %lt3A_14 : i1
    %convert_element_type3A_17 = arith.extui %and3A_16 : i1 to i32
    %cond3A_18 = arith.constant 0 : i32
    %cond3A_19 = arith.cmpi ne, %convert_element_type3A_17, %cond3A_18 : i32
    scf.if %cond3A_19 {
      %add3A_20 = arith.constant 224 : i32
      %add3A_21 = arith.addi %add3A, %add3A_20 : i32
      %mul3A_22 = arith.constant 5 : i32
      %mul3A_23 = arith.muli %add3A_21, %mul3A_22 : i32
      %multiple_of3A = tpu.assume_multiple %mul3A_23, 8 : i32
      %mul3A_24 = arith.constant 640 : i32
      %mul3A_25 = arith.muli %add3A_21, %mul3A_24 : i32
      %multiple_of3A_26 = tpu.assume_multiple %mul3A_25, 8 : i32
      %dma_wait3A = arith.constant 0 : i32
      %dma_wait3A_27 = tpu.memref_slice %arg5[%multiple_of3A_26, %dma_wait3A] : memref<160000x16xf32, #tpu.memory_space<hbm>> -> memref<640x16xf32, #tpu.memory_space<hbm>>
      %dma_wait3A_28 = arith.constant 0 : i32
      %dma_wait3A_29 = tpu.memref_slice %arg5[%multiple_of3A_26, %dma_wait3A_28] : memref<160000x16xf32, #tpu.memory_space<hbm>> -> memref<640x16xf32, #tpu.memory_space<hbm>>
      tpu.wait_dma2 semaphore(%arg14 : memref<!tpu.dma_semaphore, #tpu.memory_space<semaphore_mem>>) src(%arg10 : memref<640x16xf32, #tpu.memory_space<vmem>>) dst(%dma_wait3A_29 : memref<640x16xf32, #tpu.memory_space<hbm>>)
      %dma_wait3A_30 = arith.constant 0 : i32
      %dma_wait3A_31 = tpu.memref_slice %arg6[%multiple_of3A_26, %dma_wait3A_30] : memref<160000x16xf32, #tpu.memory_space<hbm>> -> memref<640x16xf32, #tpu.memory_space<hbm>>
      %dma_wait3A_32 = arith.constant 0 : i32
      %dma_wait3A_33 = tpu.memref_slice %arg6[%multiple_of3A_26, %dma_wait3A_32] : memref<160000x16xf32, #tpu.memory_space<hbm>> -> memref<640x16xf32, #tpu.memory_space<hbm>>
      tpu.wait_dma2 semaphore(%arg22 : memref<!tpu.dma_semaphore, #tpu.memory_space<semaphore_mem>>) src(%arg18 : memref<640x16xf32, #tpu.memory_space<vmem>>) dst(%dma_wait3A_33 : memref<640x16xf32, #tpu.memory_space<hbm>>)
    } else {
    }
    return
  }
}

#map = affine_map<(d0, d1) -> (0, 0)>
module attributes {stable_mosaic.version = 14 : i64} {
  func.func @body(%arg0: i32, %arg1: i32, %arg2: memref<1250x128xi32, #tpu.memory_space<hbm>>, %arg3: memref<112000x128xf32, #tpu.memory_space<hbm>>, %arg4: memref<640x128xf32, #tpu.memory_space<hbm>>, %arg5: memref<20480x128xf32, #tpu.memory_space<hbm>>, %arg6: memref<1x128xi32, #tpu.memory_space<vmem>>, %arg7: memref<1x128xi32, #tpu.memory_space<vmem>>, %arg8: memref<128x128xf32, #tpu.memory_space<vmem>>, %arg9: memref<128x128xf32, #tpu.memory_space<vmem>>, %arg10: memref<!tpu.dma_semaphore, #tpu.memory_space<semaphore_mem>>, %arg11: memref<!tpu.dma_semaphore, #tpu.memory_space<semaphore_mem>>, %arg12: memref<!tpu.dma_semaphore, #tpu.memory_space<semaphore_mem>>, %arg13: memref<!tpu.dma_semaphore, #tpu.memory_space<semaphore_mem>>, %arg14: memref<10240x128xf32, #tpu.memory_space<vmem_shared>>) attributes {dimension_semantics = [#tpu.dimension_semantics<core_parallel>, #tpu.dimension_semantics<subcore_parallel>], iteration_bounds = array<i64: 2, 16>, scalar_prefetch = 0 : i64, scratch_operands = 9 : i64, tpu.core_type = #tpu.core_type<sc_vector_subcore>, window_params = [{transform_indices = #map}, {transform_indices = #map}, {transform_indices = #map}, {transform_indices = #map}]} {
    %mul3A = arith.constant 2 : i32
    %mul3A_0 = arith.muli %arg1, %mul3A : i32
    %add3A = arith.addi %mul3A_0, %arg0 : i32
    %mul3A_1 = arith.constant 640 : i32
    %mul3A_2 = arith.muli %arg1, %mul3A_1 : i32
    %multiple_of3A = tpu.assume_multiple %mul3A_2, 8 : i32
    "tpu.region"() ({
      %run_scoped3A = tpu.sem_alloc : memref<!tpu.dma_semaphore, #tpu.memory_space<semaphore_mem>>
      %dma_start3A = arith.constant 0 : i32
      %dma_start3A_27 = tpu.memref_slice %arg14[%multiple_of3A, %dma_start3A] : memref<10240x128xf32, #tpu.memory_space<vmem_shared>> -> memref<640x128xf32, #tpu.memory_space<vmem_shared>>
      tpu.enqueue_dma source(%arg4 : memref<640x128xf32, #tpu.memory_space<hbm>>) target(%dma_start3A_27 : memref<640x128xf32, #tpu.memory_space<vmem_shared>>) target_semaphore(%run_scoped3A : memref<!tpu.dma_semaphore, #tpu.memory_space<semaphore_mem>>)
      %dma_wait3A = arith.constant 0 : i32
      %dma_wait3A_28 = tpu.memref_slice %arg14[%multiple_of3A, %dma_wait3A] : memref<10240x128xf32, #tpu.memory_space<vmem_shared>> -> memref<640x128xf32, #tpu.memory_space<vmem_shared>>
      tpu.wait_dma2 semaphore(%run_scoped3A : memref<!tpu.dma_semaphore, #tpu.memory_space<semaphore_mem>>) src(%arg4 : memref<640x128xf32, #tpu.memory_space<hbm>>) dst(%dma_wait3A_28 : memref<640x128xf32, #tpu.memory_space<vmem_shared>>)
      tpu.yield
    }) : () -> ()
    %barrier3A = arith.constant 0 : index
    tpu.barrier barrier_id(%barrier3A)
    %scan3A = arith.constant 0 : i32
    %scan3A_3 = arith.constant 0 : i32
    %scan3A_4 = arith.constant 14 : i32
    %scan3A_5 = arith.addi %scan3A_3, %scan3A_4 : i32
    %scan3A_6 = arith.constant 1 : i32
    scf.for %scan3A_27 = %scan3A_3 to %scan3A_5 step %scan3A_6  : i32 {
      %mul3A_28 = arith.constant 2 : i32
      %mul3A_29 = arith.muli %mul3A_28, %scan3A_27 : i32
      %sub3A = arith.constant 2 : i32
      %sub3A_30 = arith.subi %mul3A_29, %sub3A : i32
      %ge3A = arith.constant 0 : i32
      %ge3A_31 = arith.cmpi sge, %sub3A_30, %ge3A : i32
      %mul3A_32 = arith.constant 32 : i32
      %mul3A_33 = arith.muli %sub3A_30, %mul3A_32 : i32
      %add3A_34 = arith.addi %add3A, %mul3A_33 : i32
      %lt3A_35 = arith.constant 875 : i32
      %lt3A_36 = arith.cmpi slt, %add3A_34, %lt3A_35 : i32
      %and3A_37 = arith.andi %ge3A_31, %lt3A_36 : i1
      %convert_element_type3A_38 = arith.extui %and3A_37 : i1 to i32
      %cond3A_39 = arith.constant 0 : i32
      %cond3A_40 = arith.cmpi ne, %convert_element_type3A_38, %cond3A_39 : i32
      scf.if %cond3A_40 {
        %dma_wait3A = arith.constant 0 : i32
        %dma_wait3A_102 = arith.constant 0 : i32
        %dma_wait3A_103 = arith.constant 0 : i32
        %dma_wait3A_104 = tpu.memref_slice %arg8[%dma_wait3A_102, %dma_wait3A_103] : memref<128x128xf32, #tpu.memory_space<vmem>> -> memref<128x128xf32, #tpu.memory_space<vmem>>
        %dma_wait3A_105 = arith.constant 0 : i32
        %dma_wait3A_106 = tpu.memref_slice %arg6[%dma_wait3A, %dma_wait3A_105] : memref<1x128xi32, #tpu.memory_space<vmem>> -> memref<1x128xi32, #tpu.memory_space<vmem>>
        %dma_wait3A_107 = tpu.memref_squeeze %dma_wait3A_106 : memref<1x128xi32, #tpu.memory_space<vmem>> -> memref<128xi32, #tpu.memory_space<vmem>>
        %dma_wait3A_108 = arith.constant 0 : i32
        %dma_wait3A_109 = arith.constant 0 : i32
        %dma_wait3A_110 = tpu.memref_slice %arg14[%dma_wait3A_108, %dma_wait3A_109] : memref<10240x128xf32, #tpu.memory_space<vmem_shared>> -> memref<10240x128xf32, #tpu.memory_space<vmem_shared>>
        tpu.wait_indirect_dma semaphore(%arg12 : memref<!tpu.dma_semaphore, #tpu.memory_space<semaphore_mem>>) src(%dma_wait3A_104 : memref<128x128xf32, #tpu.memory_space<vmem>>) dst(%dma_wait3A_110 : memref<10240x128xf32, #tpu.memory_space<vmem_shared>>)
      } else {
      }
      %ge3A_41 = arith.constant 0 : i32
      %ge3A_42 = arith.cmpi sge, %mul3A_29, %ge3A_41 : i32
      %mul3A_43 = arith.constant 32 : i32
      %mul3A_44 = arith.muli %mul3A_29, %mul3A_43 : i32
      %add3A_45 = arith.addi %add3A, %mul3A_44 : i32
      %lt3A_46 = arith.constant 875 : i32
      %lt3A_47 = arith.cmpi slt, %add3A_45, %lt3A_46 : i32
      %and3A_48 = arith.andi %ge3A_42, %lt3A_47 : i1
      %convert_element_type3A_49 = arith.extui %and3A_48 : i1 to i32
      %cond3A_50 = arith.constant 0 : i32
      %cond3A_51 = arith.cmpi ne, %convert_element_type3A_49, %cond3A_50 : i32
      scf.if %cond3A_51 {
        %mul3A_102 = arith.constant 32 : i32
        %mul3A_103 = arith.muli %mul3A_29, %mul3A_102 : i32
        %add3A_104 = arith.addi %add3A, %mul3A_103 : i32
        %mul3A_105 = arith.constant 1 : i32
        %mul3A_106 = arith.muli %add3A_104, %mul3A_105 : i32
        %add3A_107 = arith.constant 0 : i32
        %add3A_108 = arith.addi %add3A_107, %mul3A_106 : i32
        %mul3A_109 = arith.constant 128 : i32
        %mul3A_110 = arith.muli %add3A_104, %mul3A_109 : i32
        %multiple_of3A_111 = tpu.assume_multiple %mul3A_110, 8 : i32
        "tpu.region"() ({
          %run_scoped3A = tpu.sem_alloc : memref<!tpu.dma_semaphore, #tpu.memory_space<semaphore_mem>>
          %dma_start3A_115 = arith.constant 0 : i32
          %dma_start3A_116 = tpu.memref_slice %arg2[%add3A_108, %dma_start3A_115] : memref<1250x128xi32, #tpu.memory_space<hbm>> -> memref<1x128xi32, #tpu.memory_space<hbm>>
          %dma_start3A_117 = arith.constant 0 : i32
          %dma_start3A_118 = tpu.memref_slice %arg2[%add3A_108, %dma_start3A_117] : memref<1250x128xi32, #tpu.memory_space<hbm>> -> memref<1x128xi32, #tpu.memory_space<hbm>>
          tpu.enqueue_dma source(%dma_start3A_118 : memref<1x128xi32, #tpu.memory_space<hbm>>) target(%arg6 : memref<1x128xi32, #tpu.memory_space<vmem>>) target_semaphore(%run_scoped3A : memref<!tpu.dma_semaphore, #tpu.memory_space<semaphore_mem>>)
          %dma_wait3A = arith.constant 0 : i32
          %dma_wait3A_119 = tpu.memref_slice %arg2[%add3A_108, %dma_wait3A] : memref<1250x128xi32, #tpu.memory_space<hbm>> -> memref<1x128xi32, #tpu.memory_space<hbm>>
          %dma_wait3A_120 = arith.constant 0 : i32
          %dma_wait3A_121 = tpu.memref_slice %arg2[%add3A_108, %dma_wait3A_120] : memref<1250x128xi32, #tpu.memory_space<hbm>> -> memref<1x128xi32, #tpu.memory_space<hbm>>
          tpu.wait_dma2 semaphore(%run_scoped3A : memref<!tpu.dma_semaphore, #tpu.memory_space<semaphore_mem>>) src(%dma_wait3A_121 : memref<1x128xi32, #tpu.memory_space<hbm>>) dst(%arg6 : memref<1x128xi32, #tpu.memory_space<vmem>>)
          tpu.yield
        }) : () -> ()
        %dma_start3A = arith.constant 0 : i32
        %dma_start3A_112 = tpu.memref_slice %arg3[%multiple_of3A_111, %dma_start3A] : memref<112000x128xf32, #tpu.memory_space<hbm>> -> memref<128x128xf32, #tpu.memory_space<hbm>>
        %dma_start3A_113 = arith.constant 0 : i32
        %dma_start3A_114 = tpu.memref_slice %arg3[%multiple_of3A_111, %dma_start3A_113] : memref<112000x128xf32, #tpu.memory_space<hbm>> -> memref<128x128xf32, #tpu.memory_space<hbm>>
        tpu.enqueue_dma source(%dma_start3A_114 : memref<128x128xf32, #tpu.memory_space<hbm>>) target(%arg8 : memref<128x128xf32, #tpu.memory_space<vmem>>) target_semaphore(%arg10 : memref<!tpu.dma_semaphore, #tpu.memory_space<semaphore_mem>>)
      } else {
      }
      %sub3A_52 = arith.constant 1 : i32
      %sub3A_53 = arith.subi %mul3A_29, %sub3A_52 : i32
      %ge3A_54 = arith.constant 0 : i32
      %ge3A_55 = arith.cmpi sge, %sub3A_53, %ge3A_54 : i32
      %mul3A_56 = arith.constant 32 : i32
      %mul3A_57 = arith.muli %sub3A_53, %mul3A_56 : i32
      %add3A_58 = arith.addi %add3A, %mul3A_57 : i32
      %lt3A_59 = arith.constant 875 : i32
      %lt3A_60 = arith.cmpi slt, %add3A_58, %lt3A_59 : i32
      %and3A_61 = arith.andi %ge3A_55, %lt3A_60 : i1
      %convert_element_type3A_62 = arith.extui %and3A_61 : i1 to i32
      %cond3A_63 = arith.constant 0 : i32
      %cond3A_64 = arith.cmpi ne, %convert_element_type3A_62, %cond3A_63 : i32
      scf.if %cond3A_64 {
        %dma_wait3A = arith.constant 0 : i32
        %dma_wait3A_102 = arith.constant 0 : i32
        %dma_wait3A_103 = arith.constant 0 : i32
        %dma_wait3A_104 = tpu.memref_slice %arg9[%dma_wait3A_102, %dma_wait3A_103] : memref<128x128xf32, #tpu.memory_space<vmem>> -> memref<128x128xf32, #tpu.memory_space<vmem>>
        %dma_wait3A_105 = arith.constant 0 : i32
        %dma_wait3A_106 = tpu.memref_slice %arg7[%dma_wait3A, %dma_wait3A_105] : memref<1x128xi32, #tpu.memory_space<vmem>> -> memref<1x128xi32, #tpu.memory_space<vmem>>
        %dma_wait3A_107 = tpu.memref_squeeze %dma_wait3A_106 : memref<1x128xi32, #tpu.memory_space<vmem>> -> memref<128xi32, #tpu.memory_space<vmem>>
        %dma_wait3A_108 = arith.constant 0 : i32
        %dma_wait3A_109 = arith.constant 0 : i32
        %dma_wait3A_110 = tpu.memref_slice %arg14[%dma_wait3A_108, %dma_wait3A_109] : memref<10240x128xf32, #tpu.memory_space<vmem_shared>> -> memref<10240x128xf32, #tpu.memory_space<vmem_shared>>
        tpu.wait_indirect_dma semaphore(%arg13 : memref<!tpu.dma_semaphore, #tpu.memory_space<semaphore_mem>>) src(%dma_wait3A_104 : memref<128x128xf32, #tpu.memory_space<vmem>>) dst(%dma_wait3A_110 : memref<10240x128xf32, #tpu.memory_space<vmem_shared>>)
      } else {
      }
      %add3A_65 = arith.constant 1 : i32
      %add3A_66 = arith.addi %mul3A_29, %add3A_65 : i32
      %ge3A_67 = arith.constant 0 : i32
      %ge3A_68 = arith.cmpi sge, %add3A_66, %ge3A_67 : i32
      %mul3A_69 = arith.constant 32 : i32
      %mul3A_70 = arith.muli %add3A_66, %mul3A_69 : i32
      %add3A_71 = arith.addi %add3A, %mul3A_70 : i32
      %lt3A_72 = arith.constant 875 : i32
      %lt3A_73 = arith.cmpi slt, %add3A_71, %lt3A_72 : i32
      %and3A_74 = arith.andi %ge3A_68, %lt3A_73 : i1
      %convert_element_type3A_75 = arith.extui %and3A_74 : i1 to i32
      %cond3A_76 = arith.constant 0 : i32
      %cond3A_77 = arith.cmpi ne, %convert_element_type3A_75, %cond3A_76 : i32
      scf.if %cond3A_77 {
        %mul3A_102 = arith.constant 32 : i32
        %mul3A_103 = arith.muli %add3A_66, %mul3A_102 : i32
        %add3A_104 = arith.addi %add3A, %mul3A_103 : i32
        %mul3A_105 = arith.constant 1 : i32
        %mul3A_106 = arith.muli %add3A_104, %mul3A_105 : i32
        %add3A_107 = arith.constant 0 : i32
        %add3A_108 = arith.addi %add3A_107, %mul3A_106 : i32
        %mul3A_109 = arith.constant 128 : i32
        %mul3A_110 = arith.muli %add3A_104, %mul3A_109 : i32
        %multiple_of3A_111 = tpu.assume_multiple %mul3A_110, 8 : i32
        "tpu.region"() ({
          %run_scoped3A = tpu.sem_alloc : memref<!tpu.dma_semaphore, #tpu.memory_space<semaphore_mem>>
          %dma_start3A_115 = arith.constant 0 : i32
          %dma_start3A_116 = tpu.memref_slice %arg2[%add3A_108, %dma_start3A_115] : memref<1250x128xi32, #tpu.memory_space<hbm>> -> memref<1x128xi32, #tpu.memory_space<hbm>>
          %dma_start3A_117 = arith.constant 0 : i32
          %dma_start3A_118 = tpu.memref_slice %arg2[%add3A_108, %dma_start3A_117] : memref<1250x128xi32, #tpu.memory_space<hbm>> -> memref<1x128xi32, #tpu.memory_space<hbm>>
          tpu.enqueue_dma source(%dma_start3A_118 : memref<1x128xi32, #tpu.memory_space<hbm>>) target(%arg7 : memref<1x128xi32, #tpu.memory_space<vmem>>) target_semaphore(%run_scoped3A : memref<!tpu.dma_semaphore, #tpu.memory_space<semaphore_mem>>)
          %dma_wait3A = arith.constant 0 : i32
          %dma_wait3A_119 = tpu.memref_slice %arg2[%add3A_108, %dma_wait3A] : memref<1250x128xi32, #tpu.memory_space<hbm>> -> memref<1x128xi32, #tpu.memory_space<hbm>>
          %dma_wait3A_120 = arith.constant 0 : i32
          %dma_wait3A_121 = tpu.memref_slice %arg2[%add3A_108, %dma_wait3A_120] : memref<1250x128xi32, #tpu.memory_space<hbm>> -> memref<1x128xi32, #tpu.memory_space<hbm>>
          tpu.wait_dma2 semaphore(%run_scoped3A : memref<!tpu.dma_semaphore, #tpu.memory_space<semaphore_mem>>) src(%dma_wait3A_121 : memref<1x128xi32, #tpu.memory_space<hbm>>) dst(%arg7 : memref<1x128xi32, #tpu.memory_space<vmem>>)
          tpu.yield
        }) : () -> ()
        %dma_start3A = arith.constant 0 : i32
        %dma_start3A_112 = tpu.memref_slice %arg3[%multiple_of3A_111, %dma_start3A] : memref<112000x128xf32, #tpu.memory_space<hbm>> -> memref<128x128xf32, #tpu.memory_space<hbm>>
        %dma_start3A_113 = arith.constant 0 : i32
        %dma_start3A_114 = tpu.memref_slice %arg3[%multiple_of3A_111, %dma_start3A_113] : memref<112000x128xf32, #tpu.memory_space<hbm>> -> memref<128x128xf32, #tpu.memory_space<hbm>>
        tpu.enqueue_dma source(%dma_start3A_114 : memref<128x128xf32, #tpu.memory_space<hbm>>) target(%arg9 : memref<128x128xf32, #tpu.memory_space<vmem>>) target_semaphore(%arg11 : memref<!tpu.dma_semaphore, #tpu.memory_space<semaphore_mem>>)
      } else {
      }
      %ge3A_78 = arith.constant 0 : i32
      %ge3A_79 = arith.cmpi sge, %mul3A_29, %ge3A_78 : i32
      %mul3A_80 = arith.constant 32 : i32
      %mul3A_81 = arith.muli %mul3A_29, %mul3A_80 : i32
      %add3A_82 = arith.addi %add3A, %mul3A_81 : i32
      %lt3A_83 = arith.constant 875 : i32
      %lt3A_84 = arith.cmpi slt, %add3A_82, %lt3A_83 : i32
      %and3A_85 = arith.andi %ge3A_79, %lt3A_84 : i1
      %convert_element_type3A_86 = arith.extui %and3A_85 : i1 to i32
      %cond3A_87 = arith.constant 0 : i32
      %cond3A_88 = arith.cmpi ne, %convert_element_type3A_86, %cond3A_87 : i32
      scf.if %cond3A_88 {
        %mul3A_102 = arith.constant 32 : i32
        %mul3A_103 = arith.muli %mul3A_29, %mul3A_102 : i32
        %add3A_104 = arith.addi %add3A, %mul3A_103 : i32
        %mul3A_105 = arith.constant 1 : i32
        %mul3A_106 = arith.muli %add3A_104, %mul3A_105 : i32
        %add3A_107 = arith.constant 0 : i32
        %add3A_108 = arith.addi %add3A_107, %mul3A_106 : i32
        %mul3A_109 = arith.constant 128 : i32
        %mul3A_110 = arith.muli %add3A_104, %mul3A_109 : i32
        %multiple_of3A_111 = tpu.assume_multiple %mul3A_110, 8 : i32
        %dma_wait3A = arith.constant 0 : i32
        %dma_wait3A_112 = tpu.memref_slice %arg3[%multiple_of3A_111, %dma_wait3A] : memref<112000x128xf32, #tpu.memory_space<hbm>> -> memref<128x128xf32, #tpu.memory_space<hbm>>
        %dma_wait3A_113 = arith.constant 0 : i32
        %dma_wait3A_114 = tpu.memref_slice %arg3[%multiple_of3A_111, %dma_wait3A_113] : memref<112000x128xf32, #tpu.memory_space<hbm>> -> memref<128x128xf32, #tpu.memory_space<hbm>>
        tpu.wait_dma2 semaphore(%arg10 : memref<!tpu.dma_semaphore, #tpu.memory_space<semaphore_mem>>) src(%dma_wait3A_114 : memref<128x128xf32, #tpu.memory_space<hbm>>) dst(%arg8 : memref<128x128xf32, #tpu.memory_space<vmem>>)
        %dma_start3A = arith.constant 0 : i32
        %dma_start3A_115 = arith.constant 0 : i32
        %dma_start3A_116 = arith.constant 0 : i32
        %dma_start3A_117 = tpu.memref_slice %arg8[%dma_start3A_115, %dma_start3A_116] : memref<128x128xf32, #tpu.memory_space<vmem>> -> memref<128x128xf32, #tpu.memory_space<vmem>>
        %dma_start3A_118 = arith.constant 0 : i32
        %dma_start3A_119 = tpu.memref_slice %arg6[%dma_start3A, %dma_start3A_118] : memref<1x128xi32, #tpu.memory_space<vmem>> -> memref<1x128xi32, #tpu.memory_space<vmem>>
        %dma_start3A_120 = tpu.memref_squeeze %dma_start3A_119 : memref<1x128xi32, #tpu.memory_space<vmem>> -> memref<128xi32, #tpu.memory_space<vmem>>
        %dma_start3A_121 = arith.constant 0 : i32
        %dma_start3A_122 = arith.constant 0 : i32
        %dma_start3A_123 = tpu.memref_slice %arg14[%dma_start3A_121, %dma_start3A_122] : memref<10240x128xf32, #tpu.memory_space<vmem_shared>> -> memref<10240x128xf32, #tpu.memory_space<vmem_shared>>
        tpu.enqueue_indirect_dma source(%dma_start3A_117 : memref<128x128xf32, #tpu.memory_space<vmem>>) target(%dma_start3A_123 : memref<10240x128xf32, #tpu.memory_space<vmem_shared>>) offsets(%dma_start3A_120 : memref<128xi32, #tpu.memory_space<vmem>>) semaphore(%arg12 : memref<!tpu.dma_semaphore, #tpu.memory_space<semaphore_mem>>) {add = true}
      } else {
      }
      %add3A_89 = arith.constant 1 : i32
      %add3A_90 = arith.addi %mul3A_29, %add3A_89 : i32
      %ge3A_91 = arith.constant 0 : i32
      %ge3A_92 = arith.cmpi sge, %add3A_90, %ge3A_91 : i32
      %mul3A_93 = arith.constant 32 : i32
      %mul3A_94 = arith.muli %add3A_90, %mul3A_93 : i32
      %add3A_95 = arith.addi %add3A, %mul3A_94 : i32
      %lt3A_96 = arith.constant 875 : i32
      %lt3A_97 = arith.cmpi slt, %add3A_95, %lt3A_96 : i32
      %and3A_98 = arith.andi %ge3A_92, %lt3A_97 : i1
      %convert_element_type3A_99 = arith.extui %and3A_98 : i1 to i32
      %cond3A_100 = arith.constant 0 : i32
      %cond3A_101 = arith.cmpi ne, %convert_element_type3A_99, %cond3A_100 : i32
      scf.if %cond3A_101 {
        %mul3A_102 = arith.constant 32 : i32
        %mul3A_103 = arith.muli %add3A_90, %mul3A_102 : i32
        %add3A_104 = arith.addi %add3A, %mul3A_103 : i32
        %mul3A_105 = arith.constant 1 : i32
        %mul3A_106 = arith.muli %add3A_104, %mul3A_105 : i32
        %add3A_107 = arith.constant 0 : i32
        %add3A_108 = arith.addi %add3A_107, %mul3A_106 : i32
        %mul3A_109 = arith.constant 128 : i32
        %mul3A_110 = arith.muli %add3A_104, %mul3A_109 : i32
        %multiple_of3A_111 = tpu.assume_multiple %mul3A_110, 8 : i32
        %dma_wait3A = arith.constant 0 : i32
        %dma_wait3A_112 = tpu.memref_slice %arg3[%multiple_of3A_111, %dma_wait3A] : memref<112000x128xf32, #tpu.memory_space<hbm>> -> memref<128x128xf32, #tpu.memory_space<hbm>>
        %dma_wait3A_113 = arith.constant 0 : i32
        %dma_wait3A_114 = tpu.memref_slice %arg3[%multiple_of3A_111, %dma_wait3A_113] : memref<112000x128xf32, #tpu.memory_space<hbm>> -> memref<128x128xf32, #tpu.memory_space<hbm>>
        tpu.wait_dma2 semaphore(%arg11 : memref<!tpu.dma_semaphore, #tpu.memory_space<semaphore_mem>>) src(%dma_wait3A_114 : memref<128x128xf32, #tpu.memory_space<hbm>>) dst(%arg9 : memref<128x128xf32, #tpu.memory_space<vmem>>)
        %dma_start3A = arith.constant 0 : i32
        %dma_start3A_115 = arith.constant 0 : i32
        %dma_start3A_116 = arith.constant 0 : i32
        %dma_start3A_117 = tpu.memref_slice %arg9[%dma_start3A_115, %dma_start3A_116] : memref<128x128xf32, #tpu.memory_space<vmem>> -> memref<128x128xf32, #tpu.memory_space<vmem>>
        %dma_start3A_118 = arith.constant 0 : i32
        %dma_start3A_119 = tpu.memref_slice %arg7[%dma_start3A, %dma_start3A_118] : memref<1x128xi32, #tpu.memory_space<vmem>> -> memref<1x128xi32, #tpu.memory_space<vmem>>
        %dma_start3A_120 = tpu.memref_squeeze %dma_start3A_119 : memref<1x128xi32, #tpu.memory_space<vmem>> -> memref<128xi32, #tpu.memory_space<vmem>>
        %dma_start3A_121 = arith.constant 0 : i32
        %dma_start3A_122 = arith.constant 0 : i32
        %dma_start3A_123 = tpu.memref_slice %arg14[%dma_start3A_121, %dma_start3A_122] : memref<10240x128xf32, #tpu.memory_space<vmem_shared>> -> memref<10240x128xf32, #tpu.memory_space<vmem_shared>>
        tpu.enqueue_indirect_dma source(%dma_start3A_117 : memref<128x128xf32, #tpu.memory_space<vmem>>) target(%dma_start3A_123 : memref<10240x128xf32, #tpu.memory_space<vmem_shared>>) offsets(%dma_start3A_120 : memref<128xi32, #tpu.memory_space<vmem>>) semaphore(%arg13 : memref<!tpu.dma_semaphore, #tpu.memory_space<semaphore_mem>>) {add = true}
      } else {
      }
    }
    %scan3A_7 = arith.constant 14 : i32
    %add3A_8 = arith.constant 832 : i32
    %add3A_9 = arith.addi %add3A, %add3A_8 : i32
    %lt3A = arith.constant 875 : i32
    %lt3A_10 = arith.cmpi slt, %add3A_9, %lt3A : i32
    %and3A = arith.constant true
    %and3A_11 = arith.andi %and3A, %lt3A_10 : i1
    %convert_element_type3A = arith.extui %and3A_11 : i1 to i32
    %cond3A = arith.constant 0 : i32
    %cond3A_12 = arith.cmpi ne, %convert_element_type3A, %cond3A : i32
    scf.if %cond3A_12 {
      %dma_wait3A = arith.constant 0 : i32
      %dma_wait3A_27 = arith.constant 0 : i32
      %dma_wait3A_28 = arith.constant 0 : i32
      %dma_wait3A_29 = tpu.memref_slice %arg8[%dma_wait3A_27, %dma_wait3A_28] : memref<128x128xf32, #tpu.memory_space<vmem>> -> memref<128x128xf32, #tpu.memory_space<vmem>>
      %dma_wait3A_30 = arith.constant 0 : i32
      %dma_wait3A_31 = tpu.memref_slice %arg6[%dma_wait3A, %dma_wait3A_30] : memref<1x128xi32, #tpu.memory_space<vmem>> -> memref<1x128xi32, #tpu.memory_space<vmem>>
      %dma_wait3A_32 = tpu.memref_squeeze %dma_wait3A_31 : memref<1x128xi32, #tpu.memory_space<vmem>> -> memref<128xi32, #tpu.memory_space<vmem>>
      %dma_wait3A_33 = arith.constant 0 : i32
      %dma_wait3A_34 = arith.constant 0 : i32
      %dma_wait3A_35 = tpu.memref_slice %arg14[%dma_wait3A_33, %dma_wait3A_34] : memref<10240x128xf32, #tpu.memory_space<vmem_shared>> -> memref<10240x128xf32, #tpu.memory_space<vmem_shared>>
      tpu.wait_indirect_dma semaphore(%arg12 : memref<!tpu.dma_semaphore, #tpu.memory_space<semaphore_mem>>) src(%dma_wait3A_29 : memref<128x128xf32, #tpu.memory_space<vmem>>) dst(%dma_wait3A_35 : memref<10240x128xf32, #tpu.memory_space<vmem_shared>>)
    } else {
    }
    %add3A_13 = arith.constant 864 : i32
    %add3A_14 = arith.addi %add3A, %add3A_13 : i32
    %lt3A_15 = arith.constant 875 : i32
    %lt3A_16 = arith.cmpi slt, %add3A_14, %lt3A_15 : i32
    %and3A_17 = arith.constant true
    %and3A_18 = arith.andi %and3A_17, %lt3A_16 : i1
    %convert_element_type3A_19 = arith.extui %and3A_18 : i1 to i32
    %cond3A_20 = arith.constant 0 : i32
    %cond3A_21 = arith.cmpi ne, %convert_element_type3A_19, %cond3A_20 : i32
    scf.if %cond3A_21 {
      %dma_wait3A = arith.constant 0 : i32
      %dma_wait3A_27 = arith.constant 0 : i32
      %dma_wait3A_28 = arith.constant 0 : i32
      %dma_wait3A_29 = tpu.memref_slice %arg9[%dma_wait3A_27, %dma_wait3A_28] : memref<128x128xf32, #tpu.memory_space<vmem>> -> memref<128x128xf32, #tpu.memory_space<vmem>>
      %dma_wait3A_30 = arith.constant 0 : i32
      %dma_wait3A_31 = tpu.memref_slice %arg7[%dma_wait3A, %dma_wait3A_30] : memref<1x128xi32, #tpu.memory_space<vmem>> -> memref<1x128xi32, #tpu.memory_space<vmem>>
      %dma_wait3A_32 = tpu.memref_squeeze %dma_wait3A_31 : memref<1x128xi32, #tpu.memory_space<vmem>> -> memref<128xi32, #tpu.memory_space<vmem>>
      %dma_wait3A_33 = arith.constant 0 : i32
      %dma_wait3A_34 = arith.constant 0 : i32
      %dma_wait3A_35 = tpu.memref_slice %arg14[%dma_wait3A_33, %dma_wait3A_34] : memref<10240x128xf32, #tpu.memory_space<vmem_shared>> -> memref<10240x128xf32, #tpu.memory_space<vmem_shared>>
      tpu.wait_indirect_dma semaphore(%arg13 : memref<!tpu.dma_semaphore, #tpu.memory_space<semaphore_mem>>) src(%dma_wait3A_29 : memref<128x128xf32, #tpu.memory_space<vmem>>) dst(%dma_wait3A_35 : memref<10240x128xf32, #tpu.memory_space<vmem_shared>>)
    } else {
    }
    %barrier3A_22 = arith.constant 0 : index
    tpu.barrier barrier_id(%barrier3A_22)
    %mul3A_23 = arith.constant 10240 : i32
    %mul3A_24 = arith.muli %arg0, %mul3A_23 : i32
    %add3A_25 = arith.addi %mul3A_24, %multiple_of3A : i32
    %multiple_of3A_26 = tpu.assume_multiple %add3A_25, 8 : i32
    "tpu.region"() ({
      %run_scoped3A = tpu.sem_alloc : memref<!tpu.dma_semaphore, #tpu.memory_space<semaphore_mem>>
      %dma_start3A = arith.constant 0 : i32
      %dma_start3A_27 = tpu.memref_slice %arg5[%multiple_of3A_26, %dma_start3A] : memref<20480x128xf32, #tpu.memory_space<hbm>> -> memref<640x128xf32, #tpu.memory_space<hbm>>
      %dma_start3A_28 = arith.constant 0 : i32
      %dma_start3A_29 = tpu.memref_slice %arg14[%multiple_of3A, %dma_start3A_28] : memref<10240x128xf32, #tpu.memory_space<vmem_shared>> -> memref<640x128xf32, #tpu.memory_space<vmem_shared>>
      tpu.enqueue_dma source(%dma_start3A_29 : memref<640x128xf32, #tpu.memory_space<vmem_shared>>) target(%dma_start3A_27 : memref<640x128xf32, #tpu.memory_space<hbm>>) target_semaphore(%run_scoped3A : memref<!tpu.dma_semaphore, #tpu.memory_space<semaphore_mem>>)
      %dma_wait3A = arith.constant 0 : i32
      %dma_wait3A_30 = tpu.memref_slice %arg5[%multiple_of3A_26, %dma_wait3A] : memref<20480x128xf32, #tpu.memory_space<hbm>> -> memref<640x128xf32, #tpu.memory_space<hbm>>
      %dma_wait3A_31 = arith.constant 0 : i32
      %dma_wait3A_32 = tpu.memref_slice %arg14[%multiple_of3A, %dma_wait3A_31] : memref<10240x128xf32, #tpu.memory_space<vmem_shared>> -> memref<640x128xf32, #tpu.memory_space<vmem_shared>>
      tpu.wait_dma2 semaphore(%run_scoped3A : memref<!tpu.dma_semaphore, #tpu.memory_space<semaphore_mem>>) src(%dma_wait3A_32 : memref<640x128xf32, #tpu.memory_space<vmem_shared>>) dst(%dma_wait3A_30 : memref<640x128xf32, #tpu.memory_space<hbm>>)
      tpu.yield
    }) : () -> ()
    return
  }
}

module attributes {stable_mosaic.version = 14 : i64} {
  func.func @_msg_body(%arg0: i32, %arg1: memref<3200x128xf32, #tpu.memory_space<vmem>>, %arg2: memref<3200x16xf32, #tpu.memory_space<vmem>>, %arg3: memref<16x128x64xbf16, #tpu.memory_space<vmem>>, %arg4: memref<128x64xbf16, #tpu.memory_space<vmem>>, %arg5: memref<1x1xf32, #tpu.memory_space<vmem>>, %arg6: memref<3200x128xf32, #tpu.memory_space<vmem>>) attributes {dimension_semantics = [#tpu.dimension_semantics<arbitrary>], iteration_bounds = array<i64: 35>, scalar_prefetch = 0 : i64, scratch_operands = 0 : i64, tpu.core_type = #tpu.core_type<tc>, window_params = [{transform_indices = @transform_0, window_bounds = array<i64: 3200, 128>}, {transform_indices = @transform_1, window_bounds = array<i64: 3200, 16>}, {pipeline_mode = #tpu.pipeline_mode<synchronous>, transform_indices = @transform_2, window_bounds = array<i64: 16, 128, 64>}, {pipeline_mode = #tpu.pipeline_mode<synchronous>, transform_indices = @transform_3, window_bounds = array<i64: 128, 64>}, {pipeline_mode = #tpu.pipeline_mode<synchronous>, transform_indices = @transform_4, window_bounds = array<i64: 1, 1>}, {transform_indices = @transform_5, window_bounds = array<i64: 3200, 128>}]} {
    %get3A = arith.constant 0 : index
    %get3A_0 = arith.constant 0 : index
    %get3A_1 = vector.load %arg1[%get3A, %get3A_0] : memref<3200x128xf32, #tpu.memory_space<vmem>>, vector<3200x128xf32>
    %convert_element_type3A = arith.truncf %get3A_1 : vector<3200x128xf32> to vector<3200x128xbf16>
    %get3A_2 = arith.constant 0 : index
    %get3A_3 = arith.constant 0 : index
    %get3A_4 = vector.load %arg2[%get3A_2, %get3A_3] : memref<3200x16xf32, #tpu.memory_space<vmem>>, vector<3200x16xf32>
    %get3A_5 = arith.constant 0 : index
    %get3A_6 = arith.constant 0 : index
    %get3A_7 = vector.load %arg4[%get3A_5, %get3A_6] : memref<128x64xbf16, #tpu.memory_space<vmem>>, vector<128x64xbf16>
    %dot_general3A = arith.constant dense<0.000000e+00> : vector<3200x64xf32>
    %dot_general3A_8 = tpu.matmul %convert_element_type3A, %get3A_7, %dot_general3A {dimension_numbers = #tpu.dot_dimension_numbers<[1], [0], [0], [1], [0, 0, 1, 1], [], []>, transpose_lhs_hint = false} : vector<3200x128xbf16>, vector<128x64xbf16>, vector<3200x64xf32> -> vector<3200x64xf32>
    %slice3A = vector.extract_strided_slice %get3A_4 {offsets = [0, 0], sizes = [3200, 1], strides = [1, 1]} : vector<3200x16xf32> to vector<3200x1xf32>
    %get3A_9 = arith.constant 0 : index
    %get3A_10 = arith.constant 0 : index
    %get3A_11 = arith.constant 0 : index
    %get3A_12 = vector.load %arg3[%get3A_9, %get3A_10, %get3A_11] : memref<16x128x64xbf16, #tpu.memory_space<vmem>>, vector<1x128x64xbf16>
    %get3A_13 = vector.shape_cast %get3A_12 : vector<1x128x64xbf16> to vector<128x64xbf16>
    %dot_general3A_14 = arith.constant dense<0.000000e+00> : vector<3200x64xf32>
    %dot_general3A_15 = tpu.matmul %convert_element_type3A, %get3A_13, %dot_general3A_14 {dimension_numbers = #tpu.dot_dimension_numbers<[1], [0], [0], [1], [0, 0, 1, 1], [], []>, transpose_lhs_hint = false} : vector<3200x128xbf16>, vector<128x64xbf16>, vector<3200x64xf32> -> vector<3200x64xf32>
    %mul3A = vector.broadcast %slice3A : vector<3200x1xf32> to vector<3200x64xf32>
    %mul3A_16 = arith.mulf %mul3A, %dot_general3A_15 : vector<3200x64xf32>
    %add3A = arith.addf %dot_general3A_8, %mul3A_16 : vector<3200x64xf32>
    %slice3A_17 = vector.extract_strided_slice %get3A_4 {offsets = [0, 1], sizes = [3200, 1], strides = [1, 1]} : vector<3200x16xf32> to vector<3200x1xf32>
    %get3A_18 = arith.constant 1 : index
    %get3A_19 = arith.constant 0 : index
    %get3A_20 = arith.constant 0 : index
    %get3A_21 = vector.load %arg3[%get3A_18, %get3A_19, %get3A_20] : memref<16x128x64xbf16, #tpu.memory_space<vmem>>, vector<1x128x64xbf16>
    %get3A_22 = vector.shape_cast %get3A_21 : vector<1x128x64xbf16> to vector<128x64xbf16>
    %dot_general3A_23 = arith.constant dense<0.000000e+00> : vector<3200x64xf32>
    %dot_general3A_24 = tpu.matmul %convert_element_type3A, %get3A_22, %dot_general3A_23 {dimension_numbers = #tpu.dot_dimension_numbers<[1], [0], [0], [1], [0, 0, 1, 1], [], []>, transpose_lhs_hint = false} : vector<3200x128xbf16>, vector<128x64xbf16>, vector<3200x64xf32> -> vector<3200x64xf32>
    %mul3A_25 = vector.broadcast %slice3A_17 : vector<3200x1xf32> to vector<3200x64xf32>
    %mul3A_26 = arith.mulf %mul3A_25, %dot_general3A_24 : vector<3200x64xf32>
    %add3A_27 = arith.addf %add3A, %mul3A_26 : vector<3200x64xf32>
    %slice3A_28 = vector.extract_strided_slice %get3A_4 {offsets = [0, 2], sizes = [3200, 1], strides = [1, 1]} : vector<3200x16xf32> to vector<3200x1xf32>
    %get3A_29 = arith.constant 2 : index
    %get3A_30 = arith.constant 0 : index
    %get3A_31 = arith.constant 0 : index
    %get3A_32 = vector.load %arg3[%get3A_29, %get3A_30, %get3A_31] : memref<16x128x64xbf16, #tpu.memory_space<vmem>>, vector<1x128x64xbf16>
    %get3A_33 = vector.shape_cast %get3A_32 : vector<1x128x64xbf16> to vector<128x64xbf16>
    %dot_general3A_34 = arith.constant dense<0.000000e+00> : vector<3200x64xf32>
    %dot_general3A_35 = tpu.matmul %convert_element_type3A, %get3A_33, %dot_general3A_34 {dimension_numbers = #tpu.dot_dimension_numbers<[1], [0], [0], [1], [0, 0, 1, 1], [], []>, transpose_lhs_hint = false} : vector<3200x128xbf16>, vector<128x64xbf16>, vector<3200x64xf32> -> vector<3200x64xf32>
    %mul3A_36 = vector.broadcast %slice3A_28 : vector<3200x1xf32> to vector<3200x64xf32>
    %mul3A_37 = arith.mulf %mul3A_36, %dot_general3A_35 : vector<3200x64xf32>
    %add3A_38 = arith.addf %add3A_27, %mul3A_37 : vector<3200x64xf32>
    %slice3A_39 = vector.extract_strided_slice %get3A_4 {offsets = [0, 3], sizes = [3200, 1], strides = [1, 1]} : vector<3200x16xf32> to vector<3200x1xf32>
    %get3A_40 = arith.constant 3 : index
    %get3A_41 = arith.constant 0 : index
    %get3A_42 = arith.constant 0 : index
    %get3A_43 = vector.load %arg3[%get3A_40, %get3A_41, %get3A_42] : memref<16x128x64xbf16, #tpu.memory_space<vmem>>, vector<1x128x64xbf16>
    %get3A_44 = vector.shape_cast %get3A_43 : vector<1x128x64xbf16> to vector<128x64xbf16>
    %dot_general3A_45 = arith.constant dense<0.000000e+00> : vector<3200x64xf32>
    %dot_general3A_46 = tpu.matmul %convert_element_type3A, %get3A_44, %dot_general3A_45 {dimension_numbers = #tpu.dot_dimension_numbers<[1], [0], [0], [1], [0, 0, 1, 1], [], []>, transpose_lhs_hint = false} : vector<3200x128xbf16>, vector<128x64xbf16>, vector<3200x64xf32> -> vector<3200x64xf32>
    %mul3A_47 = vector.broadcast %slice3A_39 : vector<3200x1xf32> to vector<3200x64xf32>
    %mul3A_48 = arith.mulf %mul3A_47, %dot_general3A_46 : vector<3200x64xf32>
    %add3A_49 = arith.addf %add3A_38, %mul3A_48 : vector<3200x64xf32>
    %slice3A_50 = vector.extract_strided_slice %get3A_4 {offsets = [0, 4], sizes = [3200, 1], strides = [1, 1]} : vector<3200x16xf32> to vector<3200x1xf32>
    %get3A_51 = arith.constant 4 : index
    %get3A_52 = arith.constant 0 : index
    %get3A_53 = arith.constant 0 : index
    %get3A_54 = vector.load %arg3[%get3A_51, %get3A_52, %get3A_53] : memref<16x128x64xbf16, #tpu.memory_space<vmem>>, vector<1x128x64xbf16>
    %get3A_55 = vector.shape_cast %get3A_54 : vector<1x128x64xbf16> to vector<128x64xbf16>
    %dot_general3A_56 = arith.constant dense<0.000000e+00> : vector<3200x64xf32>
    %dot_general3A_57 = tpu.matmul %convert_element_type3A, %get3A_55, %dot_general3A_56 {dimension_numbers = #tpu.dot_dimension_numbers<[1], [0], [0], [1], [0, 0, 1, 1], [], []>, transpose_lhs_hint = false} : vector<3200x128xbf16>, vector<128x64xbf16>, vector<3200x64xf32> -> vector<3200x64xf32>
    %mul3A_58 = vector.broadcast %slice3A_50 : vector<3200x1xf32> to vector<3200x64xf32>
    %mul3A_59 = arith.mulf %mul3A_58, %dot_general3A_57 : vector<3200x64xf32>
    %add3A_60 = arith.addf %add3A_49, %mul3A_59 : vector<3200x64xf32>
    %slice3A_61 = vector.extract_strided_slice %get3A_4 {offsets = [0, 5], sizes = [3200, 1], strides = [1, 1]} : vector<3200x16xf32> to vector<3200x1xf32>
    %get3A_62 = arith.constant 5 : index
    %get3A_63 = arith.constant 0 : index
    %get3A_64 = arith.constant 0 : index
    %get3A_65 = vector.load %arg3[%get3A_62, %get3A_63, %get3A_64] : memref<16x128x64xbf16, #tpu.memory_space<vmem>>, vector<1x128x64xbf16>
    %get3A_66 = vector.shape_cast %get3A_65 : vector<1x128x64xbf16> to vector<128x64xbf16>
    %dot_general3A_67 = arith.constant dense<0.000000e+00> : vector<3200x64xf32>
    %dot_general3A_68 = tpu.matmul %convert_element_type3A, %get3A_66, %dot_general3A_67 {dimension_numbers = #tpu.dot_dimension_numbers<[1], [0], [0], [1], [0, 0, 1, 1], [], []>, transpose_lhs_hint = false} : vector<3200x128xbf16>, vector<128x64xbf16>, vector<3200x64xf32> -> vector<3200x64xf32>
    %mul3A_69 = vector.broadcast %slice3A_61 : vector<3200x1xf32> to vector<3200x64xf32>
    %mul3A_70 = arith.mulf %mul3A_69, %dot_general3A_68 : vector<3200x64xf32>
    %add3A_71 = arith.addf %add3A_60, %mul3A_70 : vector<3200x64xf32>
    %slice3A_72 = vector.extract_strided_slice %get3A_4 {offsets = [0, 6], sizes = [3200, 1], strides = [1, 1]} : vector<3200x16xf32> to vector<3200x1xf32>
    %get3A_73 = arith.constant 6 : index
    %get3A_74 = arith.constant 0 : index
    %get3A_75 = arith.constant 0 : index
    %get3A_76 = vector.load %arg3[%get3A_73, %get3A_74, %get3A_75] : memref<16x128x64xbf16, #tpu.memory_space<vmem>>, vector<1x128x64xbf16>
    %get3A_77 = vector.shape_cast %get3A_76 : vector<1x128x64xbf16> to vector<128x64xbf16>
    %dot_general3A_78 = arith.constant dense<0.000000e+00> : vector<3200x64xf32>
    %dot_general3A_79 = tpu.matmul %convert_element_type3A, %get3A_77, %dot_general3A_78 {dimension_numbers = #tpu.dot_dimension_numbers<[1], [0], [0], [1], [0, 0, 1, 1], [], []>, transpose_lhs_hint = false} : vector<3200x128xbf16>, vector<128x64xbf16>, vector<3200x64xf32> -> vector<3200x64xf32>
    %mul3A_80 = vector.broadcast %slice3A_72 : vector<3200x1xf32> to vector<3200x64xf32>
    %mul3A_81 = arith.mulf %mul3A_80, %dot_general3A_79 : vector<3200x64xf32>
    %add3A_82 = arith.addf %add3A_71, %mul3A_81 : vector<3200x64xf32>
    %slice3A_83 = vector.extract_strided_slice %get3A_4 {offsets = [0, 7], sizes = [3200, 1], strides = [1, 1]} : vector<3200x16xf32> to vector<3200x1xf32>
    %get3A_84 = arith.constant 7 : index
    %get3A_85 = arith.constant 0 : index
    %get3A_86 = arith.constant 0 : index
    %get3A_87 = vector.load %arg3[%get3A_84, %get3A_85, %get3A_86] : memref<16x128x64xbf16, #tpu.memory_space<vmem>>, vector<1x128x64xbf16>
    %get3A_88 = vector.shape_cast %get3A_87 : vector<1x128x64xbf16> to vector<128x64xbf16>
    %dot_general3A_89 = arith.constant dense<0.000000e+00> : vector<3200x64xf32>
    %dot_general3A_90 = tpu.matmul %convert_element_type3A, %get3A_88, %dot_general3A_89 {dimension_numbers = #tpu.dot_dimension_numbers<[1], [0], [0], [1], [0, 0, 1, 1], [], []>, transpose_lhs_hint = false} : vector<3200x128xbf16>, vector<128x64xbf16>, vector<3200x64xf32> -> vector<3200x64xf32>
    %mul3A_91 = vector.broadcast %slice3A_83 : vector<3200x1xf32> to vector<3200x64xf32>
    %mul3A_92 = arith.mulf %mul3A_91, %dot_general3A_90 : vector<3200x64xf32>
    %add3A_93 = arith.addf %add3A_82, %mul3A_92 : vector<3200x64xf32>
    %slice3A_94 = vector.extract_strided_slice %get3A_4 {offsets = [0, 8], sizes = [3200, 1], strides = [1, 1]} : vector<3200x16xf32> to vector<3200x1xf32>
    %get3A_95 = arith.constant 8 : index
    %get3A_96 = arith.constant 0 : index
    %get3A_97 = arith.constant 0 : index
    %get3A_98 = vector.load %arg3[%get3A_95, %get3A_96, %get3A_97] : memref<16x128x64xbf16, #tpu.memory_space<vmem>>, vector<1x128x64xbf16>
    %get3A_99 = vector.shape_cast %get3A_98 : vector<1x128x64xbf16> to vector<128x64xbf16>
    %dot_general3A_100 = arith.constant dense<0.000000e+00> : vector<3200x64xf32>
    %dot_general3A_101 = tpu.matmul %convert_element_type3A, %get3A_99, %dot_general3A_100 {dimension_numbers = #tpu.dot_dimension_numbers<[1], [0], [0], [1], [0, 0, 1, 1], [], []>, transpose_lhs_hint = false} : vector<3200x128xbf16>, vector<128x64xbf16>, vector<3200x64xf32> -> vector<3200x64xf32>
    %mul3A_102 = vector.broadcast %slice3A_94 : vector<3200x1xf32> to vector<3200x64xf32>
    %mul3A_103 = arith.mulf %mul3A_102, %dot_general3A_101 : vector<3200x64xf32>
    %add3A_104 = arith.addf %add3A_93, %mul3A_103 : vector<3200x64xf32>
    %slice3A_105 = vector.extract_strided_slice %get3A_4 {offsets = [0, 9], sizes = [3200, 1], strides = [1, 1]} : vector<3200x16xf32> to vector<3200x1xf32>
    %get3A_106 = arith.constant 9 : index
    %get3A_107 = arith.constant 0 : index
    %get3A_108 = arith.constant 0 : index
    %get3A_109 = vector.load %arg3[%get3A_106, %get3A_107, %get3A_108] : memref<16x128x64xbf16, #tpu.memory_space<vmem>>, vector<1x128x64xbf16>
    %get3A_110 = vector.shape_cast %get3A_109 : vector<1x128x64xbf16> to vector<128x64xbf16>
    %dot_general3A_111 = arith.constant dense<0.000000e+00> : vector<3200x64xf32>
    %dot_general3A_112 = tpu.matmul %convert_element_type3A, %get3A_110, %dot_general3A_111 {dimension_numbers = #tpu.dot_dimension_numbers<[1], [0], [0], [1], [0, 0, 1, 1], [], []>, transpose_lhs_hint = false} : vector<3200x128xbf16>, vector<128x64xbf16>, vector<3200x64xf32> -> vector<3200x64xf32>
    %mul3A_113 = vector.broadcast %slice3A_105 : vector<3200x1xf32> to vector<3200x64xf32>
    %mul3A_114 = arith.mulf %mul3A_113, %dot_general3A_112 : vector<3200x64xf32>
    %add3A_115 = arith.addf %add3A_104, %mul3A_114 : vector<3200x64xf32>
    %slice3A_116 = vector.extract_strided_slice %get3A_4 {offsets = [0, 10], sizes = [3200, 1], strides = [1, 1]} : vector<3200x16xf32> to vector<3200x1xf32>
    %get3A_117 = arith.constant 10 : index
    %get3A_118 = arith.constant 0 : index
    %get3A_119 = arith.constant 0 : index
    %get3A_120 = vector.load %arg3[%get3A_117, %get3A_118, %get3A_119] : memref<16x128x64xbf16, #tpu.memory_space<vmem>>, vector<1x128x64xbf16>
    %get3A_121 = vector.shape_cast %get3A_120 : vector<1x128x64xbf16> to vector<128x64xbf16>
    %dot_general3A_122 = arith.constant dense<0.000000e+00> : vector<3200x64xf32>
    %dot_general3A_123 = tpu.matmul %convert_element_type3A, %get3A_121, %dot_general3A_122 {dimension_numbers = #tpu.dot_dimension_numbers<[1], [0], [0], [1], [0, 0, 1, 1], [], []>, transpose_lhs_hint = false} : vector<3200x128xbf16>, vector<128x64xbf16>, vector<3200x64xf32> -> vector<3200x64xf32>
    %mul3A_124 = vector.broadcast %slice3A_116 : vector<3200x1xf32> to vector<3200x64xf32>
    %mul3A_125 = arith.mulf %mul3A_124, %dot_general3A_123 : vector<3200x64xf32>
    %add3A_126 = arith.addf %add3A_115, %mul3A_125 : vector<3200x64xf32>
    %slice3A_127 = vector.extract_strided_slice %get3A_4 {offsets = [0, 11], sizes = [3200, 1], strides = [1, 1]} : vector<3200x16xf32> to vector<3200x1xf32>
    %get3A_128 = arith.constant 11 : index
    %get3A_129 = arith.constant 0 : index
    %get3A_130 = arith.constant 0 : index
    %get3A_131 = vector.load %arg3[%get3A_128, %get3A_129, %get3A_130] : memref<16x128x64xbf16, #tpu.memory_space<vmem>>, vector<1x128x64xbf16>
    %get3A_132 = vector.shape_cast %get3A_131 : vector<1x128x64xbf16> to vector<128x64xbf16>
    %dot_general3A_133 = arith.constant dense<0.000000e+00> : vector<3200x64xf32>
    %dot_general3A_134 = tpu.matmul %convert_element_type3A, %get3A_132, %dot_general3A_133 {dimension_numbers = #tpu.dot_dimension_numbers<[1], [0], [0], [1], [0, 0, 1, 1], [], []>, transpose_lhs_hint = false} : vector<3200x128xbf16>, vector<128x64xbf16>, vector<3200x64xf32> -> vector<3200x64xf32>
    %mul3A_135 = vector.broadcast %slice3A_127 : vector<3200x1xf32> to vector<3200x64xf32>
    %mul3A_136 = arith.mulf %mul3A_135, %dot_general3A_134 : vector<3200x64xf32>
    %add3A_137 = arith.addf %add3A_126, %mul3A_136 : vector<3200x64xf32>
    %slice3A_138 = vector.extract_strided_slice %get3A_4 {offsets = [0, 12], sizes = [3200, 1], strides = [1, 1]} : vector<3200x16xf32> to vector<3200x1xf32>
    %get3A_139 = arith.constant 12 : index
    %get3A_140 = arith.constant 0 : index
    %get3A_141 = arith.constant 0 : index
    %get3A_142 = vector.load %arg3[%get3A_139, %get3A_140, %get3A_141] : memref<16x128x64xbf16, #tpu.memory_space<vmem>>, vector<1x128x64xbf16>
    %get3A_143 = vector.shape_cast %get3A_142 : vector<1x128x64xbf16> to vector<128x64xbf16>
    %dot_general3A_144 = arith.constant dense<0.000000e+00> : vector<3200x64xf32>
    %dot_general3A_145 = tpu.matmul %convert_element_type3A, %get3A_143, %dot_general3A_144 {dimension_numbers = #tpu.dot_dimension_numbers<[1], [0], [0], [1], [0, 0, 1, 1], [], []>, transpose_lhs_hint = false} : vector<3200x128xbf16>, vector<128x64xbf16>, vector<3200x64xf32> -> vector<3200x64xf32>
    %mul3A_146 = vector.broadcast %slice3A_138 : vector<3200x1xf32> to vector<3200x64xf32>
    %mul3A_147 = arith.mulf %mul3A_146, %dot_general3A_145 : vector<3200x64xf32>
    %add3A_148 = arith.addf %add3A_137, %mul3A_147 : vector<3200x64xf32>
    %slice3A_149 = vector.extract_strided_slice %get3A_4 {offsets = [0, 13], sizes = [3200, 1], strides = [1, 1]} : vector<3200x16xf32> to vector<3200x1xf32>
    %get3A_150 = arith.constant 13 : index
    %get3A_151 = arith.constant 0 : index
    %get3A_152 = arith.constant 0 : index
    %get3A_153 = vector.load %arg3[%get3A_150, %get3A_151, %get3A_152] : memref<16x128x64xbf16, #tpu.memory_space<vmem>>, vector<1x128x64xbf16>
    %get3A_154 = vector.shape_cast %get3A_153 : vector<1x128x64xbf16> to vector<128x64xbf16>
    %dot_general3A_155 = arith.constant dense<0.000000e+00> : vector<3200x64xf32>
    %dot_general3A_156 = tpu.matmul %convert_element_type3A, %get3A_154, %dot_general3A_155 {dimension_numbers = #tpu.dot_dimension_numbers<[1], [0], [0], [1], [0, 0, 1, 1], [], []>, transpose_lhs_hint = false} : vector<3200x128xbf16>, vector<128x64xbf16>, vector<3200x64xf32> -> vector<3200x64xf32>
    %mul3A_157 = vector.broadcast %slice3A_149 : vector<3200x1xf32> to vector<3200x64xf32>
    %mul3A_158 = arith.mulf %mul3A_157, %dot_general3A_156 : vector<3200x64xf32>
    %add3A_159 = arith.addf %add3A_148, %mul3A_158 : vector<3200x64xf32>
    %slice3A_160 = vector.extract_strided_slice %get3A_4 {offsets = [0, 14], sizes = [3200, 1], strides = [1, 1]} : vector<3200x16xf32> to vector<3200x1xf32>
    %get3A_161 = arith.constant 14 : index
    %get3A_162 = arith.constant 0 : index
    %get3A_163 = arith.constant 0 : index
    %get3A_164 = vector.load %arg3[%get3A_161, %get3A_162, %get3A_163] : memref<16x128x64xbf16, #tpu.memory_space<vmem>>, vector<1x128x64xbf16>
    %get3A_165 = vector.shape_cast %get3A_164 : vector<1x128x64xbf16> to vector<128x64xbf16>
    %dot_general3A_166 = arith.constant dense<0.000000e+00> : vector<3200x64xf32>
    %dot_general3A_167 = tpu.matmul %convert_element_type3A, %get3A_165, %dot_general3A_166 {dimension_numbers = #tpu.dot_dimension_numbers<[1], [0], [0], [1], [0, 0, 1, 1], [], []>, transpose_lhs_hint = false} : vector<3200x128xbf16>, vector<128x64xbf16>, vector<3200x64xf32> -> vector<3200x64xf32>
    %mul3A_168 = vector.broadcast %slice3A_160 : vector<3200x1xf32> to vector<3200x64xf32>
    %mul3A_169 = arith.mulf %mul3A_168, %dot_general3A_167 : vector<3200x64xf32>
    %add3A_170 = arith.addf %add3A_159, %mul3A_169 : vector<3200x64xf32>
    %slice3A_171 = vector.extract_strided_slice %get3A_4 {offsets = [0, 15], sizes = [3200, 1], strides = [1, 1]} : vector<3200x16xf32> to vector<3200x1xf32>
    %get3A_172 = arith.constant 15 : index
    %get3A_173 = arith.constant 0 : index
    %get3A_174 = arith.constant 0 : index
    %get3A_175 = vector.load %arg3[%get3A_172, %get3A_173, %get3A_174] : memref<16x128x64xbf16, #tpu.memory_space<vmem>>, vector<1x128x64xbf16>
    %get3A_176 = vector.shape_cast %get3A_175 : vector<1x128x64xbf16> to vector<128x64xbf16>
    %dot_general3A_177 = arith.constant dense<0.000000e+00> : vector<3200x64xf32>
    %dot_general3A_178 = tpu.matmul %convert_element_type3A, %get3A_176, %dot_general3A_177 {dimension_numbers = #tpu.dot_dimension_numbers<[1], [0], [0], [1], [0, 0, 1, 1], [], []>, transpose_lhs_hint = false} : vector<3200x128xbf16>, vector<128x64xbf16>, vector<3200x64xf32> -> vector<3200x64xf32>
    %mul3A_179 = vector.broadcast %slice3A_171 : vector<3200x1xf32> to vector<3200x64xf32>
    %mul3A_180 = arith.mulf %mul3A_179, %dot_general3A_178 : vector<3200x64xf32>
    %add3A_181 = arith.addf %add3A_170, %mul3A_180 : vector<3200x64xf32>
    %get3A_182 = arith.constant 0 : index
    %get3A_183 = arith.constant 0 : index
    %get3A_184 = vector.load %arg5[%get3A_182, %get3A_183] : memref<1x1xf32, #tpu.memory_space<vmem>>, vector<1x1xf32>
    %get3A_185 = vector.extract %get3A_184[0, 0] : f32 from vector<1x1xf32>
    %add3A_186 = arith.constant 1.000000e+00 : f32
    %add3A_187 = arith.addf %add3A_186, %get3A_185 : f32
    %mul3A_188 = vector.broadcast %add3A_187 : f32 to vector<3200x64xf32>
    %mul3A_189 = arith.mulf %mul3A_188, %add3A_181 : vector<3200x64xf32>
    %broadcast_in_dim3A = arith.constant 0.000000e+00 : f32
    %broadcast_in_dim3A_190 = vector.broadcast %broadcast_in_dim3A : f32 to vector<3200x64xf32>
    %concatenate3A = tpu.concatenate %mul3A_189, %broadcast_in_dim3A_190 in 1 : vector<3200x64xf32>, vector<3200x64xf32> -> vector<3200x128xf32>
    %swap3A = arith.constant 0 : index
    %swap3A_191 = arith.constant 0 : index
    %swap3A_192 = vector.load %arg6[%swap3A, %swap3A_191] : memref<3200x128xf32, #tpu.memory_space<vmem>>, vector<3200x128xf32>
    tpu.vector_store %arg6[%swap3A, %swap3A_191], %concatenate3A {strides = array<i32>} : memref<3200x128xf32, #tpu.memory_space<vmem>>, vector<3200x128xf32>,
    return
  }
  func.func @transform_0(%arg0: i32) -> (i32, i32) {
    %add3A = arith.constant 0 : i32
    %add3A_0 = arith.addi %arg0, %add3A : i32
    %c0_i32 = arith.constant 0 : i32
    %c0_i32_1 = arith.constant 0 : i32
    return %add3A_0, %c0_i32 : i32, i32
  }
  func.func @transform_1(%arg0: i32) -> (i32, i32) {
    %add3A = arith.constant 0 : i32
    %add3A_0 = arith.addi %arg0, %add3A : i32
    %c0_i32 = arith.constant 0 : i32
    %c0_i32_1 = arith.constant 0 : i32
    return %add3A_0, %c0_i32 : i32, i32
  }
  func.func @transform_2(%arg0: i32) -> (i32, i32, i32) {
    %c0_i32 = arith.constant 0 : i32
    %c0_i32_0 = arith.constant 0 : i32
    %c0_i32_1 = arith.constant 0 : i32
    %c0_i32_2 = arith.constant 0 : i32
    return %c0_i32, %c0_i32_0, %c0_i32_1 : i32, i32, i32
  }
  func.func @transform_3(%arg0: i32) -> (i32, i32) {
    %c0_i32 = arith.constant 0 : i32
    %c0_i32_0 = arith.constant 0 : i32
    %c0_i32_1 = arith.constant 0 : i32
    return %c0_i32, %c0_i32_0 : i32, i32
  }
  func.func @transform_4(%arg0: i32) -> (i32, i32) {
    %c0_i32 = arith.constant 0 : i32
    %c0_i32_0 = arith.constant 0 : i32
    %c0_i32_1 = arith.constant 0 : i32
    return %c0_i32, %c0_i32_0 : i32, i32
  }
  func.func @transform_5(%arg0: i32) -> (i32, i32) {
    %c0_i32 = arith.constant 0 : i32
    %c0_i32_0 = arith.constant 0 : i32
    return %arg0, %c0_i32 : i32, i32
  }
}

module attributes {stable_mosaic.version = 14 : i64} {
  func.func @_msg_body(%arg0: i32, %arg1: memref<3200x128xf32, #tpu.memory_space<vmem>>, %arg2: memref<3200x16xf32, #tpu.memory_space<vmem>>, %arg3: memref<16x128x64xbf16, #tpu.memory_space<vmem>>, %arg4: memref<128x64xbf16, #tpu.memory_space<vmem>>, %arg5: memref<1x1xf32, #tpu.memory_space<vmem>>, %arg6: memref<3200x128xf32, #tpu.memory_space<vmem>>) attributes {dimension_semantics = [#tpu.dimension_semantics<arbitrary>], iteration_bounds = array<i64: 15>, scalar_prefetch = 0 : i64, scratch_operands = 0 : i64, tpu.core_type = #tpu.core_type<tc>, window_params = [{transform_indices = @transform_0, window_bounds = array<i64: 3200, 128>}, {transform_indices = @transform_1, window_bounds = array<i64: 3200, 16>}, {pipeline_mode = #tpu.pipeline_mode<synchronous>, transform_indices = @transform_2, window_bounds = array<i64: 16, 128, 64>}, {pipeline_mode = #tpu.pipeline_mode<synchronous>, transform_indices = @transform_3, window_bounds = array<i64: 128, 64>}, {pipeline_mode = #tpu.pipeline_mode<synchronous>, transform_indices = @transform_4, window_bounds = array<i64: 1, 1>}, {transform_indices = @transform_5, window_bounds = array<i64: 3200, 128>}]} {
    %get3A = arith.constant 0 : index
    %get3A_0 = arith.constant 0 : index
    %get3A_1 = vector.load %arg1[%get3A, %get3A_0] : memref<3200x128xf32, #tpu.memory_space<vmem>>, vector<3200x128xf32>
    %convert_element_type3A = arith.truncf %get3A_1 : vector<3200x128xf32> to vector<3200x128xbf16>
    %get3A_2 = arith.constant 0 : index
    %get3A_3 = arith.constant 0 : index
    %get3A_4 = vector.load %arg2[%get3A_2, %get3A_3] : memref<3200x16xf32, #tpu.memory_space<vmem>>, vector<3200x16xf32>
    %get3A_5 = arith.constant 0 : index
    %get3A_6 = arith.constant 0 : index
    %get3A_7 = vector.load %arg4[%get3A_5, %get3A_6] : memref<128x64xbf16, #tpu.memory_space<vmem>>, vector<128x64xbf16>
    %dot_general3A = arith.constant dense<0.000000e+00> : vector<3200x64xf32>
    %dot_general3A_8 = tpu.matmul %convert_element_type3A, %get3A_7, %dot_general3A {dimension_numbers = #tpu.dot_dimension_numbers<[1], [0], [0], [1], [0, 0, 1, 1], [], []>, transpose_lhs_hint = false} : vector<3200x128xbf16>, vector<128x64xbf16>, vector<3200x64xf32> -> vector<3200x64xf32>
    %slice3A = vector.extract_strided_slice %get3A_4 {offsets = [0, 0], sizes = [3200, 1], strides = [1, 1]} : vector<3200x16xf32> to vector<3200x1xf32>
    %get3A_9 = arith.constant 0 : index
    %get3A_10 = arith.constant 0 : index
    %get3A_11 = arith.constant 0 : index
    %get3A_12 = vector.load %arg3[%get3A_9, %get3A_10, %get3A_11] : memref<16x128x64xbf16, #tpu.memory_space<vmem>>, vector<1x128x64xbf16>
    %get3A_13 = vector.shape_cast %get3A_12 : vector<1x128x64xbf16> to vector<128x64xbf16>
    %dot_general3A_14 = arith.constant dense<0.000000e+00> : vector<3200x64xf32>
    %dot_general3A_15 = tpu.matmul %convert_element_type3A, %get3A_13, %dot_general3A_14 {dimension_numbers = #tpu.dot_dimension_numbers<[1], [0], [0], [1], [0, 0, 1, 1], [], []>, transpose_lhs_hint = false} : vector<3200x128xbf16>, vector<128x64xbf16>, vector<3200x64xf32> -> vector<3200x64xf32>
    %mul3A = vector.broadcast %slice3A : vector<3200x1xf32> to vector<3200x64xf32>
    %mul3A_16 = arith.mulf %mul3A, %dot_general3A_15 : vector<3200x64xf32>
    %add3A = arith.addf %dot_general3A_8, %mul3A_16 : vector<3200x64xf32>
    %slice3A_17 = vector.extract_strided_slice %get3A_4 {offsets = [0, 1], sizes = [3200, 1], strides = [1, 1]} : vector<3200x16xf32> to vector<3200x1xf32>
    %get3A_18 = arith.constant 1 : index
    %get3A_19 = arith.constant 0 : index
    %get3A_20 = arith.constant 0 : index
    %get3A_21 = vector.load %arg3[%get3A_18, %get3A_19, %get3A_20] : memref<16x128x64xbf16, #tpu.memory_space<vmem>>, vector<1x128x64xbf16>
    %get3A_22 = vector.shape_cast %get3A_21 : vector<1x128x64xbf16> to vector<128x64xbf16>
    %dot_general3A_23 = arith.constant dense<0.000000e+00> : vector<3200x64xf32>
    %dot_general3A_24 = tpu.matmul %convert_element_type3A, %get3A_22, %dot_general3A_23 {dimension_numbers = #tpu.dot_dimension_numbers<[1], [0], [0], [1], [0, 0, 1, 1], [], []>, transpose_lhs_hint = false} : vector<3200x128xbf16>, vector<128x64xbf16>, vector<3200x64xf32> -> vector<3200x64xf32>
    %mul3A_25 = vector.broadcast %slice3A_17 : vector<3200x1xf32> to vector<3200x64xf32>
    %mul3A_26 = arith.mulf %mul3A_25, %dot_general3A_24 : vector<3200x64xf32>
    %add3A_27 = arith.addf %add3A, %mul3A_26 : vector<3200x64xf32>
    %slice3A_28 = vector.extract_strided_slice %get3A_4 {offsets = [0, 2], sizes = [3200, 1], strides = [1, 1]} : vector<3200x16xf32> to vector<3200x1xf32>
    %get3A_29 = arith.constant 2 : index
    %get3A_30 = arith.constant 0 : index
    %get3A_31 = arith.constant 0 : index
    %get3A_32 = vector.load %arg3[%get3A_29, %get3A_30, %get3A_31] : memref<16x128x64xbf16, #tpu.memory_space<vmem>>, vector<1x128x64xbf16>
    %get3A_33 = vector.shape_cast %get3A_32 : vector<1x128x64xbf16> to vector<128x64xbf16>
    %dot_general3A_34 = arith.constant dense<0.000000e+00> : vector<3200x64xf32>
    %dot_general3A_35 = tpu.matmul %convert_element_type3A, %get3A_33, %dot_general3A_34 {dimension_numbers = #tpu.dot_dimension_numbers<[1], [0], [0], [1], [0, 0, 1, 1], [], []>, transpose_lhs_hint = false} : vector<3200x128xbf16>, vector<128x64xbf16>, vector<3200x64xf32> -> vector<3200x64xf32>
    %mul3A_36 = vector.broadcast %slice3A_28 : vector<3200x1xf32> to vector<3200x64xf32>
    %mul3A_37 = arith.mulf %mul3A_36, %dot_general3A_35 : vector<3200x64xf32>
    %add3A_38 = arith.addf %add3A_27, %mul3A_37 : vector<3200x64xf32>
    %slice3A_39 = vector.extract_strided_slice %get3A_4 {offsets = [0, 3], sizes = [3200, 1], strides = [1, 1]} : vector<3200x16xf32> to vector<3200x1xf32>
    %get3A_40 = arith.constant 3 : index
    %get3A_41 = arith.constant 0 : index
    %get3A_42 = arith.constant 0 : index
    %get3A_43 = vector.load %arg3[%get3A_40, %get3A_41, %get3A_42] : memref<16x128x64xbf16, #tpu.memory_space<vmem>>, vector<1x128x64xbf16>
    %get3A_44 = vector.shape_cast %get3A_43 : vector<1x128x64xbf16> to vector<128x64xbf16>
    %dot_general3A_45 = arith.constant dense<0.000000e+00> : vector<3200x64xf32>
    %dot_general3A_46 = tpu.matmul %convert_element_type3A, %get3A_44, %dot_general3A_45 {dimension_numbers = #tpu.dot_dimension_numbers<[1], [0], [0], [1], [0, 0, 1, 1], [], []>, transpose_lhs_hint = false} : vector<3200x128xbf16>, vector<128x64xbf16>, vector<3200x64xf32> -> vector<3200x64xf32>
    %mul3A_47 = vector.broadcast %slice3A_39 : vector<3200x1xf32> to vector<3200x64xf32>
    %mul3A_48 = arith.mulf %mul3A_47, %dot_general3A_46 : vector<3200x64xf32>
    %add3A_49 = arith.addf %add3A_38, %mul3A_48 : vector<3200x64xf32>
    %slice3A_50 = vector.extract_strided_slice %get3A_4 {offsets = [0, 4], sizes = [3200, 1], strides = [1, 1]} : vector<3200x16xf32> to vector<3200x1xf32>
    %get3A_51 = arith.constant 4 : index
    %get3A_52 = arith.constant 0 : index
    %get3A_53 = arith.constant 0 : index
    %get3A_54 = vector.load %arg3[%get3A_51, %get3A_52, %get3A_53] : memref<16x128x64xbf16, #tpu.memory_space<vmem>>, vector<1x128x64xbf16>
    %get3A_55 = vector.shape_cast %get3A_54 : vector<1x128x64xbf16> to vector<128x64xbf16>
    %dot_general3A_56 = arith.constant dense<0.000000e+00> : vector<3200x64xf32>
    %dot_general3A_57 = tpu.matmul %convert_element_type3A, %get3A_55, %dot_general3A_56 {dimension_numbers = #tpu.dot_dimension_numbers<[1], [0], [0], [1], [0, 0, 1, 1], [], []>, transpose_lhs_hint = false} : vector<3200x128xbf16>, vector<128x64xbf16>, vector<3200x64xf32> -> vector<3200x64xf32>
    %mul3A_58 = vector.broadcast %slice3A_50 : vector<3200x1xf32> to vector<3200x64xf32>
    %mul3A_59 = arith.mulf %mul3A_58, %dot_general3A_57 : vector<3200x64xf32>
    %add3A_60 = arith.addf %add3A_49, %mul3A_59 : vector<3200x64xf32>
    %slice3A_61 = vector.extract_strided_slice %get3A_4 {offsets = [0, 5], sizes = [3200, 1], strides = [1, 1]} : vector<3200x16xf32> to vector<3200x1xf32>
    %get3A_62 = arith.constant 5 : index
    %get3A_63 = arith.constant 0 : index
    %get3A_64 = arith.constant 0 : index
    %get3A_65 = vector.load %arg3[%get3A_62, %get3A_63, %get3A_64] : memref<16x128x64xbf16, #tpu.memory_space<vmem>>, vector<1x128x64xbf16>
    %get3A_66 = vector.shape_cast %get3A_65 : vector<1x128x64xbf16> to vector<128x64xbf16>
    %dot_general3A_67 = arith.constant dense<0.000000e+00> : vector<3200x64xf32>
    %dot_general3A_68 = tpu.matmul %convert_element_type3A, %get3A_66, %dot_general3A_67 {dimension_numbers = #tpu.dot_dimension_numbers<[1], [0], [0], [1], [0, 0, 1, 1], [], []>, transpose_lhs_hint = false} : vector<3200x128xbf16>, vector<128x64xbf16>, vector<3200x64xf32> -> vector<3200x64xf32>
    %mul3A_69 = vector.broadcast %slice3A_61 : vector<3200x1xf32> to vector<3200x64xf32>
    %mul3A_70 = arith.mulf %mul3A_69, %dot_general3A_68 : vector<3200x64xf32>
    %add3A_71 = arith.addf %add3A_60, %mul3A_70 : vector<3200x64xf32>
    %slice3A_72 = vector.extract_strided_slice %get3A_4 {offsets = [0, 6], sizes = [3200, 1], strides = [1, 1]} : vector<3200x16xf32> to vector<3200x1xf32>
    %get3A_73 = arith.constant 6 : index
    %get3A_74 = arith.constant 0 : index
    %get3A_75 = arith.constant 0 : index
    %get3A_76 = vector.load %arg3[%get3A_73, %get3A_74, %get3A_75] : memref<16x128x64xbf16, #tpu.memory_space<vmem>>, vector<1x128x64xbf16>
    %get3A_77 = vector.shape_cast %get3A_76 : vector<1x128x64xbf16> to vector<128x64xbf16>
    %dot_general3A_78 = arith.constant dense<0.000000e+00> : vector<3200x64xf32>
    %dot_general3A_79 = tpu.matmul %convert_element_type3A, %get3A_77, %dot_general3A_78 {dimension_numbers = #tpu.dot_dimension_numbers<[1], [0], [0], [1], [0, 0, 1, 1], [], []>, transpose_lhs_hint = false} : vector<3200x128xbf16>, vector<128x64xbf16>, vector<3200x64xf32> -> vector<3200x64xf32>
    %mul3A_80 = vector.broadcast %slice3A_72 : vector<3200x1xf32> to vector<3200x64xf32>
    %mul3A_81 = arith.mulf %mul3A_80, %dot_general3A_79 : vector<3200x64xf32>
    %add3A_82 = arith.addf %add3A_71, %mul3A_81 : vector<3200x64xf32>
    %slice3A_83 = vector.extract_strided_slice %get3A_4 {offsets = [0, 7], sizes = [3200, 1], strides = [1, 1]} : vector<3200x16xf32> to vector<3200x1xf32>
    %get3A_84 = arith.constant 7 : index
    %get3A_85 = arith.constant 0 : index
    %get3A_86 = arith.constant 0 : index
    %get3A_87 = vector.load %arg3[%get3A_84, %get3A_85, %get3A_86] : memref<16x128x64xbf16, #tpu.memory_space<vmem>>, vector<1x128x64xbf16>
    %get3A_88 = vector.shape_cast %get3A_87 : vector<1x128x64xbf16> to vector<128x64xbf16>
    %dot_general3A_89 = arith.constant dense<0.000000e+00> : vector<3200x64xf32>
    %dot_general3A_90 = tpu.matmul %convert_element_type3A, %get3A_88, %dot_general3A_89 {dimension_numbers = #tpu.dot_dimension_numbers<[1], [0], [0], [1], [0, 0, 1, 1], [], []>, transpose_lhs_hint = false} : vector<3200x128xbf16>, vector<128x64xbf16>, vector<3200x64xf32> -> vector<3200x64xf32>
    %mul3A_91 = vector.broadcast %slice3A_83 : vector<3200x1xf32> to vector<3200x64xf32>
    %mul3A_92 = arith.mulf %mul3A_91, %dot_general3A_90 : vector<3200x64xf32>
    %add3A_93 = arith.addf %add3A_82, %mul3A_92 : vector<3200x64xf32>
    %slice3A_94 = vector.extract_strided_slice %get3A_4 {offsets = [0, 8], sizes = [3200, 1], strides = [1, 1]} : vector<3200x16xf32> to vector<3200x1xf32>
    %get3A_95 = arith.constant 8 : index
    %get3A_96 = arith.constant 0 : index
    %get3A_97 = arith.constant 0 : index
    %get3A_98 = vector.load %arg3[%get3A_95, %get3A_96, %get3A_97] : memref<16x128x64xbf16, #tpu.memory_space<vmem>>, vector<1x128x64xbf16>
    %get3A_99 = vector.shape_cast %get3A_98 : vector<1x128x64xbf16> to vector<128x64xbf16>
    %dot_general3A_100 = arith.constant dense<0.000000e+00> : vector<3200x64xf32>
    %dot_general3A_101 = tpu.matmul %convert_element_type3A, %get3A_99, %dot_general3A_100 {dimension_numbers = #tpu.dot_dimension_numbers<[1], [0], [0], [1], [0, 0, 1, 1], [], []>, transpose_lhs_hint = false} : vector<3200x128xbf16>, vector<128x64xbf16>, vector<3200x64xf32> -> vector<3200x64xf32>
    %mul3A_102 = vector.broadcast %slice3A_94 : vector<3200x1xf32> to vector<3200x64xf32>
    %mul3A_103 = arith.mulf %mul3A_102, %dot_general3A_101 : vector<3200x64xf32>
    %add3A_104 = arith.addf %add3A_93, %mul3A_103 : vector<3200x64xf32>
    %slice3A_105 = vector.extract_strided_slice %get3A_4 {offsets = [0, 9], sizes = [3200, 1], strides = [1, 1]} : vector<3200x16xf32> to vector<3200x1xf32>
    %get3A_106 = arith.constant 9 : index
    %get3A_107 = arith.constant 0 : index
    %get3A_108 = arith.constant 0 : index
    %get3A_109 = vector.load %arg3[%get3A_106, %get3A_107, %get3A_108] : memref<16x128x64xbf16, #tpu.memory_space<vmem>>, vector<1x128x64xbf16>
    %get3A_110 = vector.shape_cast %get3A_109 : vector<1x128x64xbf16> to vector<128x64xbf16>
    %dot_general3A_111 = arith.constant dense<0.000000e+00> : vector<3200x64xf32>
    %dot_general3A_112 = tpu.matmul %convert_element_type3A, %get3A_110, %dot_general3A_111 {dimension_numbers = #tpu.dot_dimension_numbers<[1], [0], [0], [1], [0, 0, 1, 1], [], []>, transpose_lhs_hint = false} : vector<3200x128xbf16>, vector<128x64xbf16>, vector<3200x64xf32> -> vector<3200x64xf32>
    %mul3A_113 = vector.broadcast %slice3A_105 : vector<3200x1xf32> to vector<3200x64xf32>
    %mul3A_114 = arith.mulf %mul3A_113, %dot_general3A_112 : vector<3200x64xf32>
    %add3A_115 = arith.addf %add3A_104, %mul3A_114 : vector<3200x64xf32>
    %slice3A_116 = vector.extract_strided_slice %get3A_4 {offsets = [0, 10], sizes = [3200, 1], strides = [1, 1]} : vector<3200x16xf32> to vector<3200x1xf32>
    %get3A_117 = arith.constant 10 : index
    %get3A_118 = arith.constant 0 : index
    %get3A_119 = arith.constant 0 : index
    %get3A_120 = vector.load %arg3[%get3A_117, %get3A_118, %get3A_119] : memref<16x128x64xbf16, #tpu.memory_space<vmem>>, vector<1x128x64xbf16>
    %get3A_121 = vector.shape_cast %get3A_120 : vector<1x128x64xbf16> to vector<128x64xbf16>
    %dot_general3A_122 = arith.constant dense<0.000000e+00> : vector<3200x64xf32>
    %dot_general3A_123 = tpu.matmul %convert_element_type3A, %get3A_121, %dot_general3A_122 {dimension_numbers = #tpu.dot_dimension_numbers<[1], [0], [0], [1], [0, 0, 1, 1], [], []>, transpose_lhs_hint = false} : vector<3200x128xbf16>, vector<128x64xbf16>, vector<3200x64xf32> -> vector<3200x64xf32>
    %mul3A_124 = vector.broadcast %slice3A_116 : vector<3200x1xf32> to vector<3200x64xf32>
    %mul3A_125 = arith.mulf %mul3A_124, %dot_general3A_123 : vector<3200x64xf32>
    %add3A_126 = arith.addf %add3A_115, %mul3A_125 : vector<3200x64xf32>
    %slice3A_127 = vector.extract_strided_slice %get3A_4 {offsets = [0, 11], sizes = [3200, 1], strides = [1, 1]} : vector<3200x16xf32> to vector<3200x1xf32>
    %get3A_128 = arith.constant 11 : index
    %get3A_129 = arith.constant 0 : index
    %get3A_130 = arith.constant 0 : index
    %get3A_131 = vector.load %arg3[%get3A_128, %get3A_129, %get3A_130] : memref<16x128x64xbf16, #tpu.memory_space<vmem>>, vector<1x128x64xbf16>
    %get3A_132 = vector.shape_cast %get3A_131 : vector<1x128x64xbf16> to vector<128x64xbf16>
    %dot_general3A_133 = arith.constant dense<0.000000e+00> : vector<3200x64xf32>
    %dot_general3A_134 = tpu.matmul %convert_element_type3A, %get3A_132, %dot_general3A_133 {dimension_numbers = #tpu.dot_dimension_numbers<[1], [0], [0], [1], [0, 0, 1, 1], [], []>, transpose_lhs_hint = false} : vector<3200x128xbf16>, vector<128x64xbf16>, vector<3200x64xf32> -> vector<3200x64xf32>
    %mul3A_135 = vector.broadcast %slice3A_127 : vector<3200x1xf32> to vector<3200x64xf32>
    %mul3A_136 = arith.mulf %mul3A_135, %dot_general3A_134 : vector<3200x64xf32>
    %add3A_137 = arith.addf %add3A_126, %mul3A_136 : vector<3200x64xf32>
    %slice3A_138 = vector.extract_strided_slice %get3A_4 {offsets = [0, 12], sizes = [3200, 1], strides = [1, 1]} : vector<3200x16xf32> to vector<3200x1xf32>
    %get3A_139 = arith.constant 12 : index
    %get3A_140 = arith.constant 0 : index
    %get3A_141 = arith.constant 0 : index
    %get3A_142 = vector.load %arg3[%get3A_139, %get3A_140, %get3A_141] : memref<16x128x64xbf16, #tpu.memory_space<vmem>>, vector<1x128x64xbf16>
    %get3A_143 = vector.shape_cast %get3A_142 : vector<1x128x64xbf16> to vector<128x64xbf16>
    %dot_general3A_144 = arith.constant dense<0.000000e+00> : vector<3200x64xf32>
    %dot_general3A_145 = tpu.matmul %convert_element_type3A, %get3A_143, %dot_general3A_144 {dimension_numbers = #tpu.dot_dimension_numbers<[1], [0], [0], [1], [0, 0, 1, 1], [], []>, transpose_lhs_hint = false} : vector<3200x128xbf16>, vector<128x64xbf16>, vector<3200x64xf32> -> vector<3200x64xf32>
    %mul3A_146 = vector.broadcast %slice3A_138 : vector<3200x1xf32> to vector<3200x64xf32>
    %mul3A_147 = arith.mulf %mul3A_146, %dot_general3A_145 : vector<3200x64xf32>
    %add3A_148 = arith.addf %add3A_137, %mul3A_147 : vector<3200x64xf32>
    %slice3A_149 = vector.extract_strided_slice %get3A_4 {offsets = [0, 13], sizes = [3200, 1], strides = [1, 1]} : vector<3200x16xf32> to vector<3200x1xf32>
    %get3A_150 = arith.constant 13 : index
    %get3A_151 = arith.constant 0 : index
    %get3A_152 = arith.constant 0 : index
    %get3A_153 = vector.load %arg3[%get3A_150, %get3A_151, %get3A_152] : memref<16x128x64xbf16, #tpu.memory_space<vmem>>, vector<1x128x64xbf16>
    %get3A_154 = vector.shape_cast %get3A_153 : vector<1x128x64xbf16> to vector<128x64xbf16>
    %dot_general3A_155 = arith.constant dense<0.000000e+00> : vector<3200x64xf32>
    %dot_general3A_156 = tpu.matmul %convert_element_type3A, %get3A_154, %dot_general3A_155 {dimension_numbers = #tpu.dot_dimension_numbers<[1], [0], [0], [1], [0, 0, 1, 1], [], []>, transpose_lhs_hint = false} : vector<3200x128xbf16>, vector<128x64xbf16>, vector<3200x64xf32> -> vector<3200x64xf32>
    %mul3A_157 = vector.broadcast %slice3A_149 : vector<3200x1xf32> to vector<3200x64xf32>
    %mul3A_158 = arith.mulf %mul3A_157, %dot_general3A_156 : vector<3200x64xf32>
    %add3A_159 = arith.addf %add3A_148, %mul3A_158 : vector<3200x64xf32>
    %slice3A_160 = vector.extract_strided_slice %get3A_4 {offsets = [0, 14], sizes = [3200, 1], strides = [1, 1]} : vector<3200x16xf32> to vector<3200x1xf32>
    %get3A_161 = arith.constant 14 : index
    %get3A_162 = arith.constant 0 : index
    %get3A_163 = arith.constant 0 : index
    %get3A_164 = vector.load %arg3[%get3A_161, %get3A_162, %get3A_163] : memref<16x128x64xbf16, #tpu.memory_space<vmem>>, vector<1x128x64xbf16>
    %get3A_165 = vector.shape_cast %get3A_164 : vector<1x128x64xbf16> to vector<128x64xbf16>
    %dot_general3A_166 = arith.constant dense<0.000000e+00> : vector<3200x64xf32>
    %dot_general3A_167 = tpu.matmul %convert_element_type3A, %get3A_165, %dot_general3A_166 {dimension_numbers = #tpu.dot_dimension_numbers<[1], [0], [0], [1], [0, 0, 1, 1], [], []>, transpose_lhs_hint = false} : vector<3200x128xbf16>, vector<128x64xbf16>, vector<3200x64xf32> -> vector<3200x64xf32>
    %mul3A_168 = vector.broadcast %slice3A_160 : vector<3200x1xf32> to vector<3200x64xf32>
    %mul3A_169 = arith.mulf %mul3A_168, %dot_general3A_167 : vector<3200x64xf32>
    %add3A_170 = arith.addf %add3A_159, %mul3A_169 : vector<3200x64xf32>
    %slice3A_171 = vector.extract_strided_slice %get3A_4 {offsets = [0, 15], sizes = [3200, 1], strides = [1, 1]} : vector<3200x16xf32> to vector<3200x1xf32>
    %get3A_172 = arith.constant 15 : index
    %get3A_173 = arith.constant 0 : index
    %get3A_174 = arith.constant 0 : index
    %get3A_175 = vector.load %arg3[%get3A_172, %get3A_173, %get3A_174] : memref<16x128x64xbf16, #tpu.memory_space<vmem>>, vector<1x128x64xbf16>
    %get3A_176 = vector.shape_cast %get3A_175 : vector<1x128x64xbf16> to vector<128x64xbf16>
    %dot_general3A_177 = arith.constant dense<0.000000e+00> : vector<3200x64xf32>
    %dot_general3A_178 = tpu.matmul %convert_element_type3A, %get3A_176, %dot_general3A_177 {dimension_numbers = #tpu.dot_dimension_numbers<[1], [0], [0], [1], [0, 0, 1, 1], [], []>, transpose_lhs_hint = false} : vector<3200x128xbf16>, vector<128x64xbf16>, vector<3200x64xf32> -> vector<3200x64xf32>
    %mul3A_179 = vector.broadcast %slice3A_171 : vector<3200x1xf32> to vector<3200x64xf32>
    %mul3A_180 = arith.mulf %mul3A_179, %dot_general3A_178 : vector<3200x64xf32>
    %add3A_181 = arith.addf %add3A_170, %mul3A_180 : vector<3200x64xf32>
    %get3A_182 = arith.constant 0 : index
    %get3A_183 = arith.constant 0 : index
    %get3A_184 = vector.load %arg5[%get3A_182, %get3A_183] : memref<1x1xf32, #tpu.memory_space<vmem>>, vector<1x1xf32>
    %get3A_185 = vector.extract %get3A_184[0, 0] : f32 from vector<1x1xf32>
    %add3A_186 = arith.constant 1.000000e+00 : f32
    %add3A_187 = arith.addf %add3A_186, %get3A_185 : f32
    %mul3A_188 = vector.broadcast %add3A_187 : f32 to vector<3200x64xf32>
    %mul3A_189 = arith.mulf %mul3A_188, %add3A_181 : vector<3200x64xf32>
    %broadcast_in_dim3A = arith.constant 0.000000e+00 : f32
    %broadcast_in_dim3A_190 = vector.broadcast %broadcast_in_dim3A : f32 to vector<3200x64xf32>
    %concatenate3A = tpu.concatenate %mul3A_189, %broadcast_in_dim3A_190 in 1 : vector<3200x64xf32>, vector<3200x64xf32> -> vector<3200x128xf32>
    %swap3A = arith.constant 0 : index
    %swap3A_191 = arith.constant 0 : index
    %swap3A_192 = vector.load %arg6[%swap3A, %swap3A_191] : memref<3200x128xf32, #tpu.memory_space<vmem>>, vector<3200x128xf32>
    tpu.vector_store %arg6[%swap3A, %swap3A_191], %concatenate3A {strides = array<i32>} : memref<3200x128xf32, #tpu.memory_space<vmem>>, vector<3200x128xf32>,
    return
  }
  func.func @transform_0(%arg0: i32) -> (i32, i32) {
    %add3A = arith.constant 35 : i32
    %add3A_0 = arith.addi %arg0, %add3A : i32
    %c0_i32 = arith.constant 0 : i32
    %c0_i32_1 = arith.constant 0 : i32
    return %add3A_0, %c0_i32 : i32, i32
  }
  func.func @transform_1(%arg0: i32) -> (i32, i32) {
    %add3A = arith.constant 35 : i32
    %add3A_0 = arith.addi %arg0, %add3A : i32
    %c0_i32 = arith.constant 0 : i32
    %c0_i32_1 = arith.constant 0 : i32
    return %add3A_0, %c0_i32 : i32, i32
  }
  func.func @transform_2(%arg0: i32) -> (i32, i32, i32) {
    %c0_i32 = arith.constant 0 : i32
    %c0_i32_0 = arith.constant 0 : i32
    %c0_i32_1 = arith.constant 0 : i32
    %c0_i32_2 = arith.constant 0 : i32
    return %c0_i32, %c0_i32_0, %c0_i32_1 : i32, i32, i32
  }
  func.func @transform_3(%arg0: i32) -> (i32, i32) {
    %c0_i32 = arith.constant 0 : i32
    %c0_i32_0 = arith.constant 0 : i32
    %c0_i32_1 = arith.constant 0 : i32
    return %c0_i32, %c0_i32_0 : i32, i32
  }
  func.func @transform_4(%arg0: i32) -> (i32, i32) {
    %c0_i32 = arith.constant 0 : i32
    %c0_i32_0 = arith.constant 0 : i32
    %c0_i32_1 = arith.constant 0 : i32
    return %c0_i32, %c0_i32_0 : i32, i32
  }
  func.func @transform_5(%arg0: i32) -> (i32, i32) {
    %c0_i32 = arith.constant 0 : i32
    %c0_i32_0 = arith.constant 0 : i32
    return %arg0, %c0_i32 : i32, i32
  }
}

module attributes {stable_mosaic.version = 14 : i64} {
  func.func @_node_body(%arg0: memref<20480x128xf32, #tpu.memory_space<vmem>>, %arg1: memref<20480x128xf32, #tpu.memory_space<vmem>>, %arg2: memref<64x64xf32, #tpu.memory_space<vmem>>, %arg3: memref<1x64xf32, #tpu.memory_space<vmem>>, %arg4: memref<1x64xf32, #tpu.memory_space<vmem>>, %arg5: memref<1x64xf32, #tpu.memory_space<vmem>>, %arg6: memref<64x64xf32, #tpu.memory_space<vmem>>, %arg7: memref<1x64xf32, #tpu.memory_space<vmem>>, %arg8: memref<1x64xf32, #tpu.memory_space<vmem>>, %arg9: memref<1x64xf32, #tpu.memory_space<vmem>>, %arg10: memref<64x64xf32, #tpu.memory_space<vmem>>, %arg11: memref<1x64xf32, #tpu.memory_space<vmem>>, %arg12: memref<64x16xf32, #tpu.memory_space<vmem>>, %arg13: memref<1x16xf32, #tpu.memory_space<vmem>>, %arg14: memref<10000x64xf32, #tpu.memory_space<vmem>>, %arg15: memref<10000x16xf32, #tpu.memory_space<vmem>>) attributes {dimension_semantics = [], scalar_prefetch = 0 : i64, scratch_operands = 0 : i64, tpu.core_type = #tpu.core_type<tc>} {
    %get3A = arith.constant 0 : index
    %get3A_0 = arith.constant 0 : index
    %get3A_1 = vector.load %arg0[%get3A, %get3A_0] : memref<20480x128xf32, #tpu.memory_space<vmem>>, vector<10000x64xf32>
    %get3A_2 = arith.constant 10240 : index
    %get3A_3 = arith.constant 0 : index
    %get3A_4 = vector.load %arg0[%get3A_2, %get3A_3] : memref<20480x128xf32, #tpu.memory_space<vmem>>, vector<10000x64xf32>
    %add3A = arith.addf %get3A_1, %get3A_4 : vector<10000x64xf32>
    %get3A_5 = arith.constant 0 : index
    %get3A_6 = arith.constant 0 : index
    %get3A_7 = vector.load %arg1[%get3A_5, %get3A_6] : memref<20480x128xf32, #tpu.memory_space<vmem>>, vector<10000x64xf32>
    %add3A_8 = arith.addf %add3A, %get3A_7 : vector<10000x64xf32>
    %get3A_9 = arith.constant 10240 : index
    %get3A_10 = arith.constant 0 : index
    %get3A_11 = vector.load %arg1[%get3A_9, %get3A_10] : memref<20480x128xf32, #tpu.memory_space<vmem>>, vector<10000x64xf32>
    %add3A_12 = arith.addf %add3A_8, %get3A_11 : vector<10000x64xf32>
    %get3A_13 = arith.constant 0 : index
    %get3A_14 = arith.constant 0 : index
    %get3A_15 = vector.load %arg2[%get3A_13, %get3A_14] : memref<64x64xf32, #tpu.memory_space<vmem>>, vector<64x64xf32>
    %dot_general3A = arith.constant dense<0.000000e+00> : vector<10000x64xf32>
    %dot_general3A_16 = tpu.matmul %add3A_12, %get3A_15, %dot_general3A {dimension_numbers = #tpu.dot_dimension_numbers<[1], [0], [0], [1], [0, 0, 1, 1], [], []>, transpose_lhs_hint = false} : vector<10000x64xf32>, vector<64x64xf32>, vector<10000x64xf32> -> vector<10000x64xf32>
    %get3A_17 = arith.constant 0 : index
    %get3A_18 = arith.constant 0 : index
    %get3A_19 = vector.load %arg3[%get3A_17, %get3A_18] : memref<1x64xf32, #tpu.memory_space<vmem>>, vector<1x64xf32>
    %add3A_20 = vector.broadcast %get3A_19 : vector<1x64xf32> to vector<10000x64xf32>
    %add3A_21 = arith.addf %dot_general3A_16, %add3A_20 : vector<10000x64xf32>
    %get3A_22 = arith.constant 0 : index
    %get3A_23 = arith.constant 0 : index
    %get3A_24 = vector.load %arg4[%get3A_22, %get3A_23] : memref<1x64xf32, #tpu.memory_space<vmem>>, vector<1x64xf32>
    %get3A_25 = arith.constant 0 : index
    %get3A_26 = arith.constant 0 : index
    %get3A_27 = vector.load %arg5[%get3A_25, %get3A_26] : memref<1x64xf32, #tpu.memory_space<vmem>>, vector<1x64xf32>
    %reduce_sum3A = arith.constant dense<0.000000e+00> : vector<64xf32>
    %reduce_sum3A_28 = vector.multi_reduction <add>, %add3A_21, %reduce_sum3A [0] : vector<10000x64xf32> to vector<64xf32>
    %broadcast_in_dim3A = vector.shape_cast %reduce_sum3A_28 : vector<64xf32> to vector<1x64xf32>
    %div3A = arith.constant 1.000000e+04 : f32
    %div3A_29 = vector.broadcast %div3A : f32 to vector<1x64xf32>
    %div3A_30 = arith.divf %broadcast_in_dim3A, %div3A_29 : vector<1x64xf32>
    %sub3A = vector.broadcast %div3A_30 : vector<1x64xf32> to vector<10000x64xf32>
    %sub3A_31 = arith.subf %add3A_21, %sub3A : vector<10000x64xf32>
    %mul3A = arith.mulf %sub3A_31, %sub3A_31 : vector<10000x64xf32>
    %reduce_sum3A_32 = arith.constant dense<0.000000e+00> : vector<64xf32>
    %reduce_sum3A_33 = vector.multi_reduction <add>, %mul3A, %reduce_sum3A_32 [0] : vector<10000x64xf32> to vector<64xf32>
    %broadcast_in_dim3A_34 = vector.shape_cast %reduce_sum3A_33 : vector<64xf32> to vector<1x64xf32>
    %div3A_35 = arith.constant 1.000000e+04 : f32
    %div3A_36 = vector.broadcast %div3A_35 : f32 to vector<1x64xf32>
    %div3A_37 = arith.divf %broadcast_in_dim3A_34, %div3A_36 : vector<1x64xf32>
    %add3A_38 = arith.constant 9.99999974E-6 : f32
    %add3A_39 = vector.broadcast %add3A_38 : f32 to vector<1x64xf32>
    %add3A_40 = arith.addf %div3A_37, %add3A_39 : vector<1x64xf32>
    %rsqrt3A = math.rsqrt %add3A_40 : vector<1x64xf32>
    %mul3A_41 = vector.broadcast %rsqrt3A : vector<1x64xf32> to vector<10000x64xf32>
    %mul3A_42 = arith.mulf %sub3A_31, %mul3A_41 : vector<10000x64xf32>
    %mul3A_43 = vector.broadcast %get3A_24 : vector<1x64xf32> to vector<10000x64xf32>
    %mul3A_44 = arith.mulf %mul3A_42, %mul3A_43 : vector<10000x64xf32>
    %add3A_45 = vector.broadcast %get3A_27 : vector<1x64xf32> to vector<10000x64xf32>
    %add3A_46 = arith.addf %mul3A_44, %add3A_45 : vector<10000x64xf32>
    %max3A = arith.constant 0.000000e+00 : f32
    %max3A_47 = vector.broadcast %max3A : f32 to vector<10000x64xf32>
    %max3A_48 = arith.maximumf %add3A_46, %max3A_47 : vector<10000x64xf32>
    %get3A_49 = arith.constant 0 : index
    %get3A_50 = arith.constant 0 : index
    %get3A_51 = vector.load %arg6[%get3A_49, %get3A_50] : memref<64x64xf32, #tpu.memory_space<vmem>>, vector<64x64xf32>
    %dot_general3A_52 = arith.constant dense<0.000000e+00> : vector<10000x64xf32>
    %dot_general3A_53 = tpu.matmul %max3A_48, %get3A_51, %dot_general3A_52 {dimension_numbers = #tpu.dot_dimension_numbers<[1], [0], [0], [1], [0, 0, 1, 1], [], []>, transpose_lhs_hint = false} : vector<10000x64xf32>, vector<64x64xf32>, vector<10000x64xf32> -> vector<10000x64xf32>
    %get3A_54 = arith.constant 0 : index
    %get3A_55 = arith.constant 0 : index
    %get3A_56 = vector.load %arg7[%get3A_54, %get3A_55] : memref<1x64xf32, #tpu.memory_space<vmem>>, vector<1x64xf32>
    %add3A_57 = vector.broadcast %get3A_56 : vector<1x64xf32> to vector<10000x64xf32>
    %add3A_58 = arith.addf %dot_general3A_53, %add3A_57 : vector<10000x64xf32>
    %get3A_59 = arith.constant 0 : index
    %get3A_60 = arith.constant 0 : index
    %get3A_61 = vector.load %arg8[%get3A_59, %get3A_60] : memref<1x64xf32, #tpu.memory_space<vmem>>, vector<1x64xf32>
    %get3A_62 = arith.constant 0 : index
    %get3A_63 = arith.constant 0 : index
    %get3A_64 = vector.load %arg9[%get3A_62, %get3A_63] : memref<1x64xf32, #tpu.memory_space<vmem>>, vector<1x64xf32>
    %reduce_sum3A_65 = arith.constant dense<0.000000e+00> : vector<64xf32>
    %reduce_sum3A_66 = vector.multi_reduction <add>, %add3A_58, %reduce_sum3A_65 [0] : vector<10000x64xf32> to vector<64xf32>
    %broadcast_in_dim3A_67 = vector.shape_cast %reduce_sum3A_66 : vector<64xf32> to vector<1x64xf32>
    %div3A_68 = arith.constant 1.000000e+04 : f32
    %div3A_69 = vector.broadcast %div3A_68 : f32 to vector<1x64xf32>
    %div3A_70 = arith.divf %broadcast_in_dim3A_67, %div3A_69 : vector<1x64xf32>
    %sub3A_71 = vector.broadcast %div3A_70 : vector<1x64xf32> to vector<10000x64xf32>
    %sub3A_72 = arith.subf %add3A_58, %sub3A_71 : vector<10000x64xf32>
    %mul3A_73 = arith.mulf %sub3A_72, %sub3A_72 : vector<10000x64xf32>
    %reduce_sum3A_74 = arith.constant dense<0.000000e+00> : vector<64xf32>
    %reduce_sum3A_75 = vector.multi_reduction <add>, %mul3A_73, %reduce_sum3A_74 [0] : vector<10000x64xf32> to vector<64xf32>
    %broadcast_in_dim3A_76 = vector.shape_cast %reduce_sum3A_75 : vector<64xf32> to vector<1x64xf32>
    %div3A_77 = arith.constant 1.000000e+04 : f32
    %div3A_78 = vector.broadcast %div3A_77 : f32 to vector<1x64xf32>
    %div3A_79 = arith.divf %broadcast_in_dim3A_76, %div3A_78 : vector<1x64xf32>
    %add3A_80 = arith.constant 9.99999974E-6 : f32
    %add3A_81 = vector.broadcast %add3A_80 : f32 to vector<1x64xf32>
    %add3A_82 = arith.addf %div3A_79, %add3A_81 : vector<1x64xf32>
    %rsqrt3A_83 = math.rsqrt %add3A_82 : vector<1x64xf32>
    %mul3A_84 = vector.broadcast %rsqrt3A_83 : vector<1x64xf32> to vector<10000x64xf32>
    %mul3A_85 = arith.mulf %sub3A_72, %mul3A_84 : vector<10000x64xf32>
    %mul3A_86 = vector.broadcast %get3A_61 : vector<1x64xf32> to vector<10000x64xf32>
    %mul3A_87 = arith.mulf %mul3A_85, %mul3A_86 : vector<10000x64xf32>
    %add3A_88 = vector.broadcast %get3A_64 : vector<1x64xf32> to vector<10000x64xf32>
    %add3A_89 = arith.addf %mul3A_87, %add3A_88 : vector<10000x64xf32>
    %ge3A = arith.constant 0.000000e+00 : f32
    %ge3A_90 = vector.broadcast %ge3A : f32 to vector<10000x64xf32>
    %ge3A_91 = arith.cmpf oge, %add3A_89, %ge3A_90 : vector<10000x64xf32>
    %mul3A_92 = arith.constant 0.00999999977 : f32
    %mul3A_93 = vector.broadcast %mul3A_92 : f32 to vector<10000x64xf32>
    %mul3A_94 = arith.mulf %mul3A_93, %add3A_89 : vector<10000x64xf32>
    %select_n3A = arith.select %ge3A_91, %add3A_89, %mul3A_94 : vector<10000x64xi1>, vector<10000x64xf32>
    %get3A_95 = arith.constant 0 : index
    %get3A_96 = arith.constant 0 : index
    %get3A_97 = vector.load %arg10[%get3A_95, %get3A_96] : memref<64x64xf32, #tpu.memory_space<vmem>>, vector<64x64xf32>
    %dot_general3A_98 = arith.constant dense<0.000000e+00> : vector<10000x64xf32>
    %dot_general3A_99 = tpu.matmul %select_n3A, %get3A_97, %dot_general3A_98 {dimension_numbers = #tpu.dot_dimension_numbers<[1], [0], [0], [1], [0, 0, 1, 1], [], []>, transpose_lhs_hint = false} : vector<10000x64xf32>, vector<64x64xf32>, vector<10000x64xf32> -> vector<10000x64xf32>
    %get3A_100 = arith.constant 0 : index
    %get3A_101 = arith.constant 0 : index
    %get3A_102 = vector.load %arg11[%get3A_100, %get3A_101] : memref<1x64xf32, #tpu.memory_space<vmem>>, vector<1x64xf32>
    %add3A_103 = vector.broadcast %get3A_102 : vector<1x64xf32> to vector<10000x64xf32>
    %add3A_104 = arith.addf %dot_general3A_99, %add3A_103 : vector<10000x64xf32>
    %swap3A = arith.constant 0 : index
    %swap3A_105 = arith.constant 0 : index
    %swap3A_106 = vector.load %arg14[%swap3A, %swap3A_105] : memref<10000x64xf32, #tpu.memory_space<vmem>>, vector<10000x64xf32>
    tpu.vector_store %arg14[%swap3A, %swap3A_105], %add3A_104 {strides = array<i32>} : memref<10000x64xf32, #tpu.memory_space<vmem>>, vector<10000x64xf32>,
    %get3A_107 = arith.constant 0 : index
    %get3A_108 = arith.constant 0 : index
    %get3A_109 = vector.load %arg12[%get3A_107, %get3A_108] : memref<64x16xf32, #tpu.memory_space<vmem>>, vector<64x16xf32>
    %dot_general3A_110 = arith.constant dense<0.000000e+00> : vector<10000x16xf32>
    %dot_general3A_111 = tpu.matmul %select_n3A, %get3A_109, %dot_general3A_110 {dimension_numbers = #tpu.dot_dimension_numbers<[1], [0], [0], [1], [0, 0, 1, 1], [], []>, transpose_lhs_hint = false} : vector<10000x64xf32>, vector<64x16xf32>, vector<10000x16xf32> -> vector<10000x16xf32>
    %get3A_112 = arith.constant 0 : index
    %get3A_113 = arith.constant 0 : index
    %get3A_114 = vector.load %arg13[%get3A_112, %get3A_113] : memref<1x16xf32, #tpu.memory_space<vmem>>, vector<1x16xf32>
    %add3A_115 = vector.broadcast %get3A_114 : vector<1x16xf32> to vector<10000x16xf32>
    %add3A_116 = arith.addf %dot_general3A_111, %add3A_115 : vector<10000x16xf32>
    %swap3A_117 = arith.constant 0 : index
    %swap3A_118 = arith.constant 0 : index
    %swap3A_119 = vector.load %arg15[%swap3A_117, %swap3A_118] : memref<10000x16xf32, #tpu.memory_space<vmem>>, vector<10000x16xf32>
    tpu.vector_store %arg15[%swap3A_117, %swap3A_118], %add3A_116 {strides = array<i32>} : memref<10000x16xf32, #tpu.memory_space<vmem>>, vector<10000x16xf32>,
    return
  }
}

module attributes {stable_mosaic.version = 14 : i64} {
  func.func @_hein_body(%arg0: i32, %arg1: memref<400x128xf32, #tpu.memory_space<vmem>>, %arg2: memref<400x128xf32, #tpu.memory_space<vmem>>, %arg3: memref<400x128xf32, #tpu.memory_space<vmem>>, %arg4: memref<1x1xf32, #tpu.memory_space<vmem>>, %arg5: memref<400x128xf32, #tpu.memory_space<vmem>>, %arg6: memref<1x128xf32, #tpu.memory_space<vmem>>, %arg7: memref<128x128xf32, #tpu.memory_space<vmem>>) attributes {dimension_semantics = [#tpu.dimension_semantics<arbitrary>], iteration_bounds = array<i64: 50>, scalar_prefetch = 0 : i64, scratch_operands = 0 : i64, tpu.core_type = #tpu.core_type<tc>, window_params = [{transform_indices = @transform_0, window_bounds = array<i64: 400, 128>}, {transform_indices = @transform_1, window_bounds = array<i64: 400, 128>}, {transform_indices = @transform_2, window_bounds = array<i64: 400, 128>}, {pipeline_mode = #tpu.pipeline_mode<synchronous>, transform_indices = @transform_3, window_bounds = array<i64: 1, 1>}, {transform_indices = @transform_4, window_bounds = array<i64: 400, 128>}, {pipeline_mode = #tpu.pipeline_mode<synchronous>, transform_indices = @transform_5, window_bounds = array<i64: 1, 128>}, {pipeline_mode = #tpu.pipeline_mode<synchronous>, transform_indices = @transform_6, window_bounds = array<i64: 128, 128>}]} {
    %get3A = arith.constant 0 : index
    %get3A_0 = arith.constant 0 : index
    %get3A_1 = vector.load %arg4[%get3A, %get3A_0] : memref<1x1xf32, #tpu.memory_space<vmem>>, vector<1x1xf32>
    %get3A_2 = vector.extract %get3A_1[0, 0] : f32 from vector<1x1xf32>
    %add3A = arith.constant 1.000000e+00 : f32
    %add3A_3 = arith.addf %add3A, %get3A_2 : f32
    %get3A_4 = arith.constant 0 : index
    %get3A_5 = arith.constant 0 : index
    %get3A_6 = vector.load %arg1[%get3A_4, %get3A_5] : memref<400x128xf32, #tpu.memory_space<vmem>>, vector<400x128xf32>
    %mul3A = vector.broadcast %add3A_3 : f32 to vector<400x128xf32>
    %mul3A_7 = arith.mulf %mul3A, %get3A_6 : vector<400x128xf32>
    %get3A_8 = arith.constant 0 : index
    %get3A_9 = arith.constant 0 : index
    %get3A_10 = vector.load %arg2[%get3A_8, %get3A_9] : memref<400x128xf32, #tpu.memory_space<vmem>>, vector<400x128xf32>
    %add3A_11 = arith.addf %mul3A_7, %get3A_10 : vector<400x128xf32>
    %get3A_12 = arith.constant 0 : index
    %get3A_13 = arith.constant 0 : index
    %get3A_14 = vector.load %arg3[%get3A_12, %get3A_13] : memref<400x128xf32, #tpu.memory_space<vmem>>, vector<400x128xf32>
    %add3A_15 = arith.addf %add3A_11, %get3A_14 : vector<400x128xf32>
    %swap3A = arith.constant 0 : index
    %swap3A_16 = arith.constant 0 : index
    %swap3A_17 = vector.load %arg5[%swap3A, %swap3A_16] : memref<400x128xf32, #tpu.memory_space<vmem>>, vector<400x128xf32>
    tpu.vector_store %arg5[%swap3A, %swap3A_16], %add3A_15 {strides = array<i32>} : memref<400x128xf32, #tpu.memory_space<vmem>>, vector<400x128xf32>,
    %reduce_sum3A = arith.constant dense<0.000000e+00> : vector<128xf32>
    %reduce_sum3A_18 = vector.multi_reduction <add>, %add3A_15, %reduce_sum3A [0] : vector<400x128xf32> to vector<128xf32>
    %broadcast_in_dim3A = vector.shape_cast %reduce_sum3A_18 : vector<128xf32> to vector<1x128xf32>
    %dot_general3A = arith.constant dense<0.000000e+00> : vector<128x128xf32>
    %dot_general3A_19 = tpu.matmul %add3A_15, %add3A_15, %dot_general3A {dimension_numbers = #tpu.dot_dimension_numbers<[0], [0], [1], [1], [0, 1, 1, 1], [], []>, transpose_lhs_hint = false} : vector<400x128xf32>, vector<400x128xf32>, vector<128x128xf32> -> vector<128x128xf32>
    %eq3A = arith.constant 0 : i32
    %eq3A_20 = arith.cmpi eq, %arg0, %eq3A : i32
    %convert_element_type3A = arith.extui %eq3A_20 : i1 to i32
    %cond3A = arith.constant 0 : i32
    %cond3A_21 = arith.cmpi ne, %convert_element_type3A, %cond3A : i32
    scf.if %cond3A_21 {
      %swap3A_26 = arith.constant 0 : index
      %swap3A_27 = arith.constant 0 : index
      %swap3A_28 = vector.load %arg6[%swap3A_26, %swap3A_27] : memref<1x128xf32, #tpu.memory_space<vmem>>, vector<1x128xf32>
      tpu.vector_store %arg6[%swap3A_26, %swap3A_27], %broadcast_in_dim3A {strides = array<i32>} : memref<1x128xf32, #tpu.memory_space<vmem>>, vector<1x128xf32>,
      %swap3A_29 = arith.constant 0 : index
      %swap3A_30 = arith.constant 0 : index
      %swap3A_31 = vector.load %arg7[%swap3A_29, %swap3A_30] : memref<128x128xf32, #tpu.memory_space<vmem>>, vector<128x128xf32>
      tpu.vector_store %arg7[%swap3A_29, %swap3A_30], %dot_general3A_19 {strides = array<i32>} : memref<128x128xf32, #tpu.memory_space<vmem>>, vector<128x128xf32>,
    } else {
    }
    %gt3A = arith.constant 0 : i32
    %gt3A_22 = arith.cmpi sgt, %arg0, %gt3A : i32
    %convert_element_type3A_23 = arith.extui %gt3A_22 : i1 to i32
    %cond3A_24 = arith.constant 0 : i32
    %cond3A_25 = arith.cmpi ne, %convert_element_type3A_23, %cond3A_24 : i32
    scf.if %cond3A_25 {
      %get3A_26 = arith.constant 0 : index
      %get3A_27 = arith.constant 0 : index
      %get3A_28 = vector.load %arg6[%get3A_26, %get3A_27] : memref<1x128xf32, #tpu.memory_space<vmem>>, vector<1x128xf32>
      %add3A_29 = arith.addf %get3A_28, %broadcast_in_dim3A : vector<1x128xf32>
      %swap3A_30 = arith.constant 0 : index
      %swap3A_31 = arith.constant 0 : index
      %swap3A_32 = vector.load %arg6[%swap3A_30, %swap3A_31] : memref<1x128xf32, #tpu.memory_space<vmem>>, vector<1x128xf32>
      tpu.vector_store %arg6[%swap3A_30, %swap3A_31], %add3A_29 {strides = array<i32>} : memref<1x128xf32, #tpu.memory_space<vmem>>, vector<1x128xf32>,
      %get3A_33 = arith.constant 0 : index
      %get3A_34 = arith.constant 0 : index
      %get3A_35 = vector.load %arg7[%get3A_33, %get3A_34] : memref<128x128xf32, #tpu.memory_space<vmem>>, vector<128x128xf32>
      %add3A_36 = arith.addf %get3A_35, %dot_general3A_19 : vector<128x128xf32>
      %swap3A_37 = arith.constant 0 : index
      %swap3A_38 = arith.constant 0 : index
      %swap3A_39 = vector.load %arg7[%swap3A_37, %swap3A_38] : memref<128x128xf32, #tpu.memory_space<vmem>>, vector<128x128xf32>
      tpu.vector_store %arg7[%swap3A_37, %swap3A_38], %add3A_36 {strides = array<i32>} : memref<128x128xf32, #tpu.memory_space<vmem>>, vector<128x128xf32>,
    } else {
    }
    return
  }
  func.func @transform_0(%arg0: i32) -> (i32, i32) {
    %c0_i32 = arith.constant 0 : i32
    %c0_i32_0 = arith.constant 0 : i32
    return %arg0, %c0_i32 : i32, i32
  }
  func.func @transform_1(%arg0: i32) -> (i32, i32) {
    %c0_i32 = arith.constant 0 : i32
    %c0_i32_0 = arith.constant 0 : i32
    return %arg0, %c0_i32 : i32, i32
  }
  func.func @transform_2(%arg0: i32) -> (i32, i32) {
    %c0_i32 = arith.constant 0 : i32
    %c0_i32_0 = arith.constant 0 : i32
    return %arg0, %c0_i32 : i32, i32
  }
  func.func @transform_3(%arg0: i32) -> (i32, i32) {
    %c0_i32 = arith.constant 0 : i32
    %c0_i32_0 = arith.constant 0 : i32
    %c0_i32_1 = arith.constant 0 : i32
    return %c0_i32, %c0_i32_0 : i32, i32
  }
  func.func @transform_4(%arg0: i32) -> (i32, i32) {
    %c0_i32 = arith.constant 0 : i32
    %c0_i32_0 = arith.constant 0 : i32
    return %arg0, %c0_i32 : i32, i32
  }
  func.func @transform_5(%arg0: i32) -> (i32, i32) {
    %c0_i32 = arith.constant 0 : i32
    %c0_i32_0 = arith.constant 0 : i32
    %c0_i32_1 = arith.constant 0 : i32
    return %c0_i32, %c0_i32_0 : i32, i32
  }
  func.func @transform_6(%arg0: i32) -> (i32, i32) {
    %c0_i32 = arith.constant 0 : i32
    %c0_i32_0 = arith.constant 0 : i32
    %c0_i32_1 = arith.constant 0 : i32
    return %c0_i32, %c0_i32_0 : i32, i32
  }
}

module attributes {stable_mosaic.version = 14 : i64} {
  func.func @_stats2_body(%arg0: i32, %arg1: memref<400x128xf32, #tpu.memory_space<vmem>>, %arg2: memref<1x128xf32, #tpu.memory_space<vmem>>, %arg3: memref<128x128xf32, #tpu.memory_space<vmem>>, %arg4: memref<128x512xbf16, #tpu.memory_space<vmem>>, %arg5: memref<16x64xf32, #tpu.memory_space<vmem>>, %arg6: memref<1x64xf32, #tpu.memory_space<vmem>>, %arg7: memref<1x64xf32, #tpu.memory_space<vmem>>, %arg8: memref<1x64xf32, #tpu.memory_space<vmem>>, %arg9: memref<1x64xf32, #tpu.memory_space<vmem>>, %arg10: memref<64x64xf32, #tpu.memory_space<vmem>>) attributes {dimension_semantics = [#tpu.dimension_semantics<arbitrary>], iteration_bounds = array<i64: 50>, scalar_prefetch = 0 : i64, scratch_operands = 0 : i64, tpu.core_type = #tpu.core_type<tc>, window_params = [{transform_indices = @transform_0, window_bounds = array<i64: 400, 128>}, {pipeline_mode = #tpu.pipeline_mode<synchronous>, transform_indices = @transform_1, window_bounds = array<i64: 1, 128>}, {pipeline_mode = #tpu.pipeline_mode<synchronous>, transform_indices = @transform_2, window_bounds = array<i64: 128, 128>}, {pipeline_mode = #tpu.pipeline_mode<synchronous>, transform_indices = @transform_3, window_bounds = array<i64: 128, 512>}, {pipeline_mode = #tpu.pipeline_mode<synchronous>, transform_indices = @transform_4, window_bounds = array<i64: 16, 64>}, {pipeline_mode = #tpu.pipeline_mode<synchronous>, transform_indices = @transform_5, window_bounds = array<i64: 1, 64>}, {pipeline_mode = #tpu.pipeline_mode<synchronous>, transform_indices = @transform_6, window_bounds = array<i64: 1, 64>}, {pipeline_mode = #tpu.pipeline_mode<synchronous>, transform_indices = @transform_7, window_bounds = array<i64: 1, 64>}, {pipeline_mode = #tpu.pipeline_mode<synchronous>, transform_indices = @transform_8, window_bounds = array<i64: 1, 64>}, {pipeline_mode = #tpu.pipeline_mode<synchronous>, transform_indices = @transform_9, window_bounds = array<i64: 64, 64>}]} {
    %get3A = arith.constant 0 : index
    %get3A_0 = arith.constant 0 : index
    %get3A_1 = vector.load %arg2[%get3A, %get3A_0] : memref<1x128xf32, #tpu.memory_space<vmem>>, vector<1x128xf32>
    %get3A_2 = arith.constant 0 : index
    %get3A_3 = arith.constant 0 : index
    %get3A_4 = vector.load %arg3[%get3A_2, %get3A_3] : memref<128x128xf32, #tpu.memory_space<vmem>>, vector<128x128xf32>
    %slice3A = vector.extract_strided_slice %get3A_1 {offsets = [0, 0], sizes = [1, 16], strides = [1, 1]} : vector<1x128xf32> to vector<1x16xf32>
    %slice3A_5 = vector.extract_strided_slice %get3A_4 {offsets = [0, 0], sizes = [16, 16], strides = [1, 1]} : vector<128x128xf32> to vector<16x16xf32>
    %slice3A_6 = vector.extract_strided_slice %get3A_1 {offsets = [0, 16], sizes = [1, 16], strides = [1, 1]} : vector<1x128xf32> to vector<1x16xf32>
    %add3A = arith.addf %slice3A, %slice3A_6 : vector<1x16xf32>
    %slice3A_7 = vector.extract_strided_slice %get3A_4 {offsets = [16, 16], sizes = [16, 16], strides = [1, 1]} : vector<128x128xf32> to vector<16x16xf32>
    %add3A_8 = arith.addf %slice3A_5, %slice3A_7 : vector<16x16xf32>
    %slice3A_9 = vector.extract_strided_slice %get3A_1 {offsets = [0, 32], sizes = [1, 16], strides = [1, 1]} : vector<1x128xf32> to vector<1x16xf32>
    %add3A_10 = arith.addf %add3A, %slice3A_9 : vector<1x16xf32>
    %slice3A_11 = vector.extract_strided_slice %get3A_4 {offsets = [32, 32], sizes = [16, 16], strides = [1, 1]} : vector<128x128xf32> to vector<16x16xf32>
    %add3A_12 = arith.addf %add3A_8, %slice3A_11 : vector<16x16xf32>
    %slice3A_13 = vector.extract_strided_slice %get3A_1 {offsets = [0, 48], sizes = [1, 16], strides = [1, 1]} : vector<1x128xf32> to vector<1x16xf32>
    %add3A_14 = arith.addf %add3A_10, %slice3A_13 : vector<1x16xf32>
    %slice3A_15 = vector.extract_strided_slice %get3A_4 {offsets = [48, 48], sizes = [16, 16], strides = [1, 1]} : vector<128x128xf32> to vector<16x16xf32>
    %add3A_16 = arith.addf %add3A_12, %slice3A_15 : vector<16x16xf32>
    %slice3A_17 = vector.extract_strided_slice %get3A_1 {offsets = [0, 64], sizes = [1, 16], strides = [1, 1]} : vector<1x128xf32> to vector<1x16xf32>
    %add3A_18 = arith.addf %add3A_14, %slice3A_17 : vector<1x16xf32>
    %slice3A_19 = vector.extract_strided_slice %get3A_4 {offsets = [64, 64], sizes = [16, 16], strides = [1, 1]} : vector<128x128xf32> to vector<16x16xf32>
    %add3A_20 = arith.addf %add3A_16, %slice3A_19 : vector<16x16xf32>
    %slice3A_21 = vector.extract_strided_slice %get3A_1 {offsets = [0, 80], sizes = [1, 16], strides = [1, 1]} : vector<1x128xf32> to vector<1x16xf32>
    %add3A_22 = arith.addf %add3A_18, %slice3A_21 : vector<1x16xf32>
    %slice3A_23 = vector.extract_strided_slice %get3A_4 {offsets = [80, 80], sizes = [16, 16], strides = [1, 1]} : vector<128x128xf32> to vector<16x16xf32>
    %add3A_24 = arith.addf %add3A_20, %slice3A_23 : vector<16x16xf32>
    %slice3A_25 = vector.extract_strided_slice %get3A_1 {offsets = [0, 96], sizes = [1, 16], strides = [1, 1]} : vector<1x128xf32> to vector<1x16xf32>
    %add3A_26 = arith.addf %add3A_22, %slice3A_25 : vector<1x16xf32>
    %slice3A_27 = vector.extract_strided_slice %get3A_4 {offsets = [96, 96], sizes = [16, 16], strides = [1, 1]} : vector<128x128xf32> to vector<16x16xf32>
    %add3A_28 = arith.addf %add3A_24, %slice3A_27 : vector<16x16xf32>
    %slice3A_29 = vector.extract_strided_slice %get3A_1 {offsets = [0, 112], sizes = [1, 16], strides = [1, 1]} : vector<1x128xf32> to vector<1x16xf32>
    %add3A_30 = arith.addf %add3A_26, %slice3A_29 : vector<1x16xf32>
    %slice3A_31 = vector.extract_strided_slice %get3A_4 {offsets = [112, 112], sizes = [16, 16], strides = [1, 1]} : vector<128x128xf32> to vector<16x16xf32>
    %add3A_32 = arith.addf %add3A_28, %slice3A_31 : vector<16x16xf32>
    %get3A_33 = arith.constant 0 : index
    %get3A_34 = arith.constant 0 : index
    %get3A_35 = vector.load %arg5[%get3A_33, %get3A_34] : memref<16x64xf32, #tpu.memory_space<vmem>>, vector<16x64xf32>
    %get3A_36 = arith.constant 0 : index
    %get3A_37 = arith.constant 0 : index
    %get3A_38 = vector.load %arg6[%get3A_36, %get3A_37] : memref<1x64xf32, #tpu.memory_space<vmem>>, vector<1x64xf32>
    %div3A = arith.constant 1.600000e+05 : f32
    %div3A_39 = vector.broadcast %div3A : f32 to vector<1x16xf32>
    %div3A_40 = arith.divf %add3A_30, %div3A_39 : vector<1x16xf32>
    %dot_general3A = arith.constant dense<0.000000e+00> : vector<1x64xf32>
    %dot_general3A_41 = tpu.matmul %div3A_40, %get3A_35, %dot_general3A {dimension_numbers = #tpu.dot_dimension_numbers<[1], [0], [0], [1], [0, 0, 1, 1], [], []>, transpose_lhs_hint = false} : vector<1x16xf32>, vector<16x64xf32>, vector<1x64xf32> -> vector<1x64xf32>
    %add3A_42 = arith.addf %dot_general3A_41, %get3A_38 : vector<1x64xf32>
    %dot_general3A_43 = arith.constant dense<0.000000e+00> : vector<16x64xf32>
    %dot_general3A_44 = tpu.matmul %add3A_32, %get3A_35, %dot_general3A_43 {dimension_numbers = #tpu.dot_dimension_numbers<[1], [0], [0], [1], [0, 0, 1, 1], [], []>, transpose_lhs_hint = false} : vector<16x16xf32>, vector<16x64xf32>, vector<16x64xf32> -> vector<16x64xf32>
    %mul3A = arith.mulf %get3A_35, %dot_general3A_44 : vector<16x64xf32>
    %reduce_sum3A = arith.constant dense<0.000000e+00> : vector<64xf32>
    %reduce_sum3A_45 = vector.multi_reduction <add>, %mul3A, %reduce_sum3A [0] : vector<16x64xf32> to vector<64xf32>
    %broadcast_in_dim3A = vector.shape_cast %reduce_sum3A_45 : vector<64xf32> to vector<1x64xf32>
    %div3A_46 = arith.constant 1.600000e+05 : f32
    %div3A_47 = vector.broadcast %div3A_46 : f32 to vector<1x64xf32>
    %div3A_48 = arith.divf %broadcast_in_dim3A, %div3A_47 : vector<1x64xf32>
    %mul3A_49 = arith.constant 2.000000e+00 : f32
    %mul3A_50 = vector.broadcast %mul3A_49 : f32 to vector<1x64xf32>
    %mul3A_51 = arith.mulf %mul3A_50, %get3A_38 : vector<1x64xf32>
    %mul3A_52 = arith.mulf %mul3A_51, %dot_general3A_41 : vector<1x64xf32>
    %add3A_53 = arith.addf %div3A_48, %mul3A_52 : vector<1x64xf32>
    %mul3A_54 = arith.mulf %get3A_38, %get3A_38 : vector<1x64xf32>
    %add3A_55 = arith.addf %add3A_53, %mul3A_54 : vector<1x64xf32>
    %mul3A_56 = arith.mulf %add3A_42, %add3A_42 : vector<1x64xf32>
    %sub3A = arith.subf %add3A_55, %mul3A_56 : vector<1x64xf32>
    %add3A_57 = arith.constant 9.99999974E-6 : f32
    %add3A_58 = vector.broadcast %add3A_57 : f32 to vector<1x64xf32>
    %add3A_59 = arith.addf %sub3A, %add3A_58 : vector<1x64xf32>
    %rsqrt3A = math.rsqrt %add3A_59 : vector<1x64xf32>
    %get3A_60 = arith.constant 0 : index
    %get3A_61 = arith.constant 0 : index
    %get3A_62 = vector.load %arg7[%get3A_60, %get3A_61] : memref<1x64xf32, #tpu.memory_space<vmem>>, vector<1x64xf32>
    %mul3A_63 = arith.mulf %rsqrt3A, %get3A_62 : vector<1x64xf32>
    %get3A_64 = arith.constant 0 : index
    %get3A_65 = arith.constant 0 : index
    %get3A_66 = vector.load %arg8[%get3A_64, %get3A_65] : memref<1x64xf32, #tpu.memory_space<vmem>>, vector<1x64xf32>
    %get3A_67 = arith.constant 0 : index
    %get3A_68 = arith.constant 0 : index
    %get3A_69 = vector.load %arg6[%get3A_67, %get3A_68] : memref<1x64xf32, #tpu.memory_space<vmem>>, vector<1x64xf32>
    %sub3A_70 = arith.subf %get3A_69, %add3A_42 : vector<1x64xf32>
    %mul3A_71 = arith.mulf %sub3A_70, %mul3A_63 : vector<1x64xf32>
    %add3A_72 = arith.addf %get3A_66, %mul3A_71 : vector<1x64xf32>
    %concatenate3A = tpu.concatenate %add3A_72, %add3A_72, %add3A_72, %add3A_72, %add3A_72, %add3A_72, %add3A_72, %add3A_72 in 1 : vector<1x64xf32>, vector<1x64xf32>, vector<1x64xf32>, vector<1x64xf32>, vector<1x64xf32>, vector<1x64xf32>, vector<1x64xf32>, vector<1x64xf32> -> vector<1x512xf32>
    %get3A_73 = arith.constant 0 : index
    %get3A_74 = arith.constant 0 : index
    %get3A_75 = vector.load %arg1[%get3A_73, %get3A_74] : memref<400x128xf32, #tpu.memory_space<vmem>>, vector<400x128xf32>
    %convert_element_type3A = arith.truncf %get3A_75 : vector<400x128xf32> to vector<400x128xbf16>
    %get3A_76 = arith.constant 0 : index
    %get3A_77 = arith.constant 0 : index
    %get3A_78 = vector.load %arg4[%get3A_76, %get3A_77] : memref<128x512xbf16, #tpu.memory_space<vmem>>, vector<128x512xbf16>
    %dot_general3A_79 = arith.constant dense<0.000000e+00> : vector<400x512xf32>
    %dot_general3A_80 = tpu.matmul %convert_element_type3A, %get3A_78, %dot_general3A_79 {dimension_numbers = #tpu.dot_dimension_numbers<[1], [0], [0], [1], [0, 0, 1, 1], [], []>, transpose_lhs_hint = false} : vector<400x128xbf16>, vector<128x512xbf16>, vector<400x512xf32> -> vector<400x512xf32>
    %concatenate3A_81 = tpu.concatenate %mul3A_63, %mul3A_63, %mul3A_63, %mul3A_63, %mul3A_63, %mul3A_63, %mul3A_63, %mul3A_63 in 1 : vector<1x64xf32>, vector<1x64xf32>, vector<1x64xf32>, vector<1x64xf32>, vector<1x64xf32>, vector<1x64xf32>, vector<1x64xf32>, vector<1x64xf32> -> vector<1x512xf32>
    %mul3A_82 = vector.broadcast %concatenate3A_81 : vector<1x512xf32> to vector<400x512xf32>
    %mul3A_83 = arith.mulf %dot_general3A_80, %mul3A_82 : vector<400x512xf32>
    %add3A_84 = vector.broadcast %concatenate3A : vector<1x512xf32> to vector<400x512xf32>
    %add3A_85 = arith.addf %mul3A_83, %add3A_84 : vector<400x512xf32>
    %max3A = arith.constant 0.000000e+00 : f32
    %max3A_86 = vector.broadcast %max3A : f32 to vector<400x512xf32>
    %max3A_87 = arith.maximumf %add3A_85, %max3A_86 : vector<400x512xf32>
    %reduce_sum3A_88 = arith.constant dense<0.000000e+00> : vector<512xf32>
    %reduce_sum3A_89 = vector.multi_reduction <add>, %max3A_87, %reduce_sum3A_88 [0] : vector<400x512xf32> to vector<512xf32>
    %broadcast_in_dim3A_90 = vector.shape_cast %reduce_sum3A_89 : vector<512xf32> to vector<1x512xf32>
    %convert_element_type3A_91 = arith.truncf %max3A_87 : vector<400x512xf32> to vector<400x512xbf16>
    %dot_general3A_92 = arith.constant dense<0.000000e+00> : vector<512x512xf32>
    %dot_general3A_93 = tpu.matmul %convert_element_type3A_91, %convert_element_type3A_91, %dot_general3A_92 {dimension_numbers = #tpu.dot_dimension_numbers<[0], [0], [1], [1], [0, 1, 1, 1], [], []>, transpose_lhs_hint = false} : vector<400x512xbf16>, vector<400x512xbf16>, vector<512x512xf32> -> vector<512x512xf32>
    %slice3A_94 = vector.extract_strided_slice %dot_general3A_93 {offsets = [0, 0], sizes = [64, 64], strides = [1, 1]} : vector<512x512xf32> to vector<64x64xf32>
    %slice3A_95 = vector.extract_strided_slice %dot_general3A_93 {offsets = [64, 64], sizes = [64, 64], strides = [1, 1]} : vector<512x512xf32> to vector<64x64xf32>
    %add3A_96 = arith.addf %slice3A_94, %slice3A_95 : vector<64x64xf32>
    %slice3A_97 = vector.extract_strided_slice %dot_general3A_93 {offsets = [128, 128], sizes = [64, 64], strides = [1, 1]} : vector<512x512xf32> to vector<64x64xf32>
    %add3A_98 = arith.addf %add3A_96, %slice3A_97 : vector<64x64xf32>
    %slice3A_99 = vector.extract_strided_slice %dot_general3A_93 {offsets = [192, 192], sizes = [64, 64], strides = [1, 1]} : vector<512x512xf32> to vector<64x64xf32>
    %add3A_100 = arith.addf %add3A_98, %slice3A_99 : vector<64x64xf32>
    %slice3A_101 = vector.extract_strided_slice %dot_general3A_93 {offsets = [256, 256], sizes = [64, 64], strides = [1, 1]} : vector<512x512xf32> to vector<64x64xf32>
    %add3A_102 = arith.addf %add3A_100, %slice3A_101 : vector<64x64xf32>
    %slice3A_103 = vector.extract_strided_slice %dot_general3A_93 {offsets = [320, 320], sizes = [64, 64], strides = [1, 1]} : vector<512x512xf32> to vector<64x64xf32>
    %add3A_104 = arith.addf %add3A_102, %slice3A_103 : vector<64x64xf32>
    %slice3A_105 = vector.extract_strided_slice %dot_general3A_93 {offsets = [384, 384], sizes = [64, 64], strides = [1, 1]} : vector<512x512xf32> to vector<64x64xf32>
    %add3A_106 = arith.addf %add3A_104, %slice3A_105 : vector<64x64xf32>
    %slice3A_107 = vector.extract_strided_slice %dot_general3A_93 {offsets = [448, 448], sizes = [64, 64], strides = [1, 1]} : vector<512x512xf32> to vector<64x64xf32>
    %add3A_108 = arith.addf %add3A_106, %slice3A_107 : vector<64x64xf32>
    %eq3A = arith.constant 0 : i32
    %eq3A_109 = arith.cmpi eq, %arg0, %eq3A : i32
    %convert_element_type3A_110 = arith.extui %eq3A_109 : i1 to i32
    %cond3A = arith.constant 0 : i32
    %cond3A_111 = arith.cmpi ne, %convert_element_type3A_110, %cond3A : i32
    scf.if %cond3A_111 {
      %slice3A_116 = vector.extract_strided_slice %broadcast_in_dim3A_90 {offsets = [0, 0], sizes = [1, 64], strides = [1, 1]} : vector<1x512xf32> to vector<1x64xf32>
      %slice3A_117 = vector.extract_strided_slice %broadcast_in_dim3A_90 {offsets = [0, 64], sizes = [1, 64], strides = [1, 1]} : vector<1x512xf32> to vector<1x64xf32>
      %add3A_118 = arith.addf %slice3A_116, %slice3A_117 : vector<1x64xf32>
      %slice3A_119 = vector.extract_strided_slice %broadcast_in_dim3A_90 {offsets = [0, 128], sizes = [1, 64], strides = [1, 1]} : vector<1x512xf32> to vector<1x64xf32>
      %add3A_120 = arith.addf %add3A_118, %slice3A_119 : vector<1x64xf32>
      %slice3A_121 = vector.extract_strided_slice %broadcast_in_dim3A_90 {offsets = [0, 192], sizes = [1, 64], strides = [1, 1]} : vector<1x512xf32> to vector<1x64xf32>
      %add3A_122 = arith.addf %add3A_120, %slice3A_121 : vector<1x64xf32>
      %slice3A_123 = vector.extract_strided_slice %broadcast_in_dim3A_90 {offsets = [0, 256], sizes = [1, 64], strides = [1, 1]} : vector<1x512xf32> to vector<1x64xf32>
      %add3A_124 = arith.addf %add3A_122, %slice3A_123 : vector<1x64xf32>
      %slice3A_125 = vector.extract_strided_slice %broadcast_in_dim3A_90 {offsets = [0, 320], sizes = [1, 64], strides = [1, 1]} : vector<1x512xf32> to vector<1x64xf32>
      %add3A_126 = arith.addf %add3A_124, %slice3A_125 : vector<1x64xf32>
      %slice3A_127 = vector.extract_strided_slice %broadcast_in_dim3A_90 {offsets = [0, 384], sizes = [1, 64], strides = [1, 1]} : vector<1x512xf32> to vector<1x64xf32>
      %add3A_128 = arith.addf %add3A_126, %slice3A_127 : vector<1x64xf32>
      %slice3A_129 = vector.extract_strided_slice %broadcast_in_dim3A_90 {offsets = [0, 448], sizes = [1, 64], strides = [1, 1]} : vector<1x512xf32> to vector<1x64xf32>
      %add3A_130 = arith.addf %add3A_128, %slice3A_129 : vector<1x64xf32>
      %swap3A = arith.constant 0 : index
      %swap3A_131 = arith.constant 0 : index
      %swap3A_132 = vector.load %arg9[%swap3A, %swap3A_131] : memref<1x64xf32, #tpu.memory_space<vmem>>, vector<1x64xf32>
      tpu.vector_store %arg9[%swap3A, %swap3A_131], %add3A_130 {strides = array<i32>} : memref<1x64xf32, #tpu.memory_space<vmem>>, vector<1x64xf32>,
      %swap3A_133 = arith.constant 0 : index
      %swap3A_134 = arith.constant 0 : index
      %swap3A_135 = vector.load %arg10[%swap3A_133, %swap3A_134] : memref<64x64xf32, #tpu.memory_space<vmem>>, vector<64x64xf32>
      tpu.vector_store %arg10[%swap3A_133, %swap3A_134], %add3A_108 {strides = array<i32>} : memref<64x64xf32, #tpu.memory_space<vmem>>, vector<64x64xf32>,
    } else {
    }
    %gt3A = arith.constant 0 : i32
    %gt3A_112 = arith.cmpi sgt, %arg0, %gt3A : i32
    %convert_element_type3A_113 = arith.extui %gt3A_112 : i1 to i32
    %cond3A_114 = arith.constant 0 : i32
    %cond3A_115 = arith.cmpi ne, %convert_element_type3A_113, %cond3A_114 : i32
    scf.if %cond3A_115 {
      %get3A_116 = arith.constant 0 : index
      %get3A_117 = arith.constant 0 : index
      %get3A_118 = vector.load %arg9[%get3A_116, %get3A_117] : memref<1x64xf32, #tpu.memory_space<vmem>>, vector<1x64xf32>
      %slice3A_119 = vector.extract_strided_slice %broadcast_in_dim3A_90 {offsets = [0, 0], sizes = [1, 64], strides = [1, 1]} : vector<1x512xf32> to vector<1x64xf32>
      %slice3A_120 = vector.extract_strided_slice %broadcast_in_dim3A_90 {offsets = [0, 64], sizes = [1, 64], strides = [1, 1]} : vector<1x512xf32> to vector<1x64xf32>
      %add3A_121 = arith.addf %slice3A_119, %slice3A_120 : vector<1x64xf32>
      %slice3A_122 = vector.extract_strided_slice %broadcast_in_dim3A_90 {offsets = [0, 128], sizes = [1, 64], strides = [1, 1]} : vector<1x512xf32> to vector<1x64xf32>
      %add3A_123 = arith.addf %add3A_121, %slice3A_122 : vector<1x64xf32>
      %slice3A_124 = vector.extract_strided_slice %broadcast_in_dim3A_90 {offsets = [0, 192], sizes = [1, 64], strides = [1, 1]} : vector<1x512xf32> to vector<1x64xf32>
      %add3A_125 = arith.addf %add3A_123, %slice3A_124 : vector<1x64xf32>
      %slice3A_126 = vector.extract_strided_slice %broadcast_in_dim3A_90 {offsets = [0, 256], sizes = [1, 64], strides = [1, 1]} : vector<1x512xf32> to vector<1x64xf32>
      %add3A_127 = arith.addf %add3A_125, %slice3A_126 : vector<1x64xf32>
      %slice3A_128 = vector.extract_strided_slice %broadcast_in_dim3A_90 {offsets = [0, 320], sizes = [1, 64], strides = [1, 1]} : vector<1x512xf32> to vector<1x64xf32>
      %add3A_129 = arith.addf %add3A_127, %slice3A_128 : vector<1x64xf32>
      %slice3A_130 = vector.extract_strided_slice %broadcast_in_dim3A_90 {offsets = [0, 384], sizes = [1, 64], strides = [1, 1]} : vector<1x512xf32> to vector<1x64xf32>
      %add3A_131 = arith.addf %add3A_129, %slice3A_130 : vector<1x64xf32>
      %slice3A_132 = vector.extract_strided_slice %broadcast_in_dim3A_90 {offsets = [0, 448], sizes = [1, 64], strides = [1, 1]} : vector<1x512xf32> to vector<1x64xf32>
      %add3A_133 = arith.addf %add3A_131, %slice3A_132 : vector<1x64xf32>
      %add3A_134 = arith.addf %get3A_118, %add3A_133 : vector<1x64xf32>
      %swap3A = arith.constant 0 : index
      %swap3A_135 = arith.constant 0 : index
      %swap3A_136 = vector.load %arg9[%swap3A, %swap3A_135] : memref<1x64xf32, #tpu.memory_space<vmem>>, vector<1x64xf32>
      tpu.vector_store %arg9[%swap3A, %swap3A_135], %add3A_134 {strides = array<i32>} : memref<1x64xf32, #tpu.memory_space<vmem>>, vector<1x64xf32>,
      %get3A_137 = arith.constant 0 : index
      %get3A_138 = arith.constant 0 : index
      %get3A_139 = vector.load %arg10[%get3A_137, %get3A_138] : memref<64x64xf32, #tpu.memory_space<vmem>>, vector<64x64xf32>
      %add3A_140 = arith.addf %get3A_139, %add3A_108 : vector<64x64xf32>
      %swap3A_141 = arith.constant 0 : index
      %swap3A_142 = arith.constant 0 : index
      %swap3A_143 = vector.load %arg10[%swap3A_141, %swap3A_142] : memref<64x64xf32, #tpu.memory_space<vmem>>, vector<64x64xf32>
      tpu.vector_store %arg10[%swap3A_141, %swap3A_142], %add3A_140 {strides = array<i32>} : memref<64x64xf32, #tpu.memory_space<vmem>>, vector<64x64xf32>,
    } else {
    }
    return
  }
  func.func @transform_0(%arg0: i32) -> (i32, i32) {
    %c0_i32 = arith.constant 0 : i32
    %c0_i32_0 = arith.constant 0 : i32
    return %arg0, %c0_i32 : i32, i32
  }
  func.func @transform_1(%arg0: i32) -> (i32, i32) {
    %c0_i32 = arith.constant 0 : i32
    %c0_i32_0 = arith.constant 0 : i32
    %c0_i32_1 = arith.constant 0 : i32
    return %c0_i32, %c0_i32_0 : i32, i32
  }
  func.func @transform_2(%arg0: i32) -> (i32, i32) {
    %c0_i32 = arith.constant 0 : i32
    %c0_i32_0 = arith.constant 0 : i32
    %c0_i32_1 = arith.constant 0 : i32
    return %c0_i32, %c0_i32_0 : i32, i32
  }
  func.func @transform_3(%arg0: i32) -> (i32, i32) {
    %c0_i32 = arith.constant 0 : i32
    %c0_i32_0 = arith.constant 0 : i32
    %c0_i32_1 = arith.constant 0 : i32
    return %c0_i32, %c0_i32_0 : i32, i32
  }
  func.func @transform_4(%arg0: i32) -> (i32, i32) {
    %c0_i32 = arith.constant 0 : i32
    %c0_i32_0 = arith.constant 0 : i32
    %c0_i32_1 = arith.constant 0 : i32
    return %c0_i32, %c0_i32_0 : i32, i32
  }
  func.func @transform_5(%arg0: i32) -> (i32, i32) {
    %c0_i32 = arith.constant 0 : i32
    %c0_i32_0 = arith.constant 0 : i32
    %c0_i32_1 = arith.constant 0 : i32
    return %c0_i32, %c0_i32_0 : i32, i32
  }
  func.func @transform_6(%arg0: i32) -> (i32, i32) {
    %c0_i32 = arith.constant 0 : i32
    %c0_i32_0 = arith.constant 0 : i32
    %c0_i32_1 = arith.constant 0 : i32
    return %c0_i32, %c0_i32_0 : i32, i32
  }
  func.func @transform_7(%arg0: i32) -> (i32, i32) {
    %c0_i32 = arith.constant 0 : i32
    %c0_i32_0 = arith.constant 0 : i32
    %c0_i32_1 = arith.constant 0 : i32
    return %c0_i32, %c0_i32_0 : i32, i32
  }
  func.func @transform_8(%arg0: i32) -> (i32, i32) {
    %c0_i32 = arith.constant 0 : i32
    %c0_i32_0 = arith.constant 0 : i32
    %c0_i32_1 = arith.constant 0 : i32
    return %c0_i32, %c0_i32_0 : i32, i32
  }
  func.func @transform_9(%arg0: i32) -> (i32, i32) {
    %c0_i32 = arith.constant 0 : i32
    %c0_i32_0 = arith.constant 0 : i32
    %c0_i32_1 = arith.constant 0 : i32
    return %c0_i32, %c0_i32_0 : i32, i32
  }
}

module attributes {stable_mosaic.version = 14 : i64} {
  func.func @_edge_out_body(%arg0: i32, %arg1: memref<400x128xf32, #tpu.memory_space<vmem>>, %arg2: memref<1x128xf32, #tpu.memory_space<vmem>>, %arg3: memref<128x128xf32, #tpu.memory_space<vmem>>, %arg4: memref<1x64xf32, #tpu.memory_space<vmem>>, %arg5: memref<64x64xf32, #tpu.memory_space<vmem>>, %arg6: memref<128x512xbf16, #tpu.memory_space<vmem>>, %arg7: memref<512x512xbf16, #tpu.memory_space<vmem>>, %arg8: memref<512x512xbf16, #tpu.memory_space<vmem>>, %arg9: memref<16x64xf32, #tpu.memory_space<vmem>>, %arg10: memref<1x64xf32, #tpu.memory_space<vmem>>, %arg11: memref<1x64xf32, #tpu.memory_space<vmem>>, %arg12: memref<1x64xf32, #tpu.memory_space<vmem>>, %arg13: memref<64x64xf32, #tpu.memory_space<vmem>>, %arg14: memref<1x64xf32, #tpu.memory_space<vmem>>, %arg15: memref<1x64xf32, #tpu.memory_space<vmem>>, %arg16: memref<1x64xf32, #tpu.memory_space<vmem>>, %arg17: memref<1x64xf32, #tpu.memory_space<vmem>>, %arg18: memref<400x512xf32, #tpu.memory_space<vmem>>) attributes {dimension_semantics = [#tpu.dimension_semantics<arbitrary>], iteration_bounds = array<i64: 50>, scalar_prefetch = 0 : i64, scratch_operands = 0 : i64, tpu.core_type = #tpu.core_type<tc>, window_params = [{transform_indices = @transform_0, window_bounds = array<i64: 400, 128>}, {pipeline_mode = #tpu.pipeline_mode<synchronous>, transform_indices = @transform_1, window_bounds = array<i64: 1, 128>}, {pipeline_mode = #tpu.pipeline_mode<synchronous>, transform_indices = @transform_2, window_bounds = array<i64: 128, 128>}, {pipeline_mode = #tpu.pipeline_mode<synchronous>, transform_indices = @transform_3, window_bounds = array<i64: 1, 64>}, {pipeline_mode = #tpu.pipeline_mode<synchronous>, transform_indices = @transform_4, window_bounds = array<i64: 64, 64>}, {pipeline_mode = #tpu.pipeline_mode<synchronous>, transform_indices = @transform_5, window_bounds = array<i64: 128, 512>}, {pipeline_mode = #tpu.pipeline_mode<synchronous>, transform_indices = @transform_6, window_bounds = array<i64: 512, 512>}, {pipeline_mode = #tpu.pipeline_mode<synchronous>, transform_indices = @transform_7, window_bounds = array<i64: 512, 512>}, {pipeline_mode = #tpu.pipeline_mode<synchronous>, transform_indices = @transform_8, window_bounds = array<i64: 16, 64>}, {pipeline_mode = #tpu.pipeline_mode<synchronous>, transform_indices = @transform_9, window_bounds = array<i64: 1, 64>}, {pipeline_mode = #tpu.pipeline_mode<synchronous>, transform_indices = @transform_10, window_bounds = array<i64: 1, 64>}, {pipeline_mode = #tpu.pipeline_mode<synchronous>, transform_indices = @transform_11, window_bounds = array<i64: 1, 64>}, {pipeline_mode = #tpu.pipeline_mode<synchronous>, transform_indices = @transform_12, window_bounds = array<i64: 64, 64>}, {pipeline_mode = #tpu.pipeline_mode<synchronous>, transform_indices = @transform_13, window_bounds = array<i64: 1, 64>}, {pipeline_mode = #tpu.pipeline_mode<synchronous>, transform_indices = @transform_14, window_bounds = array<i64: 1, 64>}, {pipeline_mode = #tpu.pipeline_mode<synchronous>, transform_indices = @transform_15, window_bounds = array<i64: 1, 64>}, {pipeline_mode = #tpu.pipeline_mode<synchronous>, transform_indices = @transform_16, window_bounds = array<i64: 1, 64>}, {transform_indices = @transform_17, window_bounds = array<i64: 400, 512>}]} {
    %get3A = arith.constant 0 : index
    %get3A_0 = arith.constant 0 : index
    %get3A_1 = vector.load %arg2[%get3A, %get3A_0] : memref<1x128xf32, #tpu.memory_space<vmem>>, vector<1x128xf32>
    %get3A_2 = arith.constant 0 : index
    %get3A_3 = arith.constant 0 : index
    %get3A_4 = vector.load %arg3[%get3A_2, %get3A_3] : memref<128x128xf32, #tpu.memory_space<vmem>>, vector<128x128xf32>
    %slice3A = vector.extract_strided_slice %get3A_1 {offsets = [0, 0], sizes = [1, 16], strides = [1, 1]} : vector<1x128xf32> to vector<1x16xf32>
    %slice3A_5 = vector.extract_strided_slice %get3A_4 {offsets = [0, 0], sizes = [16, 16], strides = [1, 1]} : vector<128x128xf32> to vector<16x16xf32>
    %slice3A_6 = vector.extract_strided_slice %get3A_1 {offsets = [0, 16], sizes = [1, 16], strides = [1, 1]} : vector<1x128xf32> to vector<1x16xf32>
    %add3A = arith.addf %slice3A, %slice3A_6 : vector<1x16xf32>
    %slice3A_7 = vector.extract_strided_slice %get3A_4 {offsets = [16, 16], sizes = [16, 16], strides = [1, 1]} : vector<128x128xf32> to vector<16x16xf32>
    %add3A_8 = arith.addf %slice3A_5, %slice3A_7 : vector<16x16xf32>
    %slice3A_9 = vector.extract_strided_slice %get3A_1 {offsets = [0, 32], sizes = [1, 16], strides = [1, 1]} : vector<1x128xf32> to vector<1x16xf32>
    %add3A_10 = arith.addf %add3A, %slice3A_9 : vector<1x16xf32>
    %slice3A_11 = vector.extract_strided_slice %get3A_4 {offsets = [32, 32], sizes = [16, 16], strides = [1, 1]} : vector<128x128xf32> to vector<16x16xf32>
    %add3A_12 = arith.addf %add3A_8, %slice3A_11 : vector<16x16xf32>
    %slice3A_13 = vector.extract_strided_slice %get3A_1 {offsets = [0, 48], sizes = [1, 16], strides = [1, 1]} : vector<1x128xf32> to vector<1x16xf32>
    %add3A_14 = arith.addf %add3A_10, %slice3A_13 : vector<1x16xf32>
    %slice3A_15 = vector.extract_strided_slice %get3A_4 {offsets = [48, 48], sizes = [16, 16], strides = [1, 1]} : vector<128x128xf32> to vector<16x16xf32>
    %add3A_16 = arith.addf %add3A_12, %slice3A_15 : vector<16x16xf32>
    %slice3A_17 = vector.extract_strided_slice %get3A_1 {offsets = [0, 64], sizes = [1, 16], strides = [1, 1]} : vector<1x128xf32> to vector<1x16xf32>
    %add3A_18 = arith.addf %add3A_14, %slice3A_17 : vector<1x16xf32>
    %slice3A_19 = vector.extract_strided_slice %get3A_4 {offsets = [64, 64], sizes = [16, 16], strides = [1, 1]} : vector<128x128xf32> to vector<16x16xf32>
    %add3A_20 = arith.addf %add3A_16, %slice3A_19 : vector<16x16xf32>
    %slice3A_21 = vector.extract_strided_slice %get3A_1 {offsets = [0, 80], sizes = [1, 16], strides = [1, 1]} : vector<1x128xf32> to vector<1x16xf32>
    %add3A_22 = arith.addf %add3A_18, %slice3A_21 : vector<1x16xf32>
    %slice3A_23 = vector.extract_strided_slice %get3A_4 {offsets = [80, 80], sizes = [16, 16], strides = [1, 1]} : vector<128x128xf32> to vector<16x16xf32>
    %add3A_24 = arith.addf %add3A_20, %slice3A_23 : vector<16x16xf32>
    %slice3A_25 = vector.extract_strided_slice %get3A_1 {offsets = [0, 96], sizes = [1, 16], strides = [1, 1]} : vector<1x128xf32> to vector<1x16xf32>
    %add3A_26 = arith.addf %add3A_22, %slice3A_25 : vector<1x16xf32>
    %slice3A_27 = vector.extract_strided_slice %get3A_4 {offsets = [96, 96], sizes = [16, 16], strides = [1, 1]} : vector<128x128xf32> to vector<16x16xf32>
    %add3A_28 = arith.addf %add3A_24, %slice3A_27 : vector<16x16xf32>
    %slice3A_29 = vector.extract_strided_slice %get3A_1 {offsets = [0, 112], sizes = [1, 16], strides = [1, 1]} : vector<1x128xf32> to vector<1x16xf32>
    %add3A_30 = arith.addf %add3A_26, %slice3A_29 : vector<1x16xf32>
    %slice3A_31 = vector.extract_strided_slice %get3A_4 {offsets = [112, 112], sizes = [16, 16], strides = [1, 1]} : vector<128x128xf32> to vector<16x16xf32>
    %add3A_32 = arith.addf %add3A_28, %slice3A_31 : vector<16x16xf32>
    %get3A_33 = arith.constant 0 : index
    %get3A_34 = arith.constant 0 : index
    %get3A_35 = vector.load %arg9[%get3A_33, %get3A_34] : memref<16x64xf32, #tpu.memory_space<vmem>>, vector<16x64xf32>
    %get3A_36 = arith.constant 0 : index
    %get3A_37 = arith.constant 0 : index
    %get3A_38 = vector.load %arg10[%get3A_36, %get3A_37] : memref<1x64xf32, #tpu.memory_space<vmem>>, vector<1x64xf32>
    %div3A = arith.constant 1.600000e+05 : f32
    %div3A_39 = vector.broadcast %div3A : f32 to vector<1x16xf32>
    %div3A_40 = arith.divf %add3A_30, %div3A_39 : vector<1x16xf32>
    %dot_general3A = arith.constant dense<0.000000e+00> : vector<1x64xf32>
    %dot_general3A_41 = tpu.matmul %div3A_40, %get3A_35, %dot_general3A {dimension_numbers = #tpu.dot_dimension_numbers<[1], [0], [0], [1], [0, 0, 1, 1], [], []>, transpose_lhs_hint = false} : vector<1x16xf32>, vector<16x64xf32>, vector<1x64xf32> -> vector<1x64xf32>
    %add3A_42 = arith.addf %dot_general3A_41, %get3A_38 : vector<1x64xf32>
    %dot_general3A_43 = arith.constant dense<0.000000e+00> : vector<16x64xf32>
    %dot_general3A_44 = tpu.matmul %add3A_32, %get3A_35, %dot_general3A_43 {dimension_numbers = #tpu.dot_dimension_numbers<[1], [0], [0], [1], [0, 0, 1, 1], [], []>, transpose_lhs_hint = false} : vector<16x16xf32>, vector<16x64xf32>, vector<16x64xf32> -> vector<16x64xf32>
    %mul3A = arith.mulf %get3A_35, %dot_general3A_44 : vector<16x64xf32>
    %reduce_sum3A = arith.constant dense<0.000000e+00> : vector<64xf32>
    %reduce_sum3A_45 = vector.multi_reduction <add>, %mul3A, %reduce_sum3A [0] : vector<16x64xf32> to vector<64xf32>
    %broadcast_in_dim3A = vector.shape_cast %reduce_sum3A_45 : vector<64xf32> to vector<1x64xf32>
    %div3A_46 = arith.constant 1.600000e+05 : f32
    %div3A_47 = vector.broadcast %div3A_46 : f32 to vector<1x64xf32>
    %div3A_48 = arith.divf %broadcast_in_dim3A, %div3A_47 : vector<1x64xf32>
    %mul3A_49 = arith.constant 2.000000e+00 : f32
    %mul3A_50 = vector.broadcast %mul3A_49 : f32 to vector<1x64xf32>
    %mul3A_51 = arith.mulf %mul3A_50, %get3A_38 : vector<1x64xf32>
    %mul3A_52 = arith.mulf %mul3A_51, %dot_general3A_41 : vector<1x64xf32>
    %add3A_53 = arith.addf %div3A_48, %mul3A_52 : vector<1x64xf32>
    %mul3A_54 = arith.mulf %get3A_38, %get3A_38 : vector<1x64xf32>
    %add3A_55 = arith.addf %add3A_53, %mul3A_54 : vector<1x64xf32>
    %mul3A_56 = arith.mulf %add3A_42, %add3A_42 : vector<1x64xf32>
    %sub3A = arith.subf %add3A_55, %mul3A_56 : vector<1x64xf32>
    %get3A_57 = arith.constant 0 : index
    %get3A_58 = arith.constant 0 : index
    %get3A_59 = vector.load %arg4[%get3A_57, %get3A_58] : memref<1x64xf32, #tpu.memory_space<vmem>>, vector<1x64xf32>
    %get3A_60 = arith.constant 0 : index
    %get3A_61 = arith.constant 0 : index
    %get3A_62 = vector.load %arg5[%get3A_60, %get3A_61] : memref<64x64xf32, #tpu.memory_space<vmem>>, vector<64x64xf32>
    %get3A_63 = arith.constant 0 : index
    %get3A_64 = arith.constant 0 : index
    %get3A_65 = vector.load %arg13[%get3A_63, %get3A_64] : memref<64x64xf32, #tpu.memory_space<vmem>>, vector<64x64xf32>
    %get3A_66 = arith.constant 0 : index
    %get3A_67 = arith.constant 0 : index
    %get3A_68 = vector.load %arg14[%get3A_66, %get3A_67] : memref<1x64xf32, #tpu.memory_space<vmem>>, vector<1x64xf32>
    %div3A_69 = arith.constant 1.600000e+05 : f32
    %div3A_70 = vector.broadcast %div3A_69 : f32 to vector<1x64xf32>
    %div3A_71 = arith.divf %get3A_59, %div3A_70 : vector<1x64xf32>
    %dot_general3A_72 = arith.constant dense<0.000000e+00> : vector<1x64xf32>
    %dot_general3A_73 = tpu.matmul %div3A_71, %get3A_65, %dot_general3A_72 {dimension_numbers = #tpu.dot_dimension_numbers<[1], [0], [0], [1], [0, 0, 1, 1], [], []>, transpose_lhs_hint = false} : vector<1x64xf32>, vector<64x64xf32>, vector<1x64xf32> -> vector<1x64xf32>
    %add3A_74 = arith.addf %dot_general3A_73, %get3A_68 : vector<1x64xf32>
    %dot_general3A_75 = arith.constant dense<0.000000e+00> : vector<64x64xf32>
    %dot_general3A_76 = tpu.matmul %get3A_62, %get3A_65, %dot_general3A_75 {dimension_numbers = #tpu.dot_dimension_numbers<[1], [0], [0], [1], [0, 0, 1, 1], [], []>, transpose_lhs_hint = false} : vector<64x64xf32>, vector<64x64xf32>, vector<64x64xf32> -> vector<64x64xf32>
    %mul3A_77 = arith.mulf %get3A_65, %dot_general3A_76 : vector<64x64xf32>
    %reduce_sum3A_78 = arith.constant dense<0.000000e+00> : vector<64xf32>
    %reduce_sum3A_79 = vector.multi_reduction <add>, %mul3A_77, %reduce_sum3A_78 [0] : vector<64x64xf32> to vector<64xf32>
    %broadcast_in_dim3A_80 = vector.shape_cast %reduce_sum3A_79 : vector<64xf32> to vector<1x64xf32>
    %div3A_81 = arith.constant 1.600000e+05 : f32
    %div3A_82 = vector.broadcast %div3A_81 : f32 to vector<1x64xf32>
    %div3A_83 = arith.divf %broadcast_in_dim3A_80, %div3A_82 : vector<1x64xf32>
    %mul3A_84 = arith.constant 2.000000e+00 : f32
    %mul3A_85 = vector.broadcast %mul3A_84 : f32 to vector<1x64xf32>
    %mul3A_86 = arith.mulf %mul3A_85, %get3A_68 : vector<1x64xf32>
    %mul3A_87 = arith.mulf %mul3A_86, %dot_general3A_73 : vector<1x64xf32>
    %add3A_88 = arith.addf %div3A_83, %mul3A_87 : vector<1x64xf32>
    %mul3A_89 = arith.mulf %get3A_68, %get3A_68 : vector<1x64xf32>
    %add3A_90 = arith.addf %add3A_88, %mul3A_89 : vector<1x64xf32>
    %mul3A_91 = arith.mulf %add3A_74, %add3A_74 : vector<1x64xf32>
    %sub3A_92 = arith.subf %add3A_90, %mul3A_91 : vector<1x64xf32>
    %add3A_93 = arith.constant 9.99999974E-6 : f32
    %add3A_94 = vector.broadcast %add3A_93 : f32 to vector<1x64xf32>
    %add3A_95 = arith.addf %sub3A, %add3A_94 : vector<1x64xf32>
    %rsqrt3A = math.rsqrt %add3A_95 : vector<1x64xf32>
    %get3A_96 = arith.constant 0 : index
    %get3A_97 = arith.constant 0 : index
    %get3A_98 = vector.load %arg11[%get3A_96, %get3A_97] : memref<1x64xf32, #tpu.memory_space<vmem>>, vector<1x64xf32>
    %mul3A_99 = arith.mulf %rsqrt3A, %get3A_98 : vector<1x64xf32>
    %get3A_100 = arith.constant 0 : index
    %get3A_101 = arith.constant 0 : index
    %get3A_102 = vector.load %arg12[%get3A_100, %get3A_101] : memref<1x64xf32, #tpu.memory_space<vmem>>, vector<1x64xf32>
    %get3A_103 = arith.constant 0 : index
    %get3A_104 = arith.constant 0 : index
    %get3A_105 = vector.load %arg10[%get3A_103, %get3A_104] : memref<1x64xf32, #tpu.memory_space<vmem>>, vector<1x64xf32>
    %sub3A_106 = arith.subf %get3A_105, %add3A_42 : vector<1x64xf32>
    %mul3A_107 = arith.mulf %sub3A_106, %mul3A_99 : vector<1x64xf32>
    %add3A_108 = arith.addf %get3A_102, %mul3A_107 : vector<1x64xf32>
    %concatenate3A = tpu.concatenate %add3A_108, %add3A_108, %add3A_108, %add3A_108, %add3A_108, %add3A_108, %add3A_108, %add3A_108 in 1 : vector<1x64xf32>, vector<1x64xf32>, vector<1x64xf32>, vector<1x64xf32>, vector<1x64xf32>, vector<1x64xf32>, vector<1x64xf32>, vector<1x64xf32> -> vector<1x512xf32>
    %add3A_109 = arith.constant 9.99999974E-6 : f32
    %add3A_110 = vector.broadcast %add3A_109 : f32 to vector<1x64xf32>
    %add3A_111 = arith.addf %sub3A_92, %add3A_110 : vector<1x64xf32>
    %rsqrt3A_112 = math.rsqrt %add3A_111 : vector<1x64xf32>
    %get3A_113 = arith.constant 0 : index
    %get3A_114 = arith.constant 0 : index
    %get3A_115 = vector.load %arg15[%get3A_113, %get3A_114] : memref<1x64xf32, #tpu.memory_space<vmem>>, vector<1x64xf32>
    %mul3A_116 = arith.mulf %rsqrt3A_112, %get3A_115 : vector<1x64xf32>
    %get3A_117 = arith.constant 0 : index
    %get3A_118 = arith.constant 0 : index
    %get3A_119 = vector.load %arg16[%get3A_117, %get3A_118] : memref<1x64xf32, #tpu.memory_space<vmem>>, vector<1x64xf32>
    %get3A_120 = arith.constant 0 : index
    %get3A_121 = arith.constant 0 : index
    %get3A_122 = vector.load %arg14[%get3A_120, %get3A_121] : memref<1x64xf32, #tpu.memory_space<vmem>>, vector<1x64xf32>
    %sub3A_123 = arith.subf %get3A_122, %add3A_74 : vector<1x64xf32>
    %mul3A_124 = arith.mulf %sub3A_123, %mul3A_116 : vector<1x64xf32>
    %add3A_125 = arith.addf %get3A_119, %mul3A_124 : vector<1x64xf32>
    %concatenate3A_126 = tpu.concatenate %add3A_125, %add3A_125, %add3A_125, %add3A_125, %add3A_125, %add3A_125, %add3A_125, %add3A_125 in 1 : vector<1x64xf32>, vector<1x64xf32>, vector<1x64xf32>, vector<1x64xf32>, vector<1x64xf32>, vector<1x64xf32>, vector<1x64xf32>, vector<1x64xf32> -> vector<1x512xf32>
    %get3A_127 = arith.constant 0 : index
    %get3A_128 = arith.constant 0 : index
    %get3A_129 = vector.load %arg1[%get3A_127, %get3A_128] : memref<400x128xf32, #tpu.memory_space<vmem>>, vector<400x128xf32>
    %convert_element_type3A = arith.truncf %get3A_129 : vector<400x128xf32> to vector<400x128xbf16>
    %get3A_130 = arith.constant 0 : index
    %get3A_131 = arith.constant 0 : index
    %get3A_132 = vector.load %arg6[%get3A_130, %get3A_131] : memref<128x512xbf16, #tpu.memory_space<vmem>>, vector<128x512xbf16>
    %dot_general3A_133 = arith.constant dense<0.000000e+00> : vector<400x512xf32>
    %dot_general3A_134 = tpu.matmul %convert_element_type3A, %get3A_132, %dot_general3A_133 {dimension_numbers = #tpu.dot_dimension_numbers<[1], [0], [0], [1], [0, 0, 1, 1], [], []>, transpose_lhs_hint = false} : vector<400x128xbf16>, vector<128x512xbf16>, vector<400x512xf32> -> vector<400x512xf32>
    %concatenate3A_135 = tpu.concatenate %mul3A_99, %mul3A_99, %mul3A_99, %mul3A_99, %mul3A_99, %mul3A_99, %mul3A_99, %mul3A_99 in 1 : vector<1x64xf32>, vector<1x64xf32>, vector<1x64xf32>, vector<1x64xf32>, vector<1x64xf32>, vector<1x64xf32>, vector<1x64xf32>, vector<1x64xf32> -> vector<1x512xf32>
    %mul3A_136 = vector.broadcast %concatenate3A_135 : vector<1x512xf32> to vector<400x512xf32>
    %mul3A_137 = arith.mulf %dot_general3A_134, %mul3A_136 : vector<400x512xf32>
    %add3A_138 = vector.broadcast %concatenate3A : vector<1x512xf32> to vector<400x512xf32>
    %add3A_139 = arith.addf %mul3A_137, %add3A_138 : vector<400x512xf32>
    %max3A = arith.constant 0.000000e+00 : f32
    %max3A_140 = vector.broadcast %max3A : f32 to vector<400x512xf32>
    %max3A_141 = arith.maximumf %add3A_139, %max3A_140 : vector<400x512xf32>
    %convert_element_type3A_142 = arith.truncf %max3A_141 : vector<400x512xf32> to vector<400x512xbf16>
    %get3A_143 = arith.constant 0 : index
    %get3A_144 = arith.constant 0 : index
    %get3A_145 = vector.load %arg7[%get3A_143, %get3A_144] : memref<512x512xbf16, #tpu.memory_space<vmem>>, vector<512x512xbf16>
    %dot_general3A_146 = arith.constant dense<0.000000e+00> : vector<400x512xf32>
    %dot_general3A_147 = tpu.matmul %convert_element_type3A_142, %get3A_145, %dot_general3A_146 {dimension_numbers = #tpu.dot_dimension_numbers<[1], [0], [0], [1], [0, 0, 1, 1], [], []>, transpose_lhs_hint = false} : vector<400x512xbf16>, vector<512x512xbf16>, vector<400x512xf32> -> vector<400x512xf32>
    %concatenate3A_148 = tpu.concatenate %mul3A_116, %mul3A_116, %mul3A_116, %mul3A_116, %mul3A_116, %mul3A_116, %mul3A_116, %mul3A_116 in 1 : vector<1x64xf32>, vector<1x64xf32>, vector<1x64xf32>, vector<1x64xf32>, vector<1x64xf32>, vector<1x64xf32>, vector<1x64xf32>, vector<1x64xf32> -> vector<1x512xf32>
    %mul3A_149 = vector.broadcast %concatenate3A_148 : vector<1x512xf32> to vector<400x512xf32>
    %mul3A_150 = arith.mulf %dot_general3A_147, %mul3A_149 : vector<400x512xf32>
    %add3A_151 = vector.broadcast %concatenate3A_126 : vector<1x512xf32> to vector<400x512xf32>
    %add3A_152 = arith.addf %mul3A_150, %add3A_151 : vector<400x512xf32>
    %ge3A = arith.constant 0.000000e+00 : f32
    %ge3A_153 = vector.broadcast %ge3A : f32 to vector<400x512xf32>
    %ge3A_154 = arith.cmpf oge, %add3A_152, %ge3A_153 : vector<400x512xf32>
    %mul3A_155 = arith.constant 0.00999999977 : f32
    %mul3A_156 = vector.broadcast %mul3A_155 : f32 to vector<400x512xf32>
    %mul3A_157 = arith.mulf %mul3A_156, %add3A_152 : vector<400x512xf32>
    %select_n3A = arith.select %ge3A_154, %add3A_152, %mul3A_157 : vector<400x512xi1>, vector<400x512xf32>
    %convert_element_type3A_158 = arith.truncf %select_n3A : vector<400x512xf32> to vector<400x512xbf16>
    %get3A_159 = arith.constant 0 : index
    %get3A_160 = arith.constant 0 : index
    %get3A_161 = vector.load %arg8[%get3A_159, %get3A_160] : memref<512x512xbf16, #tpu.memory_space<vmem>>, vector<512x512xbf16>
    %dot_general3A_162 = arith.constant dense<0.000000e+00> : vector<400x512xf32>
    %dot_general3A_163 = tpu.matmul %convert_element_type3A_158, %get3A_161, %dot_general3A_162 {dimension_numbers = #tpu.dot_dimension_numbers<[1], [0], [0], [1], [0, 0, 1, 1], [], []>, transpose_lhs_hint = false} : vector<400x512xbf16>, vector<512x512xbf16>, vector<400x512xf32> -> vector<400x512xf32>
    %get3A_164 = arith.constant 0 : index
    %get3A_165 = arith.constant 0 : index
    %get3A_166 = vector.load %arg17[%get3A_164, %get3A_165] : memref<1x64xf32, #tpu.memory_space<vmem>>, vector<1x64xf32>
    %concatenate3A_167 = tpu.concatenate %get3A_166, %get3A_166, %get3A_166, %get3A_166, %get3A_166, %get3A_166, %get3A_166, %get3A_166 in 1 : vector<1x64xf32>, vector<1x64xf32>, vector<1x64xf32>, vector<1x64xf32>, vector<1x64xf32>, vector<1x64xf32>, vector<1x64xf32>, vector<1x64xf32> -> vector<1x512xf32>
    %add3A_168 = vector.broadcast %concatenate3A_167 : vector<1x512xf32> to vector<400x512xf32>
    %add3A_169 = arith.addf %dot_general3A_163, %add3A_168 : vector<400x512xf32>
    %swap3A = arith.constant 0 : index
    %swap3A_170 = arith.constant 0 : index
    %swap3A_171 = vector.load %arg18[%swap3A, %swap3A_170] : memref<400x512xf32, #tpu.memory_space<vmem>>, vector<400x512xf32>
    tpu.vector_store %arg18[%swap3A, %swap3A_170], %add3A_169 {strides = array<i32>} : memref<400x512xf32, #tpu.memory_space<vmem>>, vector<400x512xf32>,
    return
  }
  func.func @transform_0(%arg0: i32) -> (i32, i32) {
    %c0_i32 = arith.constant 0 : i32
    %c0_i32_0 = arith.constant 0 : i32
    return %arg0, %c0_i32 : i32, i32
  }
  func.func @transform_1(%arg0: i32) -> (i32, i32) {
    %c0_i32 = arith.constant 0 : i32
    %c0_i32_0 = arith.constant 0 : i32
    %c0_i32_1 = arith.constant 0 : i32
    return %c0_i32, %c0_i32_0 : i32, i32
  }
  func.func @transform_2(%arg0: i32) -> (i32, i32) {
    %c0_i32 = arith.constant 0 : i32
    %c0_i32_0 = arith.constant 0 : i32
    %c0_i32_1 = arith.constant 0 : i32
    return %c0_i32, %c0_i32_0 : i32, i32
  }
  func.func @transform_3(%arg0: i32) -> (i32, i32) {
    %c0_i32 = arith.constant 0 : i32
    %c0_i32_0 = arith.constant 0 : i32
    %c0_i32_1 = arith.constant 0 : i32
    return %c0_i32, %c0_i32_0 : i32, i32
  }
  func.func @transform_4(%arg0: i32) -> (i32, i32) {
    %c0_i32 = arith.constant 0 : i32
    %c0_i32_0 = arith.constant 0 : i32
    %c0_i32_1 = arith.constant 0 : i32
    return %c0_i32, %c0_i32_0 : i32, i32
  }
  func.func @transform_5(%arg0: i32) -> (i32, i32) {
    %c0_i32 = arith.constant 0 : i32
    %c0_i32_0 = arith.constant 0 : i32
    %c0_i32_1 = arith.constant 0 : i32
    return %c0_i32, %c0_i32_0 : i32, i32
  }
  func.func @transform_6(%arg0: i32) -> (i32, i32) {
    %c0_i32 = arith.constant 0 : i32
    %c0_i32_0 = arith.constant 0 : i32
    %c0_i32_1 = arith.constant 0 : i32
    return %c0_i32, %c0_i32_0 : i32, i32
  }
  func.func @transform_7(%arg0: i32) -> (i32, i32) {
    %c0_i32 = arith.constant 0 : i32
    %c0_i32_0 = arith.constant 0 : i32
    %c0_i32_1 = arith.constant 0 : i32
    return %c0_i32, %c0_i32_0 : i32, i32
  }
  func.func @transform_8(%arg0: i32) -> (i32, i32) {
    %c0_i32 = arith.constant 0 : i32
    %c0_i32_0 = arith.constant 0 : i32
    %c0_i32_1 = arith.constant 0 : i32
    return %c0_i32, %c0_i32_0 : i32, i32
  }
  func.func @transform_9(%arg0: i32) -> (i32, i32) {
    %c0_i32 = arith.constant 0 : i32
    %c0_i32_0 = arith.constant 0 : i32
    %c0_i32_1 = arith.constant 0 : i32
    return %c0_i32, %c0_i32_0 : i32, i32
  }
  func.func @transform_10(%arg0: i32) -> (i32, i32) {
    %c0_i32 = arith.constant 0 : i32
    %c0_i32_0 = arith.constant 0 : i32
    %c0_i32_1 = arith.constant 0 : i32
    return %c0_i32, %c0_i32_0 : i32, i32
  }
  func.func @transform_11(%arg0: i32) -> (i32, i32) {
    %c0_i32 = arith.constant 0 : i32
    %c0_i32_0 = arith.constant 0 : i32
    %c0_i32_1 = arith.constant 0 : i32
    return %c0_i32, %c0_i32_0 : i32, i32
  }
  func.func @transform_12(%arg0: i32) -> (i32, i32) {
    %c0_i32 = arith.constant 0 : i32
    %c0_i32_0 = arith.constant 0 : i32
    %c0_i32_1 = arith.constant 0 : i32
    return %c0_i32, %c0_i32_0 : i32, i32
  }
  func.func @transform_13(%arg0: i32) -> (i32, i32) {
    %c0_i32 = arith.constant 0 : i32
    %c0_i32_0 = arith.constant 0 : i32
    %c0_i32_1 = arith.constant 0 : i32
    return %c0_i32, %c0_i32_0 : i32, i32
  }
  func.func @transform_14(%arg0: i32) -> (i32, i32) {
    %c0_i32 = arith.constant 0 : i32
    %c0_i32_0 = arith.constant 0 : i32
    %c0_i32_1 = arith.constant 0 : i32
    return %c0_i32, %c0_i32_0 : i32, i32
  }
  func.func @transform_15(%arg0: i32) -> (i32, i32) {
    %c0_i32 = arith.constant 0 : i32
    %c0_i32_0 = arith.constant 0 : i32
    %c0_i32_1 = arith.constant 0 : i32
    return %c0_i32, %c0_i32_0 : i32, i32
  }
  func.func @transform_16(%arg0: i32) -> (i32, i32) {
    %c0_i32 = arith.constant 0 : i32
    %c0_i32_0 = arith.constant 0 : i32
    %c0_i32_1 = arith.constant 0 : i32
    return %c0_i32, %c0_i32_0 : i32, i32
  }
  func.func @transform_17(%arg0: i32) -> (i32, i32) {
    %c0_i32 = arith.constant 0 : i32
    %c0_i32_0 = arith.constant 0 : i32
    return %arg0, %c0_i32 : i32, i32
  }
}

</mosaic_0001>

<sc_bundles>
// kernel: kernel.12.cloned.1.call-start
scs
__scs_entry_jumppad:
0x0: {  	(pc) =	sbr.rel $0x88, $3  }
0x1: {  	(tag) =	ssettag $0x0;
	lr =	simm.s32 $0x1  }
0x2: {  	[smem:$0x3F84] =	sst lr;
	_ =	strace $0xD0000000  }
0x3: {  	_ = 	snop  }
0x4: {  	_ = 	snop  }
0x5: {  	_ = 	snop  }
0x6: {  	_ = 	snop  }
0x7: {  	_ = 	snop  }
__scs_overlays_trampoline_lowered:
0x8: {  	[smem:$0x3F93] =	sst s0  }
0x9: {  	[smem:$0x3F94] =	sst s1  }
0xa: {  	[smem:$0x3F95] =	sst s2  }
0xb: {  	[smem:$0x3F96] =	sst s3  }
0xc: {  	[smem:$0x3F97] =	sst s4  }
0xd: {  	[smem:$0x3F98] =	sst s5  }
0xe: {  	[smem:$0x3F99] =	sst s6  }
0xf: {  	[smem:$0x3F9A] =	sst s7  }
0x10: {  	[smem:$0x3F9B] =	sst s8  }
0x11: {  	[smem:$0x3F9C] =	sst s9;
	s0 =	simm.s32 @!p0 $0x0  }
0x12: {  	s1 =	sld [smem:$0x3F82];
	s0 =	simm.s32 @p0 $0x1  }
0x13: {  	[smem:$0x3F9D] =	sst s0;
	s0 =	simm.s32 @!p1 $0x0  }
0x14: {  	s2 =	sld [smem:$0x3F81];
	s0 =	simm.s32 @p1 $0x1  }
0x15: {  	[smem:$0x3F9E] =	sst s0;
	s0 =	simm.s32 @!p2 $0x0  }
0x16: {  	s3 =	sld [smem:$0x3FDB];
	s0 =	simm.s32 @p2 $0x1  }
0x17: {  	s4 =	simm.s32 $0x1BF5;
	[smem:$0x3FA0] =	sst s0  }
0x18: {  	s0 =	sld [smem:$0x3F83];
	_ =	swait.ge [sflag:s4], $0x0  }
0x19: {  	s7 =	sld [smem:$0x3F84]  }
0x1a: {  	s8 =	sadd.s32 $0xFFFFE003, lr  }
0x1b: {  	s9 =	sadd.s32 $0xFFFFFEF7, lr;
	s5 =	simm.s32 $0xFFFFFFFF;
	p2 =	slt.u32 s8, $0xFFFFF086  }
0x1c: {  	p1 =	slt.u32 s9, $0xF7A;
	s5 =	simm.s32 @!p2 $0x0  }
0x1d: {  	s5 =	simm.s32 @p1 $0x1;
	p0 =	seq.s32 s7, s2  }
0x1e: {  	s7 =	smul.u32 @!p0 $0xF7A, s2;
	p2 =	seq.s32 @!p0 s5, $0x0  }
0x1f: {  	s9 =	smul.u32 $0xF7A, s1;
	s8 =	simm.s32 @!p0 $0x1BF5;
	p2 =	por !p2, p0  }
0x20: {  	[sflag:s8] =	ssyncset.s32 @!p0 $0xFFFFF086;
	s6 =	sadd.s32 @!p0 s3, s7;
	s7 =	simm.s32 @!p0 $0x108  }
0x21: {  	s3 =	sadd.s32 s3, s9;
	s6 =	sadd.s32 @!p0 $0x88, s6;
	s7 =	simm.s32 @p2 $0x1082  }
0x22: {  	[simem:s7], [sflag:s8] =	dma.local @!p0 [hbm:s6], $0xF7A  }
0x23: {  	s9 =	sor.u32 $0xD0000000, s2;
	s6 =	simm.s32 $0x108;
	_ =	swait.ge @!p0 [sflag:s8], $0x0  }
0x24: {  	s3 =	sadd.s32 $0x88, s3;
	s6 =	simm.s32 @!p1 $0x1082;
	[sflag:s4] =	ssyncset.s32 $0xFFFFF086  }
0x25: {  	[simem:s6], [sflag:s4] =	dma.local [hbm:s3], $0xF7A  }
0x26: {  	[smem:$0x3F84] =	sst s1;
	(tag) =	ssettag s2;
	_ =	strace s9  }
0x27: {  	s1 =	sld [smem:$0x3F94]  }
0x28: {  	s2 =	sld [smem:$0x3F95]  }
0x29: {  	s4 =	sld [smem:$0x3F97]  }
0x2a: {  	p0 =	seq.s32 s5, $0x0;
	s5 =	sld [smem:$0x3F98]  }
0x2b: {  	s6 =	sld [smem:$0x3F99]  }
0x2c: {  	s7 =	sld [smem:$0x3F9A]  }
0x2d: {  	s3 =	simm.s32 $0x108;
	s8 =	sld [smem:$0x3F9B]  }
0x2e: {  	s3 =	simm.s32 @!p0 $0x1082;
	s9 =	sld [smem:$0x3F9C]  }
0x2f: {  	lr =	sadd.s32 s0, s3;
	s0 =	sld [smem:$0x3F93]  }
0x30: {  	s3 =	sld [smem:$0x3F96]  }
0x31: {  	[smem:$0x3F9F] =	sst s10  }
0x32: {  	s10 =	sld [smem:$0x3F9D];
	_ =	sdelay $0x3  }
0x33: {  	p0 =	seq.s32 s10, $0x1;
	s10 =	sld [smem:$0x3F9F];
	_ =	sdelay $0x3  }
0x34: {  	[smem:$0x3F9F] =	sst s10  }
0x35: {  	s10 =	sld [smem:$0x3F9E];
	_ =	sdelay $0x3  }
0x36: {  	p1 =	seq.s32 s10, $0x1;
	s10 =	sld [smem:$0x3F9F];
	_ =	sdelay $0x3  }
0x37: {  	[smem:$0x3F9F] =	sst s10  }
0x38: {  	s10 =	sld [smem:$0x3FA0]  }
0x39: {  	_ = 	snop;
	(pc) =	sbr.ind lr, $3  }
0x3a: {  	_ = 	snop  }
0x3b: {  	_ = 	snop  }
0x3c: {  	p2 =	seq.s32 s10, $0x1;
	s10 =	sld [smem:$0x3F9F]  }
0x3d: {  	_ =	shalt  }
0x3e: {  	_ =	shalt  }
0x3f: {  	_ =	shalt  }
0x40: {  	_ =	shalt  }
0x41: {  	_ =	shalt  }
0x42: {  	_ =	shalt  }
0x43: {  	_ =	shalt  }
0x44: {  	_ =	shalt  }
0x45: {  	_ =	shalt  }
0x46: {  	_ =	shalt  }
0x47: {  	_ =	shalt  }
0x48: {  	_ =	shalt  }
0x49: {  	_ =	shalt  }
0x4a: {  	_ =	shalt  }
0x4b: {  	_ =	shalt  }
0x4c: {  	_ =	shalt  }
0x4d: {  	_ =	shalt  }
0x4e: {  	_ =	shalt  }
0x4f: {  	_ =	shalt  }
0x50: {  	_ =	shalt  }
0x51: {  	_ =	shalt  }
0x52: {  	_ =	shalt  }
0x53: {  	_ =	shalt  }
0x54: {  	_ =	shalt  }
0x55: {  	_ =	shalt  }
0x56: {  	_ =	shalt  }
0x57: {  	_ =	shalt  }
0x58: {  	_ =	shalt  }
0x59: {  	_ =	shalt  }
0x5a: {  	_ =	shalt  }
0x5b: {  	_ =	shalt  }
0x5c: {  	_ =	shalt  }
0x5d: {  	_ =	shalt  }
0x5e: {  	_ =	shalt  }
0x5f: {  	_ =	shalt  }
0x60: {  	_ =	shalt  }
0x61: {  	_ =	shalt  }
0x62: {  	_ =	shalt  }
0x63: {  	_ =	shalt  }
0x64: {  	_ =	shalt  }
0x65: {  	_ =	shalt  }
0x66: {  	_ =	shalt  }
0x67: {  	_ =	shalt  }
0x68: {  	_ =	shalt  }
0x69: {  	_ =	shalt  }
0x6a: {  	_ =	shalt  }
0x6b: {  	_ =	shalt  }
0x6c: {  	_ =	shalt  }
0x6d: {  	_ =	shalt  }
0x6e: {  	_ =	shalt  }
0x6f: {  	_ =	shalt  }
0x70: {  	_ =	shalt  }
0x71: {  	_ =	shalt  }
0x72: {  	_ =	shalt  }
0x73: {  	_ =	shalt  }
0x74: {  	_ =	shalt  }
0x75: {  	_ =	shalt  }
0x76: {  	_ =	shalt  }
0x77: {  	_ =	shalt  }
0x78: {  	_ =	shalt  }
0x79: {  	_ =	shalt  }
0x7a: {  	_ =	shalt  }
0x7b: {  	_ =	shalt  }
0x7c: {  	_ =	shalt  }
0x7d: {  	_ =	shalt  }
0x7e: {  	_ =	shalt  }
0x7f: {  	_ =	shalt  }
0x80: {  	_ =	shalt  }
0x81: {  	_ =	shalt  }
0x82: {  	_ =	shalt  }
0x83: {  	_ =	shalt  }
0x84: {  	_ =	shalt  }
0x85: {  	_ =	shalt  }
0x86: {  	_ =	shalt  }
0x87: {  	_ =	shalt  }
.Lfunc_end0:
.L_simem_size_0:
called_computation.1_lowered:
.L_overlay_start_0:
0x88: {  	s2 =	sld [smem:$0x3FD9]  }
0x89: {  	s3 =	sld [smem:$0x3FFE];
	_ =	sdelay $0x1  }
0x8a: {  	s1 =	srdreg.scid  }
0x8b: {  	s0 =	sand.u32 $0x1, s1  }
0x8c: {  	s14 =	sshll.u32 s0, $0xA;
	s2 =	sadd.s32 s3, s2  }
0x8d: {  	s2 =	sadd.s32 s2, s14  }
0x8e: {  	[smem:$0x3FAB] =	sst s2  }
0x8f: {  	_ = 	snop  }
0x90: {  	s2 =	sld [smem:$0x3FD0];
	_ =	sdelay $0x2  }
0x91: {  	s4 =	simm.s32 $0xB;
	s5 =	simm.s32 $0x10;
	s15 =	sld [smem:$0x3FC9]  }
0x92: {  	[smem:s5], [sflag:s4] =	dma.local [hbm:s2], $0x1  }
0x93: {  	_ =	swait.eq [sflag:s4], $0x1  }
0x94: {  	[sflag:s4] =	ssyncset.done $0x0  }
0x95: {  	[sflag:s4] =	ssyncadd.s32 $0xFFFFFFFF  }
0x96: {  	s16 =	sld [smem:$0x10];
	(tm) =	ssettm $0x1  }
0x97: {  	s17 =	sld [smem:$0x3FFB];
	_ =	sdelay $0x3  }
0x98: {  	_ =	strace s17  }
0x99: {  	s4 =	sld [smem:$0x3FFC];
	_ =	sdelay $0x3  }
0x9a: {  	_ =	strace s4  }
0x9b: {  	s4 =	sld [smem:$0x3FFD];
	_ =	sdelay $0x3  }
0x9c: {  	_ =	strace s4  }
0x9d: {  	_ =	strace $0x8FFFFFFF  }
0x9e: {  	s18 =	sld [smem:$0x3FDB];
	_ =	sdelay $0x1  }
0x9f: {  	s19 =	simm.s32 $_scs_section_size  }
0xa0: {  	s6 =	simm.s32 $_size__tile_overlayer_lowered;
	s7 =	simm.s32 $_tile_overlayer_lowered  }
0xa1: {  	s22 =	simm.s32 $0x1BFF;
	s21 =	sshll.u32 s7, $0x1;
	s4 =	sadd.s32 s19, s18  }
0xa2: {  	s8 =	simm.s32 $0x0;
	s20 =	sshll.u32 s6, $0x1;
	s6 =	sadd.s32 s21, s4  }
0xa3: {  	[timem:s8], [sflag:s22] =	dma.local [hbm:s6], s20  }
0xa4: {  	_ =	swait.ge [sflag:s22], s20  }
0xa5: {  	s5 =	ssub.s32 $0x0, s20;
	[sflag:s22] =	ssyncset.done $0x0  }
0xa6: {  	[sflag:s22] =	ssyncadd.s32 s5;
	_ =	sdelay $0x1  }
0xa7: {  	s23 =	simm.s32 $0x1B8B  }
0xa8: {  	_ =	swait.ge [sflag:s23], $0x1  }
0xa9: {  	[sflag:s23] =	ssyncset.done $0x0  }
0xaa: {  	s25 =	simm.s32 $0x1B8E;
	s24 =	sld [smem:$0x3FFE];
	[sflag:s23] =	ssyncadd.s32 $0xFFFFFFFF  }
0xab: {  	s26 =	simm.s32 $execute0_lowered;
	[smem:$0x3FD2] =	sst s25  }
0xac: {  	s6 =	sshll.u32 s26, $0x1;
	_ =	strace $0x80000046;
	[dreg:$0x1] =	wrdreg $0xFFFFFFFF  }
0xad: {  	s28 =	simm.s32 $_size_execute0_lowered;
	s4 =	sadd.s32 s4, s6;
	[dreg:$0x0] =	wrdreg $0x0  }
0xae: {  	s6 =	sshll.u32 s28, $0x1;
	[dreg:$0x2] =	wrdreg s4  }
0xaf: {  	[dreg:$0x3] =	wrdreg s6  }
0xb0: {  	[dreg:$0x4] =	wrdreg $0xC0  }
0xb1: {  	_ =	task [dreg:s8], $0x5FFFF  }
0xb2: {  	[dreg:$0x1] =	wrdreg $0xFFFFFFFF  }
0xb3: {  	[dreg:$0x0] =	wrdreg $0x60  }
0xb4: {  	[dreg:$0x2] =	wrdreg s16  }
0xb5: {  	[dreg:$0x3] =	wrdreg s15  }
0xb6: {  	[dreg:$0x4] =	wrdreg s24  }
0xb7: {  	[dreg:$0x5] =	wrdreg $0x9  }
0xb8: {  	_ =	task.clear_ibuf [dreg:s8], $0x6FFFF;
	_ =	strace $0x90000046  }
0xb9: {  	s29 =	simm.s32 $0x9;
	_ =	strace $0x80000048  }
0xba: {  	_ =	swait.ge [sflag:s29], $0x1  }
0xbb: {  	[sflag:s29] =	ssyncadd.s32 $0xFFFFFFFF  }
0xbc: {  	_ =	strace $0x90000048  }
0xbd: {  	_ =	sfence  }
0xbe: {  	s30 =	sld [smem:$0x0];
	_ =	sdelay $0x2  }
0xbf: {  	s31 =	sshll.u32 s1, $0xD;
	s1 =	sshrl.u32 s1, $0x2  }
0xc0: {  	s3 =	sand.u32 $0x4000, s31;
	s1 =	sadd.s32 s1, s30  }
0xc1: {  	s0 =	sor.u32 s3, s0;
	s1 =	sshll.u32 s1, $0x11  }
0xc2: {  	s0 =	sor.u32 s1, s0  }
0xc3: {  	s0 =	sadd.s32 $0x8F2B, s0  }
0xc4: {  	[sflag:s0] =	ssyncadd.remote.s32 $0x1  }
0xc5: {  	_ =	sfence.sel $0xFFFF  }
0xc6: {  	[dreg:$0x0] =	wrdreg $0xFFFFFFFF;
	(pc) =	sbr.abs _section_cstart, $3  }
0xc7: {  	[dreg:$0x1] =	wrdreg $0xFFFFFFFF  }
0xc8: {  	_ =	task.clear_ibuf [dreg:s8], $0x2FFFF;
	_ =	strace $0x9FFFFFFF  }
0xc9: {  	(tm) =	ssettm $0x7FFFFFFF  }
tec
execute0_lowered:
.L_overlay_start_1:
0x0: {  	(tag) =	ssettag $0x1  }
0x1: {  	s0 =	rddreg [dreg:$0x0]  }
0x2: {  	s1 =	rddreg [dreg:$0x1]  }
0x3: {  	s4 =	rddreg [dreg:$0x2]  }
0x4: {  	s5 =	srdreg.scid;
	s3 =	simm.s32 $0x0;
	s2 =	stileid.u32  }
0x5: {  	s14 =	simm.s32 $0x200;
	s15 =	simm.s32 $0x4200;
	s16 =	simm.s32 $0x100  }
0x6: {  	s17 =	simm.s32 $0x8200;
	s20 =	simm.s32 $0x1;
	s21 =	simm.s32 $0x2  }
0x7: {  	s22 =	simm.s32 $0x3;
	s23 =	simm.s32 $0x4;
	s8 =	sand.u32 $0x1, s5  }
0x8: {  	[smem:$0x7FF] =	sst s3;
	s6 =	sshll.u32 s2, $0x1;
	s9 =	sadd.s32 $0xA600, s4  }
0x9: {  	s11 =	sshll.u32 s2, $0x6;
	s12 =	sshll.u32 s2, $0xD;
	s5 =	ssub.s32 $0x2, s8  }
0xa: {  	_ =	strace $0x80000047;
	s24 =	sor.u32 s8, s6;
	s31 =	sshll.u32 s8, $0x5  }
0xb: {  	s12 =	sadd.s32 s12, s9;
	s13 =	sshll.u32 s8, $0xC;
	s7 =	sshrl.u32 s5, $0x1  }
0xc: {  	s10 =	sor.u32 $0x20, s24;
	s28 =	sshll.u32 s24, $0x5;
	s30 =	sshll.u32 s24, $0xC  }
0xd: {  	p0 =	sgt.u32 s24, $0x10;
	s26 =	ssub.s32 s5, s7;
	s29 =	sshll.u32 s10, $0x5  }
0xe: {  	s5 =	sadd.s32 s0, s28;
	s7 =	sadd.s32 s9, s30;
	s10 =	sshll.u32 s10, $0xC  }
0xf: {  	s4 =	smax.u32 s26, $0x1;
	s6 =	sadd.s32 s0, s29;
	s0 =	sadd.s32 s11, s0  }
0x10: {  	s8 =	sadd.s32 s9, s10;
	s9 =	sadd.s32 s13, s12;
	s11 =	sor.u32 $0x60, s24  }
0x11: {  	s12 =	simm.s32 $0x5;
	s13 =	simm.s32 $0x80;
	s0 =	sadd.s32 s31, s0  }
0x12: {  	s24 =	simm.s32 $0x0;
	[dreg:$0x4] =	wrdreg s4;
	s10 =	sadd.s32 $0xC00, s0  }
.LBB2_1:
0x13: {  	[tilespmem:s3], [sflag:$0x5] =	stream.linear.gather [hbm4b:s5+s3], $0x100, $0x38;
	[tilespmem:$0x10200] =	vst v63  }
0x14: {  	_ =	swait.ge [sflag:s12], $0x100  }
0x15: {  	[sflag:s12] =	ssyncset.done $0x0  }
0x16: {  	[sflag:s12] =	ssyncadd.s32 $0xFFFFFF00  }
0x17: {  	[tilespmem:s14], [sflag:$0x1] =	stream.indirect.gather [hbm4b:s1+s13], $0x80, s3, s13, $0xb8;
	[tilespmem:$0x10200] =	vst v63  }
0x18: {  	_ = 	snop  }
0x19: {  	[tilespmem:s15], [sflag:$0x1] =	stream.indirect.gather [hbm4b:s1+s13], $0x80, s13, s13, $0xb8;
	[tilespmem:$0x10200] =	vst v63  }
0x1a: {  	_ = 	snop  }
0x1b: {  	[tilespmem:s16], [sflag:$0x5] =	stream.linear.gather [hbm4b:s6+s3], $0x100, $0x38;
	[tilespmem:$0x10200] =	vst v63  }
0x1c: {  	_ =	swait.ge [sflag:s12], $0x100  }
0x1d: {  	[sflag:s12] =	ssyncset.done $0x0  }
0x1e: {  	[sflag:s12] =	ssyncadd.s32 $0xFFFFFF00  }
0x1f: {  	[tilespmem:s17], [sflag:$0x2] =	stream.indirect.gather [hbm4b:s1+s13], $0x80, s16, s13, $0xb8;
	[tilespmem:$0x10200] =	vst v63  }
0x20: {  	s0 =	simm.s32 $0x180;
	s2 =	simm.s32 $0xC200  }
0x21: {  	[tilespmem:s2], [sflag:$0x2] =	stream.indirect.gather [hbm4b:s1+s13], $0x80, s0, s13, $0xb8;
	[tilespmem:$0x10200] =	vst v63  }
0x22: {  	_ =	swait.ge [sflag:s20], $0x4000  }
0x23: {  	[sflag:s20] =	ssyncset.done $0x0  }
0x24: {  	[sflag:s20] =	ssyncadd.s32 $0xFFFFC000  }
0x25: {  	_ =	swait.ge [sflag:s20], $0x4000  }
0x26: {  	[sflag:s20] =	ssyncset.done $0x0  }
0x27: {  	[sflag:s20] =	ssyncadd.s32 $0xFFFFC000  }
0x28: {  	[hbm4b:s7+s3] =	stream.linear.scatter [tilespmem:s14], [sflag:$0x3], $0x8000, $0x38;
	[tilespmem:$0x10200] =	vst v63  }
0x29: {  	_ =	swait.ge [sflag:s21], $0x4000  }
0x2a: {  	[sflag:s21] =	ssyncset.done $0x0  }
0x2b: {  	[sflag:s21] =	ssyncadd.s32 $0xFFFFC000  }
0x2c: {  	_ =	swait.ge [sflag:s21], $0x4000  }
0x2d: {  	[sflag:s21] =	ssyncset.done $0x0  }
0x2e: {  	[sflag:s21] =	ssyncadd.s32 $0xFFFFC000  }
0x2f: {  	[hbm4b:s8+s3] =	stream.linear.scatter [tilespmem:s17], [sflag:$0x4], $0x8000, $0x38;
	[tilespmem:$0x10200] =	vst v63  }
0x30: {  	_ =	swait.ge [sflag:s22], $0x8000  }
0x31: {  	[sflag:s22] =	ssyncset.done $0x0  }
0x32: {  	s4 =	sadd.s32 $0xFFFFFC00, s10;
	[sflag:s22] =	ssyncadd.s32 $0xFFFF8000  }
0x33: {  	[tilespmem:s3], [sflag:$0x5] =	stream.linear.gather [hbm4b:s4+s3], $0x100, $0x38;
	[tilespmem:$0x10200] =	vst v63  }
0x34: {  	_ =	swait.ge [sflag:s12], $0x100  }
0x35: {  	[sflag:s12] =	ssyncset.done $0x0  }
0x36: {  	[sflag:s12] =	ssyncadd.s32 $0xFFFFFF00  }
0x37: {  	[tilespmem:s14], [sflag:$0x1] =	stream.indirect.gather [hbm4b:s1+s13], $0x80, s3, s13, $0xb8;
	[tilespmem:$0x10200] =	vst v63  }
0x38: {  	_ = 	snop  }
0x39: {  	[tilespmem:s15], [sflag:$0x1] =	stream.indirect.gather [hbm4b:s1+s13], $0x80, s13, s13, $0xb8;
	[tilespmem:$0x10200] =	vst v63  }
0x3a: {  	p1 =	sgt.u32 s11, $0x270;
	_ =	swait.ge [sflag:s23], $0x8000  }
0x3b: {  	s25 =	simm.s32 @!p1 $0x0;
	[sflag:s23] =	ssyncset.done $0x0  }
0x3c: {  	s26 =	simm.s32 @!p1 $0x5;
	s0 =	simm.s32 @!p1 $0x100;
	[sflag:s23] =	ssyncadd.s32 $0xFFFF8000  }
0x3d: {  	[tilespmem:s0], [sflag:$0x5] =	stream.linear.gather @!p1 [hbm4b:s10+s25], $0x100, $0x38;
	[tilespmem:$0x10200] =	vst v63  }
0x3e: {  	_ =	swait.ge @!p1 [sflag:s26], $0x100  }
0x3f: {  	[sflag:s26] =	ssyncset.done @!p1 $0x0  }
0x40: {  	s28 =	simm.s32 @!p1 $0x80;
	s30 =	simm.s32 @!p1 $0x8200;
	[sflag:s26] =	ssyncadd.s32 @!p1 $0xFFFFFF00  }
0x41: {  	[tilespmem:s30], [sflag:$0x2] =	stream.indirect.gather @!p1 [hbm4b:s1+s28], $0x80, s0, s28, $0xb8;
	[tilespmem:$0x10200] =	vst v63  }
0x42: {  	s26 =	simm.s32 @!p1 $0xC200;
	s0 =	simm.s32 @!p1 $0x180  }
0x43: {  	[tilespmem:s26], [sflag:$0x2] =	stream.indirect.gather @!p1 [hbm4b:s1+s28], $0x80, s0, s28, $0xb8;
	[tilespmem:$0x10200] =	vst v63  }
0x44: {  	_ =	swait.ge [sflag:s20], $0x4000  }
0x45: {  	[sflag:s20] =	ssyncset.done $0x0  }
0x46: {  	[sflag:s20] =	ssyncadd.s32 $0xFFFFC000  }
0x47: {  	_ =	swait.ge [sflag:s20], $0x4000  }
0x48: {  	s18 =	sadd.s32 $0x0, s9;
	[sflag:s20] =	ssyncset.done $0x0  }
0x49: {  	s19 =	sadd.s32 $0x40000, s18;
	s0 =	simm.s32 @!p1 $0x2;
	[sflag:s20] =	ssyncadd.s32 $0xFFFFC000  }
0x4a: {  	[hbm4b:s19+s3] =	stream.linear.scatter [tilespmem:s14], [sflag:$0x3], $0x8000, $0x38;
	[tilespmem:$0x10200] =	vst v63  }
0x4b: {  	_ =	swait.ge @!p1 [sflag:s0], $0x4000  }
0x4c: {  	[sflag:s0] =	ssyncset.done @!p1 $0x0  }
0x4d: {  	s29 =	smov.u32 s10;
	[sflag:s0] =	ssyncadd.s32 @!p1 $0xFFFFC000  }
0x4e: {  	s26 =	simm.s32 $0x40000;
	s28 =	sadd.s32 @!p1 $0x0, s9;
	_ =	swait.ge @!p1 [sflag:s0], $0x4000  }
0x4f: {  	s31 =	sadd.s32 @!p1 $0x60000, s28;
	s28 =	sadd.s32 $0x40, s11;
	[sflag:s0] =	ssyncset.done @!p1 $0x0  }
.LBB2_2:
0x50: {  	[sflag:s0] =	ssyncadd.s32 @!p1 $0xFFFFC000  }
0x51: {  	s29 =	sadd.s32 $0x800, s29;
	s0 =	smov.u32 s26;
	s26 =	sadd.s32 $0x40000, s26  }
0x52: {  	[hbm4b:s31+s25] =	stream.linear.scatter @!p1 [tilespmem:s30], [sflag:$0x4], $0x8000, $0x38;
	[tilespmem:$0x10200] =	vst v63  }
0x53: {  	p2 =	sne.s32 s26, $0x240000;
	_ =	swait.ge [sflag:s22], $0x8000  }
0x54: {  	s25 =	sadd.s32 $0xFFFFFC00, s29;
	[sflag:s22] =	ssyncset.done $0x0  }
0x55: {  	[sflag:s22] =	ssyncadd.s32 $0xFFFF8000  }
0x56: {  	[tilespmem:s3], [sflag:$0x5] =	stream.linear.gather [hbm4b:s25+s3], $0x100, $0x38;
	[tilespmem:$0x10200] =	vst v63  }
0x57: {  	_ =	swait.ge [sflag:s12], $0x100  }
0x58: {  	[sflag:s12] =	ssyncset.done $0x0  }
0x59: {  	[sflag:s12] =	ssyncadd.s32 $0xFFFFFF00  }
0x5a: {  	[tilespmem:s14], [sflag:$0x1] =	stream.indirect.gather [hbm4b:s1+s13], $0x80, s3, s13, $0xb8;
	[tilespmem:$0x10200] =	vst v63  }
0x5b: {  	_ = 	snop  }
0x5c: {  	[tilespmem:s15], [sflag:$0x1] =	stream.indirect.gather [hbm4b:s1+s13], $0x80, s13, s13, $0xb8;
	[tilespmem:$0x10200] =	vst v63  }
0x5d: {  	p1 =	sgt.u32 s28, $0x270;
	_ =	swait.ge [sflag:s23], $0x8000  }
0x5e: {  	s2 =	simm.s32 @!p1 $0x100;
	s25 =	simm.s32 @!p1 $0x0;
	[sflag:s23] =	ssyncset.done $0x0  }
0x5f: {  	s18 =	simm.s32 @!p1 $0x5;
	s30 =	sadd.s32 @!p1 s0, s9;
	[sflag:s23] =	ssyncadd.s32 $0xFFFF8000  }
0x60: {  	[tilespmem:s2], [sflag:$0x5] =	stream.linear.gather @!p1 [hbm4b:s29+s25], $0x100, $0x38;
	[tilespmem:$0x10200] =	vst v63  }
0x61: {  	s31 =	sadd.s32 @!p1 $0x60000, s30;
	_ =	swait.ge @!p1 [sflag:s18], $0x100  }
0x62: {  	s19 =	simm.s32 @!p1 $0x80;
	s30 =	simm.s32 @!p1 $0x8200;
	[sflag:s18] =	ssyncset.done @!p1 $0x0  }
0x63: {  	s4 =	simm.s32 @!p1 $0xC200;
	[sflag:s18] =	ssyncadd.s32 @!p1 $0xFFFFFF00;
	s18 =	simm.s32 @!p1 $0x180  }
0x64: {  	[tilespmem:s30], [sflag:$0x2] =	stream.indirect.gather @!p1 [hbm4b:s1+s19], $0x80, s2, s19, $0xb8;
	[tilespmem:$0x10200] =	vst v63  }
0x65: {  	_ = 	snop  }
0x66: {  	[tilespmem:s4], [sflag:$0x2] =	stream.indirect.gather @!p1 [hbm4b:s1+s19], $0x80, s18, s19, $0xb8;
	[tilespmem:$0x10200] =	vst v63  }
0x67: {  	_ =	swait.ge [sflag:s20], $0x4000  }
0x68: {  	[sflag:s20] =	ssyncset.done $0x0  }
0x69: {  	[sflag:s20] =	ssyncadd.s32 $0xFFFFC000  }
0x6a: {  	s0 =	sadd.s32 s0, s9;
	_ =	swait.ge [sflag:s20], $0x4000  }
0x6b: {  	s2 =	sadd.s32 $0x40000, s0;
	[sflag:s20] =	ssyncset.done $0x0  }
0x6c: {  	s0 =	simm.s32 @!p1 $0x2;
	[sflag:s20] =	ssyncadd.s32 $0xFFFFC000  }
0x6d: {  	[hbm4b:s2+s3] =	stream.linear.scatter [tilespmem:s14], [sflag:$0x3], $0x8000, $0x38;
	[tilespmem:$0x10200] =	vst v63  }
.Ltmp0:
0x6e: {  	_ =	swait.ge @!p1 [sflag:s0], $0x4000;
	(pc) =	sbr.rel @p2 .LBB2_2-.Ltmp0, $4  }
0x6f: {  	[sflag:s0] =	ssyncset.done @!p1 $0x0  }
0x70: {  	[sflag:s0] =	ssyncadd.s32 @!p1 $0xFFFFC000  }
0x71: {  	_ =	swait.ge @!p1 [sflag:s0], $0x4000  }
0x72: {  	s28 =	sadd.s32 $0x40, s28;
	[sflag:s0] =	ssyncset.done @!p1 $0x0  }
0x73: {  	[sflag:s0] =	ssyncadd.s32 @!p1 $0xFFFFC000  }
0x74: {  	[hbm4b:s31+s25] =	stream.linear.scatter @!p1 [tilespmem:s30], [sflag:$0x4], $0x8000, $0x38;
	[tilespmem:$0x10200] =	vst v63  }
0x75: {  	_ =	swait.ge [sflag:s22], $0x8000  }
0x76: {  	[sflag:s22] =	ssyncset.done $0x0  }
0x77: {  	s0 =	simm.s32 @!p0 $0x4;
	[sflag:s22] =	ssyncadd.s32 $0xFFFF8000  }
0x78: {  	_ =	swait.ge @!p0 [sflag:s0], $0x8000  }
0x79: {  	s24 =	sadd.s32 $0x1, s24;
	s2 =	rddreg [dreg:$0x4]  }
0x7a: {  	p1 =	sne.s32 s24, s2  }
.Ltmp1:
0x7b: {  	_ = 	snop;
	(pc) =	sbr.rel @p1 .LBB2_1-.Ltmp1, $3  }
0x7c: {  	_ =	sdelay $0x1  }
0x7d: {  	[sflag:s0] =	ssyncset.done @!p0 $0x0  }
0x7e: {  	[sflag:s0] =	ssyncadd.s32 @!p0 $0xFFFF8000  }
0x7f: {  	_ =	sfence.sel $0x180000  }
0x80: {  	[bflag:$0x0] =	sbarrier.arrive $0xFFFF  }
0x81: {  	_ =	strace $0x90000047  }
0x82: {  	s0 =	stileid.u32;
	[bflag:$0x2] =	sbarrier.arrive $0xFFFF  }
0x83: {  	p0 =	sne.s32 s0, $0x0;
	s0 =	rddreg [dreg:$0x3]  }
0x84: {  	s0 =	sadd.s32 @!p0 $0x100000, s0  }
0x85: {  	[sflag:s0] =	ssyncadd.tile.s32 @!p0 $0x1;
	_ =	shalt  }
.Lfunc_end2:
_tile_overlayer_lowered:
.L_overlay_start_2:
0x86: {  	(tag) =	ssettag $0x2  }
0x87: {  	s0 =	rddreg [dreg:$0x0];
	s2 =	stileid.u32  }
0x88: {  	s1 =	rddreg [dreg:$0x1];
	p0 =	sne.s32 s2, $0x0  }
0x89: {  	s3 =	rddreg [dreg:$0x2];
	[bflag:$0x3] =	sbarrier.arrive $0xFFFF;
	s2 =	simm.s32 @!p0 $0x1C05  }
0x8a: {  	[timem:s3], [sflag:s2] =	dma.local @!p0 [hbm:s0], s1  }
0x8b: {  	s0 =	simm.s32 @!p0 $0x5  }
0x8c: {  	_ =	swait.ge @!p0 [sflag:s0], s1  }
0x8d: {  	s1 =	ssub.s32 @!p0 $0x0, s1;
	[sflag:s0] =	ssyncset.done @!p0 $0x0  }
0x8e: {  	[sflag:s0] =	ssyncadd.s32 @!p0 s1  }
0x8f: {  	[bflag:$0x3] =	sbarrier.arrive $0xFFFF  }
0x90: {  	_ =	shalt  }

// kernel: kernel.15.cloned.1.call-start
scs
__scs_entry_jumppad:
0x0: {  	(pc) =	sbr.rel $0x88, $3  }
0x1: {  	(tag) =	ssettag $0x0;
	lr =	simm.s32 $0x1  }
0x2: {  	[smem:$0x3F84] =	sst lr;
	_ =	strace $0xD0000000  }
0x3: {  	_ = 	snop  }
0x4: {  	_ = 	snop  }
0x5: {  	_ = 	snop  }
0x6: {  	_ = 	snop  }
0x7: {  	_ = 	snop  }
__scs_overlays_trampoline_lowered:
0x8: {  	[smem:$0x3F93] =	sst s0  }
0x9: {  	[smem:$0x3F94] =	sst s1  }
0xa: {  	[smem:$0x3F95] =	sst s2  }
0xb: {  	[smem:$0x3F96] =	sst s3  }
0xc: {  	[smem:$0x3F97] =	sst s4  }
0xd: {  	[smem:$0x3F98] =	sst s5  }
0xe: {  	[smem:$0x3F99] =	sst s6  }
0xf: {  	[smem:$0x3F9A] =	sst s7  }
0x10: {  	[smem:$0x3F9B] =	sst s8  }
0x11: {  	[smem:$0x3F9C] =	sst s9;
	s0 =	simm.s32 @!p0 $0x0  }
0x12: {  	s1 =	sld [smem:$0x3F82];
	s0 =	simm.s32 @p0 $0x1  }
0x13: {  	[smem:$0x3F9D] =	sst s0;
	s0 =	simm.s32 @!p1 $0x0  }
0x14: {  	s2 =	sld [smem:$0x3F81];
	s0 =	simm.s32 @p1 $0x1  }
0x15: {  	[smem:$0x3F9E] =	sst s0;
	s0 =	simm.s32 @!p2 $0x0  }
0x16: {  	s3 =	sld [smem:$0x3FDB];
	s0 =	simm.s32 @p2 $0x1  }
0x17: {  	s4 =	simm.s32 $0x1BF5;
	[smem:$0x3FA0] =	sst s0  }
0x18: {  	s0 =	sld [smem:$0x3F83];
	_ =	swait.ge [sflag:s4], $0x0  }
0x19: {  	s7 =	sld [smem:$0x3F84]  }
0x1a: {  	s8 =	sadd.s32 $0xFFFFE003, lr  }
0x1b: {  	s9 =	sadd.s32 $0xFFFFFEF7, lr;
	s5 =	simm.s32 $0xFFFFFFFF;
	p2 =	slt.u32 s8, $0xFFFFF086  }
0x1c: {  	p1 =	slt.u32 s9, $0xF7A;
	s5 =	simm.s32 @!p2 $0x0  }
0x1d: {  	s5 =	simm.s32 @p1 $0x1;
	p0 =	seq.s32 s7, s2  }
0x1e: {  	s7 =	smul.u32 @!p0 $0xF7A, s2;
	p2 =	seq.s32 @!p0 s5, $0x0  }
0x1f: {  	s9 =	smul.u32 $0xF7A, s1;
	s8 =	simm.s32 @!p0 $0x1BF5;
	p2 =	por !p2, p0  }
0x20: {  	[sflag:s8] =	ssyncset.s32 @!p0 $0xFFFFF086;
	s6 =	sadd.s32 @!p0 s3, s7;
	s7 =	simm.s32 @!p0 $0x108  }
0x21: {  	s3 =	sadd.s32 s3, s9;
	s6 =	sadd.s32 @!p0 $0x88, s6;
	s7 =	simm.s32 @p2 $0x1082  }
0x22: {  	[simem:s7], [sflag:s8] =	dma.local @!p0 [hbm:s6], $0xF7A  }
0x23: {  	s9 =	sor.u32 $0xD0000000, s2;
	s6 =	simm.s32 $0x108;
	_ =	swait.ge @!p0 [sflag:s8], $0x0  }
0x24: {  	s3 =	sadd.s32 $0x88, s3;
	s6 =	simm.s32 @!p1 $0x1082;
	[sflag:s4] =	ssyncset.s32 $0xFFFFF086  }
0x25: {  	[simem:s6], [sflag:s4] =	dma.local [hbm:s3], $0xF7A  }
0x26: {  	[smem:$0x3F84] =	sst s1;
	(tag) =	ssettag s2;
	_ =	strace s9  }
0x27: {  	s1 =	sld [smem:$0x3F94]  }
0x28: {  	s2 =	sld [smem:$0x3F95]  }
0x29: {  	s4 =	sld [smem:$0x3F97]  }
0x2a: {  	p0 =	seq.s32 s5, $0x0;
	s5 =	sld [smem:$0x3F98]  }
0x2b: {  	s6 =	sld [smem:$0x3F99]  }
0x2c: {  	s7 =	sld [smem:$0x3F9A]  }
0x2d: {  	s3 =	simm.s32 $0x108;
	s8 =	sld [smem:$0x3F9B]  }
0x2e: {  	s3 =	simm.s32 @!p0 $0x1082;
	s9 =	sld [smem:$0x3F9C]  }
0x2f: {  	lr =	sadd.s32 s0, s3;
	s0 =	sld [smem:$0x3F93]  }
0x30: {  	s3 =	sld [smem:$0x3F96]  }
0x31: {  	[smem:$0x3F9F] =	sst s10  }
0x32: {  	s10 =	sld [smem:$0x3F9D];
	_ =	sdelay $0x3  }
0x33: {  	p0 =	seq.s32 s10, $0x1;
	s10 =	sld [smem:$0x3F9F];
	_ =	sdelay $0x3  }
0x34: {  	[smem:$0x3F9F] =	sst s10  }
0x35: {  	s10 =	sld [smem:$0x3F9E];
	_ =	sdelay $0x3  }
0x36: {  	p1 =	seq.s32 s10, $0x1;
	s10 =	sld [smem:$0x3F9F];
	_ =	sdelay $0x3  }
0x37: {  	[smem:$0x3F9F] =	sst s10  }
0x38: {  	s10 =	sld [smem:$0x3FA0]  }
0x39: {  	_ = 	snop;
	(pc) =	sbr.ind lr, $3  }
0x3a: {  	_ = 	snop  }
0x3b: {  	_ = 	snop  }
0x3c: {  	p2 =	seq.s32 s10, $0x1;
	s10 =	sld [smem:$0x3F9F]  }
0x3d: {  	_ =	shalt  }
0x3e: {  	_ =	shalt  }
0x3f: {  	_ =	shalt  }
0x40: {  	_ =	shalt  }
0x41: {  	_ =	shalt  }
0x42: {  	_ =	shalt  }
0x43: {  	_ =	shalt  }
0x44: {  	_ =	shalt  }
0x45: {  	_ =	shalt  }
0x46: {  	_ =	shalt  }
0x47: {  	_ =	shalt  }
0x48: {  	_ =	shalt  }
0x49: {  	_ =	shalt  }
0x4a: {  	_ =	shalt  }
0x4b: {  	_ =	shalt  }
0x4c: {  	_ =	shalt  }
0x4d: {  	_ =	shalt  }
0x4e: {  	_ =	shalt  }
0x4f: {  	_ =	shalt  }
0x50: {  	_ =	shalt  }
0x51: {  	_ =	shalt  }
0x52: {  	_ =	shalt  }
0x53: {  	_ =	shalt  }
0x54: {  	_ =	shalt  }
0x55: {  	_ =	shalt  }
0x56: {  	_ =	shalt  }
0x57: {  	_ =	shalt  }
0x58: {  	_ =	shalt  }
0x59: {  	_ =	shalt  }
0x5a: {  	_ =	shalt  }
0x5b: {  	_ =	shalt  }
0x5c: {  	_ =	shalt  }
0x5d: {  	_ =	shalt  }
0x5e: {  	_ =	shalt  }
0x5f: {  	_ =	shalt  }
0x60: {  	_ =	shalt  }
0x61: {  	_ =	shalt  }
0x62: {  	_ =	shalt  }
0x63: {  	_ =	shalt  }
0x64: {  	_ =	shalt  }
0x65: {  	_ =	shalt  }
0x66: {  	_ =	shalt  }
0x67: {  	_ =	shalt  }
0x68: {  	_ =	shalt  }
0x69: {  	_ =	shalt  }
0x6a: {  	_ =	shalt  }
0x6b: {  	_ =	shalt  }
0x6c: {  	_ =	shalt  }
0x6d: {  	_ =	shalt  }
0x6e: {  	_ =	shalt  }
0x6f: {  	_ =	shalt  }
0x70: {  	_ =	shalt  }
0x71: {  	_ =	shalt  }
0x72: {  	_ =	shalt  }
0x73: {  	_ =	shalt  }
0x74: {  	_ =	shalt  }
0x75: {  	_ =	shalt  }
0x76: {  	_ =	shalt  }
0x77: {  	_ =	shalt  }
0x78: {  	_ =	shalt  }
0x79: {  	_ =	shalt  }
0x7a: {  	_ =	shalt  }
0x7b: {  	_ =	shalt  }
0x7c: {  	_ =	shalt  }
0x7d: {  	_ =	shalt  }
0x7e: {  	_ =	shalt  }
0x7f: {  	_ =	shalt  }
0x80: {  	_ =	shalt  }
0x81: {  	_ =	shalt  }
0x82: {  	_ =	shalt  }
0x83: {  	_ =	shalt  }
0x84: {  	_ =	shalt  }
0x85: {  	_ =	shalt  }
0x86: {  	_ =	shalt  }
0x87: {  	_ =	shalt  }
.Lfunc_end0:
.L_simem_size_0:
called_computation.2_lowered:
.L_overlay_start_0:
0x88: {  	s2 =	sld [smem:$0x3FD9]  }
0x89: {  	s3 =	sld [smem:$0x3FFE];
	_ =	sdelay $0x1  }
0x8a: {  	s1 =	srdreg.scid  }
0x8b: {  	s0 =	sand.u32 $0x1, s1  }
0x8c: {  	s16 =	sshll.u32 s0, $0xA;
	s2 =	sadd.s32 s3, s2  }
0x8d: {  	s2 =	sadd.s32 s2, s16  }
0x8e: {  	[smem:$0x3FAB] =	sst s2  }
0x8f: {  	_ = 	snop  }
0x90: {  	(tm) =	ssettm $0x1  }
0x91: {  	s17 =	sld [smem:$0x3FFB];
	_ =	sdelay $0x3  }
0x92: {  	_ =	strace s17  }
0x93: {  	s2 =	sld [smem:$0x3FFC];
	_ =	sdelay $0x3  }
0x94: {  	_ =	strace s2  }
0x95: {  	s2 =	sld [smem:$0x3FFD];
	_ =	sdelay $0x3  }
0x96: {  	_ =	strace s2  }
0x97: {  	_ =	strace $0x8FFFFFFF  }
0x98: {  	s18 =	sld [smem:$0x3FDB];
	_ =	sdelay $0x1  }
0x99: {  	s19 =	simm.s32 $_scs_section_size  }
0x9a: {  	s4 =	simm.s32 $_size__tile_overlayer_lowered;
	s5 =	simm.s32 $_tile_overlayer_lowered  }
0x9b: {  	s22 =	simm.s32 $0x1BFF;
	s21 =	sshll.u32 s5, $0x1;
	s2 =	sadd.s32 s19, s18  }
0x9c: {  	s6 =	simm.s32 $0x0;
	s20 =	sshll.u32 s4, $0x1;
	s4 =	sadd.s32 s21, s2  }
0x9d: {  	[timem:s6], [sflag:s22] =	dma.local [hbm:s4], s20  }
0x9e: {  	_ =	swait.ge [sflag:s22], s20  }
0x9f: {  	s3 =	ssub.s32 $0x0, s20;
	[sflag:s22] =	ssyncset.done $0x0  }
0xa0: {  	[sflag:s22] =	ssyncadd.s32 s3;
	_ =	sdelay $0x1  }
0xa1: {  	s23 =	simm.s32 $0x1B8B  }
0xa2: {  	_ =	swait.ge [sflag:s23], $0x1  }
0xa3: {  	[sflag:s23] =	ssyncset.done $0x0  }
0xa4: {  	s25 =	simm.s32 $0x1B8E;
	s24 =	sld [smem:$0x3FFE];
	[sflag:s23] =	ssyncadd.s32 $0xFFFFFFFF  }
0xa5: {  	s26 =	simm.s32 $execute0_lowered;
	[smem:$0x3FD2] =	sst s25  }
0xa6: {  	s4 =	sshll.u32 s26, $0x1;
	_ =	strace $0x80000049;
	[dreg:$0x1] =	wrdreg $0xFFFFFFFF  }
0xa7: {  	s28 =	simm.s32 $_size_execute0_lowered;
	s2 =	sadd.s32 s2, s4;
	[dreg:$0x0] =	wrdreg $0x0  }
0xa8: {  	s4 =	sshll.u32 s28, $0x1;
	[dreg:$0x2] =	wrdreg s2  }
0xa9: {  	[dreg:$0x3] =	wrdreg s4  }
0xaa: {  	[dreg:$0x4] =	wrdreg $0xC0  }
0xab: {  	_ =	task [dreg:s6], $0x5FFFF  }
0xac: {  	[dreg:$0x1] =	wrdreg $0xFFFFFFFF  }
0xad: {  	[dreg:$0x0] =	wrdreg $0x60  }
0xae: {  	[dreg:$0x2] =	wrdreg s24  }
0xaf: {  	[dreg:$0x3] =	wrdreg $0x81000  }
0xb0: {  	[dreg:$0x4] =	wrdreg $0x9  }
0xb1: {  	_ =	task.clear_ibuf [dreg:s6], $0x5FFFF;
	_ =	strace $0x90000049  }
0xb2: {  	s29 =	simm.s32 $0x9;
	_ =	strace $0x8000004B  }
0xb3: {  	_ =	swait.ge [sflag:s29], $0x1  }
0xb4: {  	[sflag:s29] =	ssyncadd.s32 $0xFFFFFFFF  }
0xb5: {  	_ =	strace $0x9000004B  }
0xb6: {  	_ =	sfence  }
0xb7: {  	s30 =	sld [smem:$0x0];
	_ =	sdelay $0x2  }
0xb8: {  	s31 =	sshll.u32 s1, $0xD;
	s1 =	sshrl.u32 s1, $0x2  }
0xb9: {  	s3 =	sand.u32 $0x4000, s31;
	s1 =	sadd.s32 s1, s30  }
0xba: {  	s0 =	sor.u32 s3, s0;
	s1 =	sshll.u32 s1, $0x11  }
0xbb: {  	s0 =	sor.u32 s1, s0  }
0xbc: {  	s0 =	sadd.s32 $0x8F2B, s0  }
0xbd: {  	[sflag:s0] =	ssyncadd.remote.s32 $0x1  }
0xbe: {  	_ =	sfence.sel $0xFFFF  }
0xbf: {  	[dreg:$0x0] =	wrdreg $0xFFFFFFFF;
	(pc) =	sbr.abs _section_cstart, $3  }
0xc0: {  	[dreg:$0x1] =	wrdreg $0xFFFFFFFF  }
0xc1: {  	_ =	task.clear_ibuf [dreg:s6], $0x2FFFF;
	_ =	strace $0x9FFFFFFF  }
0xc2: {  	(tm) =	ssettm $0x7FFFFFFF  }
0xc3: {  	_ =	shalt  }
tec
execute0_lowered:
.L_overlay_start_1:
0x0: {  	(tag) =	ssettag $0x1  }
0x1: {  	s5 =	rddreg [dreg:$0x0]  }
0x2: {  	s2 =	rddreg [dreg:$0x1];
	s3 =	simm.s32 $0x0  }
0x3: {  	s4 =	srdreg.scid;
	s0 =	stileid.u32;
	s19 =	simm.s32 $0x4100  }
0x4: {  	s20 =	simm.s32 $0x1;
	s21 =	simm.s32 $0x2;
	s22 =	simm.s32 $0x3  }
0x5: {  	s23 =	simm.s32 $0x4;
	[smem:$0x7FF] =	sst s3;
	s11 =	sand.u32 $0x1, s4  }
0x6: {  	s25 =	smul.u32 $0x2800, s0;
	s12 =	sadd.s32 $0x5600, s5;
	s13 =	sadd.s32 $0x4EC800, s5  }
0x7: {  	s8 =	smul.u32 $0x50000, s0;
	s4 =	sadd.s32 $0x6A2000, s5;
	s28 =	sshll.u32 s0, $0x1  }
0x8: {  	s29 =	sshll.u32 s0, $0x6;
	s16 =	sshll.u32 s0, $0xC;
	s17 =	sshll.u32 s0, $0x5  }
0x9: {  	_ =	strace $0x8000004A;
	s6 =	smul.u32 $0x28000, s11;
	s7 =	ssub.s32 $0x2, s11  }
0xa: {  	s24 =	sor.u32 s11, s28;
	s16 =	sadd.s32 s16, s13;
	s18 =	sshll.u32 s11, $0xB  }
0xb: {  	s31 =	sshll.u32 s11, $0x4;
	s26 =	sshrl.u32 s7, $0x1;
	s8 =	sshrl.u32 s8, $0x2  }
0xc: {  	s30 =	sshll.u32 s24, $0x4;
	s9 =	sshll.u32 s24, $0xB;
	s14 =	sor.u32 $0x20, s24  }
0xd: {  	s16 =	sadd.s32 s18, s16;
	s18 =	simm.s32 $0x80;
	p0 =	sgt.u32 s24, $0xA  }
0xe: {  	s6 =	sadd.s32 s25, s6;
	s7 =	ssub.s32 s7, s26;
	s15 =	sadd.s32 s8, s2  }
0xf: {  	s8 =	sadd.s32 s12, s30;
	s9 =	sadd.s32 s13, s9;
	s10 =	sshll.u32 s14, $0x4  }
0x10: {  	s14 =	sshll.u32 s14, $0xB;
	s6 =	sadd.s32 s6, s5;
	s5 =	sor.u32 $0x1C05, s29  }
0x11: {  	s7 =	smax.u32 s7, $0x1;
	s10 =	sadd.s32 s12, s10;
	s12 =	sadd.s32 s17, s12  }
0x12: {  	s11 =	sadd.s32 s13, s14;
	s13 =	sadd.s32 $0x30000, s16;
	s14 =	sor.u32 $0x60, s24  }
0x13: {  	s15 =	sshrl.u32 s15, $0x3;
	s16 =	simm.s32 $0x5;
	s17 =	simm.s32 $0x100  }
0x14: {  	s24 =	simm.s32 $0x0;
	s6 =	sadd.s32 $0x6A4800, s6;
	s12 =	sadd.s32 s31, s12  }
.LBB2_1:
0x15: {  	[spmem:s15], [sflag:s5] =	dma.local [hbm:s4], $0x2800  }
0x16: {  	_ =	swait.ge [sflag:s16], $0x2800  }
0x17: {  	[sflag:s16] =	ssyncset.done $0x0  }
0x18: {  	[sflag:s16] =	ssyncadd.s32 $0xFFFFD800  }
0x19: {  	[bflag:$0x0] =	sbarrier.arrive $0xFFFF  }
0x1a: {  	[tilespmem:s3], [sflag:$0x5] =	stream.linear.gather [hbm4b:s8+s3], $0x80, $0x38;
	[tilespmem:$0x1C100] =	vst v63  }
0x1b: {  	_ =	swait.ge [sflag:s16], $0x80  }
0x1c: {  	[sflag:s16] =	ssyncset.done $0x0  }
0x1d: {  	[sflag:s16] =	ssyncadd.s32 $0xFFFFFF80  }
0x1e: {  	[tilespmem:s17], [sflag:$0x1] =	stream.linear.gather [hbm4b:s9+s3], $0x4000, $0x38;
	[tilespmem:$0x1C100] =	vst v63  }
0x1f: {  	_ = 	snop  }
0x20: {  	[tilespmem:s18], [sflag:$0x5] =	stream.linear.gather [hbm4b:s10+s3], $0x80, $0x38;
	[tilespmem:$0x1C100] =	vst v63  }
0x21: {  	_ =	swait.ge [sflag:s16], $0x80  }
0x22: {  	[sflag:s16] =	ssyncset.done $0x0  }
0x23: {  	[sflag:s16] =	ssyncadd.s32 $0xFFFFFF80  }
0x24: {  	[tilespmem:s19], [sflag:$0x2] =	stream.linear.gather [hbm4b:s11+s3], $0x4000, $0x38;
	[tilespmem:$0x1C100] =	vst v63  }
0x25: {  	_ =	swait.ge [sflag:s20], $0x4000  }
0x26: {  	[sflag:s20] =	ssyncset.done $0x0  }
0x27: {  	[sflag:s20] =	ssyncadd.s32 $0xFFFFC000  }
0x28: {  	[spmem:s2] =	stream.indirect.scatter.add.f32 [tilespmem:s17], [sflag:$0x3], $0x80, s3, s18, $0xb8;
	[tilespmem:$0x1C100] =	vst v63  }
0x29: {  	_ =	swait.ge [sflag:s21], $0x4000  }
0x2a: {  	[sflag:s21] =	ssyncset.done $0x0  }
0x2b: {  	[sflag:s21] =	ssyncadd.s32 $0xFFFFC000  }
0x2c: {  	[spmem:s2] =	stream.indirect.scatter.add.f32 [tilespmem:s19], [sflag:$0x4], $0x80, s18, s18, $0xb8;
	[tilespmem:$0x1C100] =	vst v63  }
0x2d: {  	_ =	swait.ge [sflag:s22], $0x4000  }
0x2e: {  	s25 =	sadd.s32 $0x0, s12;
	[sflag:s22] =	ssyncset.done $0x0  }
0x2f: {  	s25 =	sadd.s32 $0x400, s25;
	[sflag:s22] =	ssyncadd.s32 $0xFFFFC000  }
0x30: {  	[tilespmem:s3], [sflag:$0x5] =	stream.linear.gather [hbm4b:s25+s3], $0x80, $0x38;
	[tilespmem:$0x1C100] =	vst v63  }
0x31: {  	_ =	swait.ge [sflag:s16], $0x80  }
0x32: {  	[sflag:s16] =	ssyncset.done $0x0  }
0x33: {  	s31 =	sadd.s32 $0xFFFF0000, s13;
	[sflag:s16] =	ssyncadd.s32 $0xFFFFFF80  }
0x34: {  	[tilespmem:s17], [sflag:$0x1] =	stream.linear.gather [hbm4b:s31+s3], $0x4000, $0x38;
	[tilespmem:$0x1C100] =	vst v63  }
0x35: {  	_ =	swait.ge [sflag:s23], $0x4000  }
0x36: {  	p1 =	sgt.u32 s14, $0x36A;
	[sflag:s23] =	ssyncset.done $0x0  }
0x37: {  	s25 =	simm.s32 @p1 $0x1;
	[sflag:s23] =	ssyncadd.s32 $0xFFFFC000  }
0x38: {  	s26 =	sadd.s32 @!p1 $0x0, s12;
	_ =	swait.ge @p1 [sflag:s25], $0x4000  }
0x39: {  	s28 =	simm.s32 @p1 $0x100;
	s29 =	simm.s32 @p1 $0x0;
	[sflag:s25] =	ssyncset.done @p1 $0x0  }
0x3a: {  	s26 =	sadd.s32 @!p1 $0x600, s26;
	[sflag:s25] =	ssyncadd.s32 @p1 $0xFFFFC000;
	s25 =	simm.s32 @p1 $0x80  }
0x3b: {  	[spmem:s2] =	stream.indirect.scatter.add.f32 @p1 [tilespmem:s28], [sflag:$0x3], $0x80, s29, s25, $0xb8;
	[tilespmem:$0x1C100] =	vst v63  }
0x3c: {  	s25 =	simm.s32 @!p1 $0x0;
	s29 =	simm.s32 @!p1 $0x80;
	s28 =	simm.s32 @!p1 $0x5  }
0x3d: {  	[tilespmem:s29], [sflag:$0x5] =	stream.linear.gather @!p1 [hbm4b:s26+s25], $0x80, $0x38;
	[tilespmem:$0x1C100] =	vst v63  }
0x3e: {  	_ =	swait.ge @!p1 [sflag:s28], $0x80  }
0x3f: {  	[sflag:s28] =	ssyncset.done @!p1 $0x0  }
0x40: {  	s30 =	simm.s32 @!p1 $0x4100;
	s26 =	simm.s32 @!p1 $0x1;
	[sflag:s28] =	ssyncadd.s32 @!p1 $0xFFFFFF80  }
0x41: {  	[tilespmem:s30], [sflag:$0x2] =	stream.linear.gather @!p1 [hbm4b:s13+s25], $0x4000, $0x38;
	[tilespmem:$0x1C100] =	vst v63  }
0x42: {  	_ =	swait.ge @!p1 [sflag:s26], $0x4000  }
0x43: {  	[sflag:s26] =	ssyncset.done @!p1 $0x0  }
0x44: {  	s28 =	simm.s32 @!p1 $0x2;
	[sflag:s26] =	ssyncadd.s32 @!p1 $0xFFFFC000;
	s26 =	simm.s32 @!p1 $0x100  }
0x45: {  	[spmem:s2] =	stream.indirect.scatter.add.f32 @!p1 [tilespmem:s26], [sflag:$0x3], $0x80, s25, s29, $0xb8;
	[tilespmem:$0x1C100] =	vst v63  }
0x46: {  	_ =	swait.ge @!p1 [sflag:s28], $0x4000  }
0x47: {  	s25 =	simm.s32 $0x400;
	[sflag:s28] =	ssyncset.done @!p1 $0x0  }
0x48: {  	s26 =	sadd.s32 $0x20000, s13;
	[sflag:s28] =	ssyncadd.s32 @!p1 $0xFFFFC000;
	s28 =	sadd.s32 $0x40, s14  }
.LBB2_2:
0x49: {  	[spmem:s2] =	stream.indirect.scatter.add.f32 @!p1 [tilespmem:s30], [sflag:$0x4], $0x80, s29, s29, $0xb8;
	[tilespmem:$0x1C100] =	vst v63  }
0x4a: {  	s29 =	smov.u32 s25;
	s25 =	sadd.s32 $0x400, s25;
	_ =	swait.ge [sflag:s22], $0x4000  }
0x4b: {  	s30 =	sadd.s32 s29, s12;
	p2 =	sne.s32 s25, $0x3400;
	[sflag:s22] =	ssyncset.done $0x0  }
0x4c: {  	s30 =	sadd.s32 $0x400, s30;
	[sflag:s22] =	ssyncadd.s32 $0xFFFFC000  }
0x4d: {  	[tilespmem:s3], [sflag:$0x5] =	stream.linear.gather [hbm4b:s30+s3], $0x80, $0x38;
	[tilespmem:$0x1C100] =	vst v63  }
0x4e: {  	_ =	swait.ge [sflag:s16], $0x80  }
0x4f: {  	[sflag:s16] =	ssyncset.done $0x0  }
0x50: {  	s30 =	sadd.s32 $0xFFFF0000, s26;
	[sflag:s16] =	ssyncadd.s32 $0xFFFFFF80  }
0x51: {  	[tilespmem:s17], [sflag:$0x1] =	stream.linear.gather [hbm4b:s30+s3], $0x4000, $0x38;
	[tilespmem:$0x1C100] =	vst v63  }
0x52: {  	_ =	swait.ge [sflag:s23], $0x4000  }
0x53: {  	p1 =	sgt.u32 s28, $0x36A;
	[sflag:s23] =	ssyncset.done $0x0  }
0x54: {  	s29 =	sadd.s32 @!p1 s29, s12;
	s30 =	simm.s32 @p1 $0x1;
	[sflag:s23] =	ssyncadd.s32 $0xFFFFC000  }
0x55: {  	s31 =	sadd.s32 @!p1 $0x600, s29;
	_ =	swait.ge @p1 [sflag:s30], $0x4000  }
0x56: {  	s29 =	simm.s32 @p1 $0x100;
	[sflag:s30] =	ssyncset.done @p1 $0x0  }
0x57: {  	s0 =	simm.s32 @p1 $0x0;
	[sflag:s30] =	ssyncadd.s32 @p1 $0xFFFFC000;
	s30 =	simm.s32 @p1 $0x80  }
0x58: {  	[spmem:s2] =	stream.indirect.scatter.add.f32 @p1 [tilespmem:s29], [sflag:$0x3], $0x80, s0, s30, $0xb8;
	[tilespmem:$0x1C100] =	vst v63  }
0x59: {  	s0 =	simm.s32 @!p1 $0x0;
	s29 =	simm.s32 @!p1 $0x80;
	s30 =	simm.s32 @!p1 $0x5  }
0x5a: {  	[tilespmem:s29], [sflag:$0x5] =	stream.linear.gather @!p1 [hbm4b:s31+s0], $0x80, $0x38;
	[tilespmem:$0x1C100] =	vst v63  }
0x5b: {  	_ =	swait.ge @!p1 [sflag:s30], $0x80  }
0x5c: {  	[sflag:s30] =	ssyncset.done @!p1 $0x0  }
0x5d: {  	s31 =	simm.s32 @!p1 $0x1;
	[sflag:s30] =	ssyncadd.s32 @!p1 $0xFFFFFF80;
	s30 =	simm.s32 @!p1 $0x4100  }
0x5e: {  	[tilespmem:s30], [sflag:$0x2] =	stream.linear.gather @!p1 [hbm4b:s26+s0], $0x4000, $0x38;
	[tilespmem:$0x1C100] =	vst v63  }
0x5f: {  	_ =	swait.ge @!p1 [sflag:s31], $0x4000  }
0x60: {  	s1 =	simm.s32 @!p1 $0x2;
	[sflag:s31] =	ssyncset.done @!p1 $0x0  }
.Ltmp0:
0x61: {  	[sflag:s31] =	ssyncadd.s32 @!p1 $0xFFFFC000;
	s31 =	simm.s32 @!p1 $0x100;
	(pc) =	sbr.rel @p2 .LBB2_2-.Ltmp0, $4  }
0x62: {  	[spmem:s2] =	stream.indirect.scatter.add.f32 @!p1 [tilespmem:s31], [sflag:$0x3], $0x80, s0, s29, $0xb8;
	[tilespmem:$0x1C100] =	vst v63  }
0x63: {  	_ =	swait.ge @!p1 [sflag:s1], $0x4000  }
0x64: {  	[sflag:s1] =	ssyncset.done @!p1 $0x0  }
0x65: {  	s28 =	sadd.s32 $0x40, s28;
	s26 =	sadd.s32 $0x20000, s26;
	[sflag:s1] =	ssyncadd.s32 @!p1 $0xFFFFC000  }
0x66: {  	[spmem:s2] =	stream.indirect.scatter.add.f32 @!p1 [tilespmem:s30], [sflag:$0x4], $0x80, s29, s29, $0xb8;
	[tilespmem:$0x1C100] =	vst v63  }
0x67: {  	_ =	swait.ge [sflag:s22], $0x4000  }
0x68: {  	[sflag:s22] =	ssyncset.done $0x0  }
0x69: {  	s0 =	simm.s32 @!p0 $0x4;
	[sflag:s22] =	ssyncadd.s32 $0xFFFFC000  }
0x6a: {  	_ =	swait.ge @!p0 [sflag:s0], $0x4000  }
0x6b: {  	s24 =	sadd.s32 $0x1, s24;
	[sflag:s0] =	ssyncset.done @!p0 $0x0  }
0x6c: {  	p1 =	sne.s32 s24, s7;
	[sflag:s0] =	ssyncadd.s32 @!p0 $0xFFFFC000  }
.Ltmp1:
0x6d: {  	[bflag:$0x0] =	sbarrier.arrive $0xFFFF;
	(pc) =	sbr.rel @p1 .LBB2_1-.Ltmp1, $4  }
0x6e: {  	[hbm:s6], [sflag:s5] =	dma.local [spmem:s15], $0x2800  }
0x6f: {  	_ =	swait.ge [sflag:s16], $0x2800  }
0x70: {  	[sflag:s16] =	ssyncset.done $0x0  }
0x71: {  	[sflag:s16] =	ssyncadd.s32 $0xFFFFD800  }
0x72: {  	_ =	sfence.sel $0x180000  }
0x73: {  	[bflag:$0x0] =	sbarrier.arrive $0xFFFF  }
0x74: {  	_ =	strace $0x9000004A  }
0x75: {  	s0 =	stileid.u32;
	[bflag:$0x2] =	sbarrier.arrive $0xFFFF  }
0x76: {  	p0 =	sne.s32 s0, $0x0;
	s0 =	rddreg [dreg:$0x2]  }
0x77: {  	s0 =	sadd.s32 @!p0 $0x100000, s0  }
0x78: {  	[sflag:s0] =	ssyncadd.tile.s32 @!p0 $0x1;
	_ =	shalt  }
.Lfunc_end2:
_tile_overlayer_lowered:
.L_overlay_start_2:
0x79: {  	(tag) =	ssettag $0x2  }
0x7a: {  	s0 =	rddreg [dreg:$0x0];
	s2 =	stileid.u32  }
0x7b: {  	s1 =	rddreg [dreg:$0x1];
	p0 =	sne.s32 s2, $0x0  }
0x7c: {  	s3 =	rddreg [dreg:$0x2];
	[bflag:$0x3] =	sbarrier.arrive $0xFFFF;
	s2 =	simm.s32 @!p0 $0x1C05  }
0x7d: {  	[timem:s3], [sflag:s2] =	dma.local @!p0 [hbm:s0], s1  }
0x7e: {  	s0 =	simm.s32 @!p0 $0x5  }
0x7f: {  	_ =	swait.ge @!p0 [sflag:s0], s1  }
0x80: {  	s1 =	ssub.s32 @!p0 $0x0, s1;
	[sflag:s0] =	ssyncset.done @!p0 $0x0  }
0x81: {  	[sflag:s0] =	ssyncadd.s32 @!p0 s1  }
0x82: {  	[bflag:$0x3] =	sbarrier.arrive $0xFFFF  }
0x83: {  	_ =	shalt  }

// kernel: kernel.18.cloned.1.call-start
scs
__scs_entry_jumppad:
0x0: {  	(pc) =	sbr.rel $0x88, $3  }
0x1: {  	(tag) =	ssettag $0x0;
	lr =	simm.s32 $0x1  }
0x2: {  	[smem:$0x3F84] =	sst lr;
	_ =	strace $0xD0000000  }
0x3: {  	_ = 	snop  }
0x4: {  	_ = 	snop  }
0x5: {  	_ = 	snop  }
0x6: {  	_ = 	snop  }
0x7: {  	_ = 	snop  }
__scs_overlays_trampoline_lowered:
0x8: {  	[smem:$0x3F93] =	sst s0  }
0x9: {  	[smem:$0x3F94] =	sst s1  }
0xa: {  	[smem:$0x3F95] =	sst s2  }
0xb: {  	[smem:$0x3F96] =	sst s3  }
0xc: {  	[smem:$0x3F97] =	sst s4  }
0xd: {  	[smem:$0x3F98] =	sst s5  }
0xe: {  	[smem:$0x3F99] =	sst s6  }
0xf: {  	[smem:$0x3F9A] =	sst s7  }
0x10: {  	[smem:$0x3F9B] =	sst s8  }
0x11: {  	[smem:$0x3F9C] =	sst s9;
	s0 =	simm.s32 @!p0 $0x0  }
0x12: {  	s1 =	sld [smem:$0x3F82];
	s0 =	simm.s32 @p0 $0x1  }
0x13: {  	[smem:$0x3F9D] =	sst s0;
	s0 =	simm.s32 @!p1 $0x0  }
0x14: {  	s2 =	sld [smem:$0x3F81];
	s0 =	simm.s32 @p1 $0x1  }
0x15: {  	[smem:$0x3F9E] =	sst s0;
	s0 =	simm.s32 @!p2 $0x0  }
0x16: {  	s3 =	sld [smem:$0x3FDB];
	s0 =	simm.s32 @p2 $0x1  }
0x17: {  	s4 =	simm.s32 $0x1BF5;
	[smem:$0x3FA0] =	sst s0  }
0x18: {  	s0 =	sld [smem:$0x3F83];
	_ =	swait.ge [sflag:s4], $0x0  }
0x19: {  	s7 =	sld [smem:$0x3F84]  }
0x1a: {  	s8 =	sadd.s32 $0xFFFFE003, lr  }
0x1b: {  	s9 =	sadd.s32 $0xFFFFFEF7, lr;
	s5 =	simm.s32 $0xFFFFFFFF;
	p2 =	slt.u32 s8, $0xFFFFF086  }
0x1c: {  	p1 =	slt.u32 s9, $0xF7A;
	s5 =	simm.s32 @!p2 $0x0  }
0x1d: {  	s5 =	simm.s32 @p1 $0x1;
	p0 =	seq.s32 s7, s2  }
0x1e: {  	s7 =	smul.u32 @!p0 $0xF7A, s2;
	p2 =	seq.s32 @!p0 s5, $0x0  }
0x1f: {  	s9 =	smul.u32 $0xF7A, s1;
	s8 =	simm.s32 @!p0 $0x1BF5;
	p2 =	por !p2, p0  }
0x20: {  	[sflag:s8] =	ssyncset.s32 @!p0 $0xFFFFF086;
	s6 =	sadd.s32 @!p0 s3, s7;
	s7 =	simm.s32 @!p0 $0x108  }
0x21: {  	s3 =	sadd.s32 s3, s9;
	s6 =	sadd.s32 @!p0 $0x88, s6;
	s7 =	simm.s32 @p2 $0x1082  }
0x22: {  	[simem:s7], [sflag:s8] =	dma.local @!p0 [hbm:s6], $0xF7A  }
0x23: {  	s9 =	sor.u32 $0xD0000000, s2;
	s6 =	simm.s32 $0x108;
	_ =	swait.ge @!p0 [sflag:s8], $0x0  }
0x24: {  	s3 =	sadd.s32 $0x88, s3;
	s6 =	simm.s32 @!p1 $0x1082;
	[sflag:s4] =	ssyncset.s32 $0xFFFFF086  }
0x25: {  	[simem:s6], [sflag:s4] =	dma.local [hbm:s3], $0xF7A  }
0x26: {  	[smem:$0x3F84] =	sst s1;
	(tag) =	ssettag s2;
	_ =	strace s9  }
0x27: {  	s1 =	sld [smem:$0x3F94]  }
0x28: {  	s2 =	sld [smem:$0x3F95]  }
0x29: {  	s4 =	sld [smem:$0x3F97]  }
0x2a: {  	p0 =	seq.s32 s5, $0x0;
	s5 =	sld [smem:$0x3F98]  }
0x2b: {  	s6 =	sld [smem:$0x3F99]  }
0x2c: {  	s7 =	sld [smem:$0x3F9A]  }
0x2d: {  	s3 =	simm.s32 $0x108;
	s8 =	sld [smem:$0x3F9B]  }
0x2e: {  	s3 =	simm.s32 @!p0 $0x1082;
	s9 =	sld [smem:$0x3F9C]  }
0x2f: {  	lr =	sadd.s32 s0, s3;
	s0 =	sld [smem:$0x3F93]  }
0x30: {  	s3 =	sld [smem:$0x3F96]  }
0x31: {  	[smem:$0x3F9F] =	sst s10  }
0x32: {  	s10 =	sld [smem:$0x3F9D];
	_ =	sdelay $0x3  }
0x33: {  	p0 =	seq.s32 s10, $0x1;
	s10 =	sld [smem:$0x3F9F];
	_ =	sdelay $0x3  }
0x34: {  	[smem:$0x3F9F] =	sst s10  }
0x35: {  	s10 =	sld [smem:$0x3F9E];
	_ =	sdelay $0x3  }
0x36: {  	p1 =	seq.s32 s10, $0x1;
	s10 =	sld [smem:$0x3F9F];
	_ =	sdelay $0x3  }
0x37: {  	[smem:$0x3F9F] =	sst s10  }
0x38: {  	s10 =	sld [smem:$0x3FA0]  }
0x39: {  	_ = 	snop;
	(pc) =	sbr.ind lr, $3  }
0x3a: {  	_ = 	snop  }
0x3b: {  	_ = 	snop  }
0x3c: {  	p2 =	seq.s32 s10, $0x1;
	s10 =	sld [smem:$0x3F9F]  }
0x3d: {  	_ =	shalt  }
0x3e: {  	_ =	shalt  }
0x3f: {  	_ =	shalt  }
0x40: {  	_ =	shalt  }
0x41: {  	_ =	shalt  }
0x42: {  	_ =	shalt  }
0x43: {  	_ =	shalt  }
0x44: {  	_ =	shalt  }
0x45: {  	_ =	shalt  }
0x46: {  	_ =	shalt  }
0x47: {  	_ =	shalt  }
0x48: {  	_ =	shalt  }
0x49: {  	_ =	shalt  }
0x4a: {  	_ =	shalt  }
0x4b: {  	_ =	shalt  }
0x4c: {  	_ =	shalt  }
0x4d: {  	_ =	shalt  }
0x4e: {  	_ =	shalt  }
0x4f: {  	_ =	shalt  }
0x50: {  	_ =	shalt  }
0x51: {  	_ =	shalt  }
0x52: {  	_ =	shalt  }
0x53: {  	_ =	shalt  }
0x54: {  	_ =	shalt  }
0x55: {  	_ =	shalt  }
0x56: {  	_ =	shalt  }
0x57: {  	_ =	shalt  }
0x58: {  	_ =	shalt  }
0x59: {  	_ =	shalt  }
0x5a: {  	_ =	shalt  }
0x5b: {  	_ =	shalt  }
0x5c: {  	_ =	shalt  }
0x5d: {  	_ =	shalt  }
0x5e: {  	_ =	shalt  }
0x5f: {  	_ =	shalt  }
0x60: {  	_ =	shalt  }
0x61: {  	_ =	shalt  }
0x62: {  	_ =	shalt  }
0x63: {  	_ =	shalt  }
0x64: {  	_ =	shalt  }
0x65: {  	_ =	shalt  }
0x66: {  	_ =	shalt  }
0x67: {  	_ =	shalt  }
0x68: {  	_ =	shalt  }
0x69: {  	_ =	shalt  }
0x6a: {  	_ =	shalt  }
0x6b: {  	_ =	shalt  }
0x6c: {  	_ =	shalt  }
0x6d: {  	_ =	shalt  }
0x6e: {  	_ =	shalt  }
0x6f: {  	_ =	shalt  }
0x70: {  	_ =	shalt  }
0x71: {  	_ =	shalt  }
0x72: {  	_ =	shalt  }
0x73: {  	_ =	shalt  }
0x74: {  	_ =	shalt  }
0x75: {  	_ =	shalt  }
0x76: {  	_ =	shalt  }
0x77: {  	_ =	shalt  }
0x78: {  	_ =	shalt  }
0x79: {  	_ =	shalt  }
0x7a: {  	_ =	shalt  }
0x7b: {  	_ =	shalt  }
0x7c: {  	_ =	shalt  }
0x7d: {  	_ =	shalt  }
0x7e: {  	_ =	shalt  }
0x7f: {  	_ =	shalt  }
0x80: {  	_ =	shalt  }
0x81: {  	_ =	shalt  }
0x82: {  	_ =	shalt  }
0x83: {  	_ =	shalt  }
0x84: {  	_ =	shalt  }
0x85: {  	_ =	shalt  }
0x86: {  	_ =	shalt  }
0x87: {  	_ =	shalt  }
.Lfunc_end0:
.L_simem_size_0:
called_computation.3_lowered:
.L_overlay_start_0:
0x88: {  	s2 =	sld [smem:$0x3FD9]  }
0x89: {  	s3 =	sld [smem:$0x3FFE];
	_ =	sdelay $0x1  }
0x8a: {  	s1 =	srdreg.scid  }
0x8b: {  	s0 =	sand.u32 $0x1, s1  }
0x8c: {  	s15 =	sshll.u32 s0, $0xA;
	s2 =	sadd.s32 s3, s2  }
0x8d: {  	s2 =	sadd.s32 s2, s15  }
0x8e: {  	[smem:$0x3FAB] =	sst s2  }
0x8f: {  	_ = 	snop  }
0x90: {  	s2 =	sld [smem:$0x3FD0];
	_ =	sdelay $0x2  }
0x91: {  	s16 =	simm.s32 $0xB;
	s4 =	simm.s32 $0x10  }
0x92: {  	[smem:s4], [sflag:s16] =	dma.local [hbm:s2], $0x1  }
0x93: {  	_ =	swait.eq [sflag:s16], $0x1  }
0x94: {  	[sflag:s16] =	ssyncset.done $0x0  }
0x95: {  	[sflag:s16] =	ssyncadd.s32 $0xFFFFFFFF  }
0x96: {  	s17 =	sld [smem:$0x11];
	(tm) =	ssettm $0x1  }
0x97: {  	s18 =	sld [smem:$0x3FFB];
	_ =	sdelay $0x3  }
0x98: {  	_ =	strace s18  }
0x99: {  	s2 =	sld [smem:$0x3FFC];
	_ =	sdelay $0x3  }
0x9a: {  	_ =	strace s2  }
0x9b: {  	s2 =	sld [smem:$0x3FFD];
	_ =	sdelay $0x3  }
0x9c: {  	_ =	strace s2  }
0x9d: {  	_ =	strace $0x8FFFFFFF  }
0x9e: {  	s19 =	sld [smem:$0x3FDB];
	_ =	sdelay $0x1  }
0x9f: {  	s20 =	simm.s32 $_scs_section_size  }
0xa0: {  	s5 =	simm.s32 $_size__tile_overlayer_lowered;
	s6 =	simm.s32 $_tile_overlayer_lowered  }
0xa1: {  	s7 =	simm.s32 $0x1BFF;
	s21 =	sshll.u32 s6, $0x1;
	s4 =	sadd.s32 s20, s19  }
0xa2: {  	s22 =	simm.s32 $0x0;
	s5 =	sshll.u32 s5, $0x1;
	s6 =	sadd.s32 s21, s4  }
0xa3: {  	[timem:s22], [sflag:s7] =	dma.local [hbm:s6], s5  }
0xa4: {  	_ =	swait.ge [sflag:s7], s5  }
0xa5: {  	s5 =	ssub.s32 $0x0, s5;
	[sflag:s7] =	ssyncset.done $0x0  }
0xa6: {  	[sflag:s7] =	ssyncadd.s32 s5;
	_ =	sdelay $0x1  }
0xa7: {  	s23 =	simm.s32 $0x1B8B  }
0xa8: {  	_ =	swait.ge [sflag:s23], $0x1  }
0xa9: {  	[sflag:s23] =	ssyncset.done $0x0  }
0xaa: {  	[sflag:s23] =	ssyncadd.s32 $0xFFFFFFFF  }
0xab: {  	s5 =	sld [smem:$0x0]  }
0xac: {  	s6 =	sand.u32 $0xFFFFFFFE, s1  }
0xad: {  	p0 =	sne.s32 s1, s6  }
0xae: {  	s6 =	sshll.u32 @p0 s6, $0xE  }
0xaf: {  	s6 =	sadd.s32 @p0 $0x11B8D, s6;
	s7 =	sshll.u32 @p0 s5, $0x11  }
0xb0: {  	s6 =	sor.u32 @p0 s7, s6  }
0xb1: {  	[sflag:s6] =	ssyncadd.remote.s32 @p0 $0x1;
	_ =	sdelay $0x1  }
0xb2: {  	s6 =	simm.s32 @p0 $0x1B8D  }
0xb3: {  	_ =	swait.eq @p0 [sflag:s6], $0x1  }
0xb4: {  	[sflag:s6] =	ssyncadd.s32 @p0 $0xFFFFFFFF  }
0xb5: {  	s7 =	sshll.u32 @!p0 s1, $0xE  }
0xb6: {  	s7 =	sor.u32 @!p0 $0x4000, s7;
	s6 =	simm.s32 @!p0 $0x1B8D  }
0xb7: {  	s5 =	sshll.u32 @!p0 s5, $0x11;
	s7 =	sadd.s32 @!p0 $0x11B8D, s7;
	_ =	swait.eq @!p0 [sflag:s6], $0x1  }
0xb8: {  	s5 =	sor.u32 @!p0 s5, s7;
	[sflag:s6] =	ssyncadd.s32 @!p0 $0xFFFFFFFF  }
0xb9: {  	s25 =	simm.s32 $0x1B8E;
	s24 =	sld [smem:$0x3FFE];
	[sflag:s5] =	ssyncadd.remote.s32 @!p0 $0x1  }
0xba: {  	s26 =	simm.s32 $execute0_lowered;
	[smem:$0x3FD2] =	sst s25  }
0xbb: {  	s6 =	sshll.u32 s26, $0x1;
	_ =	strace $0x8000004C;
	[dreg:$0x1] =	wrdreg $0xFFFFFFFF  }
0xbc: {  	s28 =	simm.s32 $_size_execute0_lowered;
	s4 =	sadd.s32 s4, s6;
	[dreg:$0x0] =	wrdreg $0x0  }
0xbd: {  	s6 =	sshll.u32 s28, $0x1;
	[dreg:$0x2] =	wrdreg s4  }
0xbe: {  	[dreg:$0x3] =	wrdreg s6  }
0xbf: {  	[dreg:$0x4] =	wrdreg $0xC0  }
0xc0: {  	_ =	task [dreg:s22], $0x5FFFF  }
0xc1: {  	[dreg:$0x1] =	wrdreg $0xFFFFFFFF  }
0xc2: {  	[dreg:$0x0] =	wrdreg $0x60  }
0xc3: {  	[dreg:$0x2] =	wrdreg s24  }
0xc4: {  	[dreg:$0x3] =	wrdreg s17  }
0xc5: {  	[dreg:$0x4] =	wrdreg $0x81000  }
0xc6: {  	[dreg:$0x5] =	wrdreg $0xA  }
0xc7: {  	_ =	task.clear_ibuf [dreg:s22], $0x6FFFF;
	_ =	strace $0x9000004C  }
0xc8: {  	s29 =	simm.s32 $0xA;
	_ =	strace $0x8000004E  }
0xc9: {  	_ =	swait.ge [sflag:s29], $0x1  }
0xca: {  	[sflag:s29] =	ssyncadd.s32 $0xFFFFFFFF  }
0xcb: {  	_ =	strace $0x9000004E  }
0xcc: {  	_ =	sfence  }
0xcd: {  	s30 =	sld [smem:$0x0];
	_ =	sdelay $0x2  }
0xce: {  	s31 =	sshll.u32 s1, $0xD;
	s1 =	sshrl.u32 s1, $0x2  }
0xcf: {  	s4 =	sand.u32 $0x4000, s31;
	s1 =	sadd.s32 s1, s30  }
0xd0: {  	s0 =	sor.u32 s4, s0;
	s1 =	sshll.u32 s1, $0x11  }
0xd1: {  	s0 =	sor.u32 s1, s0  }
0xd2: {  	s0 =	sadd.s32 $0x8F2B, s0  }
0xd3: {  	[sflag:s0] =	ssyncadd.remote.s32 $0x1  }
0xd4: {  	_ =	sfence.sel $0xFFFF  }
0xd5: {  	[dreg:$0x0] =	wrdreg $0xFFFFFFFF;
	(pc) =	sbr.abs _section_cstart, $3  }
0xd6: {  	[dreg:$0x1] =	wrdreg $0xFFFFFFFF  }
0xd7: {  	_ =	task.clear_ibuf [dreg:s22], $0x2FFFF;
	_ =	strace $0x9FFFFFFF  }
0xd8: {  	(tm) =	ssettm $0x7FFFFFFF  }
0xd9: {  	_ =	shalt  }
tec
execute0_lowered:
.L_overlay_start_1:
0x0: {  	(tag) =	ssettag $0x1  }
0x1: {  	s6 =	rddreg [dreg:$0x0]  }
0x2: {  	s11 =	rddreg [dreg:$0x1]  }
0x3: {  	s2 =	rddreg [dreg:$0x2];
	s0 =	stileid.u32  }
0x4: {  	s4 =	srdreg.scid;
	s3 =	simm.s32 $0x0;
	s18 =	simm.s32 $0x80  }
0x5: {  	s19 =	simm.s32 $0x4100;
	s20 =	simm.s32 $0x1;
	s21 =	simm.s32 $0x2  }
0x6: {  	s12 =	sand.u32 $0x1, s4;
	s22 =	smul.u32 $0x2800, s0;
	[smem:$0x7FF] =	sst s3  }
0x7: {  	s5 =	sshll.u32 s0, $0x5;
	s8 =	smul.u32 $0x50000, s0;
	s4 =	sadd.s32 $0x6A2000, s6  }
0x8: {  	s26 =	sshll.u32 s0, $0x1;
	s28 =	sshll.u32 s0, $0x6;
	s10 =	sadd.s32 $0x8CB0, s6  }
0x9: {  	s31 =	sshll.u32 s0, $0xC;
	s7 =	smul.u32 $0x28000, s12;
	_ =	strace $0x8000004D  }
0xa: {  	s13 =	sadd.s32 s5, s6;
	s24 =	ssub.s32 $0x2, s12;
	s5 =	sor.u32 $0x1C05, s28  }
0xb: {  	s17 =	sshll.u32 s12, $0x4;
	s25 =	sshrl.u32 s24, $0x1;
	s8 =	sshrl.u32 s8, $0x2  }
0xc: {  	s13 =	sadd.s32 s17, s13;
	s17 =	simm.s32 $0x100;
	s23 =	sadd.s32 s22, s7  }
0xd: {  	s7 =	ssub.s32 s24, s25;
	s24 =	sor.u32 s12, s26;
	s15 =	sadd.s32 s8, s2  }
0xe: {  	s12 =	sshll.u32 s12, $0xB;
	s22 =	simm.s32 $0x3;
	s9 =	sadd.s32 s23, s6  }
0xf: {  	s7 =	smax.u32 s7, $0x1;
	s29 =	sshll.u32 s24, $0x4;
	s14 =	sor.u32 $0x20, s24  }
0x10: {  	s30 =	sshll.u32 s24, $0xB;
	s15 =	sshrl.u32 s15, $0x3;
	s23 =	simm.s32 $0x4  }
0x11: {  	p0 =	sgt.u32 s24, $0x16;
	s6 =	sadd.s32 $0xA600, s9;
	s8 =	sadd.s32 s29, s10  }
0x12: {  	s16 =	sshll.u32 s14, $0x4;
	s9 =	sadd.s32 s11, s30;
	s14 =	sshll.u32 s14, $0xB  }
0x13: {  	s10 =	sadd.s32 s16, s10;
	s16 =	sadd.s32 s31, s11;
	s11 =	sadd.s32 s11, s14  }
0x14: {  	s14 =	sor.u32 $0x60, s24;
	s24 =	simm.s32 $0x0;
	s16 =	sadd.s32 s12, s16  }
0x15: {  	s12 =	sadd.s32 $0x5600, s13;
	s13 =	sadd.s32 $0x30000, s16;
	s16 =	simm.s32 $0x5  }
.LBB2_1:
0x16: {  	[spmem:s15], [sflag:s5] =	dma.local [hbm:s4], $0x2800  }
0x17: {  	_ =	swait.ge [sflag:s16], $0x2800  }
0x18: {  	[sflag:s16] =	ssyncset.done $0x0  }
0x19: {  	[sflag:s16] =	ssyncadd.s32 $0xFFFFD800  }
0x1a: {  	[bflag:$0x0] =	sbarrier.arrive $0xFFFF  }
0x1b: {  	[tilespmem:s3], [sflag:$0x5] =	stream.linear.gather [hbm4b:s8+s3], $0x80, $0x38;
	[tilespmem:$0x1C100] =	vst v63  }
0x1c: {  	_ =	swait.ge [sflag:s16], $0x80  }
0x1d: {  	[sflag:s16] =	ssyncset.done $0x0  }
0x1e: {  	[sflag:s16] =	ssyncadd.s32 $0xFFFFFF80  }
0x1f: {  	[tilespmem:s17], [sflag:$0x1] =	stream.linear.gather [hbm4b:s9+s3], $0x4000, $0x38;
	[tilespmem:$0x1C100] =	vst v63  }
0x20: {  	_ = 	snop  }
0x21: {  	[tilespmem:s18], [sflag:$0x5] =	stream.linear.gather [hbm4b:s10+s3], $0x80, $0x38;
	[tilespmem:$0x1C100] =	vst v63  }
0x22: {  	_ =	swait.ge [sflag:s16], $0x80  }
0x23: {  	[sflag:s16] =	ssyncset.done $0x0  }
0x24: {  	[sflag:s16] =	ssyncadd.s32 $0xFFFFFF80  }
0x25: {  	[tilespmem:s19], [sflag:$0x2] =	stream.linear.gather [hbm4b:s11+s3], $0x4000, $0x38;
	[tilespmem:$0x1C100] =	vst v63  }
0x26: {  	_ =	swait.ge [sflag:s20], $0x4000  }
0x27: {  	[sflag:s20] =	ssyncset.done $0x0  }
0x28: {  	[sflag:s20] =	ssyncadd.s32 $0xFFFFC000  }
0x29: {  	[spmem:s2] =	stream.indirect.scatter.add.f32 [tilespmem:s17], [sflag:$0x3], $0x80, s3, s18, $0xb8;
	[tilespmem:$0x1C100] =	vst v63  }
0x2a: {  	_ =	swait.ge [sflag:s21], $0x4000  }
0x2b: {  	[sflag:s21] =	ssyncset.done $0x0  }
0x2c: {  	[sflag:s21] =	ssyncadd.s32 $0xFFFFC000  }
0x2d: {  	[spmem:s2] =	stream.indirect.scatter.add.f32 [tilespmem:s19], [sflag:$0x4], $0x80, s18, s18, $0xb8;
	[tilespmem:$0x1C100] =	vst v63  }
0x2e: {  	_ =	swait.ge [sflag:s22], $0x4000  }
0x2f: {  	s25 =	sadd.s32 $0x0, s12;
	[sflag:s22] =	ssyncset.done $0x0  }
0x30: {  	s25 =	sadd.s32 $0x3AB0, s25;
	[sflag:s22] =	ssyncadd.s32 $0xFFFFC000  }
0x31: {  	[tilespmem:s3], [sflag:$0x5] =	stream.linear.gather [hbm4b:s25+s3], $0x80, $0x38;
	[tilespmem:$0x1C100] =	vst v63  }
0x32: {  	_ =	swait.ge [sflag:s16], $0x80  }
0x33: {  	[sflag:s16] =	ssyncset.done $0x0  }
0x34: {  	s31 =	sadd.s32 $0xFFFF0000, s13;
	[sflag:s16] =	ssyncadd.s32 $0xFFFFFF80  }
0x35: {  	[tilespmem:s17], [sflag:$0x1] =	stream.linear.gather [hbm4b:s31+s3], $0x4000, $0x38;
	[tilespmem:$0x1C100] =	vst v63  }
0x36: {  	_ =	swait.ge [sflag:s23], $0x4000  }
0x37: {  	p1 =	sgt.u32 s14, $0x176;
	[sflag:s23] =	ssyncset.done $0x0  }
0x38: {  	s25 =	simm.s32 @p1 $0x1;
	[sflag:s23] =	ssyncadd.s32 $0xFFFFC000  }
0x39: {  	s26 =	sadd.s32 @!p1 $0x0, s12;
	_ =	swait.ge @p1 [sflag:s25], $0x4000  }
0x3a: {  	s28 =	simm.s32 @p1 $0x100;
	s29 =	simm.s32 @p1 $0x0;
	[sflag:s25] =	ssyncset.done @p1 $0x0  }
0x3b: {  	s26 =	sadd.s32 @!p1 $0x3CB0, s26;
	[sflag:s25] =	ssyncadd.s32 @p1 $0xFFFFC000;
	s25 =	simm.s32 @p1 $0x80  }
0x3c: {  	[spmem:s2] =	stream.indirect.scatter.add.f32 @p1 [tilespmem:s28], [sflag:$0x3], $0x80, s29, s25, $0xb8;
	[tilespmem:$0x1C100] =	vst v63  }
0x3d: {  	s25 =	simm.s32 @!p1 $0x0;
	s29 =	simm.s32 @!p1 $0x80;
	s28 =	simm.s32 @!p1 $0x5  }
0x3e: {  	[tilespmem:s29], [sflag:$0x5] =	stream.linear.gather @!p1 [hbm4b:s26+s25], $0x80, $0x38;
	[tilespmem:$0x1C100] =	vst v63  }
0x3f: {  	_ =	swait.ge @!p1 [sflag:s28], $0x80  }
0x40: {  	[sflag:s28] =	ssyncset.done @!p1 $0x0  }
0x41: {  	s30 =	simm.s32 @!p1 $0x4100;
	s26 =	simm.s32 @!p1 $0x1;
	[sflag:s28] =	ssyncadd.s32 @!p1 $0xFFFFFF80  }
0x42: {  	[tilespmem:s30], [sflag:$0x2] =	stream.linear.gather @!p1 [hbm4b:s13+s25], $0x4000, $0x38;
	[tilespmem:$0x1C100] =	vst v63  }
0x43: {  	_ =	swait.ge @!p1 [sflag:s26], $0x4000  }
0x44: {  	[sflag:s26] =	ssyncset.done @!p1 $0x0  }
0x45: {  	s28 =	simm.s32 @!p1 $0x2;
	[sflag:s26] =	ssyncadd.s32 @!p1 $0xFFFFC000;
	s26 =	simm.s32 @!p1 $0x100  }
0x46: {  	[spmem:s2] =	stream.indirect.scatter.add.f32 @!p1 [tilespmem:s26], [sflag:$0x3], $0x80, s25, s29, $0xb8;
	[tilespmem:$0x1C100] =	vst v63  }
0x47: {  	_ =	swait.ge @!p1 [sflag:s28], $0x4000  }
0x48: {  	s25 =	simm.s32 $0x400;
	[sflag:s28] =	ssyncset.done @!p1 $0x0  }
0x49: {  	s26 =	sadd.s32 $0x20000, s13;
	[sflag:s28] =	ssyncadd.s32 @!p1 $0xFFFFC000;
	s28 =	sadd.s32 $0x40, s14  }
.LBB2_2:
0x4a: {  	[spmem:s2] =	stream.indirect.scatter.add.f32 @!p1 [tilespmem:s30], [sflag:$0x4], $0x80, s29, s29, $0xb8;
	[tilespmem:$0x1C100] =	vst v63  }
0x4b: {  	s29 =	smov.u32 s25;
	s25 =	sadd.s32 $0x400, s25;
	_ =	swait.ge [sflag:s22], $0x4000  }
0x4c: {  	s30 =	sadd.s32 s29, s12;
	p2 =	sne.s32 s25, $0x1400;
	[sflag:s22] =	ssyncset.done $0x0  }
0x4d: {  	s30 =	sadd.s32 $0x3AB0, s30;
	[sflag:s22] =	ssyncadd.s32 $0xFFFFC000  }
0x4e: {  	[tilespmem:s3], [sflag:$0x5] =	stream.linear.gather [hbm4b:s30+s3], $0x80, $0x38;
	[tilespmem:$0x1C100] =	vst v63  }
0x4f: {  	_ =	swait.ge [sflag:s16], $0x80  }
0x50: {  	[sflag:s16] =	ssyncset.done $0x0  }
0x51: {  	s30 =	sadd.s32 $0xFFFF0000, s26;
	[sflag:s16] =	ssyncadd.s32 $0xFFFFFF80  }
0x52: {  	[tilespmem:s17], [sflag:$0x1] =	stream.linear.gather [hbm4b:s30+s3], $0x4000, $0x38;
	[tilespmem:$0x1C100] =	vst v63  }
0x53: {  	_ =	swait.ge [sflag:s23], $0x4000  }
0x54: {  	p1 =	sgt.u32 s28, $0x176;
	[sflag:s23] =	ssyncset.done $0x0  }
0x55: {  	s29 =	sadd.s32 @!p1 s29, s12;
	s30 =	simm.s32 @p1 $0x1;
	[sflag:s23] =	ssyncadd.s32 $0xFFFFC000  }
0x56: {  	s31 =	sadd.s32 @!p1 $0x3CB0, s29;
	_ =	swait.ge @p1 [sflag:s30], $0x4000  }
0x57: {  	s29 =	simm.s32 @p1 $0x100;
	[sflag:s30] =	ssyncset.done @p1 $0x0  }
0x58: {  	s0 =	simm.s32 @p1 $0x0;
	[sflag:s30] =	ssyncadd.s32 @p1 $0xFFFFC000;
	s30 =	simm.s32 @p1 $0x80  }
0x59: {  	[spmem:s2] =	stream.indirect.scatter.add.f32 @p1 [tilespmem:s29], [sflag:$0x3], $0x80, s0, s30, $0xb8;
	[tilespmem:$0x1C100] =	vst v63  }
0x5a: {  	s0 =	simm.s32 @!p1 $0x0;
	s29 =	simm.s32 @!p1 $0x80;
	s30 =	simm.s32 @!p1 $0x5  }
0x5b: {  	[tilespmem:s29], [sflag:$0x5] =	stream.linear.gather @!p1 [hbm4b:s31+s0], $0x80, $0x38;
	[tilespmem:$0x1C100] =	vst v63  }
0x5c: {  	_ =	swait.ge @!p1 [sflag:s30], $0x80  }
0x5d: {  	[sflag:s30] =	ssyncset.done @!p1 $0x0  }
0x5e: {  	s31 =	simm.s32 @!p1 $0x1;
	[sflag:s30] =	ssyncadd.s32 @!p1 $0xFFFFFF80;
	s30 =	simm.s32 @!p1 $0x4100  }
0x5f: {  	[tilespmem:s30], [sflag:$0x2] =	stream.linear.gather @!p1 [hbm4b:s26+s0], $0x4000, $0x38;
	[tilespmem:$0x1C100] =	vst v63  }
0x60: {  	_ =	swait.ge @!p1 [sflag:s31], $0x4000  }
0x61: {  	s1 =	simm.s32 @!p1 $0x2;
	[sflag:s31] =	ssyncset.done @!p1 $0x0  }
.Ltmp0:
0x62: {  	[sflag:s31] =	ssyncadd.s32 @!p1 $0xFFFFC000;
	s31 =	simm.s32 @!p1 $0x100;
	(pc) =	sbr.rel @p2 .LBB2_2-.Ltmp0, $4  }
0x63: {  	[spmem:s2] =	stream.indirect.scatter.add.f32 @!p1 [tilespmem:s31], [sflag:$0x3], $0x80, s0, s29, $0xb8;
	[tilespmem:$0x1C100] =	vst v63  }
0x64: {  	_ =	swait.ge @!p1 [sflag:s1], $0x4000  }
0x65: {  	[sflag:s1] =	ssyncset.done @!p1 $0x0  }
0x66: {  	s28 =	sadd.s32 $0x40, s28;
	s26 =	sadd.s32 $0x20000, s26;
	[sflag:s1] =	ssyncadd.s32 @!p1 $0xFFFFC000  }
0x67: {  	[spmem:s2] =	stream.indirect.scatter.add.f32 @!p1 [tilespmem:s30], [sflag:$0x4], $0x80, s29, s29, $0xb8;
	[tilespmem:$0x1C100] =	vst v63  }
0x68: {  	_ =	swait.ge [sflag:s22], $0x4000  }
0x69: {  	[sflag:s22] =	ssyncset.done $0x0  }
0x6a: {  	s0 =	simm.s32 @!p0 $0x4;
	[sflag:s22] =	ssyncadd.s32 $0xFFFFC000  }
0x6b: {  	_ =	swait.ge @!p0 [sflag:s0], $0x4000  }
0x6c: {  	s24 =	sadd.s32 $0x1, s24;
	[sflag:s0] =	ssyncset.done @!p0 $0x0  }
0x6d: {  	p1 =	sne.s32 s24, s7;
	[sflag:s0] =	ssyncadd.s32 @!p0 $0xFFFFC000  }
.Ltmp1:
0x6e: {  	[bflag:$0x0] =	sbarrier.arrive $0xFFFF;
	(pc) =	sbr.rel @p1 .LBB2_1-.Ltmp1, $4  }
0x6f: {  	[hbm:s6], [sflag:s5] =	dma.local [spmem:s15], $0x2800  }
0x70: {  	_ =	swait.ge [sflag:s16], $0x2800  }
0x71: {  	[sflag:s16] =	ssyncset.done $0x0  }
0x72: {  	[sflag:s16] =	ssyncadd.s32 $0xFFFFD800  }
0x73: {  	_ =	sfence.sel $0x180000  }
0x74: {  	[bflag:$0x0] =	sbarrier.arrive $0xFFFF  }
0x75: {  	_ =	strace $0x9000004D  }
0x76: {  	s0 =	stileid.u32;
	[bflag:$0x2] =	sbarrier.arrive $0xFFFF  }
0x77: {  	p0 =	sne.s32 s0, $0x0;
	s0 =	rddreg [dreg:$0x3]  }
0x78: {  	s0 =	sadd.s32 @!p0 $0x100000, s0  }
0x79: {  	[sflag:s0] =	ssyncadd.tile.s32 @!p0 $0x1;
	_ =	shalt  }
.Lfunc_end2:
_tile_overlayer_lowered:
.L_overlay_start_2:
0x7a: {  	(tag) =	ssettag $0x2  }
0x7b: {  	s0 =	rddreg [dreg:$0x0];
	s2 =	stileid.u32  }
0x7c: {  	s1 =	rddreg [dreg:$0x1];
	p0 =	sne.s32 s2, $0x0  }
0x7d: {  	s3 =	rddreg [dreg:$0x2];
	[bflag:$0x3] =	sbarrier.arrive $0xFFFF;
	s2 =	simm.s32 @!p0 $0x1C05  }
0x7e: {  	[timem:s3], [sflag:s2] =	dma.local @!p0 [hbm:s0], s1  }
0x7f: {  	s0 =	simm.s32 @!p0 $0x5  }
0x80: {  	_ =	swait.ge @!p0 [sflag:s0], s1  }
0x81: {  	s1 =	ssub.s32 @!p0 $0x0, s1;
	[sflag:s0] =	ssyncset.done @!p0 $0x0  }
0x82: {  	[sflag:s0] =	ssyncadd.s32 @!p0 s1  }
0x83: {  	[bflag:$0x3] =	sbarrier.arrive $0xFFFF  }
0x84: {  	_ =	shalt  }

// kernel: kernel.21.cloned.1.call-start
scs
__scs_entry_jumppad:
0x0: {  	(pc) =	sbr.rel $0x88, $3  }
0x1: {  	(tag) =	ssettag $0x0;
	lr =	simm.s32 $0x1  }
0x2: {  	[smem:$0x3F84] =	sst lr;
	_ =	strace $0xD0000000  }
0x3: {  	_ = 	snop  }
0x4: {  	_ = 	snop  }
0x5: {  	_ = 	snop  }
0x6: {  	_ = 	snop  }
0x7: {  	_ = 	snop  }
__scs_overlays_trampoline_lowered:
0x8: {  	[smem:$0x3F93] =	sst s0  }
0x9: {  	[smem:$0x3F94] =	sst s1  }
0xa: {  	[smem:$0x3F95] =	sst s2  }
0xb: {  	[smem:$0x3F96] =	sst s3  }
0xc: {  	[smem:$0x3F97] =	sst s4  }
0xd: {  	[smem:$0x3F98] =	sst s5  }
0xe: {  	[smem:$0x3F99] =	sst s6  }
0xf: {  	[smem:$0x3F9A] =	sst s7  }
0x10: {  	[smem:$0x3F9B] =	sst s8  }
0x11: {  	[smem:$0x3F9C] =	sst s9;
	s0 =	simm.s32 @!p0 $0x0  }
0x12: {  	s1 =	sld [smem:$0x3F82];
	s0 =	simm.s32 @p0 $0x1  }
0x13: {  	[smem:$0x3F9D] =	sst s0;
	s0 =	simm.s32 @!p1 $0x0  }
0x14: {  	s2 =	sld [smem:$0x3F81];
	s0 =	simm.s32 @p1 $0x1  }
0x15: {  	[smem:$0x3F9E] =	sst s0;
	s0 =	simm.s32 @!p2 $0x0  }
0x16: {  	s3 =	sld [smem:$0x3FDB];
	s0 =	simm.s32 @p2 $0x1  }
0x17: {  	s4 =	simm.s32 $0x1BF5;
	[smem:$0x3FA0] =	sst s0  }
0x18: {  	s0 =	sld [smem:$0x3F83];
	_ =	swait.ge [sflag:s4], $0x0  }
0x19: {  	s7 =	sld [smem:$0x3F84]  }
0x1a: {  	s8 =	sadd.s32 $0xFFFFE003, lr  }
0x1b: {  	s9 =	sadd.s32 $0xFFFFFEF7, lr;
	s5 =	simm.s32 $0xFFFFFFFF;
	p2 =	slt.u32 s8, $0xFFFFF086  }
0x1c: {  	p1 =	slt.u32 s9, $0xF7A;
	s5 =	simm.s32 @!p2 $0x0  }
0x1d: {  	s5 =	simm.s32 @p1 $0x1;
	p0 =	seq.s32 s7, s2  }
0x1e: {  	s7 =	smul.u32 @!p0 $0xF7A, s2;
	p2 =	seq.s32 @!p0 s5, $0x0  }
0x1f: {  	s9 =	smul.u32 $0xF7A, s1;
	s8 =	simm.s32 @!p0 $0x1BF5;
	p2 =	por !p2, p0  }
0x20: {  	[sflag:s8] =	ssyncset.s32 @!p0 $0xFFFFF086;
	s6 =	sadd.s32 @!p0 s3, s7;
	s7 =	simm.s32 @!p0 $0x108  }
0x21: {  	s3 =	sadd.s32 s3, s9;
	s6 =	sadd.s32 @!p0 $0x88, s6;
	s7 =	simm.s32 @p2 $0x1082  }
0x22: {  	[simem:s7], [sflag:s8] =	dma.local @!p0 [hbm:s6], $0xF7A  }
0x23: {  	s9 =	sor.u32 $0xD0000000, s2;
	s6 =	simm.s32 $0x108;
	_ =	swait.ge @!p0 [sflag:s8], $0x0  }
0x24: {  	s3 =	sadd.s32 $0x88, s3;
	s6 =	simm.s32 @!p1 $0x1082;
	[sflag:s4] =	ssyncset.s32 $0xFFFFF086  }
0x25: {  	[simem:s6], [sflag:s4] =	dma.local [hbm:s3], $0xF7A  }
0x26: {  	[smem:$0x3F84] =	sst s1;
	(tag) =	ssettag s2;
	_ =	strace s9  }
0x27: {  	s1 =	sld [smem:$0x3F94]  }
0x28: {  	s2 =	sld [smem:$0x3F95]  }
0x29: {  	s4 =	sld [smem:$0x3F97]  }
0x2a: {  	p0 =	seq.s32 s5, $0x0;
	s5 =	sld [smem:$0x3F98]  }
0x2b: {  	s6 =	sld [smem:$0x3F99]  }
0x2c: {  	s7 =	sld [smem:$0x3F9A]  }
0x2d: {  	s3 =	simm.s32 $0x108;
	s8 =	sld [smem:$0x3F9B]  }
0x2e: {  	s3 =	simm.s32 @!p0 $0x1082;
	s9 =	sld [smem:$0x3F9C]  }
0x2f: {  	lr =	sadd.s32 s0, s3;
	s0 =	sld [smem:$0x3F93]  }
0x30: {  	s3 =	sld [smem:$0x3F96]  }
0x31: {  	[smem:$0x3F9F] =	sst s10  }
0x32: {  	s10 =	sld [smem:$0x3F9D];
	_ =	sdelay $0x3  }
0x33: {  	p0 =	seq.s32 s10, $0x1;
	s10 =	sld [smem:$0x3F9F];
	_ =	sdelay $0x3  }
0x34: {  	[smem:$0x3F9F] =	sst s10  }
0x35: {  	s10 =	sld [smem:$0x3F9E];
	_ =	sdelay $0x3  }
0x36: {  	p1 =	seq.s32 s10, $0x1;
	s10 =	sld [smem:$0x3F9F];
	_ =	sdelay $0x3  }
0x37: {  	[smem:$0x3F9F] =	sst s10  }
0x38: {  	s10 =	sld [smem:$0x3FA0]  }
0x39: {  	_ = 	snop;
	(pc) =	sbr.ind lr, $3  }
0x3a: {  	_ = 	snop  }
0x3b: {  	_ = 	snop  }
0x3c: {  	p2 =	seq.s32 s10, $0x1;
	s10 =	sld [smem:$0x3F9F]  }
0x3d: {  	_ =	shalt  }
0x3e: {  	_ =	shalt  }
0x3f: {  	_ =	shalt  }
0x40: {  	_ =	shalt  }
0x41: {  	_ =	shalt  }
0x42: {  	_ =	shalt  }
0x43: {  	_ =	shalt  }
0x44: {  	_ =	shalt  }
0x45: {  	_ =	shalt  }
0x46: {  	_ =	shalt  }
0x47: {  	_ =	shalt  }
0x48: {  	_ =	shalt  }
0x49: {  	_ =	shalt  }
0x4a: {  	_ =	shalt  }
0x4b: {  	_ =	shalt  }
0x4c: {  	_ =	shalt  }
0x4d: {  	_ =	shalt  }
0x4e: {  	_ =	shalt  }
0x4f: {  	_ =	shalt  }
0x50: {  	_ =	shalt  }
0x51: {  	_ =	shalt  }
0x52: {  	_ =	shalt  }
0x53: {  	_ =	shalt  }
0x54: {  	_ =	shalt  }
0x55: {  	_ =	shalt  }
0x56: {  	_ =	shalt  }
0x57: {  	_ =	shalt  }
0x58: {  	_ =	shalt  }
0x59: {  	_ =	shalt  }
0x5a: {  	_ =	shalt  }
0x5b: {  	_ =	shalt  }
0x5c: {  	_ =	shalt  }
0x5d: {  	_ =	shalt  }
0x5e: {  	_ =	shalt  }
0x5f: {  	_ =	shalt  }
0x60: {  	_ =	shalt  }
0x61: {  	_ =	shalt  }
0x62: {  	_ =	shalt  }
0x63: {  	_ =	shalt  }
0x64: {  	_ =	shalt  }
0x65: {  	_ =	shalt  }
0x66: {  	_ =	shalt  }
0x67: {  	_ =	shalt  }
0x68: {  	_ =	shalt  }
0x69: {  	_ =	shalt  }
0x6a: {  	_ =	shalt  }
0x6b: {  	_ =	shalt  }
0x6c: {  	_ =	shalt  }
0x6d: {  	_ =	shalt  }
0x6e: {  	_ =	shalt  }
0x6f: {  	_ =	shalt  }
0x70: {  	_ =	shalt  }
0x71: {  	_ =	shalt  }
0x72: {  	_ =	shalt  }
0x73: {  	_ =	shalt  }
0x74: {  	_ =	shalt  }
0x75: {  	_ =	shalt  }
0x76: {  	_ =	shalt  }
0x77: {  	_ =	shalt  }
0x78: {  	_ =	shalt  }
0x79: {  	_ =	shalt  }
0x7a: {  	_ =	shalt  }
0x7b: {  	_ =	shalt  }
0x7c: {  	_ =	shalt  }
0x7d: {  	_ =	shalt  }
0x7e: {  	_ =	shalt  }
0x7f: {  	_ =	shalt  }
0x80: {  	_ =	shalt  }
0x81: {  	_ =	shalt  }
0x82: {  	_ =	shalt  }
0x83: {  	_ =	shalt  }
0x84: {  	_ =	shalt  }
0x85: {  	_ =	shalt  }
0x86: {  	_ =	shalt  }
0x87: {  	_ =	shalt  }
.Lfunc_end0:
.L_simem_size_0:
called_computation.4_lowered:
.L_overlay_start_0:
0x88: {  	s2 =	sld [smem:$0x3FD9]  }
0x89: {  	s3 =	sld [smem:$0x3FFE];
	_ =	sdelay $0x1  }
0x8a: {  	s1 =	srdreg.scid  }
0x8b: {  	s0 =	sand.u32 $0x1, s1  }
0x8c: {  	s14 =	sshll.u32 s0, $0xA;
	s2 =	sadd.s32 s3, s2  }
0x8d: {  	s2 =	sadd.s32 s2, s14  }
0x8e: {  	[smem:$0x3FAB] =	sst s2  }
0x8f: {  	_ = 	snop  }
0x90: {  	s2 =	sld [smem:$0x3FD0];
	_ =	sdelay $0x2  }
0x91: {  	s15 =	simm.s32 $0xB;
	s4 =	simm.s32 $0x10  }
0x92: {  	[smem:s4], [sflag:s15] =	dma.local [hbm:s2], $0x1  }
0x93: {  	_ =	swait.eq [sflag:s15], $0x1  }
0x94: {  	[sflag:s15] =	ssyncset.done $0x0  }
0x95: {  	s16 =	sld [smem:$0x10];
	[sflag:s15] =	ssyncadd.s32 $0xFFFFFFFF  }
0x96: {  	s17 =	sld [smem:$0x11];
	(tm) =	ssettm $0x1  }
0x97: {  	s18 =	sld [smem:$0x3FFB];
	_ =	sdelay $0x3  }
0x98: {  	_ =	strace s18  }
0x99: {  	s4 =	sld [smem:$0x3FFC];
	_ =	sdelay $0x3  }
0x9a: {  	_ =	strace s4  }
0x9b: {  	s4 =	sld [smem:$0x3FFD];
	_ =	sdelay $0x3  }
0x9c: {  	_ =	strace s4  }
0x9d: {  	_ =	strace $0x8FFFFFFF  }
0x9e: {  	s19 =	sld [smem:$0x3FDB];
	_ =	sdelay $0x1  }
0x9f: {  	s5 =	simm.s32 $_scs_section_size  }
0xa0: {  	s6 =	simm.s32 $_size__tile_overlayer_lowered;
	s7 =	simm.s32 $_tile_overlayer_lowered  }
0xa1: {  	s22 =	simm.s32 $0x1BFF;
	s21 =	sshll.u32 s7, $0x1;
	s4 =	sadd.s32 s5, s19  }
0xa2: {  	s8 =	simm.s32 $0x0;
	s20 =	sshll.u32 s6, $0x1;
	s6 =	sadd.s32 s21, s4  }
0xa3: {  	[timem:s8], [sflag:s22] =	dma.local [hbm:s6], s20  }
0xa4: {  	_ =	swait.ge [sflag:s22], s20  }
0xa5: {  	s5 =	ssub.s32 $0x0, s20;
	[sflag:s22] =	ssyncset.done $0x0  }
0xa6: {  	[sflag:s22] =	ssyncadd.s32 s5;
	_ =	sdelay $0x1  }
0xa7: {  	s23 =	simm.s32 $0x1B8B  }
0xa8: {  	_ =	swait.ge [sflag:s23], $0x1  }
0xa9: {  	[sflag:s23] =	ssyncset.done $0x0  }
0xaa: {  	s25 =	simm.s32 $0x1B8E;
	s24 =	sld [smem:$0x3FFE];
	[sflag:s23] =	ssyncadd.s32 $0xFFFFFFFF  }
0xab: {  	s26 =	simm.s32 $execute0_lowered;
	[smem:$0x3FD2] =	sst s25  }
0xac: {  	s6 =	sshll.u32 s26, $0x1;
	_ =	strace $0x8000004F;
	[dreg:$0x1] =	wrdreg $0xFFFFFFFF  }
0xad: {  	s28 =	simm.s32 $_size_execute0_lowered;
	s4 =	sadd.s32 s4, s6;
	[dreg:$0x0] =	wrdreg $0x0  }
0xae: {  	s6 =	sshll.u32 s28, $0x1;
	[dreg:$0x2] =	wrdreg s4  }
0xaf: {  	[dreg:$0x3] =	wrdreg s6  }
0xb0: {  	[dreg:$0x4] =	wrdreg $0xC0  }
0xb1: {  	_ =	task [dreg:s8], $0x5FFFF  }
0xb2: {  	[dreg:$0x1] =	wrdreg $0xFFFFFFFF  }
0xb3: {  	[dreg:$0x0] =	wrdreg $0x60  }
0xb4: {  	[dreg:$0x2] =	wrdreg s16  }
0xb5: {  	[dreg:$0x3] =	wrdreg s24  }
0xb6: {  	[dreg:$0x4] =	wrdreg s17  }
0xb7: {  	[dreg:$0x5] =	wrdreg $0x9  }
0xb8: {  	_ =	task.clear_ibuf [dreg:s8], $0x6FFFF;
	_ =	strace $0x9000004F  }
0xb9: {  	s29 =	simm.s32 $0x9;
	_ =	strace $0x80000051  }
0xba: {  	_ =	swait.ge [sflag:s29], $0x1  }
0xbb: {  	[sflag:s29] =	ssyncadd.s32 $0xFFFFFFFF  }
0xbc: {  	_ =	strace $0x90000051  }
0xbd: {  	_ =	sfence  }
0xbe: {  	s30 =	sld [smem:$0x0];
	_ =	sdelay $0x2  }
0xbf: {  	s31 =	sshll.u32 s1, $0xD;
	s1 =	sshrl.u32 s1, $0x2  }
0xc0: {  	s3 =	sand.u32 $0x4000, s31;
	s1 =	sadd.s32 s1, s30  }
0xc1: {  	s0 =	sor.u32 s3, s0;
	s1 =	sshll.u32 s1, $0x11  }
0xc2: {  	s0 =	sor.u32 s1, s0  }
0xc3: {  	s0 =	sadd.s32 $0x8F2B, s0  }
0xc4: {  	[sflag:s0] =	ssyncadd.remote.s32 $0x1  }
0xc5: {  	_ =	sfence.sel $0xFFFF  }
0xc6: {  	[dreg:$0x0] =	wrdreg $0xFFFFFFFF;
	(pc) =	sbr.abs _section_cstart, $3  }
0xc7: {  	[dreg:$0x1] =	wrdreg $0xFFFFFFFF  }
0xc8: {  	_ =	task.clear_ibuf [dreg:s8], $0x2FFFF;
	_ =	strace $0x9FFFFFFF  }
0xc9: {  	(tm) =	ssettm $0x7FFFFFFF  }
tec
execute0_lowered:
.L_overlay_start_1:
0x0: {  	(tag) =	ssettag $0x1  }
0x1: {  	s5 =	rddreg [dreg:$0x0]  }
0x2: {  	s4 =	rddreg [dreg:$0x1]  }
0x3: {  	s8 =	rddreg [dreg:$0x2];
	s2 =	simm.s32 $0x0  }
0x4: {  	s13 =	simm.s32 $0xD00;
	[smem:$0x7FF] =	sst s2  }
0x5: {  	s18 =	simm.s32 $0x100;
	_ =	strace $0x80000050;
	[dreg:$0x4] =	wrdreg s13  }
0x6: {  	s19 =	simm.s32 $0x1500;
	[dreg:$0x5] =	wrdreg s18  }
0x7: {  	s20 =	simm.s32 $0x180;
	[dreg:$0x6] =	wrdreg s19  }
0x8: {  	s0 =	stileid.u32;
	s21 =	simm.s32 $0x1D00;
	[dreg:$0x7] =	wrdreg s20  }
0x9: {  	s3 =	srdreg.scid;
	s22 =	simm.s32 $0x200;
	[dreg:$0x8] =	wrdreg s21  }
0xa: {  	s23 =	simm.s32 $0x2500;
	s24 =	simm.s32 $0x5580;
	[dreg:$0x9] =	wrdreg s22  }
0xb: {  	s25 =	simm.s32 $0x6200;
	s26 =	simm.s32 $0x5600;
	[dreg:$0xa] =	wrdreg s23  }
0xc: {  	s28 =	simm.s32 $0x6A00;
	s29 =	simm.s32 $0x5680;
	[dreg:$0xb] =	wrdreg s24  }
0xd: {  	s30 =	simm.s32 $0x7200;
	s31 =	simm.s32 $0x5700;
	[dreg:$0xc] =	wrdreg s25  }
0xe: {  	s15 =	simm.s32 $0x5A00;
	s6 =	smul.u32 $0xA0, s0;
	[dreg:$0xd] =	wrdreg s26  }
0xf: {  	s9 =	smul.u32 $0xA00, s0;
	s10 =	sand.u32 $0x1, s3;
	[dreg:$0xe] =	wrdreg s28  }
0x10: {  	s3 =	sadd.s32 $0x31800, s4;
	s17 =	sshll.u32 s0, $0x1;
	[dreg:$0xf] =	wrdreg s29  }
0x11: {  	p0 =	sgt.u32 s0, $0xC;
	s11 =	ssub.s32 $0x2, s10;
	[dreg:$0x10] =	wrdreg s30  }
0x12: {  	s14 =	smul.u32 $0x50, s10;
	s13 =	simm.s32 $0x500;
	[dreg:$0x11] =	wrdreg s31  }
0x13: {  	s18 =	simm.s32 $0x3;
	s19 =	simm.s32 $0x7;
	s20 =	simm.s32 $0x0  }
0x14: {  	s7 =	sadd.s32 s6, s4;
	s12 =	sadd.s32 s9, s4;
	s16 =	sshrl.u32 s11, $0x1  }
0x15: {  	s5 =	sadd.s32 s6, s5;
	s8 =	sadd.s32 s9, s8;
	s4 =	ssub.s32 s11, s16  }
0x16: {  	s5 =	sadd.s32 s14, s5;
	s7 =	sadd.s32 s14, s7;
	s9 =	sadd.s32 $0x36800, s12  }
0x17: {  	s11 =	simm.s32 $0x9;
	s12 =	simm.s32 $0x80;
	s16 =	simm.s32 $0x7A00  }
0x18: {  	s14 =	simm.s32 $0x5500;
	s4 =	smax.u32 s4, $0x1;
	s6 =	sadd.s32 $0x5600, s7  }
0x19: {  	s7 =	smul.u32 $0x500, s10;
	s10 =	sor.u32 s10, s17;
	[dreg:$0x12] =	wrdreg s16  }
0x1a: {  	s16 =	simm.s32 $0x1;
	s17 =	simm.s32 $0x5;
	s10 =	sor.u32 $0x20, s10  }
.LBB2_1:
0x1b: {  	p2 =	por $0x1, $0x1  }
0x1c: {  	s21 =	simm.s32 @!p2 $0x3  }
0x1d: {  	_ =	swait.ge @!p2 [sflag:s21], $0x2800  }
0x1e: {  	[sflag:s21] =	ssyncset.done @!p2 $0x0  }
0x1f: {  	s22 =	simm.s32 @!p2 $0x7;
	[sflag:s21] =	ssyncadd.s32 @!p2 $0xFFFFD800  }
0x20: {  	_ =	swait.ge @!p2 [sflag:s22], $0x2800  }
0x21: {  	[sflag:s22] =	ssyncset.done @!p2 $0x0  }
0x22: {  	s26 =	sadd.s32 $0x0, s5;
	[sflag:s22] =	ssyncadd.s32 @!p2 $0xFFFFD800  }
0x23: {  	[tilespmem:s2], [sflag:$0x9] =	stream.linear.gather [hbm4b:s26+s2], $0x280, $0x38;
	[tilespmem:$0xAA00] =	vst v63  }
0x24: {  	_ =	swait.ge [sflag:s11], $0x280  }
0x25: {  	s29 =	rddreg [dreg:$0x4]  }
0x26: {  	[sflag:s11] =	ssyncset.done $0x0;
	s31 =	rddreg [dreg:$0x8]  }
0x27: {  	s23 =	rddreg [dreg:$0x6];
	[sflag:s11] =	ssyncadd.s32 $0xFFFFFD80  }
0x28: {  	[tilespmem:s13], [sflag:$0x1] =	stream.indirect.gather [hbm4b:s3+s12], $0x10, s2, s12, $0xb8;
	[tilespmem:$0xAA00] =	vst v63  }
0x29: {  	s24 =	rddreg [dreg:$0x5]  }
0x2a: {  	[tilespmem:s29], [sflag:$0x1] =	stream.indirect.gather [hbm4b:s3+s12], $0x10, s12, s12, $0xb8;
	[tilespmem:$0xAA00] =	vst v63  }
0x2b: {  	s25 =	rddreg [dreg:$0xa]  }
0x2c: {  	[tilespmem:s23], [sflag:$0x1] =	stream.indirect.gather [hbm4b:s3+s12], $0x10, s24, s12, $0xb8;
	[tilespmem:$0xAA00] =	vst v63  }
0x2d: {  	s0 =	rddreg [dreg:$0x7]  }
0x2e: {  	[tilespmem:s31], [sflag:$0x1] =	stream.indirect.gather [hbm4b:s3+s12], $0x10, s0, s12, $0xb8;
	[tilespmem:$0xAA00] =	vst v63  }
0x2f: {  	s1 =	rddreg [dreg:$0x9]  }
0x30: {  	[tilespmem:s25], [sflag:$0x1] =	stream.indirect.gather [hbm4b:s3+s12], $0x10, s1, s12, $0xb8;
	[tilespmem:$0xAA00] =	vst v63  }
0x31: {  	s24 =	sadd.s32 $0x0, s6  }
0x32: {  	[tilespmem:s14], [sflag:$0x9] =	stream.linear.gather [hbm4b:s24+s2], $0x280, $0x38;
	[tilespmem:$0xAA00] =	vst v63  }
0x33: {  	_ =	swait.ge [sflag:s11], $0x280  }
0x34: {  	s21 =	rddreg [dreg:$0x11]  }
0x35: {  	s25 =	rddreg [dreg:$0xb]  }
0x36: {  	s29 =	rddreg [dreg:$0xd];
	[sflag:s11] =	ssyncset.done $0x0  }
0x37: {  	s31 =	rddreg [dreg:$0xe];
	[sflag:s11] =	ssyncadd.s32 $0xFFFFFD80  }
0x38: {  	[tilespmem:s15], [sflag:$0x5] =	stream.indirect.gather [hbm4b:s3+s12], $0x10, s14, s12, $0xb8;
	[tilespmem:$0xAA00] =	vst v63  }
0x39: {  	s0 =	rddreg [dreg:$0xc]  }
0x3a: {  	[tilespmem:s0], [sflag:$0x5] =	stream.indirect.gather [hbm4b:s3+s12], $0x10, s25, s12, $0xb8;
	[tilespmem:$0xAA00] =	vst v63  }
0x3b: {  	s26 =	rddreg [dreg:$0x10]  }
0x3c: {  	[tilespmem:s31], [sflag:$0x5] =	stream.indirect.gather [hbm4b:s3+s12], $0x10, s29, s12, $0xb8;
	[tilespmem:$0xAA00] =	vst v63  }
0x3d: {  	s1 =	rddreg [dreg:$0xf]  }
0x3e: {  	[tilespmem:s26], [sflag:$0x5] =	stream.indirect.gather [hbm4b:s3+s12], $0x10, s1, s12, $0xb8;
	[tilespmem:$0xAA00] =	vst v63  }
0x3f: {  	s22 =	simm.s32 @!p2 $0x4;
	s25 =	rddreg [dreg:$0x12]  }
0x40: {  	[tilespmem:s25], [sflag:$0x5] =	stream.indirect.gather [hbm4b:s3+s12], $0x10, s21, s12, $0xb8;
	[tilespmem:$0xAA00] =	vst v63  }
0x41: {  	_ =	swait.ge @!p2 [sflag:s22], $0x2800  }
0x42: {  	[sflag:s22] =	ssyncset.done @!p2 $0x0  }
0x43: {  	p1 =	sgt.u32 s10, $0xF9;
	[sflag:s22] =	ssyncadd.s32 @!p2 $0xFFFFD800;
	s22 =	simm.s32 @!p2 $0x8  }
0x44: {  	s23 =	sadd.s32 @!p1 $0x0, s5;
	_ =	swait.ge @!p2 [sflag:s22], $0x2800  }
0x45: {  	s23 =	sadd.s32 @!p1 $0xA00, s23;
	s24 =	simm.s32 @!p1 $0x280;
	[sflag:s22] =	ssyncset.done @!p2 $0x0  }
0x46: {  	s21 =	simm.s32 @!p1 $0x0;
	s25 =	simm.s32 @!p1 $0x9;
	[sflag:s22] =	ssyncadd.s32 @!p2 $0xFFFFD800  }
0x47: {  	[tilespmem:s24], [sflag:$0x9] =	stream.linear.gather @!p1 [hbm4b:s23+s21], $0x280, $0x38;
	[tilespmem:$0xAA00] =	vst v63  }
0x48: {  	_ =	swait.ge @!p1 [sflag:s25], $0x280  }
0x49: {  	[sflag:s25] =	ssyncset.done @!p1 $0x0  }
0x4a: {  	s22 =	simm.s32 @!p1 $0x2D00;
	s23 =	simm.s32 @!p1 $0x80;
	[sflag:s25] =	ssyncadd.s32 @!p1 $0xFFFFFD80  }
0x4b: {  	[tilespmem:s22], [sflag:$0x2] =	stream.indirect.gather @!p1 [hbm4b:s3+s23], $0x10, s24, s23, $0xb8;
	[tilespmem:$0xAA00] =	vst v63  }
0x4c: {  	s26 =	simm.s32 @!p1 $0x3500;
	s24 =	simm.s32 @!p1 $0x300  }
0x4d: {  	[tilespmem:s26], [sflag:$0x2] =	stream.indirect.gather @!p1 [hbm4b:s3+s23], $0x10, s24, s23, $0xb8;
	[tilespmem:$0xAA00] =	vst v63  }
0x4e: {  	s24 =	simm.s32 @!p1 $0x380;
	s26 =	simm.s32 @!p1 $0x3D00  }
0x4f: {  	[tilespmem:s26], [sflag:$0x2] =	stream.indirect.gather @!p1 [hbm4b:s3+s23], $0x10, s24, s23, $0xb8;
	[tilespmem:$0xAA00] =	vst v63  }
0x50: {  	s24 =	simm.s32 @!p1 $0x400;
	s26 =	simm.s32 @!p1 $0x4500  }
0x51: {  	[tilespmem:s26], [sflag:$0x2] =	stream.indirect.gather @!p1 [hbm4b:s3+s23], $0x10, s24, s23, $0xb8;
	[tilespmem:$0xAA00] =	vst v63  }
0x52: {  	s28 =	simm.s32 @!p1 $0x4D00;
	s24 =	sadd.s32 @!p1 $0x0, s6;
	s26 =	simm.s32 @!p1 $0x480  }
0x53: {  	[tilespmem:s28], [sflag:$0x2] =	stream.indirect.gather @!p1 [hbm4b:s3+s23], $0x10, s26, s23, $0xb8;
	[tilespmem:$0xAA00] =	vst v63  }
0x54: {  	s24 =	sadd.s32 @!p1 $0xA00, s24;
	s28 =	simm.s32 @!p1 $0x5780  }
0x55: {  	[tilespmem:s28], [sflag:$0x9] =	stream.linear.gather @!p1 [hbm4b:s24+s21], $0x280, $0x38;
	[tilespmem:$0xAA00] =	vst v63  }
0x56: {  	_ =	swait.ge @!p1 [sflag:s25], $0x280  }
0x57: {  	[sflag:s25] =	ssyncset.done @!p1 $0x0  }
0x58: {  	s26 =	simm.s32 @!p1 $0x8200;
	[sflag:s25] =	ssyncadd.s32 @!p1 $0xFFFFFD80  }
0x59: {  	[tilespmem:s26], [sflag:$0x6] =	stream.indirect.gather @!p1 [hbm4b:s3+s23], $0x10, s28, s23, $0xb8;
	[tilespmem:$0xAA00] =	vst v63  }
0x5a: {  	s24 =	simm.s32 @!p1 $0x5800;
	s25 =	simm.s32 @!p1 $0x8A00  }
0x5b: {  	[tilespmem:s25], [sflag:$0x6] =	stream.indirect.gather @!p1 [hbm4b:s3+s23], $0x10, s24, s23, $0xb8;
	[tilespmem:$0xAA00] =	vst v63  }
0x5c: {  	s24 =	simm.s32 @!p1 $0x5880;
	s25 =	simm.s32 @!p1 $0x9200  }
0x5d: {  	[tilespmem:s25], [sflag:$0x6] =	stream.indirect.gather @!p1 [hbm4b:s3+s23], $0x10, s24, s23, $0xb8;
	[tilespmem:$0xAA00] =	vst v63  }
0x5e: {  	s24 =	simm.s32 @!p1 $0x5900;
	s25 =	simm.s32 @!p1 $0x9A00  }
0x5f: {  	[tilespmem:s25], [sflag:$0x6] =	stream.indirect.gather @!p1 [hbm4b:s3+s23], $0x10, s24, s23, $0xb8;
	[tilespmem:$0xAA00] =	vst v63  }
0x60: {  	s24 =	simm.s32 @!p1 $0x5980;
	s25 =	simm.s32 @!p1 $0xA200  }
0x61: {  	[tilespmem:s25], [sflag:$0x6] =	stream.indirect.gather @!p1 [hbm4b:s3+s23], $0x10, s24, s23, $0xb8;
	[tilespmem:$0xAA00] =	vst v63  }
0x62: {  	_ =	swait.ge [sflag:s16], $0x800  }
0x63: {  	[sflag:s16] =	ssyncset.done $0x0  }
0x64: {  	[sflag:s16] =	ssyncadd.s32 $0xFFFFF800  }
0x65: {  	_ =	swait.ge [sflag:s16], $0x800  }
0x66: {  	[sflag:s16] =	ssyncset.done $0x0  }
0x67: {  	[sflag:s16] =	ssyncadd.s32 $0xFFFFF800  }
0x68: {  	_ =	swait.ge [sflag:s16], $0x800  }
0x69: {  	[sflag:s16] =	ssyncset.done $0x0  }
0x6a: {  	[sflag:s16] =	ssyncadd.s32 $0xFFFFF800  }
0x6b: {  	_ =	swait.ge [sflag:s16], $0x800  }
0x6c: {  	[sflag:s16] =	ssyncset.done $0x0  }
0x6d: {  	[sflag:s16] =	ssyncadd.s32 $0xFFFFF800  }
0x6e: {  	_ =	swait.ge [sflag:s16], $0x800  }
0x6f: {  	[sflag:s16] =	ssyncset.done $0x0  }
0x70: {  	s29 =	sadd.s32 s8, s7;
	[sflag:s16] =	ssyncadd.s32 $0xFFFFF800  }
0x71: {  	[hbm4b:s29+s2] =	stream.linear.scatter [tilespmem:s13], [sflag:$0x3], $0x2800, $0x38;
	[tilespmem:$0xAA00] =	vst v63  }
0x72: {  	_ =	swait.ge [sflag:s17], $0x800  }
0x73: {  	[sflag:s17] =	ssyncset.done $0x0  }
0x74: {  	[sflag:s17] =	ssyncadd.s32 $0xFFFFF800  }
0x75: {  	_ =	swait.ge [sflag:s17], $0x800  }
0x76: {  	[sflag:s17] =	ssyncset.done $0x0  }
0x77: {  	[sflag:s17] =	ssyncadd.s32 $0xFFFFF800  }
0x78: {  	_ =	swait.ge [sflag:s17], $0x800  }
0x79: {  	[sflag:s17] =	ssyncset.done $0x0  }
0x7a: {  	[sflag:s17] =	ssyncadd.s32 $0xFFFFF800  }
0x7b: {  	_ =	swait.ge [sflag:s17], $0x800  }
0x7c: {  	[sflag:s17] =	ssyncset.done $0x0  }
0x7d: {  	[sflag:s17] =	ssyncadd.s32 $0xFFFFF800  }
0x7e: {  	_ =	swait.ge [sflag:s17], $0x800  }
0x7f: {  	[sflag:s17] =	ssyncset.done $0x0  }
0x80: {  	s31 =	sadd.s32 s9, s7;
	s24 =	simm.s32 @!p1 $0x2;
	[sflag:s17] =	ssyncadd.s32 $0xFFFFF800  }
0x81: {  	[hbm4b:s31+s2] =	stream.linear.scatter [tilespmem:s15], [sflag:$0x7], $0x2800, $0x38;
	[tilespmem:$0xAA00] =	vst v63  }
0x82: {  	_ =	swait.ge @!p1 [sflag:s24], $0x800  }
0x83: {  	[sflag:s24] =	ssyncset.done @!p1 $0x0  }
0x84: {  	[sflag:s24] =	ssyncadd.s32 @!p1 $0xFFFFF800  }
0x85: {  	_ =	swait.ge @!p1 [sflag:s24], $0x800  }
0x86: {  	[sflag:s24] =	ssyncset.done @!p1 $0x0  }
0x87: {  	[sflag:s24] =	ssyncadd.s32 @!p1 $0xFFFFF800  }
0x88: {  	_ =	swait.ge @!p1 [sflag:s24], $0x800  }
0x89: {  	[sflag:s24] =	ssyncset.done @!p1 $0x0  }
0x8a: {  	[sflag:s24] =	ssyncadd.s32 @!p1 $0xFFFFF800  }
0x8b: {  	_ =	swait.ge @!p1 [sflag:s24], $0x800  }
0x8c: {  	[sflag:s24] =	ssyncset.done @!p1 $0x0  }
0x8d: {  	[sflag:s24] =	ssyncadd.s32 @!p1 $0xFFFFF800  }
0x8e: {  	_ =	swait.ge @!p1 [sflag:s24], $0x800  }
0x8f: {  	s23 =	sadd.s32 @!p1 s8, s7;
	[sflag:s24] =	ssyncset.done @!p1 $0x0  }
0x90: {  	s30 =	simm.s32 @!p1 $0x6;
	s23 =	sadd.s32 @!p1 $0xA000, s23;
	[sflag:s24] =	ssyncadd.s32 @!p1 $0xFFFFF800  }
0x91: {  	[hbm4b:s23+s21] =	stream.linear.scatter @!p1 [tilespmem:s22], [sflag:$0x4], $0x2800, $0x38;
	[tilespmem:$0xAA00] =	vst v63  }
0x92: {  	_ =	swait.ge @!p1 [sflag:s30], $0x800  }
0x93: {  	[sflag:s30] =	ssyncset.done @!p1 $0x0  }
0x94: {  	s25 =	smov.u32 s8;
	s24 =	sadd.s32 $0x40, s10;
	[sflag:s30] =	ssyncadd.s32 @!p1 $0xFFFFF800  }
0x95: {  	s23 =	sadd.s32 @!p1 s9, s7;
	s22 =	simm.s32 $0x1400;
	_ =	swait.ge @!p1 [sflag:s30], $0x800  }
0x96: {  	s28 =	sadd.s32 @!p1 $0xA000, s23;
	s23 =	sadd.s32 $0x14000, s9;
	[sflag:s30] =	ssyncset.done @!p1 $0x0  }
.LBB2_2:
0x97: {  	[sflag:s30] =	ssyncadd.s32 @!p1 $0xFFFFF800  }
0x98: {  	_ =	swait.ge @!p1 [sflag:s30], $0x800  }
0x99: {  	[sflag:s30] =	ssyncset.done @!p1 $0x0  }
0x9a: {  	[sflag:s30] =	ssyncadd.s32 @!p1 $0xFFFFF800  }
0x9b: {  	_ =	swait.ge @!p1 [sflag:s30], $0x800  }
0x9c: {  	[sflag:s30] =	ssyncset.done @!p1 $0x0  }
0x9d: {  	[sflag:s30] =	ssyncadd.s32 @!p1 $0xFFFFF800  }
0x9e: {  	s29 =	smov.u32 s22;
	_ =	swait.ge @!p1 [sflag:s30], $0x800  }
0x9f: {  	p3 =	seq.s32 s29, $0x0;
	[sflag:s30] =	ssyncset.done @!p1 $0x0  }
0xa0: {  	s31 =	simm.s32 @!p3 $0x3;
	[sflag:s30] =	ssyncadd.s32 @!p1 $0xFFFFF800  }
0xa1: {  	[hbm4b:s28+s21] =	stream.linear.scatter @!p1 [tilespmem:s26], [sflag:$0x8], $0x2800, $0x38;
	[tilespmem:$0xAA00] =	vst v63  }
0xa2: {  	_ =	swait.ge @!p3 [sflag:s31], $0x2800  }
0xa3: {  	[sflag:s31] =	ssyncset.done @!p3 $0x0  }
0xa4: {  	s21 =	simm.s32 @!p3 $0x7;
	[sflag:s31] =	ssyncadd.s32 @!p3 $0xFFFFD800  }
0xa5: {  	_ =	swait.ge @!p3 [sflag:s21], $0x2800  }
0xa6: {  	[sflag:s21] =	ssyncset.done @!p3 $0x0  }
0xa7: {  	s1 =	sadd.s32 s29, s5;
	[sflag:s21] =	ssyncadd.s32 @!p3 $0xFFFFD800  }
0xa8: {  	[tilespmem:s2], [sflag:$0x9] =	stream.linear.gather [hbm4b:s1+s2], $0x280, $0x38;
	[tilespmem:$0xAA00] =	vst v63  }
0xa9: {  	_ =	swait.ge [sflag:s11], $0x280  }
0xaa: {  	s0 =	rddreg [dreg:$0x4]  }
0xab: {  	[sflag:s11] =	ssyncset.done $0x0;
	s26 =	rddreg [dreg:$0x8]  }
0xac: {  	s28 =	rddreg [dreg:$0x6];
	[sflag:s11] =	ssyncadd.s32 $0xFFFFFD80  }
0xad: {  	[tilespmem:s13], [sflag:$0x1] =	stream.indirect.gather [hbm4b:s3+s12], $0x10, s2, s12, $0xb8;
	[tilespmem:$0xAA00] =	vst v63  }
0xae: {  	s30 =	rddreg [dreg:$0x5]  }
0xaf: {  	[tilespmem:s0], [sflag:$0x1] =	stream.indirect.gather [hbm4b:s3+s12], $0x10, s12, s12, $0xb8;
	[tilespmem:$0xAA00] =	vst v63  }
0xb0: {  	s1 =	rddreg [dreg:$0xa]  }
0xb1: {  	[tilespmem:s28], [sflag:$0x1] =	stream.indirect.gather [hbm4b:s3+s12], $0x10, s30, s12, $0xb8;
	[tilespmem:$0xAA00] =	vst v63  }
0xb2: {  	s0 =	rddreg [dreg:$0x7]  }
0xb3: {  	[tilespmem:s26], [sflag:$0x1] =	stream.indirect.gather [hbm4b:s3+s12], $0x10, s0, s12, $0xb8;
	[tilespmem:$0xAA00] =	vst v63  }
0xb4: {  	s28 =	rddreg [dreg:$0x9]  }
0xb5: {  	[tilespmem:s1], [sflag:$0x1] =	stream.indirect.gather [hbm4b:s3+s12], $0x10, s28, s12, $0xb8;
	[tilespmem:$0xAA00] =	vst v63  }
0xb6: {  	s30 =	sadd.s32 s29, s6  }
0xb7: {  	[tilespmem:s14], [sflag:$0x9] =	stream.linear.gather [hbm4b:s30+s2], $0x280, $0x38;
	[tilespmem:$0xAA00] =	vst v63  }
0xb8: {  	_ =	swait.ge [sflag:s11], $0x280  }
0xb9: {  	s21 =	rddreg [dreg:$0x11]  }
0xba: {  	s26 =	rddreg [dreg:$0xb]  }
0xbb: {  	[sflag:s11] =	ssyncset.done $0x0;
	s28 =	rddreg [dreg:$0xd]  }
0xbc: {  	s30 =	rddreg [dreg:$0xe];
	[sflag:s11] =	ssyncadd.s32 $0xFFFFFD80  }
0xbd: {  	[tilespmem:s15], [sflag:$0x5] =	stream.indirect.gather [hbm4b:s3+s12], $0x10, s14, s12, $0xb8;
	[tilespmem:$0xAA00] =	vst v63  }
0xbe: {  	s1 =	rddreg [dreg:$0xc]  }
0xbf: {  	[tilespmem:s1], [sflag:$0x5] =	stream.indirect.gather [hbm4b:s3+s12], $0x10, s26, s12, $0xb8;
	[tilespmem:$0xAA00] =	vst v63  }
0xc0: {  	s0 =	rddreg [dreg:$0x10]  }
0xc1: {  	[tilespmem:s30], [sflag:$0x5] =	stream.indirect.gather [hbm4b:s3+s12], $0x10, s28, s12, $0xb8;
	[tilespmem:$0xAA00] =	vst v63  }
0xc2: {  	s31 =	rddreg [dreg:$0xf]  }
0xc3: {  	[tilespmem:s0], [sflag:$0x5] =	stream.indirect.gather [hbm4b:s3+s12], $0x10, s31, s12, $0xb8;
	[tilespmem:$0xAA00] =	vst v63  }
0xc4: {  	s28 =	rddreg [dreg:$0x12];
	s0 =	simm.s32 @!p3 $0x4  }
0xc5: {  	[tilespmem:s28], [sflag:$0x5] =	stream.indirect.gather [hbm4b:s3+s12], $0x10, s21, s12, $0xb8;
	[tilespmem:$0xAA00] =	vst v63  }
0xc6: {  	_ =	swait.ge @!p3 [sflag:s0], $0x2800  }
0xc7: {  	[sflag:s0] =	ssyncset.done @!p3 $0x0  }
0xc8: {  	p1 =	sgt.u32 s24, $0xF9;
	[sflag:s0] =	ssyncadd.s32 @!p3 $0xFFFFD800;
	s0 =	simm.s32 @!p3 $0x8  }
0xc9: {  	s26 =	sadd.s32 @!p1 s29, s5;
	_ =	swait.ge @!p3 [sflag:s0], $0x2800  }
0xca: {  	s26 =	sadd.s32 @!p1 $0xA00, s26;
	s30 =	simm.s32 @!p1 $0x280;
	[sflag:s0] =	ssyncset.done @!p3 $0x0  }
0xcb: {  	s31 =	simm.s32 @!p1 $0x9;
	s21 =	simm.s32 @!p1 $0x0;
	[sflag:s0] =	ssyncadd.s32 @!p3 $0xFFFFD800  }
0xcc: {  	[tilespmem:s30], [sflag:$0x9] =	stream.linear.gather @!p1 [hbm4b:s26+s21], $0x280, $0x38;
	[tilespmem:$0xAA00] =	vst v63  }
0xcd: {  	s28 =	sadd.s32 @!p1 s29, s6;
	s29 =	sadd.s32 @!p1 s23, s7;
	_ =	swait.ge @!p1 [sflag:s31], $0x280  }
0xce: {  	s1 =	sadd.s32 @!p1 $0xA00, s28;
	s28 =	sadd.s32 @!p1 $0xA000, s29;
	[sflag:s31] =	ssyncset.done @!p1 $0x0  }
0xcf: {  	s29 =	simm.s32 @!p1 $0x2D00;
	s0 =	simm.s32 @!p1 $0x80;
	[sflag:s31] =	ssyncadd.s32 @!p1 $0xFFFFFD80  }
0xd0: {  	[tilespmem:s29], [sflag:$0x2] =	stream.indirect.gather @!p1 [hbm4b:s3+s0], $0x10, s30, s0, $0xb8;
	[tilespmem:$0xAA00] =	vst v63  }
0xd1: {  	s26 =	simm.s32 @!p1 $0x300;
	s30 =	simm.s32 @!p1 $0x3500  }
0xd2: {  	[tilespmem:s30], [sflag:$0x2] =	stream.indirect.gather @!p1 [hbm4b:s3+s0], $0x10, s26, s0, $0xb8;
	[tilespmem:$0xAA00] =	vst v63  }
0xd3: {  	s26 =	simm.s32 @!p1 $0x380;
	s30 =	simm.s32 @!p1 $0x3D00  }
0xd4: {  	[tilespmem:s30], [sflag:$0x2] =	stream.indirect.gather @!p1 [hbm4b:s3+s0], $0x10, s26, s0, $0xb8;
	[tilespmem:$0xAA00] =	vst v63  }
0xd5: {  	s26 =	simm.s32 @!p1 $0x400;
	s30 =	simm.s32 @!p1 $0x4500  }
0xd6: {  	[tilespmem:s30], [sflag:$0x2] =	stream.indirect.gather @!p1 [hbm4b:s3+s0], $0x10, s26, s0, $0xb8;
	[tilespmem:$0xAA00] =	vst v63  }
0xd7: {  	s26 =	simm.s32 @!p1 $0x480;
	s30 =	simm.s32 @!p1 $0x4D00  }
0xd8: {  	[tilespmem:s30], [sflag:$0x2] =	stream.indirect.gather @!p1 [hbm4b:s3+s0], $0x10, s26, s0, $0xb8;
	[tilespmem:$0xAA00] =	vst v63  }
0xd9: {  	s30 =	simm.s32 @!p1 $0x5780  }
0xda: {  	[tilespmem:s30], [sflag:$0x9] =	stream.linear.gather @!p1 [hbm4b:s1+s21], $0x280, $0x38;
	[tilespmem:$0xAA00] =	vst v63  }
0xdb: {  	_ =	swait.ge @!p1 [sflag:s31], $0x280  }
0xdc: {  	[sflag:s31] =	ssyncset.done @!p1 $0x0  }
0xdd: {  	s26 =	simm.s32 @!p1 $0x8200;
	[sflag:s31] =	ssyncadd.s32 @!p1 $0xFFFFFD80  }
0xde: {  	[tilespmem:s26], [sflag:$0x6] =	stream.indirect.gather @!p1 [hbm4b:s3+s0], $0x10, s30, s0, $0xb8;
	[tilespmem:$0xAA00] =	vst v63  }
0xdf: {  	s1 =	simm.s32 @!p1 $0x5800;
	s30 =	simm.s32 @!p1 $0x8A00  }
0xe0: {  	[tilespmem:s30], [sflag:$0x6] =	stream.indirect.gather @!p1 [hbm4b:s3+s0], $0x10, s1, s0, $0xb8;
	[tilespmem:$0xAA00] =	vst v63  }
0xe1: {  	s1 =	simm.s32 @!p1 $0x5880;
	s30 =	simm.s32 @!p1 $0x9200  }
0xe2: {  	[tilespmem:s30], [sflag:$0x6] =	stream.indirect.gather @!p1 [hbm4b:s3+s0], $0x10, s1, s0, $0xb8;
	[tilespmem:$0xAA00] =	vst v63  }
0xe3: {  	s1 =	simm.s32 @!p1 $0x5900;
	s30 =	simm.s32 @!p1 $0x9A00  }
0xe4: {  	[tilespmem:s30], [sflag:$0x6] =	stream.indirect.gather @!p1 [hbm4b:s3+s0], $0x10, s1, s0, $0xb8;
	[tilespmem:$0xAA00] =	vst v63  }
0xe5: {  	s1 =	simm.s32 @!p1 $0x5980;
	s30 =	simm.s32 @!p1 $0xA200  }
0xe6: {  	[tilespmem:s30], [sflag:$0x6] =	stream.indirect.gather @!p1 [hbm4b:s3+s0], $0x10, s1, s0, $0xb8;
	[tilespmem:$0xAA00] =	vst v63  }
0xe7: {  	_ =	swait.ge [sflag:s16], $0x800  }
0xe8: {  	[sflag:s16] =	ssyncset.done $0x0  }
0xe9: {  	[sflag:s16] =	ssyncadd.s32 $0xFFFFF800  }
0xea: {  	_ =	swait.ge [sflag:s16], $0x800  }
0xeb: {  	[sflag:s16] =	ssyncset.done $0x0  }
0xec: {  	[sflag:s16] =	ssyncadd.s32 $0xFFFFF800  }
0xed: {  	_ =	swait.ge [sflag:s16], $0x800  }
0xee: {  	[sflag:s16] =	ssyncset.done $0x0  }
0xef: {  	[sflag:s16] =	ssyncadd.s32 $0xFFFFF800  }
0xf0: {  	_ =	swait.ge [sflag:s16], $0x800  }
0xf1: {  	[sflag:s16] =	ssyncset.done $0x0  }
0xf2: {  	[sflag:s16] =	ssyncadd.s32 $0xFFFFF800  }
0xf3: {  	_ =	swait.ge [sflag:s16], $0x800  }
0xf4: {  	s25 =	sadd.s32 $0x14000, s25;
	[sflag:s16] =	ssyncset.done $0x0  }
0xf5: {  	s1 =	sadd.s32 s25, s7;
	[sflag:s16] =	ssyncadd.s32 $0xFFFFF800  }
0xf6: {  	[hbm4b:s1+s2] =	stream.linear.scatter [tilespmem:s13], [sflag:$0x3], $0x2800, $0x38;
	[tilespmem:$0xAA00] =	vst v63  }
0xf7: {  	_ =	swait.ge [sflag:s17], $0x800  }
0xf8: {  	[sflag:s17] =	ssyncset.done $0x0  }
0xf9: {  	[sflag:s17] =	ssyncadd.s32 $0xFFFFF800  }
0xfa: {  	_ =	swait.ge [sflag:s17], $0x800  }
0xfb: {  	[sflag:s17] =	ssyncset.done $0x0  }
0xfc: {  	[sflag:s17] =	ssyncadd.s32 $0xFFFFF800  }
0xfd: {  	_ =	swait.ge [sflag:s17], $0x800  }
0xfe: {  	[sflag:s17] =	ssyncset.done $0x0  }
0xff: {  	[sflag:s17] =	ssyncadd.s32 $0xFFFFF800  }
0x100: {  	_ =	swait.ge [sflag:s17], $0x800  }
0x101: {  	[sflag:s17] =	ssyncset.done $0x0  }
0x102: {  	[sflag:s17] =	ssyncadd.s32 $0xFFFFF800  }
0x103: {  	_ =	swait.ge [sflag:s17], $0x800  }
0x104: {  	[sflag:s17] =	ssyncset.done $0x0  }
0x105: {  	s31 =	sadd.s32 s23, s7;
	s1 =	simm.s32 @!p1 $0x2;
	[sflag:s17] =	ssyncadd.s32 $0xFFFFF800  }
0x106: {  	[hbm4b:s31+s2] =	stream.linear.scatter [tilespmem:s15], [sflag:$0x7], $0x2800, $0x38;
	[tilespmem:$0xAA00] =	vst v63  }
0x107: {  	_ =	swait.ge @!p1 [sflag:s1], $0x800  }
0x108: {  	[sflag:s1] =	ssyncset.done @!p1 $0x0  }
0x109: {  	[sflag:s1] =	ssyncadd.s32 @!p1 $0xFFFFF800  }
0x10a: {  	_ =	swait.ge @!p1 [sflag:s1], $0x800  }
0x10b: {  	[sflag:s1] =	ssyncset.done @!p1 $0x0  }
0x10c: {  	[sflag:s1] =	ssyncadd.s32 @!p1 $0xFFFFF800  }
0x10d: {  	_ =	swait.ge @!p1 [sflag:s1], $0x800  }
0x10e: {  	[sflag:s1] =	ssyncset.done @!p1 $0x0  }
0x10f: {  	[sflag:s1] =	ssyncadd.s32 @!p1 $0xFFFFF800  }
0x110: {  	_ =	swait.ge @!p1 [sflag:s1], $0x800  }
0x111: {  	[sflag:s1] =	ssyncset.done @!p1 $0x0  }
0x112: {  	[sflag:s1] =	ssyncadd.s32 @!p1 $0xFFFFF800  }
0x113: {  	s22 =	sadd.s32 $0x1400, s22;
	_ =	swait.ge @!p1 [sflag:s1], $0x800  }
0x114: {  	p2 =	sne.s32 s22, $0x5000;
	s0 =	sadd.s32 @!p1 s25, s7;
	[sflag:s1] =	ssyncset.done @!p1 $0x0  }
0x115: {  	s30 =	simm.s32 @!p1 $0x6;
	s0 =	sadd.s32 @!p1 $0xA000, s0;
	[sflag:s1] =	ssyncadd.s32 @!p1 $0xFFFFF800  }
0x116: {  	[hbm4b:s0+s21] =	stream.linear.scatter @!p1 [tilespmem:s29], [sflag:$0x4], $0x2800, $0x38;
	[tilespmem:$0xAA00] =	vst v63  }
.Ltmp0:
0x117: {  	_ =	swait.ge @!p1 [sflag:s30], $0x800;
	(pc) =	sbr.rel @p2 .LBB2_2-.Ltmp0, $4  }
0x118: {  	[sflag:s30] =	ssyncset.done @!p1 $0x0  }
0x119: {  	[sflag:s30] =	ssyncadd.s32 @!p1 $0xFFFFF800  }
0x11a: {  	_ =	swait.ge @!p1 [sflag:s30], $0x800  }
0x11b: {  	s24 =	sadd.s32 $0x40, s24;
	s23 =	sadd.s32 $0x14000, s23;
	[sflag:s30] =	ssyncset.done @!p1 $0x0  }
0x11c: {  	[sflag:s30] =	ssyncadd.s32 @!p1 $0xFFFFF800  }
0x11d: {  	_ =	swait.ge @!p1 [sflag:s30], $0x800  }
0x11e: {  	[sflag:s30] =	ssyncset.done @!p1 $0x0  }
0x11f: {  	[sflag:s30] =	ssyncadd.s32 @!p1 $0xFFFFF800  }
0x120: {  	_ =	swait.ge @!p1 [sflag:s30], $0x800  }
0x121: {  	[sflag:s30] =	ssyncset.done @!p1 $0x0  }
0x122: {  	[sflag:s30] =	ssyncadd.s32 @!p1 $0xFFFFF800  }
0x123: {  	_ =	swait.ge @!p1 [sflag:s30], $0x800  }
0x124: {  	[sflag:s30] =	ssyncset.done @!p1 $0x0  }
0x125: {  	[sflag:s30] =	ssyncadd.s32 @!p1 $0xFFFFF800  }
0x126: {  	[hbm4b:s28+s21] =	stream.linear.scatter @!p1 [tilespmem:s26], [sflag:$0x8], $0x2800, $0x38;
	[tilespmem:$0xAA00] =	vst v63  }
0x127: {  	_ =	swait.ge [sflag:s18], $0x2800  }
0x128: {  	[sflag:s18] =	ssyncset.done $0x0  }
0x129: {  	[sflag:s18] =	ssyncadd.s32 $0xFFFFD800  }
0x12a: {  	_ =	swait.ge [sflag:s19], $0x2800  }
0x12b: {  	[sflag:s19] =	ssyncset.done $0x0  }
0x12c: {  	s0 =	simm.s32 @!p0 $0x4;
	s20 =	sadd.s32 $0x1, s20;
	[sflag:s19] =	ssyncadd.s32 $0xFFFFD800  }
0x12d: {  	p1 =	sne.s32 s20, s4;
	_ =	swait.ge @!p0 [sflag:s0], $0x2800  }
.Ltmp1:
0x12e: {  	[sflag:s0] =	ssyncset.done @!p0 $0x0;
	(pc) =	sbr.rel @p1 .LBB2_1-.Ltmp1, $4  }
0x12f: {  	[sflag:s0] =	ssyncadd.s32 @!p0 $0xFFFFD800;
	s0 =	simm.s32 @!p0 $0x8  }
0x130: {  	_ =	swait.ge @!p0 [sflag:s0], $0x2800  }
0x131: {  	[sflag:s0] =	ssyncset.done @!p0 $0x0  }
0x132: {  	[sflag:s0] =	ssyncadd.s32 @!p0 $0xFFFFD800  }
0x133: {  	_ =	sfence.sel $0x180000  }
0x134: {  	[bflag:$0x0] =	sbarrier.arrive $0xFFFF  }
0x135: {  	_ =	strace $0x90000050  }
0x136: {  	s0 =	stileid.u32;
	[bflag:$0x2] =	sbarrier.arrive $0xFFFF  }
0x137: {  	p0 =	sne.s32 s0, $0x0;
	s0 =	rddreg [dreg:$0x3]  }
0x138: {  	s0 =	sadd.s32 @!p0 $0x100000, s0  }
0x139: {  	[sflag:s0] =	ssyncadd.tile.s32 @!p0 $0x1;
	_ =	shalt  }
.Lfunc_end2:
_tile_overlayer_lowered:
.L_overlay_start_2:
0x13a: {  	(tag) =	ssettag $0x2  }
0x13b: {  	s0 =	rddreg [dreg:$0x0];
	s2 =	stileid.u32  }
0x13c: {  	s1 =	rddreg [dreg:$0x1];
	p0 =	sne.s32 s2, $0x0  }
0x13d: {  	s3 =	rddreg [dreg:$0x2];
	[bflag:$0x3] =	sbarrier.arrive $0xFFFF;
	s2 =	simm.s32 @!p0 $0x1C09  }
0x13e: {  	[timem:s3], [sflag:s2] =	dma.local @!p0 [hbm:s0], s1  }
0x13f: {  	s0 =	simm.s32 @!p0 $0x9  }
0x140: {  	_ =	swait.ge @!p0 [sflag:s0], s1  }
0x141: {  	s1 =	ssub.s32 @!p0 $0x0, s1;
	[sflag:s0] =	ssyncset.done @!p0 $0x0  }
0x142: {  	[sflag:s0] =	ssyncadd.s32 @!p0 s1  }
0x143: {  	[bflag:$0x3] =	sbarrier.arrive $0xFFFF  }
0x144: {  	_ =	shalt  }

// kernel: sparse-core-data-format-call.cloned.1.call-start
scs
called_computation_lowered:
.L_overlay_start_0:
0x0: {  	s2 =	sld [smem:$0x3FD9]  }
0x1: {  	s3 =	sld [smem:$0x3FFE];
	_ =	sdelay $0x1  }
0x2: {  	s1 =	srdreg.scid  }
0x3: {  	s0 =	sand.u32 $0x1, s1  }
0x4: {  	s15 =	sshll.u32 s0, $0xA;
	s2 =	sadd.s32 s3, s2  }
0x5: {  	s2 =	sadd.s32 s2, s15  }
0x6: {  	[smem:$0x3FAB] =	sst s2  }
0x7: {  	_ = 	snop  }
0x8: {  	s2 =	sld [smem:$0x3FD0];
	_ =	sdelay $0x2  }
0x9: {  	s16 =	simm.s32 $0xB;
	s4 =	simm.s32 $0x10  }
0xa: {  	[smem:s4], [sflag:s16] =	dma.local [hbm:s2], $0x1  }
0xb: {  	_ =	swait.eq [sflag:s16], $0x1  }
0xc: {  	[sflag:s16] =	ssyncset.done $0x0  }
0xd: {  	[sflag:s16] =	ssyncadd.s32 $0xFFFFFFFF  }
0xe: {  	s17 =	sld [smem:$0x11];
	(tm) =	ssettm $0x1  }
0xf: {  	s18 =	sld [smem:$0x3FFB];
	_ =	sdelay $0x3  }
0x10: {  	_ =	strace s18  }
0x11: {  	s3 =	sld [smem:$0x3FFC];
	_ =	sdelay $0x3  }
0x12: {  	_ =	strace s3  }
0x13: {  	s3 =	sld [smem:$0x3FFD];
	_ =	sdelay $0x3  }
0x14: {  	_ =	strace s3  }
0x15: {  	_ =	strace $0x8FFFFFFF  }
0x16: {  	s19 =	sld [smem:$0x3FDB];
	_ =	sdelay $0x1  }
0x17: {  	s20 =	simm.s32 $_scs_section_size  }
0x18: {  	s5 =	simm.s32 $_size__tile_overlayer_lowered;
	s6 =	simm.s32 $_tile_overlayer_lowered  }
0x19: {  	s23 =	simm.s32 $0x1BFF;
	s22 =	sshll.u32 s6, $0x1;
	s3 =	sadd.s32 s20, s19  }
0x1a: {  	s7 =	simm.s32 $0x0;
	s21 =	sshll.u32 s5, $0x1;
	s5 =	sadd.s32 s22, s3  }
0x1b: {  	[timem:s7], [sflag:s23] =	dma.local [hbm:s5], s21  }
0x1c: {  	_ =	swait.ge [sflag:s23], s21  }
0x1d: {  	s4 =	ssub.s32 $0x0, s21;
	[sflag:s23] =	ssyncset.done $0x0  }
0x1e: {  	[sflag:s23] =	ssyncadd.s32 s4;
	_ =	sdelay $0x1  }
0x1f: {  	s24 =	simm.s32 $0x1B8B  }
0x20: {  	_ =	swait.ge [sflag:s24], $0x1  }
0x21: {  	[sflag:s24] =	ssyncset.done $0x0  }
0x22: {  	s26 =	simm.s32 $0x1B8E;
	s25 =	sld [smem:$0x3FFE];
	[sflag:s24] =	ssyncadd.s32 $0xFFFFFFFF  }
0x23: {  	s27 =	simm.s32 $execute0_lowered;
	[smem:$0x3FD2] =	sst s26  }
0x24: {  	s5 =	sshll.u32 s27, $0x1;
	_ =	strace $0x80000052;
	[dreg:$0x1] =	wrdreg $0xFFFFFFFF  }
0x25: {  	s28 =	simm.s32 $_size_execute0_lowered;
	s3 =	sadd.s32 s3, s5;
	[dreg:$0x0] =	wrdreg $0x0  }
0x26: {  	s5 =	sshll.u32 s28, $0x1;
	[dreg:$0x2] =	wrdreg s3  }
0x27: {  	[dreg:$0x3] =	wrdreg s5  }
0x28: {  	[dreg:$0x4] =	wrdreg $0xC0  }
0x29: {  	_ =	task [dreg:s7], $0x5FFFF  }
0x2a: {  	[dreg:$0x1] =	wrdreg $0xFFFFFFFF  }
0x2b: {  	[dreg:$0x0] =	wrdreg $0x60  }
0x2c: {  	[dreg:$0x2] =	wrdreg s25  }
0x2d: {  	[dreg:$0x3] =	wrdreg s17  }
0x2e: {  	[dreg:$0x4] =	wrdreg $0x9  }
0x2f: {  	_ =	task.clear_ibuf [dreg:s7], $0x5FFFF;
	_ =	strace $0x90000052  }
0x30: {  	s29 =	simm.s32 $0x9;
	_ =	strace $0x80000054  }
0x31: {  	_ =	swait.ge [sflag:s29], $0x1  }
0x32: {  	[sflag:s29] =	ssyncadd.s32 $0xFFFFFFFF  }
0x33: {  	_ =	strace $0x90000054  }
0x34: {  	_ =	sfence  }
0x35: {  	s30 =	sld [smem:$0x0];
	_ =	sdelay $0x2  }
0x36: {  	s31 =	sshll.u32 s1, $0xD;
	s1 =	sshrl.u32 s1, $0x2  }
0x37: {  	s3 =	sand.u32 $0x4000, s31;
	s1 =	sadd.s32 s1, s30  }
0x38: {  	s0 =	sor.u32 s3, s0;
	s1 =	sshll.u32 s1, $0x11  }
0x39: {  	s0 =	sor.u32 s1, s0  }
0x3a: {  	s0 =	sadd.s32 $0x8F2B, s0  }
0x3b: {  	[sflag:s0] =	ssyncadd.remote.s32 $0x1  }
0x3c: {  	_ =	sfence.sel $0xFFFF  }
0x3d: {  	[dreg:$0x0] =	wrdreg $0xFFFFFFFF;
	(pc) =	sbr.abs _section_cstart, $3  }
0x3e: {  	[dreg:$0x1] =	wrdreg $0xFFFFFFFF  }
0x3f: {  	_ =	task.clear_ibuf [dreg:s7], $0x2FFFF;
	_ =	strace $0x9FFFFFFF  }
0x40: {  	(tm) =	ssettm $0x7FFFFFFF  }
0x41: {  	_ =	shalt  }
tec
execute0_lowered:
.L_overlay_start_1:
0x0: {  	(tag) =	ssettag $0x1  }
0x1: {  	s0 =	srdreg.scid  }
0x2: {  	s1 =	sshll.u32 s0, $0x4  }
0x3: {  	s4 =	rddreg [dreg:$0x0];
	s0 =	stileid.u32;
	s1 =	sand.u32 $0x10, s1  }
0x4: {  	s2 =	rddreg [dreg:$0x1];
	s7 =	simm.s32 $0x1;
	s1 =	sor.u32 s0, s1  }
0x5: {  	s8 =	simm.s32 $0x2;
	s11 =	simm.s32 $0x0;
	s3 =	sshll.u32 s1, $0x7  }
0x6: {  	s10 =	simm.s32 $0x0;
	s4 =	sadd.s32 $0x31800, s4;
	s6 =	ssub.s32 $0x27100, s3  }
.Ltmp0:
0x7: {  	s1 =	rddreg [dreg:$0x2];
	s5 =	sand.u32 $0xF80, s6;
	(pc) =	sbr.rel .LBB1_1-.Ltmp0, $4  }
0x8: {  	_ =	strace $0x80000053;
	s9 =	smov.u32 s3;
	p0 =	sne.s32 s5, $0x0  }
0x9: {  	s6 =	sshrl.u32 s6, $0xC;
	s5 =	simm.s32 $0x1;
	s7 =	simm.s32 @!p0 $0x0  }
0xa: {  	[sflag:s5] =	ssyncpa.u1 $0x0;
	p0 =	por $0x0, $0x0;
	s6 =	sadd.s32 s7, s6  }
0xb: {  	[sflag:s8] =	ssyncpa.u1 $0x0;
	s8 =	simm.s32 $0x138800;
	s7 =	sadd.s32 $0x1, s6  }
.LBB1_4:
0xc: {  	s14 =	sshll.u32 s11, $0x3  }
0xd: {  	s30 =	sand.u32 $0x7F, s11;
	s14 =	sand.u32 $0xFFFFFC00, s14  }
0xe: {  	s11 =	sor.u32 s30, s14  }
0xf: {  	s15 =	smulhi.u32 $0xD1B71759, s11;
	_ =	sdelay $0x1  }
0x10: {  	s14 =	smulhi.u32 $0xD1B71759, s14;
	s15 =	sshrl.u32 s15, $0x11  }
0x11: {  	s15 =	smul.u32 $0x27100, s15  }
0x12: {  	s14 =	sshrl.u32 s14, $0x11  }
0x13: {  	s14 =	sand.u32 $0x3F, s14;
	s11 =	ssub.s32 s11, s15  }
0x14: {  	[tilespmem:s13+$0x810 ss:$0x81] =	vst.msk $0xffff, v2;
	s14 =	smul.u32 $0x4E20, s14;
	s15 =	sshrl.u32 s11, $0x3;
	s11 =	sand.u32 $0x7, s11  }
0x15: {  	[tilespmem:s13+$0x1020 ss:$0x81] =	vst.msk $0xffff, v0;
	s15 =	sadd.s32 s2, s15;
	s11 =	sshll.u32 s11, $0x12  }
0x16: {  	[tilespmem:s13+$0x0 ss:$0x81] =	vst.msk $0xffff, v1;
	s31 =	sadd.s32 s14, s15;
	s11 =	sor.u32 $0x400, s11  }
0x17: {  	[hbm4b:s31+s11] =	stream.strided.scatter [tilespmem:s12], [sflag:$0x2], $0x2000, s8, s11, $0x20;
	[tilespmem:$0x8080] =	vst v63  }
.LBB1_5:
0x18: {  	s13 =	sadd.s32 $0x1000, s9  }
0x19: {  	p2 =	sgt.s32 s13, $0x270FF  }
0x1a: {  	s13 =	smov.u32 @p2 s3;
	p2 =	sne.s32 s10, s7  }
.Ltmp1:
0x1b: {  	p1 =	slt.u32 s10, $0x2;
	(pc) =	sbr.rel @!p2 .LBB1_6-.Ltmp1, $4  }
0x1c: {  	s12 =	simm.s32 @!p1 $0x2  }
0x1d: {  	s14 =	sadd.s32 $0x1, s10;
	_ =	swait.ge @!p1 [sflag:s12], $0x2000  }
0x1e: {  	s11 =	smov.u32 s9;
	p0 =	por !p0, !p0;
	[sflag:s12] =	ssyncset.done @!p1 $0x0  }
0x1f: {  	s10 =	smov.u32 s14;
	s9 =	smov.u32 s13;
	[sflag:s12] =	ssyncadd.s32 @!p1 $0xFFFFE000  }
.LBB1_1:
0x20: {  	p1 =	sge.u32 s10, s6  }
0x21: {  	s12 =	sand.u32 @!p1 $0x1FFFFFF, s9  }
0x22: {  	s13 =	smulhi.u32 @!p1 $0x1A36E2F, s12;
	_ =	sdelay $0x1  }
0x23: {  	s13 =	sshrl.u32 @!p1 s13, $0xA  }
0x24: {  	s13 =	smul.u32 @!p1 $0x27100, s13;
	_ =	sdelay $0x1  }
0x25: {  	s31 =	sadd.s32 $0xFFFFFFFF, s10;
	s14 =	sxor.u32 @!p1 $0xFFFFFFFF, s10;
	s12 =	ssub.s32 @!p1 s12, s13  }
0x26: {  	s15 =	simm.s32 @!p1 $0x80;
	s14 =	sshll.u32 @!p1 s14, $0xD;
	s12 =	sshll.u32 @!p1 s12, $0x4  }
0x27: {  	s13 =	sand.u32 @!p1 $0x2000, s14;
	s14 =	simm.s32 @!p1 $0x40;
	s12 =	sadd.s32 @!p1 s4, s12  }
0x28: {  	[tilespmem:s13], [sflag:$0x1] =	stream.strided.gather @!p1 [hbm4b:s12+s14], $0x2000, s15, s14, $0x38;
	[tilespmem:$0x8080] =	vst v63  }
0x29: {  	p1 =	sge.u32 s31, s6  }
.Ltmp2:
0x2a: {  	_ = 	snop;
	(pc) =	sbr.rel @p1 .LBB1_5-.Ltmp2, $1  }
0x2b: {  	_ =	sdelay $0x3  }
0x2c: {  	s12 =	simm.s32 $0x1  }
0x2d: {  	_ =	swait.ge [sflag:s5], $0x2000;
	s12 =	simm.s32 @!p0 $0x0  }
0x2e: {  	[sflag:s5] =	ssyncset.done $0x0;
	s13 =	sshll.u32 s12, $0xD  }
0x2f: {  	[sflag:s5] =	ssyncadd.s32 $0xFFFFE000;
	s16 =	sor.u32 $0x20, s13  }
0x30: {  	s12 =	smul.u32 $0x8100, s12;
	v3 =	vld [tilespmem:s16+$0x10]  }
0x31: {  	s30 =	sand.u32 $0x1, s10;
	v2 =	vld [tilespmem:s16+$0xFFFFFFF0]  }
0x32: {  	s13 =	smul.u32 $0x8100, s30;
	s12 =	sshrl.u32 s12, $0x2;
	v0 =	vld [tilespmem:s16+$0x0]  }
0x33: {  	v1 =	vld [tilespmem:s16+$0xFFFFFFE0];
	s14 =	sor.u32 $0x4000, s12  }
0x34: {  	s31 =	sshrl.u32 s13, $0x2;
	s13 =	sadd.s32 $0x0, s14  }
0x35: {  	s15 =	simm.s32 $0x4;
	s16 =	sadd.s32 $0x40, s16;
	s12 =	sor.u32 $0x4000, s31;
	[tilespmem:s13+$0x1830 ss:$0x81] =	vst.msk $0xffff, v3  }
.LBB1_3:
0x36: {  	v3 =	vld [tilespmem:s16+$0x10];
	p1 =	sne.s32 s15, $0x1FC;
	[tilespmem:s13+$0x810 ss:$0x81] =	vst.msk $0xffff, v2;
	s17 =	smov.u32 s15;
	s15 =	sadd.s32 $0x4, s15  }
.Ltmp3:
0x37: {  	v2 =	vld [tilespmem:s16+$0xFFFFFFF0];
	[tilespmem:s13+$0x1020 ss:$0x81] =	vst.msk $0xffff, v0;
	(pc) =	sbr.rel @p1 .LBB1_3-.Ltmp3, $4  }
0x38: {  	v0 =	vld [tilespmem:s16+$0x0];
	[tilespmem:s13+$0x0 ss:$0x81] =	vst.msk $0xffff, v1  }
0x39: {  	s13 =	sshra.s32 s17, $0x2;
	v1 =	vld [tilespmem:s16+$0xFFFFFFE0]  }
0x3a: {  	s13 =	sadd.s32 s13, s14  }
0x3b: {  	s16 =	sadd.s32 $0x40, s16;
	[tilespmem:s13+$0x1830 ss:$0x81] =	vst.msk $0xffff, v3  }
.Ltmp4:
0x3c: {  	_ = 	snop;
	(pc) =	sbr.rel .LBB1_4-.Ltmp4, $1  }
0x3d: {  	_ =	sdelay $0x3  }
.LBB1_6:
0x3e: {  	_ =	sfence.sel $0x180000  }
0x3f: {  	s2 =	simm.s32 $0x1;
	[bflag:$0x0] =	sbarrier.arrive $0xFFFF  }
0x40: {  	s31 =	simm.s32 $0x2;
	[sflag:s2] =	ssyncpa.u1 $0x1  }
0x41: {  	[sflag:s31] =	ssyncpa.u1 $0x1  }
0x42: {  	p0 =	sne.s32 s0, $0x0;
	_ =	strace $0x90000053  }
0x43: {  	s0 =	sadd.s32 @!p0 $0x100000, s1;
	[bflag:$0x2] =	sbarrier.arrive $0xFFFF  }
0x44: {  	[sflag:s0] =	ssyncadd.tile.s32 @!p0 $0x1;
	_ =	shalt  }
.Lfunc_end1:
_tile_overlayer_lowered:
.L_overlay_start_2:
0x45: {  	(tag) =	ssettag $0x2  }
0x46: {  	s0 =	rddreg [dreg:$0x0];
	s2 =	stileid.u32  }
0x47: {  	s1 =	rddreg [dreg:$0x1];
	p0 =	sne.s32 s2, $0x0  }
0x48: {  	s3 =	rddreg [dreg:$0x2];
	[bflag:$0x3] =	sbarrier.arrive $0xFFFF;
	s2 =	simm.s32 @!p0 $0x1C01  }
0x49: {  	[timem:s3], [sflag:s2] =	dma.local @!p0 [hbm:s0], s1  }
0x4a: {  	s0 =	simm.s32 @!p0 $0x1  }
0x4b: {  	_ =	swait.ge @!p0 [sflag:s0], s1  }
0x4c: {  	s1 =	ssub.s32 @!p0 $0x0, s1;
	[sflag:s0] =	ssyncset.done @!p0 $0x0  }
0x4d: {  	[sflag:s0] =	ssyncadd.s32 @!p0 s1  }
0x4e: {  	[bflag:$0x3] =	sbarrier.arrive $0xFFFF  }
0x4f: {  	_ =	shalt  }

</sc_bundles>
